<compile_context>
chip_gen: v7x
topology: tpu7x:2x2x1
jax: 0.10.2.dev20260603
libtpu: 0.0.44.dev20260713+nightly
codegen_flags: <defaults>
</compile_context>

<pallas_src>
import jax
import jax.numpy as jnp
from jax import lax
from jax.experimental import pallas as pl
from jax.experimental.pallas import tpu as pltpu
from jax.experimental.pallas import tpu_sc as plsc

_FIELD = 38462
_NUM_F = 26
_EMBED_DIM = 16
_BATCH = 16384
_TOTAL = _FIELD * _NUM_F
_TOTAL_PAD = ((_TOTAL + 127) // 128) * 128

_NC, _NS, _L = 2, 16, 16
_NW = _NC * _NS
_UNITS = _NUM_F * _EMBED_DIM
_PER_TEC = _UNITS // _NW
_W = 38656
_UNROLL = 8
_C0_CAP = ((_TOTAL_PAD - _W) // 128) * 128


def _unit(w, k):
    u = w * _PER_TEC + k
    f = u // _EMBED_DIM
    d = u % _EMBED_DIM
    off = f * _FIELD
    c0 = jnp.minimum((off // 128) * 128, _C0_CAP)
    return u, f, d, c0, off - c0


def _body(xt_hbm, tab_hbm, out_hbm, st0, st1, xv, outb, sem0, sem1, osem):
    w = lax.axis_index("s") * _NC + lax.axis_index("c")
    subtabs = (st0, st1)
    sems = (sem0, sem1)

    _, _, d0, c00, _ = _unit(w, 0)
    tab_copies = [pltpu.async_copy(tab_hbm.at[d0, pl.ds(c00, _W)], st0, sem0),
                  None]
    out_copy = None
    for k in range(_PER_TEC):
        cur = k % 2
        u, f, d, c0, delta = _unit(w, k)
        if k == 0:
            pltpu.sync_copy(xt_hbm.at[f, :], xv)
        else:
            @pl.when(u % _EMBED_DIM == 0)
            def _():
                pltpu.sync_copy(xt_hbm.at[f, :], xv)
        if k + 1 < _PER_TEC:
            _, _, dn, c0n, _ = _unit(w, k + 1)
            tab_copies[1 - cur] = pltpu.async_copy(
                tab_hbm.at[dn, pl.ds(c0n, _W)], subtabs[1 - cur], sems[1 - cur])
        tab_copies[cur].wait()
        if out_copy is not None:
            out_copy.wait()
        subtab = subtabs[cur]

        def _gather(j, _, subtab=subtab, delta=delta):
            base = j * (_L * _UNROLL)
            vals = [plsc.load_gather(subtab, [xv[pl.ds(base + t * _L, _L)] + delta])
                    for t in range(_UNROLL)]
            for t in range(_UNROLL):
                outb[pl.ds(base + t * _L, _L)] = vals[t]
            return _

        lax.fori_loop(0, _BATCH // (_L * _UNROLL), _gather, None)

        out_copy = pltpu.async_copy(outb, out_hbm.at[f, d, :], osem)
    out_copy.wait()


@jax.jit
def _run(xt, tab_t):
    mesh = plsc.VectorSubcoreMesh(
        core_axis_name="c", subcore_axis_name="s",
        num_cores=_NC, num_subcores=_NS)
    f = pl.kernel(
        _body,
        out_type=jax.ShapeDtypeStruct((_NUM_F, _EMBED_DIM, _BATCH), jnp.float32),
        mesh=mesh,
        scratch_types=[
            pltpu.VMEM((_W,), jnp.float32),
            pltpu.VMEM((_W,), jnp.float32),
            pltpu.VMEM((_BATCH,), jnp.int32),
            pltpu.VMEM((_BATCH,), jnp.float32),
            pltpu.SemaphoreType.DMA,
            pltpu.SemaphoreType.DMA,
            pltpu.SemaphoreType.DMA,
        ],
        compiler_params=pltpu.CompilerParams(
            use_tc_tiling_on_sc=True, disable_bounds_checks=True,
            needs_layout_passes=False),
    )
    return f(xt, tab_t)


def kernel(x, table):
    out = _run(x.T, table.T)
    return jnp.transpose(out, (2, 0, 1))

# --- scband reference (transcript-rebuilt; emitter-appended) ---
"""Pipeline reference for scband-features-embedding1-80814104641770 (READ-ONLY COPY).

The authoritative reference and input builder live on the scoring server;
editing this copy changes nothing except your own understanding.
"""

import jax, jax.numpy as jnp
import numpy as np

FIELD_DIMS = [38462] * 26
EMBED_DIM = 16
BATCH = 16384


def setup_inputs(seed: int = 0) -> dict:
    key = jax.random.key(seed)
    k1, k2 = jax.random.split(key)
    # sparse feature ids, one per field, each < min(field_dims) so all are in-range
    x = jax.random.randint(k1, (BATCH, len(FIELD_DIMS)), 0, min(FIELD_DIMS), dtype=jnp.int32)
    total = sum(FIELD_DIMS)
    # xavier_uniform init for the embedding table (fan_in=total rows, fan_out=embed_dim)
    bound = float(np.sqrt(6.0 / (total + EMBED_DIM)))
    table = jax.random.uniform(k2, (total, EMBED_DIM), minval=-bound, maxval=bound, dtype=jnp.float32)
    return {"x": x, "table": table}


def reference(x, table):
    # offsets shift per-field local ids into the shared flat table id space
    offsets = jnp.asarray(np.array((0, *np.cumsum(FIELD_DIMS)[:-1]), dtype=np.int32))
    idx = x + offsets[None, :]              # [B, F]
    out = jnp.take(table, idx, axis=0)      # [B, F, D] embedding gather
    return out

if __name__ == "__main__":
    import jax
    _d = setup_inputs()
    print(jax.jit(kernel)(*tuple(_d.values())))

</pallas_src>

<mosaic_0001>
#map = affine_map<(d0, d1) -> (0, 0)>
#map1 = affine_map<(d0, d1) -> (0, 0, 0)>
module attributes {stable_mosaic.version = 14 : i64} {
  func.func @_body(%arg0: i32, %arg1: i32, %arg2: memref<26x16384xi32, #tpu.memory_space<hbm>>, %arg3: memref<16x1000012xf32, #tpu.memory_space<hbm>>, %arg4: memref<26x16x16384xf32, #tpu.memory_space<hbm>>, %arg5: memref<38656xf32, #tpu.memory_space<vmem>>, %arg6: memref<38656xf32, #tpu.memory_space<vmem>>, %arg7: memref<16384xi32, #tpu.memory_space<vmem>>, %arg8: memref<16384xf32, #tpu.memory_space<vmem>>, %arg9: memref<!tpu.dma_semaphore, #tpu.memory_space<semaphore_mem>>, %arg10: memref<!tpu.dma_semaphore, #tpu.memory_space<semaphore_mem>>, %arg11: memref<!tpu.dma_semaphore, #tpu.memory_space<semaphore_mem>>) attributes {dimension_semantics = [#tpu.dimension_semantics<core_parallel>, #tpu.dimension_semantics<subcore_parallel>], iteration_bounds = array<i64: 2, 16>, scalar_prefetch = 0 : i64, scratch_operands = 7 : i64, tpu.core_type = #tpu.core_type<sc_vector_subcore>, window_params = [{transform_indices = #map}, {transform_indices = #map}, {transform_indices = #map1}]} {
    %mul3A = arith.constant 2 : i32
    %mul3A_0 = arith.muli %arg1, %mul3A : i32
    %add3A = arith.addi %mul3A_0, %arg0 : i32
    %mul3A_1 = arith.constant 13 : i32
    %mul3A_2 = arith.muli %add3A, %mul3A_1 : i32
    %add3A_3 = arith.constant 0 : i32
    %add3A_4 = arith.addi %mul3A_2, %add3A_3 : i32
    %jit3A = arith.constant 16 : i32
    %div3A = arith.divsi %add3A_4, %jit3A : i32
    %sign3A = arith.constant 0 : i32
    %sign3A_5 = arith.cmpi sgt, %add3A_4, %sign3A : i32
    %sign3A_6 = arith.extui %sign3A_5 : i1 to i32
    %sign3A_7 = arith.constant 0 : i32
    %sign3A_8 = arith.cmpi slt, %add3A_4, %sign3A_7 : i32
    %sign3A_9 = arith.extui %sign3A_8 : i1 to i32
    %sign3A_10 = arith.subi %sign3A_6, %sign3A_9 : i32
    %sign3A_11 = arith.constant 0 : i32
    %sign3A_12 = arith.cmpi sgt, %jit3A, %sign3A_11 : i32
    %sign3A_13 = arith.extui %sign3A_12 : i1 to i32
    %sign3A_14 = arith.constant 0 : i32
    %sign3A_15 = arith.cmpi slt, %jit3A, %sign3A_14 : i32
    %sign3A_16 = arith.extui %sign3A_15 : i1 to i32
    %sign3A_17 = arith.subi %sign3A_13, %sign3A_16 : i32
    %ne3A = arith.cmpi ne, %sign3A_10, %sign3A_17 : i32
    %rem3A = arith.remsi %add3A_4, %jit3A : i32
    %ne3A_18 = arith.constant 0 : i32
    %ne3A_19 = arith.cmpi ne, %rem3A, %ne3A_18 : i32
    %and3A = arith.andi %ne3A, %ne3A_19 : i1
    %sub3A = arith.constant 1 : i32
    %sub3A_20 = arith.subi %div3A, %sub3A : i32
    %select_n3A = arith.select %and3A, %sub3A_20, %div3A : i32
    %jit3A_21 = arith.constant 16 : i32
    %eq3A = arith.constant 0 : i32
    %eq3A_22 = arith.cmpi eq, %jit3A_21, %eq3A : i32
    %jit3A_23 = arith.constant 1 : i32
    %select_n3A_24 = arith.select %eq3A_22, %jit3A_23, %jit3A_21 : i32
    %rem3A_25 = arith.remsi %add3A_4, %select_n3A_24 : i32
    %ne3A_26 = arith.constant 0 : i32
    %ne3A_27 = arith.cmpi ne, %rem3A_25, %ne3A_26 : i32
    %lt3A = arith.constant 0 : i32
    %lt3A_28 = arith.cmpi slt, %rem3A_25, %lt3A : i32
    %lt3A_29 = arith.constant 0 : i32
    %lt3A_30 = arith.cmpi slt, %select_n3A_24, %lt3A_29 : i32
    %ne3A_31 = arith.xori %lt3A_28, %lt3A_30 : i1
    %and3A_32 = arith.andi %ne3A_31, %ne3A_27 : i1
    %add3A_33 = arith.addi %rem3A_25, %select_n3A_24 : i32
    %select_n3A_34 = arith.select %and3A_32, %add3A_33, %rem3A_25 : i32
    %mul3A_35 = arith.constant 38462 : i32
    %mul3A_36 = arith.muli %select_n3A, %mul3A_35 : i32
    %jit3A_37 = arith.constant 128 : i32
    %div3A_38 = arith.divsi %mul3A_36, %jit3A_37 : i32
    %sign3A_39 = arith.constant 0 : i32
    %sign3A_40 = arith.cmpi sgt, %mul3A_36, %sign3A_39 : i32
    %sign3A_41 = arith.extui %sign3A_40 : i1 to i32
    %sign3A_42 = arith.constant 0 : i32
    %sign3A_43 = arith.cmpi slt, %mul3A_36, %sign3A_42 : i32
    %sign3A_44 = arith.extui %sign3A_43 : i1 to i32
    %sign3A_45 = arith.subi %sign3A_41, %sign3A_44 : i32
    %sign3A_46 = arith.constant 0 : i32
    %sign3A_47 = arith.cmpi sgt, %jit3A_37, %sign3A_46 : i32
    %sign3A_48 = arith.extui %sign3A_47 : i1 to i32
    %sign3A_49 = arith.constant 0 : i32
    %sign3A_50 = arith.cmpi slt, %jit3A_37, %sign3A_49 : i32
    %sign3A_51 = arith.extui %sign3A_50 : i1 to i32
    %sign3A_52 = arith.subi %sign3A_48, %sign3A_51 : i32
    %ne3A_53 = arith.cmpi ne, %sign3A_45, %sign3A_52 : i32
    %rem3A_54 = arith.remsi %mul3A_36, %jit3A_37 : i32
    %ne3A_55 = arith.constant 0 : i32
    %ne3A_56 = arith.cmpi ne, %rem3A_54, %ne3A_55 : i32
    %and3A_57 = arith.andi %ne3A_53, %ne3A_56 : i1
    %sub3A_58 = arith.constant 1 : i32
    %sub3A_59 = arith.subi %div3A_38, %sub3A_58 : i32
    %select_n3A_60 = arith.select %and3A_57, %sub3A_59, %div3A_38 : i32
    %mul3A_61 = arith.constant 128 : i32
    %mul3A_62 = arith.muli %select_n3A_60, %mul3A_61 : i32
    %min3A = arith.constant 961408 : i32
    %min3A_63 = arith.minsi %mul3A_62, %min3A : i32
    %sub3A_64 = arith.subi %mul3A_36, %min3A_63 : i32
    %dma_start3A = tpu.memref_slice %arg3[%select_n3A_34, %min3A_63] : memref<16x1000012xf32, #tpu.memory_space<hbm>> -> memref<1x38656xf32, #tpu.memory_space<hbm>>
    %dma_start3A_65 = tpu.memref_squeeze %dma_start3A : memref<1x38656xf32, #tpu.memory_space<hbm>> -> memref<38656xf32, #tpu.memory_space<hbm>>
    %dma_start3A_66 = tpu.memref_slice %arg3[%select_n3A_34, %min3A_63] : memref<16x1000012xf32, #tpu.memory_space<hbm>> -> memref<1x38656xf32, #tpu.memory_space<hbm>>
    %dma_start3A_67 = tpu.memref_squeeze %dma_start3A_66 : memref<1x38656xf32, #tpu.memory_space<hbm>> -> memref<38656xf32, #tpu.memory_space<hbm>>
    tpu.enqueue_dma source(%dma_start3A_67 : memref<38656xf32, #tpu.memory_space<hbm>>) target(%arg5 : memref<38656xf32, #tpu.memory_space<vmem>>) target_semaphore(%arg9 : memref<!tpu.dma_semaphore, #tpu.memory_space<semaphore_mem>>)
    %mul3A_68 = arith.constant 13 : i32
    %mul3A_69 = arith.muli %add3A, %mul3A_68 : i32
    %add3A_70 = arith.constant 0 : i32
    %add3A_71 = arith.addi %mul3A_69, %add3A_70 : i32
    %jit3A_72 = arith.constant 16 : i32
    %div3A_73 = arith.divsi %add3A_71, %jit3A_72 : i32
    %sign3A_74 = arith.constant 0 : i32
    %sign3A_75 = arith.cmpi sgt, %add3A_71, %sign3A_74 : i32
    %sign3A_76 = arith.extui %sign3A_75 : i1 to i32
    %sign3A_77 = arith.constant 0 : i32
    %sign3A_78 = arith.cmpi slt, %add3A_71, %sign3A_77 : i32
    %sign3A_79 = arith.extui %sign3A_78 : i1 to i32
    %sign3A_80 = arith.subi %sign3A_76, %sign3A_79 : i32
    %sign3A_81 = arith.constant 0 : i32
    %sign3A_82 = arith.cmpi sgt, %jit3A_72, %sign3A_81 : i32
    %sign3A_83 = arith.extui %sign3A_82 : i1 to i32
    %sign3A_84 = arith.constant 0 : i32
    %sign3A_85 = arith.cmpi slt, %jit3A_72, %sign3A_84 : i32
    %sign3A_86 = arith.extui %sign3A_85 : i1 to i32
    %sign3A_87 = arith.subi %sign3A_83, %sign3A_86 : i32
    %ne3A_88 = arith.cmpi ne, %sign3A_80, %sign3A_87 : i32
    %rem3A_89 = arith.remsi %add3A_71, %jit3A_72 : i32
    %ne3A_90 = arith.constant 0 : i32
    %ne3A_91 = arith.cmpi ne, %rem3A_89, %ne3A_90 : i32
    %and3A_92 = arith.andi %ne3A_88, %ne3A_91 : i1
    %sub3A_93 = arith.constant 1 : i32
    %sub3A_94 = arith.subi %div3A_73, %sub3A_93 : i32
    %select_n3A_95 = arith.select %and3A_92, %sub3A_94, %div3A_73 : i32
    %jit3A_96 = arith.constant 16 : i32
    %eq3A_97 = arith.constant 0 : i32
    %eq3A_98 = arith.cmpi eq, %jit3A_96, %eq3A_97 : i32
    %jit3A_99 = arith.constant 1 : i32
    %select_n3A_100 = arith.select %eq3A_98, %jit3A_99, %jit3A_96 : i32
    %rem3A_101 = arith.remsi %add3A_71, %select_n3A_100 : i32
    %ne3A_102 = arith.constant 0 : i32
    %ne3A_103 = arith.cmpi ne, %rem3A_101, %ne3A_102 : i32
    %lt3A_104 = arith.constant 0 : i32
    %lt3A_105 = arith.cmpi slt, %rem3A_101, %lt3A_104 : i32
    %lt3A_106 = arith.constant 0 : i32
    %lt3A_107 = arith.cmpi slt, %select_n3A_100, %lt3A_106 : i32
    %ne3A_108 = arith.xori %lt3A_105, %lt3A_107 : i1
    %and3A_109 = arith.andi %ne3A_108, %ne3A_103 : i1
    %add3A_110 = arith.addi %rem3A_101, %select_n3A_100 : i32
    %select_n3A_111 = arith.select %and3A_109, %add3A_110, %rem3A_101 : i32
    %mul3A_112 = arith.constant 38462 : i32
    %mul3A_113 = arith.muli %select_n3A_95, %mul3A_112 : i32
    %jit3A_114 = arith.constant 128 : i32
    %div3A_115 = arith.divsi %mul3A_113, %jit3A_114 : i32
    %sign3A_116 = arith.constant 0 : i32
    %sign3A_117 = arith.cmpi sgt, %mul3A_113, %sign3A_116 : i32
    %sign3A_118 = arith.extui %sign3A_117 : i1 to i32
    %sign3A_119 = arith.constant 0 : i32
    %sign3A_120 = arith.cmpi slt, %mul3A_113, %sign3A_119 : i32
    %sign3A_121 = arith.extui %sign3A_120 : i1 to i32
    %sign3A_122 = arith.subi %sign3A_118, %sign3A_121 : i32
    %sign3A_123 = arith.constant 0 : i32
    %sign3A_124 = arith.cmpi sgt, %jit3A_114, %sign3A_123 : i32
    %sign3A_125 = arith.extui %sign3A_124 : i1 to i32
    %sign3A_126 = arith.constant 0 : i32
    %sign3A_127 = arith.cmpi slt, %jit3A_114, %sign3A_126 : i32
    %sign3A_128 = arith.extui %sign3A_127 : i1 to i32
    %sign3A_129 = arith.subi %sign3A_125, %sign3A_128 : i32
    %ne3A_130 = arith.cmpi ne, %sign3A_122, %sign3A_129 : i32
    %rem3A_131 = arith.remsi %mul3A_113, %jit3A_114 : i32
    %ne3A_132 = arith.constant 0 : i32
    %ne3A_133 = arith.cmpi ne, %rem3A_131, %ne3A_132 : i32
    %and3A_134 = arith.andi %ne3A_130, %ne3A_133 : i1
    %sub3A_135 = arith.constant 1 : i32
    %sub3A_136 = arith.subi %div3A_115, %sub3A_135 : i32
    %select_n3A_137 = arith.select %and3A_134, %sub3A_136, %div3A_115 : i32
    %mul3A_138 = arith.constant 128 : i32
    %mul3A_139 = arith.muli %select_n3A_137, %mul3A_138 : i32
    %min3A_140 = arith.constant 961408 : i32
    %min3A_141 = arith.minsi %mul3A_139, %min3A_140 : i32
    %sub3A_142 = arith.subi %mul3A_113, %min3A_141 : i32
    "tpu.region"() ({
      %run_scoped3A = tpu.sem_alloc : memref<!tpu.dma_semaphore, #tpu.memory_space<semaphore_mem>>
      %dma_start3A_2512 = arith.constant 0 : i32
      %dma_start3A_2513 = tpu.memref_slice %arg2[%select_n3A_95, %dma_start3A_2512] : memref<26x16384xi32, #tpu.memory_space<hbm>> -> memref<1x16384xi32, #tpu.memory_space<hbm>>
      %dma_start3A_2514 = tpu.memref_squeeze %dma_start3A_2513 : memref<1x16384xi32, #tpu.memory_space<hbm>> -> memref<16384xi32, #tpu.memory_space<hbm>>
      %dma_start3A_2515 = arith.constant 0 : i32
      %dma_start3A_2516 = tpu.memref_slice %arg2[%select_n3A_95, %dma_start3A_2515] : memref<26x16384xi32, #tpu.memory_space<hbm>> -> memref<1x16384xi32, #tpu.memory_space<hbm>>
      %dma_start3A_2517 = tpu.memref_squeeze %dma_start3A_2516 : memref<1x16384xi32, #tpu.memory_space<hbm>> -> memref<16384xi32, #tpu.memory_space<hbm>>
      tpu.enqueue_dma source(%dma_start3A_2517 : memref<16384xi32, #tpu.memory_space<hbm>>) target(%arg7 : memref<16384xi32, #tpu.memory_space<vmem>>) target_semaphore(%run_scoped3A : memref<!tpu.dma_semaphore, #tpu.memory_space<semaphore_mem>>)
      %dma_wait3A_2518 = arith.constant 0 : i32
      %dma_wait3A_2519 = tpu.memref_slice %arg2[%select_n3A_95, %dma_wait3A_2518] : memref<26x16384xi32, #tpu.memory_space<hbm>> -> memref<1x16384xi32, #tpu.memory_space<hbm>>
      %dma_wait3A_2520 = tpu.memref_squeeze %dma_wait3A_2519 : memref<1x16384xi32, #tpu.memory_space<hbm>> -> memref<16384xi32, #tpu.memory_space<hbm>>
      %dma_wait3A_2521 = arith.constant 0 : i32
      %dma_wait3A_2522 = tpu.memref_slice %arg2[%select_n3A_95, %dma_wait3A_2521] : memref<26x16384xi32, #tpu.memory_space<hbm>> -> memref<1x16384xi32, #tpu.memory_space<hbm>>
      %dma_wait3A_2523 = tpu.memref_squeeze %dma_wait3A_2522 : memref<1x16384xi32, #tpu.memory_space<hbm>> -> memref<16384xi32, #tpu.memory_space<hbm>>
      tpu.wait_dma2 semaphore(%run_scoped3A : memref<!tpu.dma_semaphore, #tpu.memory_space<semaphore_mem>>) src(%dma_wait3A_2523 : memref<16384xi32, #tpu.memory_space<hbm>>) dst(%arg7 : memref<16384xi32, #tpu.memory_space<vmem>>)
      tpu.yield
    }) : () -> ()
    %mul3A_143 = arith.constant 13 : i32
    %mul3A_144 = arith.muli %add3A, %mul3A_143 : i32
    %add3A_145 = arith.constant 1 : i32
    %add3A_146 = arith.addi %mul3A_144, %add3A_145 : i32
    %jit3A_147 = arith.constant 16 : i32
    %div3A_148 = arith.divsi %add3A_146, %jit3A_147 : i32
    %sign3A_149 = arith.constant 0 : i32
    %sign3A_150 = arith.cmpi sgt, %add3A_146, %sign3A_149 : i32
    %sign3A_151 = arith.extui %sign3A_150 : i1 to i32
    %sign3A_152 = arith.constant 0 : i32
    %sign3A_153 = arith.cmpi slt, %add3A_146, %sign3A_152 : i32
    %sign3A_154 = arith.extui %sign3A_153 : i1 to i32
    %sign3A_155 = arith.subi %sign3A_151, %sign3A_154 : i32
    %sign3A_156 = arith.constant 0 : i32
    %sign3A_157 = arith.cmpi sgt, %jit3A_147, %sign3A_156 : i32
    %sign3A_158 = arith.extui %sign3A_157 : i1 to i32
    %sign3A_159 = arith.constant 0 : i32
    %sign3A_160 = arith.cmpi slt, %jit3A_147, %sign3A_159 : i32
    %sign3A_161 = arith.extui %sign3A_160 : i1 to i32
    %sign3A_162 = arith.subi %sign3A_158, %sign3A_161 : i32
    %ne3A_163 = arith.cmpi ne, %sign3A_155, %sign3A_162 : i32
    %rem3A_164 = arith.remsi %add3A_146, %jit3A_147 : i32
    %ne3A_165 = arith.constant 0 : i32
    %ne3A_166 = arith.cmpi ne, %rem3A_164, %ne3A_165 : i32
    %and3A_167 = arith.andi %ne3A_163, %ne3A_166 : i1
    %sub3A_168 = arith.constant 1 : i32
    %sub3A_169 = arith.subi %div3A_148, %sub3A_168 : i32
    %select_n3A_170 = arith.select %and3A_167, %sub3A_169, %div3A_148 : i32
    %jit3A_171 = arith.constant 16 : i32
    %eq3A_172 = arith.constant 0 : i32
    %eq3A_173 = arith.cmpi eq, %jit3A_171, %eq3A_172 : i32
    %jit3A_174 = arith.constant 1 : i32
    %select_n3A_175 = arith.select %eq3A_173, %jit3A_174, %jit3A_171 : i32
    %rem3A_176 = arith.remsi %add3A_146, %select_n3A_175 : i32
    %ne3A_177 = arith.constant 0 : i32
    %ne3A_178 = arith.cmpi ne, %rem3A_176, %ne3A_177 : i32
    %lt3A_179 = arith.constant 0 : i32
    %lt3A_180 = arith.cmpi slt, %rem3A_176, %lt3A_179 : i32
    %lt3A_181 = arith.constant 0 : i32
    %lt3A_182 = arith.cmpi slt, %select_n3A_175, %lt3A_181 : i32
    %ne3A_183 = arith.xori %lt3A_180, %lt3A_182 : i1
    %and3A_184 = arith.andi %ne3A_183, %ne3A_178 : i1
    %add3A_185 = arith.addi %rem3A_176, %select_n3A_175 : i32
    %select_n3A_186 = arith.select %and3A_184, %add3A_185, %rem3A_176 : i32
    %mul3A_187 = arith.constant 38462 : i32
    %mul3A_188 = arith.muli %select_n3A_170, %mul3A_187 : i32
    %jit3A_189 = arith.constant 128 : i32
    %div3A_190 = arith.divsi %mul3A_188, %jit3A_189 : i32
    %sign3A_191 = arith.constant 0 : i32
    %sign3A_192 = arith.cmpi sgt, %mul3A_188, %sign3A_191 : i32
    %sign3A_193 = arith.extui %sign3A_192 : i1 to i32
    %sign3A_194 = arith.constant 0 : i32
    %sign3A_195 = arith.cmpi slt, %mul3A_188, %sign3A_194 : i32
    %sign3A_196 = arith.extui %sign3A_195 : i1 to i32
    %sign3A_197 = arith.subi %sign3A_193, %sign3A_196 : i32
    %sign3A_198 = arith.constant 0 : i32
    %sign3A_199 = arith.cmpi sgt, %jit3A_189, %sign3A_198 : i32
    %sign3A_200 = arith.extui %sign3A_199 : i1 to i32
    %sign3A_201 = arith.constant 0 : i32
    %sign3A_202 = arith.cmpi slt, %jit3A_189, %sign3A_201 : i32
    %sign3A_203 = arith.extui %sign3A_202 : i1 to i32
    %sign3A_204 = arith.subi %sign3A_200, %sign3A_203 : i32
    %ne3A_205 = arith.cmpi ne, %sign3A_197, %sign3A_204 : i32
    %rem3A_206 = arith.remsi %mul3A_188, %jit3A_189 : i32
    %ne3A_207 = arith.constant 0 : i32
    %ne3A_208 = arith.cmpi ne, %rem3A_206, %ne3A_207 : i32
    %and3A_209 = arith.andi %ne3A_205, %ne3A_208 : i1
    %sub3A_210 = arith.constant 1 : i32
    %sub3A_211 = arith.subi %div3A_190, %sub3A_210 : i32
    %select_n3A_212 = arith.select %and3A_209, %sub3A_211, %div3A_190 : i32
    %mul3A_213 = arith.constant 128 : i32
    %mul3A_214 = arith.muli %select_n3A_212, %mul3A_213 : i32
    %min3A_215 = arith.constant 961408 : i32
    %min3A_216 = arith.minsi %mul3A_214, %min3A_215 : i32
    %sub3A_217 = arith.subi %mul3A_188, %min3A_216 : i32
    %dma_start3A_218 = tpu.memref_slice %arg3[%select_n3A_186, %min3A_216] : memref<16x1000012xf32, #tpu.memory_space<hbm>> -> memref<1x38656xf32, #tpu.memory_space<hbm>>
    %dma_start3A_219 = tpu.memref_squeeze %dma_start3A_218 : memref<1x38656xf32, #tpu.memory_space<hbm>> -> memref<38656xf32, #tpu.memory_space<hbm>>
    %dma_start3A_220 = tpu.memref_slice %arg3[%select_n3A_186, %min3A_216] : memref<16x1000012xf32, #tpu.memory_space<hbm>> -> memref<1x38656xf32, #tpu.memory_space<hbm>>
    %dma_start3A_221 = tpu.memref_squeeze %dma_start3A_220 : memref<1x38656xf32, #tpu.memory_space<hbm>> -> memref<38656xf32, #tpu.memory_space<hbm>>
    tpu.enqueue_dma source(%dma_start3A_221 : memref<38656xf32, #tpu.memory_space<hbm>>) target(%arg6 : memref<38656xf32, #tpu.memory_space<vmem>>) target_semaphore(%arg10 : memref<!tpu.dma_semaphore, #tpu.memory_space<semaphore_mem>>)
    %dma_wait3A = tpu.memref_slice %arg3[%select_n3A_34, %min3A_63] : memref<16x1000012xf32, #tpu.memory_space<hbm>> -> memref<1x38656xf32, #tpu.memory_space<hbm>>
    %dma_wait3A_222 = tpu.memref_squeeze %dma_wait3A : memref<1x38656xf32, #tpu.memory_space<hbm>> -> memref<38656xf32, #tpu.memory_space<hbm>>
    %dma_wait3A_223 = tpu.memref_slice %arg3[%select_n3A_34, %min3A_63] : memref<16x1000012xf32, #tpu.memory_space<hbm>> -> memref<1x38656xf32, #tpu.memory_space<hbm>>
    %dma_wait3A_224 = tpu.memref_squeeze %dma_wait3A_223 : memref<1x38656xf32, #tpu.memory_space<hbm>> -> memref<38656xf32, #tpu.memory_space<hbm>>
    tpu.wait_dma2 semaphore(%arg9 : memref<!tpu.dma_semaphore, #tpu.memory_space<semaphore_mem>>) src(%dma_wait3A_224 : memref<38656xf32, #tpu.memory_space<hbm>>) dst(%arg5 : memref<38656xf32, #tpu.memory_space<vmem>>)
    %scan3A = arith.constant 0 : i32
    %scan3A_225 = arith.constant 128 : i32
    %scan3A_226 = arith.addi %scan3A, %scan3A_225 : i32
    %scan3A_227 = arith.constant 1 : i32
    scf.for %scan3A_2512 = %scan3A to %scan3A_226 step %scan3A_227  : i32 {
      %mul3A_2513 = arith.constant 128 : i32
      %mul3A_2514 = arith.muli %scan3A_2512, %mul3A_2513 : i32
      %add3A_2515 = arith.constant 0 : i32
      %add3A_2516 = arith.addi %mul3A_2514, %add3A_2515 : i32
      %get3A = arith.index_cast %add3A_2516 : i32 to index
      %get3A_2517 = tpu.vector_load %arg7[%get3A] {strides = array<i32>} : memref<16384xi32, #tpu.memory_space<vmem>>, vector<16xi32>,
      %add3A_2518 = vector.broadcast %sub3A_142 : i32 to vector<16xi32>
      %add3A_2519 = arith.addi %get3A_2517, %add3A_2518 : vector<16xi32>
      %gather3A = tpu.vector_load_idx %arg5[%add3A_2519] : memref<38656xf32, #tpu.memory_space<vmem>>[vector<16xi32>], vector<16xf32>,
      %add3A_2520 = arith.constant 16 : i32
      %add3A_2521 = arith.addi %mul3A_2514, %add3A_2520 : i32
      %get3A_2522 = arith.index_cast %add3A_2521 : i32 to index
      %get3A_2523 = tpu.vector_load %arg7[%get3A_2522] {strides = array<i32>} : memref<16384xi32, #tpu.memory_space<vmem>>, vector<16xi32>,
      %add3A_2524 = vector.broadcast %sub3A_142 : i32 to vector<16xi32>
      %add3A_2525 = arith.addi %get3A_2523, %add3A_2524 : vector<16xi32>
      %gather3A_2526 = tpu.vector_load_idx %arg5[%add3A_2525] : memref<38656xf32, #tpu.memory_space<vmem>>[vector<16xi32>], vector<16xf32>,
      %add3A_2527 = arith.constant 32 : i32
      %add3A_2528 = arith.addi %mul3A_2514, %add3A_2527 : i32
      %get3A_2529 = arith.index_cast %add3A_2528 : i32 to index
      %get3A_2530 = tpu.vector_load %arg7[%get3A_2529] {strides = array<i32>} : memref<16384xi32, #tpu.memory_space<vmem>>, vector<16xi32>,
      %add3A_2531 = vector.broadcast %sub3A_142 : i32 to vector<16xi32>
      %add3A_2532 = arith.addi %get3A_2530, %add3A_2531 : vector<16xi32>
      %gather3A_2533 = tpu.vector_load_idx %arg5[%add3A_2532] : memref<38656xf32, #tpu.memory_space<vmem>>[vector<16xi32>], vector<16xf32>,
      %add3A_2534 = arith.constant 48 : i32
      %add3A_2535 = arith.addi %mul3A_2514, %add3A_2534 : i32
      %get3A_2536 = arith.index_cast %add3A_2535 : i32 to index
      %get3A_2537 = tpu.vector_load %arg7[%get3A_2536] {strides = array<i32>} : memref<16384xi32, #tpu.memory_space<vmem>>, vector<16xi32>,
      %add3A_2538 = vector.broadcast %sub3A_142 : i32 to vector<16xi32>
      %add3A_2539 = arith.addi %get3A_2537, %add3A_2538 : vector<16xi32>
      %gather3A_2540 = tpu.vector_load_idx %arg5[%add3A_2539] : memref<38656xf32, #tpu.memory_space<vmem>>[vector<16xi32>], vector<16xf32>,
      %add3A_2541 = arith.constant 64 : i32
      %add3A_2542 = arith.addi %mul3A_2514, %add3A_2541 : i32
      %get3A_2543 = arith.index_cast %add3A_2542 : i32 to index
      %get3A_2544 = tpu.vector_load %arg7[%get3A_2543] {strides = array<i32>} : memref<16384xi32, #tpu.memory_space<vmem>>, vector<16xi32>,
      %add3A_2545 = vector.broadcast %sub3A_142 : i32 to vector<16xi32>
      %add3A_2546 = arith.addi %get3A_2544, %add3A_2545 : vector<16xi32>
      %gather3A_2547 = tpu.vector_load_idx %arg5[%add3A_2546] : memref<38656xf32, #tpu.memory_space<vmem>>[vector<16xi32>], vector<16xf32>,
      %add3A_2548 = arith.constant 80 : i32
      %add3A_2549 = arith.addi %mul3A_2514, %add3A_2548 : i32
      %get3A_2550 = arith.index_cast %add3A_2549 : i32 to index
      %get3A_2551 = tpu.vector_load %arg7[%get3A_2550] {strides = array<i32>} : memref<16384xi32, #tpu.memory_space<vmem>>, vector<16xi32>,
      %add3A_2552 = vector.broadcast %sub3A_142 : i32 to vector<16xi32>
      %add3A_2553 = arith.addi %get3A_2551, %add3A_2552 : vector<16xi32>
      %gather3A_2554 = tpu.vector_load_idx %arg5[%add3A_2553] : memref<38656xf32, #tpu.memory_space<vmem>>[vector<16xi32>], vector<16xf32>,
      %add3A_2555 = arith.constant 96 : i32
      %add3A_2556 = arith.addi %mul3A_2514, %add3A_2555 : i32
      %get3A_2557 = arith.index_cast %add3A_2556 : i32 to index
      %get3A_2558 = tpu.vector_load %arg7[%get3A_2557] {strides = array<i32>} : memref<16384xi32, #tpu.memory_space<vmem>>, vector<16xi32>,
      %add3A_2559 = vector.broadcast %sub3A_142 : i32 to vector<16xi32>
      %add3A_2560 = arith.addi %get3A_2558, %add3A_2559 : vector<16xi32>
      %gather3A_2561 = tpu.vector_load_idx %arg5[%add3A_2560] : memref<38656xf32, #tpu.memory_space<vmem>>[vector<16xi32>], vector<16xf32>,
      %add3A_2562 = arith.constant 112 : i32
      %add3A_2563 = arith.addi %mul3A_2514, %add3A_2562 : i32
      %get3A_2564 = arith.index_cast %add3A_2563 : i32 to index
      %get3A_2565 = tpu.vector_load %arg7[%get3A_2564] {strides = array<i32>} : memref<16384xi32, #tpu.memory_space<vmem>>, vector<16xi32>,
      %add3A_2566 = vector.broadcast %sub3A_142 : i32 to vector<16xi32>
      %add3A_2567 = arith.addi %get3A_2565, %add3A_2566 : vector<16xi32>
      %gather3A_2568 = tpu.vector_load_idx %arg5[%add3A_2567] : memref<38656xf32, #tpu.memory_space<vmem>>[vector<16xi32>], vector<16xf32>,
      %add3A_2569 = arith.constant 0 : i32
      %add3A_2570 = arith.addi %mul3A_2514, %add3A_2569 : i32
      %swap3A = arith.index_cast %add3A_2570 : i32 to index
      %swap3A_2571 = tpu.vector_load %arg8[%swap3A] {strides = array<i32>} : memref<16384xf32, #tpu.memory_space<vmem>>, vector<16xf32>,
      tpu.vector_store %arg8[%swap3A], %gather3A {strides = array<i32>} : memref<16384xf32, #tpu.memory_space<vmem>>, vector<16xf32>,
      %add3A_2572 = arith.constant 16 : i32
      %add3A_2573 = arith.addi %mul3A_2514, %add3A_2572 : i32
      %swap3A_2574 = arith.index_cast %add3A_2573 : i32 to index
      %swap3A_2575 = tpu.vector_load %arg8[%swap3A_2574] {strides = array<i32>} : memref<16384xf32, #tpu.memory_space<vmem>>, vector<16xf32>,
      tpu.vector_store %arg8[%swap3A_2574], %gather3A_2526 {strides = array<i32>} : memref<16384xf32, #tpu.memory_space<vmem>>, vector<16xf32>,
      %add3A_2576 = arith.constant 32 : i32
      %add3A_2577 = arith.addi %mul3A_2514, %add3A_2576 : i32
      %swap3A_2578 = arith.index_cast %add3A_2577 : i32 to index
      %swap3A_2579 = tpu.vector_load %arg8[%swap3A_2578] {strides = array<i32>} : memref<16384xf32, #tpu.memory_space<vmem>>, vector<16xf32>,
      tpu.vector_store %arg8[%swap3A_2578], %gather3A_2533 {strides = array<i32>} : memref<16384xf32, #tpu.memory_space<vmem>>, vector<16xf32>,
      %add3A_2580 = arith.constant 48 : i32
      %add3A_2581 = arith.addi %mul3A_2514, %add3A_2580 : i32
      %swap3A_2582 = arith.index_cast %add3A_2581 : i32 to index
      %swap3A_2583 = tpu.vector_load %arg8[%swap3A_2582] {strides = array<i32>} : memref<16384xf32, #tpu.memory_space<vmem>>, vector<16xf32>,
      tpu.vector_store %arg8[%swap3A_2582], %gather3A_2540 {strides = array<i32>} : memref<16384xf32, #tpu.memory_space<vmem>>, vector<16xf32>,
      %add3A_2584 = arith.constant 64 : i32
      %add3A_2585 = arith.addi %mul3A_2514, %add3A_2584 : i32
      %swap3A_2586 = arith.index_cast %add3A_2585 : i32 to index
      %swap3A_2587 = tpu.vector_load %arg8[%swap3A_2586] {strides = array<i32>} : memref<16384xf32, #tpu.memory_space<vmem>>, vector<16xf32>,
      tpu.vector_store %arg8[%swap3A_2586], %gather3A_2547 {strides = array<i32>} : memref<16384xf32, #tpu.memory_space<vmem>>, vector<16xf32>,
      %add3A_2588 = arith.constant 80 : i32
      %add3A_2589 = arith.addi %mul3A_2514, %add3A_2588 : i32
      %swap3A_2590 = arith.index_cast %add3A_2589 : i32 to index
      %swap3A_2591 = tpu.vector_load %arg8[%swap3A_2590] {strides = array<i32>} : memref<16384xf32, #tpu.memory_space<vmem>>, vector<16xf32>,
      tpu.vector_store %arg8[%swap3A_2590], %gather3A_2554 {strides = array<i32>} : memref<16384xf32, #tpu.memory_space<vmem>>, vector<16xf32>,
      %add3A_2592 = arith.constant 96 : i32
      %add3A_2593 = arith.addi %mul3A_2514, %add3A_2592 : i32
      %swap3A_2594 = arith.index_cast %add3A_2593 : i32 to index
      %swap3A_2595 = tpu.vector_load %arg8[%swap3A_2594] {strides = array<i32>} : memref<16384xf32, #tpu.memory_space<vmem>>, vector<16xf32>,
      tpu.vector_store %arg8[%swap3A_2594], %gather3A_2561 {strides = array<i32>} : memref<16384xf32, #tpu.memory_space<vmem>>, vector<16xf32>,
      %add3A_2596 = arith.constant 112 : i32
      %add3A_2597 = arith.addi %mul3A_2514, %add3A_2596 : i32
      %swap3A_2598 = arith.index_cast %add3A_2597 : i32 to index
      %swap3A_2599 = tpu.vector_load %arg8[%swap3A_2598] {strides = array<i32>} : memref<16384xf32, #tpu.memory_space<vmem>>, vector<16xf32>,
      tpu.vector_store %arg8[%swap3A_2598], %gather3A_2568 {strides = array<i32>} : memref<16384xf32, #tpu.memory_space<vmem>>, vector<16xf32>,
    }
    %scan3A_228 = arith.constant 128 : i32
    %dma_start3A_229 = arith.constant 0 : i32
    %dma_start3A_230 = tpu.memref_slice %arg4[%select_n3A_95, %select_n3A_111, %dma_start3A_229] : memref<26x16x16384xf32, #tpu.memory_space<hbm>> -> memref<1x1x16384xf32, #tpu.memory_space<hbm>>
    %dma_start3A_231 = tpu.memref_squeeze %dma_start3A_230 : memref<1x1x16384xf32, #tpu.memory_space<hbm>> -> memref<16384xf32, #tpu.memory_space<hbm>>
    %dma_start3A_232 = arith.constant 0 : i32
    %dma_start3A_233 = tpu.memref_slice %arg4[%select_n3A_95, %select_n3A_111, %dma_start3A_232] : memref<26x16x16384xf32, #tpu.memory_space<hbm>> -> memref<1x1x16384xf32, #tpu.memory_space<hbm>>
    %dma_start3A_234 = tpu.memref_squeeze %dma_start3A_233 : memref<1x1x16384xf32, #tpu.memory_space<hbm>> -> memref<16384xf32, #tpu.memory_space<hbm>>
    tpu.enqueue_dma source(%arg8 : memref<16384xf32, #tpu.memory_space<vmem>>) target(%dma_start3A_234 : memref<16384xf32, #tpu.memory_space<hbm>>) target_semaphore(%arg11 : memref<!tpu.dma_semaphore, #tpu.memory_space<semaphore_mem>>)
    %mul3A_235 = arith.constant 13 : i32
    %mul3A_236 = arith.muli %add3A, %mul3A_235 : i32
    %add3A_237 = arith.constant 1 : i32
    %add3A_238 = arith.addi %mul3A_236, %add3A_237 : i32
    %jit3A_239 = arith.constant 16 : i32
    %div3A_240 = arith.divsi %add3A_238, %jit3A_239 : i32
    %sign3A_241 = arith.constant 0 : i32
    %sign3A_242 = arith.cmpi sgt, %add3A_238, %sign3A_241 : i32
    %sign3A_243 = arith.extui %sign3A_242 : i1 to i32
    %sign3A_244 = arith.constant 0 : i32
    %sign3A_245 = arith.cmpi slt, %add3A_238, %sign3A_244 : i32
    %sign3A_246 = arith.extui %sign3A_245 : i1 to i32
    %sign3A_247 = arith.subi %sign3A_243, %sign3A_246 : i32
    %sign3A_248 = arith.constant 0 : i32
    %sign3A_249 = arith.cmpi sgt, %jit3A_239, %sign3A_248 : i32
    %sign3A_250 = arith.extui %sign3A_249 : i1 to i32
    %sign3A_251 = arith.constant 0 : i32
    %sign3A_252 = arith.cmpi slt, %jit3A_239, %sign3A_251 : i32
    %sign3A_253 = arith.extui %sign3A_252 : i1 to i32
    %sign3A_254 = arith.subi %sign3A_250, %sign3A_253 : i32
    %ne3A_255 = arith.cmpi ne, %sign3A_247, %sign3A_254 : i32
    %rem3A_256 = arith.remsi %add3A_238, %jit3A_239 : i32
    %ne3A_257 = arith.constant 0 : i32
    %ne3A_258 = arith.cmpi ne, %rem3A_256, %ne3A_257 : i32
    %and3A_259 = arith.andi %ne3A_255, %ne3A_258 : i1
    %sub3A_260 = arith.constant 1 : i32
    %sub3A_261 = arith.subi %div3A_240, %sub3A_260 : i32
    %select_n3A_262 = arith.select %and3A_259, %sub3A_261, %div3A_240 : i32
    %jit3A_263 = arith.constant 16 : i32
    %eq3A_264 = arith.constant 0 : i32
    %eq3A_265 = arith.cmpi eq, %jit3A_263, %eq3A_264 : i32
    %jit3A_266 = arith.constant 1 : i32
    %select_n3A_267 = arith.select %eq3A_265, %jit3A_266, %jit3A_263 : i32
    %rem3A_268 = arith.remsi %add3A_238, %select_n3A_267 : i32
    %ne3A_269 = arith.constant 0 : i32
    %ne3A_270 = arith.cmpi ne, %rem3A_268, %ne3A_269 : i32
    %lt3A_271 = arith.constant 0 : i32
    %lt3A_272 = arith.cmpi slt, %rem3A_268, %lt3A_271 : i32
    %lt3A_273 = arith.constant 0 : i32
    %lt3A_274 = arith.cmpi slt, %select_n3A_267, %lt3A_273 : i32
    %ne3A_275 = arith.xori %lt3A_272, %lt3A_274 : i1
    %and3A_276 = arith.andi %ne3A_275, %ne3A_270 : i1
    %add3A_277 = arith.addi %rem3A_268, %select_n3A_267 : i32
    %select_n3A_278 = arith.select %and3A_276, %add3A_277, %rem3A_268 : i32
    %mul3A_279 = arith.constant 38462 : i32
    %mul3A_280 = arith.muli %select_n3A_262, %mul3A_279 : i32
    %jit3A_281 = arith.constant 128 : i32
    %div3A_282 = arith.divsi %mul3A_280, %jit3A_281 : i32
    %sign3A_283 = arith.constant 0 : i32
    %sign3A_284 = arith.cmpi sgt, %mul3A_280, %sign3A_283 : i32
    %sign3A_285 = arith.extui %sign3A_284 : i1 to i32
    %sign3A_286 = arith.constant 0 : i32
    %sign3A_287 = arith.cmpi slt, %mul3A_280, %sign3A_286 : i32
    %sign3A_288 = arith.extui %sign3A_287 : i1 to i32
    %sign3A_289 = arith.subi %sign3A_285, %sign3A_288 : i32
    %sign3A_290 = arith.constant 0 : i32
    %sign3A_291 = arith.cmpi sgt, %jit3A_281, %sign3A_290 : i32
    %sign3A_292 = arith.extui %sign3A_291 : i1 to i32
    %sign3A_293 = arith.constant 0 : i32
    %sign3A_294 = arith.cmpi slt, %jit3A_281, %sign3A_293 : i32
    %sign3A_295 = arith.extui %sign3A_294 : i1 to i32
    %sign3A_296 = arith.subi %sign3A_292, %sign3A_295 : i32
    %ne3A_297 = arith.cmpi ne, %sign3A_289, %sign3A_296 : i32
    %rem3A_298 = arith.remsi %mul3A_280, %jit3A_281 : i32
    %ne3A_299 = arith.constant 0 : i32
    %ne3A_300 = arith.cmpi ne, %rem3A_298, %ne3A_299 : i32
    %and3A_301 = arith.andi %ne3A_297, %ne3A_300 : i1
    %sub3A_302 = arith.constant 1 : i32
    %sub3A_303 = arith.subi %div3A_282, %sub3A_302 : i32
    %select_n3A_304 = arith.select %and3A_301, %sub3A_303, %div3A_282 : i32
    %mul3A_305 = arith.constant 128 : i32
    %mul3A_306 = arith.muli %select_n3A_304, %mul3A_305 : i32
    %min3A_307 = arith.constant 961408 : i32
    %min3A_308 = arith.minsi %mul3A_306, %min3A_307 : i32
    %sub3A_309 = arith.subi %mul3A_280, %min3A_308 : i32
    %jit3A_310 = arith.constant 16 : i32
    %eq3A_311 = arith.constant 0 : i32
    %eq3A_312 = arith.cmpi eq, %jit3A_310, %eq3A_311 : i32
    %jit3A_313 = arith.constant 1 : i32
    %select_n3A_314 = arith.select %eq3A_312, %jit3A_313, %jit3A_310 : i32
    %rem3A_315 = arith.remsi %add3A_238, %select_n3A_314 : i32
    %ne3A_316 = arith.constant 0 : i32
    %ne3A_317 = arith.cmpi ne, %rem3A_315, %ne3A_316 : i32
    %lt3A_318 = arith.constant 0 : i32
    %lt3A_319 = arith.cmpi slt, %rem3A_315, %lt3A_318 : i32
    %lt3A_320 = arith.constant 0 : i32
    %lt3A_321 = arith.cmpi slt, %select_n3A_314, %lt3A_320 : i32
    %ne3A_322 = arith.xori %lt3A_319, %lt3A_321 : i1
    %and3A_323 = arith.andi %ne3A_322, %ne3A_317 : i1
    %add3A_324 = arith.addi %rem3A_315, %select_n3A_314 : i32
    %select_n3A_325 = arith.select %and3A_323, %add3A_324, %rem3A_315 : i32
    %eq3A_326 = arith.constant 0 : i32
    %eq3A_327 = arith.cmpi eq, %select_n3A_325, %eq3A_326 : i32
    %convert_element_type3A = arith.extui %eq3A_327 : i1 to i32
    %cond3A = arith.constant 0 : i32
    %cond3A_328 = arith.cmpi ne, %convert_element_type3A, %cond3A : i32
    scf.if %cond3A_328 {
      "tpu.region"() ({
        %run_scoped3A = tpu.sem_alloc : memref<!tpu.dma_semaphore, #tpu.memory_space<semaphore_mem>>
        %dma_start3A_2512 = arith.constant 0 : i32
        %dma_start3A_2513 = tpu.memref_slice %arg2[%select_n3A_262, %dma_start3A_2512] : memref<26x16384xi32, #tpu.memory_space<hbm>> -> memref<1x16384xi32, #tpu.memory_space<hbm>>
        %dma_start3A_2514 = tpu.memref_squeeze %dma_start3A_2513 : memref<1x16384xi32, #tpu.memory_space<hbm>> -> memref<16384xi32, #tpu.memory_space<hbm>>
        %dma_start3A_2515 = arith.constant 0 : i32
        %dma_start3A_2516 = tpu.memref_slice %arg2[%select_n3A_262, %dma_start3A_2515] : memref<26x16384xi32, #tpu.memory_space<hbm>> -> memref<1x16384xi32, #tpu.memory_space<hbm>>
        %dma_start3A_2517 = tpu.memref_squeeze %dma_start3A_2516 : memref<1x16384xi32, #tpu.memory_space<hbm>> -> memref<16384xi32, #tpu.memory_space<hbm>>
        tpu.enqueue_dma source(%dma_start3A_2517 : memref<16384xi32, #tpu.memory_space<hbm>>) target(%arg7 : memref<16384xi32, #tpu.memory_space<vmem>>) target_semaphore(%run_scoped3A : memref<!tpu.dma_semaphore, #tpu.memory_space<semaphore_mem>>)
        %dma_wait3A_2518 = arith.constant 0 : i32
        %dma_wait3A_2519 = tpu.memref_slice %arg2[%select_n3A_262, %dma_wait3A_2518] : memref<26x16384xi32, #tpu.memory_space<hbm>> -> memref<1x16384xi32, #tpu.memory_space<hbm>>
        %dma_wait3A_2520 = tpu.memref_squeeze %dma_wait3A_2519 : memref<1x16384xi32, #tpu.memory_space<hbm>> -> memref<16384xi32, #tpu.memory_space<hbm>>
        %dma_wait3A_2521 = arith.constant 0 : i32
        %dma_wait3A_2522 = tpu.memref_slice %arg2[%select_n3A_262, %dma_wait3A_2521] : memref<26x16384xi32, #tpu.memory_space<hbm>> -> memref<1x16384xi32, #tpu.memory_space<hbm>>
        %dma_wait3A_2523 = tpu.memref_squeeze %dma_wait3A_2522 : memref<1x16384xi32, #tpu.memory_space<hbm>> -> memref<16384xi32, #tpu.memory_space<hbm>>
        tpu.wait_dma2 semaphore(%run_scoped3A : memref<!tpu.dma_semaphore, #tpu.memory_space<semaphore_mem>>) src(%dma_wait3A_2523 : memref<16384xi32, #tpu.memory_space<hbm>>) dst(%arg7 : memref<16384xi32, #tpu.memory_space<vmem>>)
        tpu.yield
      }) : () -> ()
    } else {
    }
    %mul3A_329 = arith.constant 13 : i32
    %mul3A_330 = arith.muli %add3A, %mul3A_329 : i32
    %add3A_331 = arith.constant 2 : i32
    %add3A_332 = arith.addi %mul3A_330, %add3A_331 : i32
    %jit3A_333 = arith.constant 16 : i32
    %div3A_334 = arith.divsi %add3A_332, %jit3A_333 : i32
    %sign3A_335 = arith.constant 0 : i32
    %sign3A_336 = arith.cmpi sgt, %add3A_332, %sign3A_335 : i32
    %sign3A_337 = arith.extui %sign3A_336 : i1 to i32
    %sign3A_338 = arith.constant 0 : i32
    %sign3A_339 = arith.cmpi slt, %add3A_332, %sign3A_338 : i32
    %sign3A_340 = arith.extui %sign3A_339 : i1 to i32
    %sign3A_341 = arith.subi %sign3A_337, %sign3A_340 : i32
    %sign3A_342 = arith.constant 0 : i32
    %sign3A_343 = arith.cmpi sgt, %jit3A_333, %sign3A_342 : i32
    %sign3A_344 = arith.extui %sign3A_343 : i1 to i32
    %sign3A_345 = arith.constant 0 : i32
    %sign3A_346 = arith.cmpi slt, %jit3A_333, %sign3A_345 : i32
    %sign3A_347 = arith.extui %sign3A_346 : i1 to i32
    %sign3A_348 = arith.subi %sign3A_344, %sign3A_347 : i32
    %ne3A_349 = arith.cmpi ne, %sign3A_341, %sign3A_348 : i32
    %rem3A_350 = arith.remsi %add3A_332, %jit3A_333 : i32
    %ne3A_351 = arith.constant 0 : i32
    %ne3A_352 = arith.cmpi ne, %rem3A_350, %ne3A_351 : i32
    %and3A_353 = arith.andi %ne3A_349, %ne3A_352 : i1
    %sub3A_354 = arith.constant 1 : i32
    %sub3A_355 = arith.subi %div3A_334, %sub3A_354 : i32
    %select_n3A_356 = arith.select %and3A_353, %sub3A_355, %div3A_334 : i32
    %jit3A_357 = arith.constant 16 : i32
    %eq3A_358 = arith.constant 0 : i32
    %eq3A_359 = arith.cmpi eq, %jit3A_357, %eq3A_358 : i32
    %jit3A_360 = arith.constant 1 : i32
    %select_n3A_361 = arith.select %eq3A_359, %jit3A_360, %jit3A_357 : i32
    %rem3A_362 = arith.remsi %add3A_332, %select_n3A_361 : i32
    %ne3A_363 = arith.constant 0 : i32
    %ne3A_364 = arith.cmpi ne, %rem3A_362, %ne3A_363 : i32
    %lt3A_365 = arith.constant 0 : i32
    %lt3A_366 = arith.cmpi slt, %rem3A_362, %lt3A_365 : i32
    %lt3A_367 = arith.constant 0 : i32
    %lt3A_368 = arith.cmpi slt, %select_n3A_361, %lt3A_367 : i32
    %ne3A_369 = arith.xori %lt3A_366, %lt3A_368 : i1
    %and3A_370 = arith.andi %ne3A_369, %ne3A_364 : i1
    %add3A_371 = arith.addi %rem3A_362, %select_n3A_361 : i32
    %select_n3A_372 = arith.select %and3A_370, %add3A_371, %rem3A_362 : i32
    %mul3A_373 = arith.constant 38462 : i32
    %mul3A_374 = arith.muli %select_n3A_356, %mul3A_373 : i32
    %jit3A_375 = arith.constant 128 : i32
    %div3A_376 = arith.divsi %mul3A_374, %jit3A_375 : i32
    %sign3A_377 = arith.constant 0 : i32
    %sign3A_378 = arith.cmpi sgt, %mul3A_374, %sign3A_377 : i32
    %sign3A_379 = arith.extui %sign3A_378 : i1 to i32
    %sign3A_380 = arith.constant 0 : i32
    %sign3A_381 = arith.cmpi slt, %mul3A_374, %sign3A_380 : i32
    %sign3A_382 = arith.extui %sign3A_381 : i1 to i32
    %sign3A_383 = arith.subi %sign3A_379, %sign3A_382 : i32
    %sign3A_384 = arith.constant 0 : i32
    %sign3A_385 = arith.cmpi sgt, %jit3A_375, %sign3A_384 : i32
    %sign3A_386 = arith.extui %sign3A_385 : i1 to i32
    %sign3A_387 = arith.constant 0 : i32
    %sign3A_388 = arith.cmpi slt, %jit3A_375, %sign3A_387 : i32
    %sign3A_389 = arith.extui %sign3A_388 : i1 to i32
    %sign3A_390 = arith.subi %sign3A_386, %sign3A_389 : i32
    %ne3A_391 = arith.cmpi ne, %sign3A_383, %sign3A_390 : i32
    %rem3A_392 = arith.remsi %mul3A_374, %jit3A_375 : i32
    %ne3A_393 = arith.constant 0 : i32
    %ne3A_394 = arith.cmpi ne, %rem3A_392, %ne3A_393 : i32
    %and3A_395 = arith.andi %ne3A_391, %ne3A_394 : i1
    %sub3A_396 = arith.constant 1 : i32
    %sub3A_397 = arith.subi %div3A_376, %sub3A_396 : i32
    %select_n3A_398 = arith.select %and3A_395, %sub3A_397, %div3A_376 : i32
    %mul3A_399 = arith.constant 128 : i32
    %mul3A_400 = arith.muli %select_n3A_398, %mul3A_399 : i32
    %min3A_401 = arith.constant 961408 : i32
    %min3A_402 = arith.minsi %mul3A_400, %min3A_401 : i32
    %sub3A_403 = arith.subi %mul3A_374, %min3A_402 : i32
    %dma_start3A_404 = tpu.memref_slice %arg3[%select_n3A_372, %min3A_402] : memref<16x1000012xf32, #tpu.memory_space<hbm>> -> memref<1x38656xf32, #tpu.memory_space<hbm>>
    %dma_start3A_405 = tpu.memref_squeeze %dma_start3A_404 : memref<1x38656xf32, #tpu.memory_space<hbm>> -> memref<38656xf32, #tpu.memory_space<hbm>>
    %dma_start3A_406 = tpu.memref_slice %arg3[%select_n3A_372, %min3A_402] : memref<16x1000012xf32, #tpu.memory_space<hbm>> -> memref<1x38656xf32, #tpu.memory_space<hbm>>
    %dma_start3A_407 = tpu.memref_squeeze %dma_start3A_406 : memref<1x38656xf32, #tpu.memory_space<hbm>> -> memref<38656xf32, #tpu.memory_space<hbm>>
    tpu.enqueue_dma source(%dma_start3A_407 : memref<38656xf32, #tpu.memory_space<hbm>>) target(%arg5 : memref<38656xf32, #tpu.memory_space<vmem>>) target_semaphore(%arg9 : memref<!tpu.dma_semaphore, #tpu.memory_space<semaphore_mem>>)
    %dma_wait3A_408 = tpu.memref_slice %arg3[%select_n3A_186, %min3A_216] : memref<16x1000012xf32, #tpu.memory_space<hbm>> -> memref<1x38656xf32, #tpu.memory_space<hbm>>
    %dma_wait3A_409 = tpu.memref_squeeze %dma_wait3A_408 : memref<1x38656xf32, #tpu.memory_space<hbm>> -> memref<38656xf32, #tpu.memory_space<hbm>>
    %dma_wait3A_410 = tpu.memref_slice %arg3[%select_n3A_186, %min3A_216] : memref<16x1000012xf32, #tpu.memory_space<hbm>> -> memref<1x38656xf32, #tpu.memory_space<hbm>>
    %dma_wait3A_411 = tpu.memref_squeeze %dma_wait3A_410 : memref<1x38656xf32, #tpu.memory_space<hbm>> -> memref<38656xf32, #tpu.memory_space<hbm>>
    tpu.wait_dma2 semaphore(%arg10 : memref<!tpu.dma_semaphore, #tpu.memory_space<semaphore_mem>>) src(%dma_wait3A_411 : memref<38656xf32, #tpu.memory_space<hbm>>) dst(%arg6 : memref<38656xf32, #tpu.memory_space<vmem>>)
    %dma_wait3A_412 = arith.constant 0 : i32
    %dma_wait3A_413 = tpu.memref_slice %arg4[%select_n3A_95, %select_n3A_111, %dma_wait3A_412] : memref<26x16x16384xf32, #tpu.memory_space<hbm>> -> memref<1x1x16384xf32, #tpu.memory_space<hbm>>
    %dma_wait3A_414 = tpu.memref_squeeze %dma_wait3A_413 : memref<1x1x16384xf32, #tpu.memory_space<hbm>> -> memref<16384xf32, #tpu.memory_space<hbm>>
    %dma_wait3A_415 = arith.constant 0 : i32
    %dma_wait3A_416 = tpu.memref_slice %arg4[%select_n3A_95, %select_n3A_111, %dma_wait3A_415] : memref<26x16x16384xf32, #tpu.memory_space<hbm>> -> memref<1x1x16384xf32, #tpu.memory_space<hbm>>
    %dma_wait3A_417 = tpu.memref_squeeze %dma_wait3A_416 : memref<1x1x16384xf32, #tpu.memory_space<hbm>> -> memref<16384xf32, #tpu.memory_space<hbm>>
    tpu.wait_dma2 semaphore(%arg11 : memref<!tpu.dma_semaphore, #tpu.memory_space<semaphore_mem>>) src(%arg8 : memref<16384xf32, #tpu.memory_space<vmem>>) dst(%dma_wait3A_417 : memref<16384xf32, #tpu.memory_space<hbm>>)
    %scan3A_418 = arith.constant 0 : i32
    %scan3A_419 = arith.constant 128 : i32
    %scan3A_420 = arith.addi %scan3A_418, %scan3A_419 : i32
    %scan3A_421 = arith.constant 1 : i32
    scf.for %scan3A_2512 = %scan3A_418 to %scan3A_420 step %scan3A_421  : i32 {
      %mul3A_2513 = arith.constant 128 : i32
      %mul3A_2514 = arith.muli %scan3A_2512, %mul3A_2513 : i32
      %add3A_2515 = arith.constant 0 : i32
      %add3A_2516 = arith.addi %mul3A_2514, %add3A_2515 : i32
      %get3A = arith.index_cast %add3A_2516 : i32 to index
      %get3A_2517 = tpu.vector_load %arg7[%get3A] {strides = array<i32>} : memref<16384xi32, #tpu.memory_space<vmem>>, vector<16xi32>,
      %add3A_2518 = vector.broadcast %sub3A_309 : i32 to vector<16xi32>
      %add3A_2519 = arith.addi %get3A_2517, %add3A_2518 : vector<16xi32>
      %gather3A = tpu.vector_load_idx %arg6[%add3A_2519] : memref<38656xf32, #tpu.memory_space<vmem>>[vector<16xi32>], vector<16xf32>,
      %add3A_2520 = arith.constant 16 : i32
      %add3A_2521 = arith.addi %mul3A_2514, %add3A_2520 : i32
      %get3A_2522 = arith.index_cast %add3A_2521 : i32 to index
      %get3A_2523 = tpu.vector_load %arg7[%get3A_2522] {strides = array<i32>} : memref<16384xi32, #tpu.memory_space<vmem>>, vector<16xi32>,
      %add3A_2524 = vector.broadcast %sub3A_309 : i32 to vector<16xi32>
      %add3A_2525 = arith.addi %get3A_2523, %add3A_2524 : vector<16xi32>
      %gather3A_2526 = tpu.vector_load_idx %arg6[%add3A_2525] : memref<38656xf32, #tpu.memory_space<vmem>>[vector<16xi32>], vector<16xf32>,
      %add3A_2527 = arith.constant 32 : i32
      %add3A_2528 = arith.addi %mul3A_2514, %add3A_2527 : i32
      %get3A_2529 = arith.index_cast %add3A_2528 : i32 to index
      %get3A_2530 = tpu.vector_load %arg7[%get3A_2529] {strides = array<i32>} : memref<16384xi32, #tpu.memory_space<vmem>>, vector<16xi32>,
      %add3A_2531 = vector.broadcast %sub3A_309 : i32 to vector<16xi32>
      %add3A_2532 = arith.addi %get3A_2530, %add3A_2531 : vector<16xi32>
      %gather3A_2533 = tpu.vector_load_idx %arg6[%add3A_2532] : memref<38656xf32, #tpu.memory_space<vmem>>[vector<16xi32>], vector<16xf32>,
      %add3A_2534 = arith.constant 48 : i32
      %add3A_2535 = arith.addi %mul3A_2514, %add3A_2534 : i32
      %get3A_2536 = arith.index_cast %add3A_2535 : i32 to index
      %get3A_2537 = tpu.vector_load %arg7[%get3A_2536] {strides = array<i32>} : memref<16384xi32, #tpu.memory_space<vmem>>, vector<16xi32>,
      %add3A_2538 = vector.broadcast %sub3A_309 : i32 to vector<16xi32>
      %add3A_2539 = arith.addi %get3A_2537, %add3A_2538 : vector<16xi32>
      %gather3A_2540 = tpu.vector_load_idx %arg6[%add3A_2539] : memref<38656xf32, #tpu.memory_space<vmem>>[vector<16xi32>], vector<16xf32>,
      %add3A_2541 = arith.constant 64 : i32
      %add3A_2542 = arith.addi %mul3A_2514, %add3A_2541 : i32
      %get3A_2543 = arith.index_cast %add3A_2542 : i32 to index
      %get3A_2544 = tpu.vector_load %arg7[%get3A_2543] {strides = array<i32>} : memref<16384xi32, #tpu.memory_space<vmem>>, vector<16xi32>,
      %add3A_2545 = vector.broadcast %sub3A_309 : i32 to vector<16xi32>
      %add3A_2546 = arith.addi %get3A_2544, %add3A_2545 : vector<16xi32>
      %gather3A_2547 = tpu.vector_load_idx %arg6[%add3A_2546] : memref<38656xf32, #tpu.memory_space<vmem>>[vector<16xi32>], vector<16xf32>,
      %add3A_2548 = arith.constant 80 : i32
      %add3A_2549 = arith.addi %mul3A_2514, %add3A_2548 : i32
      %get3A_2550 = arith.index_cast %add3A_2549 : i32 to index
      %get3A_2551 = tpu.vector_load %arg7[%get3A_2550] {strides = array<i32>} : memref<16384xi32, #tpu.memory_space<vmem>>, vector<16xi32>,
      %add3A_2552 = vector.broadcast %sub3A_309 : i32 to vector<16xi32>
      %add3A_2553 = arith.addi %get3A_2551, %add3A_2552 : vector<16xi32>
      %gather3A_2554 = tpu.vector_load_idx %arg6[%add3A_2553] : memref<38656xf32, #tpu.memory_space<vmem>>[vector<16xi32>], vector<16xf32>,
      %add3A_2555 = arith.constant 96 : i32
      %add3A_2556 = arith.addi %mul3A_2514, %add3A_2555 : i32
      %get3A_2557 = arith.index_cast %add3A_2556 : i32 to index
      %get3A_2558 = tpu.vector_load %arg7[%get3A_2557] {strides = array<i32>} : memref<16384xi32, #tpu.memory_space<vmem>>, vector<16xi32>,
      %add3A_2559 = vector.broadcast %sub3A_309 : i32 to vector<16xi32>
      %add3A_2560 = arith.addi %get3A_2558, %add3A_2559 : vector<16xi32>
      %gather3A_2561 = tpu.vector_load_idx %arg6[%add3A_2560] : memref<38656xf32, #tpu.memory_space<vmem>>[vector<16xi32>], vector<16xf32>,
      %add3A_2562 = arith.constant 112 : i32
      %add3A_2563 = arith.addi %mul3A_2514, %add3A_2562 : i32
      %get3A_2564 = arith.index_cast %add3A_2563 : i32 to index
      %get3A_2565 = tpu.vector_load %arg7[%get3A_2564] {strides = array<i32>} : memref<16384xi32, #tpu.memory_space<vmem>>, vector<16xi32>,
      %add3A_2566 = vector.broadcast %sub3A_309 : i32 to vector<16xi32>
      %add3A_2567 = arith.addi %get3A_2565, %add3A_2566 : vector<16xi32>
      %gather3A_2568 = tpu.vector_load_idx %arg6[%add3A_2567] : memref<38656xf32, #tpu.memory_space<vmem>>[vector<16xi32>], vector<16xf32>,
      %add3A_2569 = arith.constant 0 : i32
      %add3A_2570 = arith.addi %mul3A_2514, %add3A_2569 : i32
      %swap3A = arith.index_cast %add3A_2570 : i32 to index
      %swap3A_2571 = tpu.vector_load %arg8[%swap3A] {strides = array<i32>} : memref<16384xf32, #tpu.memory_space<vmem>>, vector<16xf32>,
      tpu.vector_store %arg8[%swap3A], %gather3A {strides = array<i32>} : memref<16384xf32, #tpu.memory_space<vmem>>, vector<16xf32>,
      %add3A_2572 = arith.constant 16 : i32
      %add3A_2573 = arith.addi %mul3A_2514, %add3A_2572 : i32
      %swap3A_2574 = arith.index_cast %add3A_2573 : i32 to index
      %swap3A_2575 = tpu.vector_load %arg8[%swap3A_2574] {strides = array<i32>} : memref<16384xf32, #tpu.memory_space<vmem>>, vector<16xf32>,
      tpu.vector_store %arg8[%swap3A_2574], %gather3A_2526 {strides = array<i32>} : memref<16384xf32, #tpu.memory_space<vmem>>, vector<16xf32>,
      %add3A_2576 = arith.constant 32 : i32
      %add3A_2577 = arith.addi %mul3A_2514, %add3A_2576 : i32
      %swap3A_2578 = arith.index_cast %add3A_2577 : i32 to index
      %swap3A_2579 = tpu.vector_load %arg8[%swap3A_2578] {strides = array<i32>} : memref<16384xf32, #tpu.memory_space<vmem>>, vector<16xf32>,
      tpu.vector_store %arg8[%swap3A_2578], %gather3A_2533 {strides = array<i32>} : memref<16384xf32, #tpu.memory_space<vmem>>, vector<16xf32>,
      %add3A_2580 = arith.constant 48 : i32
      %add3A_2581 = arith.addi %mul3A_2514, %add3A_2580 : i32
      %swap3A_2582 = arith.index_cast %add3A_2581 : i32 to index
      %swap3A_2583 = tpu.vector_load %arg8[%swap3A_2582] {strides = array<i32>} : memref<16384xf32, #tpu.memory_space<vmem>>, vector<16xf32>,
      tpu.vector_store %arg8[%swap3A_2582], %gather3A_2540 {strides = array<i32>} : memref<16384xf32, #tpu.memory_space<vmem>>, vector<16xf32>,
      %add3A_2584 = arith.constant 64 : i32
      %add3A_2585 = arith.addi %mul3A_2514, %add3A_2584 : i32
      %swap3A_2586 = arith.index_cast %add3A_2585 : i32 to index
      %swap3A_2587 = tpu.vector_load %arg8[%swap3A_2586] {strides = array<i32>} : memref<16384xf32, #tpu.memory_space<vmem>>, vector<16xf32>,
      tpu.vector_store %arg8[%swap3A_2586], %gather3A_2547 {strides = array<i32>} : memref<16384xf32, #tpu.memory_space<vmem>>, vector<16xf32>,
      %add3A_2588 = arith.constant 80 : i32
      %add3A_2589 = arith.addi %mul3A_2514, %add3A_2588 : i32
      %swap3A_2590 = arith.index_cast %add3A_2589 : i32 to index
      %swap3A_2591 = tpu.vector_load %arg8[%swap3A_2590] {strides = array<i32>} : memref<16384xf32, #tpu.memory_space<vmem>>, vector<16xf32>,
      tpu.vector_store %arg8[%swap3A_2590], %gather3A_2554 {strides = array<i32>} : memref<16384xf32, #tpu.memory_space<vmem>>, vector<16xf32>,
      %add3A_2592 = arith.constant 96 : i32
      %add3A_2593 = arith.addi %mul3A_2514, %add3A_2592 : i32
      %swap3A_2594 = arith.index_cast %add3A_2593 : i32 to index
      %swap3A_2595 = tpu.vector_load %arg8[%swap3A_2594] {strides = array<i32>} : memref<16384xf32, #tpu.memory_space<vmem>>, vector<16xf32>,
      tpu.vector_store %arg8[%swap3A_2594], %gather3A_2561 {strides = array<i32>} : memref<16384xf32, #tpu.memory_space<vmem>>, vector<16xf32>,
      %add3A_2596 = arith.constant 112 : i32
      %add3A_2597 = arith.addi %mul3A_2514, %add3A_2596 : i32
      %swap3A_2598 = arith.index_cast %add3A_2597 : i32 to index
      %swap3A_2599 = tpu.vector_load %arg8[%swap3A_2598] {strides = array<i32>} : memref<16384xf32, #tpu.memory_space<vmem>>, vector<16xf32>,
      tpu.vector_store %arg8[%swap3A_2598], %gather3A_2568 {strides = array<i32>} : memref<16384xf32, #tpu.memory_space<vmem>>, vector<16xf32>,
    }
    %scan3A_422 = arith.constant 128 : i32
    %dma_start3A_423 = arith.constant 0 : i32
    %dma_start3A_424 = tpu.memref_slice %arg4[%select_n3A_262, %select_n3A_278, %dma_start3A_423] : memref<26x16x16384xf32, #tpu.memory_space<hbm>> -> memref<1x1x16384xf32, #tpu.memory_space<hbm>>
    %dma_start3A_425 = tpu.memref_squeeze %dma_start3A_424 : memref<1x1x16384xf32, #tpu.memory_space<hbm>> -> memref<16384xf32, #tpu.memory_space<hbm>>
    %dma_start3A_426 = arith.constant 0 : i32
    %dma_start3A_427 = tpu.memref_slice %arg4[%select_n3A_262, %select_n3A_278, %dma_start3A_426] : memref<26x16x16384xf32, #tpu.memory_space<hbm>> -> memref<1x1x16384xf32, #tpu.memory_space<hbm>>
    %dma_start3A_428 = tpu.memref_squeeze %dma_start3A_427 : memref<1x1x16384xf32, #tpu.memory_space<hbm>> -> memref<16384xf32, #tpu.memory_space<hbm>>
    tpu.enqueue_dma source(%arg8 : memref<16384xf32, #tpu.memory_space<vmem>>) target(%dma_start3A_428 : memref<16384xf32, #tpu.memory_space<hbm>>) target_semaphore(%arg11 : memref<!tpu.dma_semaphore, #tpu.memory_space<semaphore_mem>>)
    %mul3A_429 = arith.constant 13 : i32
    %mul3A_430 = arith.muli %add3A, %mul3A_429 : i32
    %add3A_431 = arith.constant 2 : i32
    %add3A_432 = arith.addi %mul3A_430, %add3A_431 : i32
    %jit3A_433 = arith.constant 16 : i32
    %div3A_434 = arith.divsi %add3A_432, %jit3A_433 : i32
    %sign3A_435 = arith.constant 0 : i32
    %sign3A_436 = arith.cmpi sgt, %add3A_432, %sign3A_435 : i32
    %sign3A_437 = arith.extui %sign3A_436 : i1 to i32
    %sign3A_438 = arith.constant 0 : i32
    %sign3A_439 = arith.cmpi slt, %add3A_432, %sign3A_438 : i32
    %sign3A_440 = arith.extui %sign3A_439 : i1 to i32
    %sign3A_441 = arith.subi %sign3A_437, %sign3A_440 : i32
    %sign3A_442 = arith.constant 0 : i32
    %sign3A_443 = arith.cmpi sgt, %jit3A_433, %sign3A_442 : i32
    %sign3A_444 = arith.extui %sign3A_443 : i1 to i32
    %sign3A_445 = arith.constant 0 : i32
    %sign3A_446 = arith.cmpi slt, %jit3A_433, %sign3A_445 : i32
    %sign3A_447 = arith.extui %sign3A_446 : i1 to i32
    %sign3A_448 = arith.subi %sign3A_444, %sign3A_447 : i32
    %ne3A_449 = arith.cmpi ne, %sign3A_441, %sign3A_448 : i32
    %rem3A_450 = arith.remsi %add3A_432, %jit3A_433 : i32
    %ne3A_451 = arith.constant 0 : i32
    %ne3A_452 = arith.cmpi ne, %rem3A_450, %ne3A_451 : i32
    %and3A_453 = arith.andi %ne3A_449, %ne3A_452 : i1
    %sub3A_454 = arith.constant 1 : i32
    %sub3A_455 = arith.subi %div3A_434, %sub3A_454 : i32
    %select_n3A_456 = arith.select %and3A_453, %sub3A_455, %div3A_434 : i32
    %jit3A_457 = arith.constant 16 : i32
    %eq3A_458 = arith.constant 0 : i32
    %eq3A_459 = arith.cmpi eq, %jit3A_457, %eq3A_458 : i32
    %jit3A_460 = arith.constant 1 : i32
    %select_n3A_461 = arith.select %eq3A_459, %jit3A_460, %jit3A_457 : i32
    %rem3A_462 = arith.remsi %add3A_432, %select_n3A_461 : i32
    %ne3A_463 = arith.constant 0 : i32
    %ne3A_464 = arith.cmpi ne, %rem3A_462, %ne3A_463 : i32
    %lt3A_465 = arith.constant 0 : i32
    %lt3A_466 = arith.cmpi slt, %rem3A_462, %lt3A_465 : i32
    %lt3A_467 = arith.constant 0 : i32
    %lt3A_468 = arith.cmpi slt, %select_n3A_461, %lt3A_467 : i32
    %ne3A_469 = arith.xori %lt3A_466, %lt3A_468 : i1
    %and3A_470 = arith.andi %ne3A_469, %ne3A_464 : i1
    %add3A_471 = arith.addi %rem3A_462, %select_n3A_461 : i32
    %select_n3A_472 = arith.select %and3A_470, %add3A_471, %rem3A_462 : i32
    %mul3A_473 = arith.constant 38462 : i32
    %mul3A_474 = arith.muli %select_n3A_456, %mul3A_473 : i32
    %jit3A_475 = arith.constant 128 : i32
    %div3A_476 = arith.divsi %mul3A_474, %jit3A_475 : i32
    %sign3A_477 = arith.constant 0 : i32
    %sign3A_478 = arith.cmpi sgt, %mul3A_474, %sign3A_477 : i32
    %sign3A_479 = arith.extui %sign3A_478 : i1 to i32
    %sign3A_480 = arith.constant 0 : i32
    %sign3A_481 = arith.cmpi slt, %mul3A_474, %sign3A_480 : i32
    %sign3A_482 = arith.extui %sign3A_481 : i1 to i32
    %sign3A_483 = arith.subi %sign3A_479, %sign3A_482 : i32
    %sign3A_484 = arith.constant 0 : i32
    %sign3A_485 = arith.cmpi sgt, %jit3A_475, %sign3A_484 : i32
    %sign3A_486 = arith.extui %sign3A_485 : i1 to i32
    %sign3A_487 = arith.constant 0 : i32
    %sign3A_488 = arith.cmpi slt, %jit3A_475, %sign3A_487 : i32
    %sign3A_489 = arith.extui %sign3A_488 : i1 to i32
    %sign3A_490 = arith.subi %sign3A_486, %sign3A_489 : i32
    %ne3A_491 = arith.cmpi ne, %sign3A_483, %sign3A_490 : i32
    %rem3A_492 = arith.remsi %mul3A_474, %jit3A_475 : i32
    %ne3A_493 = arith.constant 0 : i32
    %ne3A_494 = arith.cmpi ne, %rem3A_492, %ne3A_493 : i32
    %and3A_495 = arith.andi %ne3A_491, %ne3A_494 : i1
    %sub3A_496 = arith.constant 1 : i32
    %sub3A_497 = arith.subi %div3A_476, %sub3A_496 : i32
    %select_n3A_498 = arith.select %and3A_495, %sub3A_497, %div3A_476 : i32
    %mul3A_499 = arith.constant 128 : i32
    %mul3A_500 = arith.muli %select_n3A_498, %mul3A_499 : i32
    %min3A_501 = arith.constant 961408 : i32
    %min3A_502 = arith.minsi %mul3A_500, %min3A_501 : i32
    %sub3A_503 = arith.subi %mul3A_474, %min3A_502 : i32
    %jit3A_504 = arith.constant 16 : i32
    %eq3A_505 = arith.constant 0 : i32
    %eq3A_506 = arith.cmpi eq, %jit3A_504, %eq3A_505 : i32
    %jit3A_507 = arith.constant 1 : i32
    %select_n3A_508 = arith.select %eq3A_506, %jit3A_507, %jit3A_504 : i32
    %rem3A_509 = arith.remsi %add3A_432, %select_n3A_508 : i32
    %ne3A_510 = arith.constant 0 : i32
    %ne3A_511 = arith.cmpi ne, %rem3A_509, %ne3A_510 : i32
    %lt3A_512 = arith.constant 0 : i32
    %lt3A_513 = arith.cmpi slt, %rem3A_509, %lt3A_512 : i32
    %lt3A_514 = arith.constant 0 : i32
    %lt3A_515 = arith.cmpi slt, %select_n3A_508, %lt3A_514 : i32
    %ne3A_516 = arith.xori %lt3A_513, %lt3A_515 : i1
    %and3A_517 = arith.andi %ne3A_516, %ne3A_511 : i1
    %add3A_518 = arith.addi %rem3A_509, %select_n3A_508 : i32
    %select_n3A_519 = arith.select %and3A_517, %add3A_518, %rem3A_509 : i32
    %eq3A_520 = arith.constant 0 : i32
    %eq3A_521 = arith.cmpi eq, %select_n3A_519, %eq3A_520 : i32
    %convert_element_type3A_522 = arith.extui %eq3A_521 : i1 to i32
    %cond3A_523 = arith.constant 0 : i32
    %cond3A_524 = arith.cmpi ne, %convert_element_type3A_522, %cond3A_523 : i32
    scf.if %cond3A_524 {
      "tpu.region"() ({
        %run_scoped3A = tpu.sem_alloc : memref<!tpu.dma_semaphore, #tpu.memory_space<semaphore_mem>>
        %dma_start3A_2512 = arith.constant 0 : i32
        %dma_start3A_2513 = tpu.memref_slice %arg2[%select_n3A_456, %dma_start3A_2512] : memref<26x16384xi32, #tpu.memory_space<hbm>> -> memref<1x16384xi32, #tpu.memory_space<hbm>>
        %dma_start3A_2514 = tpu.memref_squeeze %dma_start3A_2513 : memref<1x16384xi32, #tpu.memory_space<hbm>> -> memref<16384xi32, #tpu.memory_space<hbm>>
        %dma_start3A_2515 = arith.constant 0 : i32
        %dma_start3A_2516 = tpu.memref_slice %arg2[%select_n3A_456, %dma_start3A_2515] : memref<26x16384xi32, #tpu.memory_space<hbm>> -> memref<1x16384xi32, #tpu.memory_space<hbm>>
        %dma_start3A_2517 = tpu.memref_squeeze %dma_start3A_2516 : memref<1x16384xi32, #tpu.memory_space<hbm>> -> memref<16384xi32, #tpu.memory_space<hbm>>
        tpu.enqueue_dma source(%dma_start3A_2517 : memref<16384xi32, #tpu.memory_space<hbm>>) target(%arg7 : memref<16384xi32, #tpu.memory_space<vmem>>) target_semaphore(%run_scoped3A : memref<!tpu.dma_semaphore, #tpu.memory_space<semaphore_mem>>)
        %dma_wait3A_2518 = arith.constant 0 : i32
        %dma_wait3A_2519 = tpu.memref_slice %arg2[%select_n3A_456, %dma_wait3A_2518] : memref<26x16384xi32, #tpu.memory_space<hbm>> -> memref<1x16384xi32, #tpu.memory_space<hbm>>
        %dma_wait3A_2520 = tpu.memref_squeeze %dma_wait3A_2519 : memref<1x16384xi32, #tpu.memory_space<hbm>> -> memref<16384xi32, #tpu.memory_space<hbm>>
        %dma_wait3A_2521 = arith.constant 0 : i32
        %dma_wait3A_2522 = tpu.memref_slice %arg2[%select_n3A_456, %dma_wait3A_2521] : memref<26x16384xi32, #tpu.memory_space<hbm>> -> memref<1x16384xi32, #tpu.memory_space<hbm>>
        %dma_wait3A_2523 = tpu.memref_squeeze %dma_wait3A_2522 : memref<1x16384xi32, #tpu.memory_space<hbm>> -> memref<16384xi32, #tpu.memory_space<hbm>>
        tpu.wait_dma2 semaphore(%run_scoped3A : memref<!tpu.dma_semaphore, #tpu.memory_space<semaphore_mem>>) src(%dma_wait3A_2523 : memref<16384xi32, #tpu.memory_space<hbm>>) dst(%arg7 : memref<16384xi32, #tpu.memory_space<vmem>>)
        tpu.yield
      }) : () -> ()
    } else {
    }
    %mul3A_525 = arith.constant 13 : i32
    %mul3A_526 = arith.muli %add3A, %mul3A_525 : i32
    %add3A_527 = arith.constant 3 : i32
    %add3A_528 = arith.addi %mul3A_526, %add3A_527 : i32
    %jit3A_529 = arith.constant 16 : i32
    %div3A_530 = arith.divsi %add3A_528, %jit3A_529 : i32
    %sign3A_531 = arith.constant 0 : i32
    %sign3A_532 = arith.cmpi sgt, %add3A_528, %sign3A_531 : i32
    %sign3A_533 = arith.extui %sign3A_532 : i1 to i32
    %sign3A_534 = arith.constant 0 : i32
    %sign3A_535 = arith.cmpi slt, %add3A_528, %sign3A_534 : i32
    %sign3A_536 = arith.extui %sign3A_535 : i1 to i32
    %sign3A_537 = arith.subi %sign3A_533, %sign3A_536 : i32
    %sign3A_538 = arith.constant 0 : i32
    %sign3A_539 = arith.cmpi sgt, %jit3A_529, %sign3A_538 : i32
    %sign3A_540 = arith.extui %sign3A_539 : i1 to i32
    %sign3A_541 = arith.constant 0 : i32
    %sign3A_542 = arith.cmpi slt, %jit3A_529, %sign3A_541 : i32
    %sign3A_543 = arith.extui %sign3A_542 : i1 to i32
    %sign3A_544 = arith.subi %sign3A_540, %sign3A_543 : i32
    %ne3A_545 = arith.cmpi ne, %sign3A_537, %sign3A_544 : i32
    %rem3A_546 = arith.remsi %add3A_528, %jit3A_529 : i32
    %ne3A_547 = arith.constant 0 : i32
    %ne3A_548 = arith.cmpi ne, %rem3A_546, %ne3A_547 : i32
    %and3A_549 = arith.andi %ne3A_545, %ne3A_548 : i1
    %sub3A_550 = arith.constant 1 : i32
    %sub3A_551 = arith.subi %div3A_530, %sub3A_550 : i32
    %select_n3A_552 = arith.select %and3A_549, %sub3A_551, %div3A_530 : i32
    %jit3A_553 = arith.constant 16 : i32
    %eq3A_554 = arith.constant 0 : i32
    %eq3A_555 = arith.cmpi eq, %jit3A_553, %eq3A_554 : i32
    %jit3A_556 = arith.constant 1 : i32
    %select_n3A_557 = arith.select %eq3A_555, %jit3A_556, %jit3A_553 : i32
    %rem3A_558 = arith.remsi %add3A_528, %select_n3A_557 : i32
    %ne3A_559 = arith.constant 0 : i32
    %ne3A_560 = arith.cmpi ne, %rem3A_558, %ne3A_559 : i32
    %lt3A_561 = arith.constant 0 : i32
    %lt3A_562 = arith.cmpi slt, %rem3A_558, %lt3A_561 : i32
    %lt3A_563 = arith.constant 0 : i32
    %lt3A_564 = arith.cmpi slt, %select_n3A_557, %lt3A_563 : i32
    %ne3A_565 = arith.xori %lt3A_562, %lt3A_564 : i1
    %and3A_566 = arith.andi %ne3A_565, %ne3A_560 : i1
    %add3A_567 = arith.addi %rem3A_558, %select_n3A_557 : i32
    %select_n3A_568 = arith.select %and3A_566, %add3A_567, %rem3A_558 : i32
    %mul3A_569 = arith.constant 38462 : i32
    %mul3A_570 = arith.muli %select_n3A_552, %mul3A_569 : i32
    %jit3A_571 = arith.constant 128 : i32
    %div3A_572 = arith.divsi %mul3A_570, %jit3A_571 : i32
    %sign3A_573 = arith.constant 0 : i32
    %sign3A_574 = arith.cmpi sgt, %mul3A_570, %sign3A_573 : i32
    %sign3A_575 = arith.extui %sign3A_574 : i1 to i32
    %sign3A_576 = arith.constant 0 : i32
    %sign3A_577 = arith.cmpi slt, %mul3A_570, %sign3A_576 : i32
    %sign3A_578 = arith.extui %sign3A_577 : i1 to i32
    %sign3A_579 = arith.subi %sign3A_575, %sign3A_578 : i32
    %sign3A_580 = arith.constant 0 : i32
    %sign3A_581 = arith.cmpi sgt, %jit3A_571, %sign3A_580 : i32
    %sign3A_582 = arith.extui %sign3A_581 : i1 to i32
    %sign3A_583 = arith.constant 0 : i32
    %sign3A_584 = arith.cmpi slt, %jit3A_571, %sign3A_583 : i32
    %sign3A_585 = arith.extui %sign3A_584 : i1 to i32
    %sign3A_586 = arith.subi %sign3A_582, %sign3A_585 : i32
    %ne3A_587 = arith.cmpi ne, %sign3A_579, %sign3A_586 : i32
    %rem3A_588 = arith.remsi %mul3A_570, %jit3A_571 : i32
    %ne3A_589 = arith.constant 0 : i32
    %ne3A_590 = arith.cmpi ne, %rem3A_588, %ne3A_589 : i32
    %and3A_591 = arith.andi %ne3A_587, %ne3A_590 : i1
    %sub3A_592 = arith.constant 1 : i32
    %sub3A_593 = arith.subi %div3A_572, %sub3A_592 : i32
    %select_n3A_594 = arith.select %and3A_591, %sub3A_593, %div3A_572 : i32
    %mul3A_595 = arith.constant 128 : i32
    %mul3A_596 = arith.muli %select_n3A_594, %mul3A_595 : i32
    %min3A_597 = arith.constant 961408 : i32
    %min3A_598 = arith.minsi %mul3A_596, %min3A_597 : i32
    %sub3A_599 = arith.subi %mul3A_570, %min3A_598 : i32
    %dma_start3A_600 = tpu.memref_slice %arg3[%select_n3A_568, %min3A_598] : memref<16x1000012xf32, #tpu.memory_space<hbm>> -> memref<1x38656xf32, #tpu.memory_space<hbm>>
    %dma_start3A_601 = tpu.memref_squeeze %dma_start3A_600 : memref<1x38656xf32, #tpu.memory_space<hbm>> -> memref<38656xf32, #tpu.memory_space<hbm>>
    %dma_start3A_602 = tpu.memref_slice %arg3[%select_n3A_568, %min3A_598] : memref<16x1000012xf32, #tpu.memory_space<hbm>> -> memref<1x38656xf32, #tpu.memory_space<hbm>>
    %dma_start3A_603 = tpu.memref_squeeze %dma_start3A_602 : memref<1x38656xf32, #tpu.memory_space<hbm>> -> memref<38656xf32, #tpu.memory_space<hbm>>
    tpu.enqueue_dma source(%dma_start3A_603 : memref<38656xf32, #tpu.memory_space<hbm>>) target(%arg6 : memref<38656xf32, #tpu.memory_space<vmem>>) target_semaphore(%arg10 : memref<!tpu.dma_semaphore, #tpu.memory_space<semaphore_mem>>)
    %dma_wait3A_604 = tpu.memref_slice %arg3[%select_n3A_372, %min3A_402] : memref<16x1000012xf32, #tpu.memory_space<hbm>> -> memref<1x38656xf32, #tpu.memory_space<hbm>>
    %dma_wait3A_605 = tpu.memref_squeeze %dma_wait3A_604 : memref<1x38656xf32, #tpu.memory_space<hbm>> -> memref<38656xf32, #tpu.memory_space<hbm>>
    %dma_wait3A_606 = tpu.memref_slice %arg3[%select_n3A_372, %min3A_402] : memref<16x1000012xf32, #tpu.memory_space<hbm>> -> memref<1x38656xf32, #tpu.memory_space<hbm>>
    %dma_wait3A_607 = tpu.memref_squeeze %dma_wait3A_606 : memref<1x38656xf32, #tpu.memory_space<hbm>> -> memref<38656xf32, #tpu.memory_space<hbm>>
    tpu.wait_dma2 semaphore(%arg9 : memref<!tpu.dma_semaphore, #tpu.memory_space<semaphore_mem>>) src(%dma_wait3A_607 : memref<38656xf32, #tpu.memory_space<hbm>>) dst(%arg5 : memref<38656xf32, #tpu.memory_space<vmem>>)
    %dma_wait3A_608 = arith.constant 0 : i32
    %dma_wait3A_609 = tpu.memref_slice %arg4[%select_n3A_262, %select_n3A_278, %dma_wait3A_608] : memref<26x16x16384xf32, #tpu.memory_space<hbm>> -> memref<1x1x16384xf32, #tpu.memory_space<hbm>>
    %dma_wait3A_610 = tpu.memref_squeeze %dma_wait3A_609 : memref<1x1x16384xf32, #tpu.memory_space<hbm>> -> memref<16384xf32, #tpu.memory_space<hbm>>
    %dma_wait3A_611 = arith.constant 0 : i32
    %dma_wait3A_612 = tpu.memref_slice %arg4[%select_n3A_262, %select_n3A_278, %dma_wait3A_611] : memref<26x16x16384xf32, #tpu.memory_space<hbm>> -> memref<1x1x16384xf32, #tpu.memory_space<hbm>>
    %dma_wait3A_613 = tpu.memref_squeeze %dma_wait3A_612 : memref<1x1x16384xf32, #tpu.memory_space<hbm>> -> memref<16384xf32, #tpu.memory_space<hbm>>
    tpu.wait_dma2 semaphore(%arg11 : memref<!tpu.dma_semaphore, #tpu.memory_space<semaphore_mem>>) src(%arg8 : memref<16384xf32, #tpu.memory_space<vmem>>) dst(%dma_wait3A_613 : memref<16384xf32, #tpu.memory_space<hbm>>)
    %scan3A_614 = arith.constant 0 : i32
    %scan3A_615 = arith.constant 128 : i32
    %scan3A_616 = arith.addi %scan3A_614, %scan3A_615 : i32
    %scan3A_617 = arith.constant 1 : i32
    scf.for %scan3A_2512 = %scan3A_614 to %scan3A_616 step %scan3A_617  : i32 {
      %mul3A_2513 = arith.constant 128 : i32
      %mul3A_2514 = arith.muli %scan3A_2512, %mul3A_2513 : i32
      %add3A_2515 = arith.constant 0 : i32
      %add3A_2516 = arith.addi %mul3A_2514, %add3A_2515 : i32
      %get3A = arith.index_cast %add3A_2516 : i32 to index
      %get3A_2517 = tpu.vector_load %arg7[%get3A] {strides = array<i32>} : memref<16384xi32, #tpu.memory_space<vmem>>, vector<16xi32>,
      %add3A_2518 = vector.broadcast %sub3A_503 : i32 to vector<16xi32>
      %add3A_2519 = arith.addi %get3A_2517, %add3A_2518 : vector<16xi32>
      %gather3A = tpu.vector_load_idx %arg5[%add3A_2519] : memref<38656xf32, #tpu.memory_space<vmem>>[vector<16xi32>], vector<16xf32>,
      %add3A_2520 = arith.constant 16 : i32
      %add3A_2521 = arith.addi %mul3A_2514, %add3A_2520 : i32
      %get3A_2522 = arith.index_cast %add3A_2521 : i32 to index
      %get3A_2523 = tpu.vector_load %arg7[%get3A_2522] {strides = array<i32>} : memref<16384xi32, #tpu.memory_space<vmem>>, vector<16xi32>,
      %add3A_2524 = vector.broadcast %sub3A_503 : i32 to vector<16xi32>
      %add3A_2525 = arith.addi %get3A_2523, %add3A_2524 : vector<16xi32>
      %gather3A_2526 = tpu.vector_load_idx %arg5[%add3A_2525] : memref<38656xf32, #tpu.memory_space<vmem>>[vector<16xi32>], vector<16xf32>,
      %add3A_2527 = arith.constant 32 : i32
      %add3A_2528 = arith.addi %mul3A_2514, %add3A_2527 : i32
      %get3A_2529 = arith.index_cast %add3A_2528 : i32 to index
      %get3A_2530 = tpu.vector_load %arg7[%get3A_2529] {strides = array<i32>} : memref<16384xi32, #tpu.memory_space<vmem>>, vector<16xi32>,
      %add3A_2531 = vector.broadcast %sub3A_503 : i32 to vector<16xi32>
      %add3A_2532 = arith.addi %get3A_2530, %add3A_2531 : vector<16xi32>
      %gather3A_2533 = tpu.vector_load_idx %arg5[%add3A_2532] : memref<38656xf32, #tpu.memory_space<vmem>>[vector<16xi32>], vector<16xf32>,
      %add3A_2534 = arith.constant 48 : i32
      %add3A_2535 = arith.addi %mul3A_2514, %add3A_2534 : i32
      %get3A_2536 = arith.index_cast %add3A_2535 : i32 to index
      %get3A_2537 = tpu.vector_load %arg7[%get3A_2536] {strides = array<i32>} : memref<16384xi32, #tpu.memory_space<vmem>>, vector<16xi32>,
      %add3A_2538 = vector.broadcast %sub3A_503 : i32 to vector<16xi32>
      %add3A_2539 = arith.addi %get3A_2537, %add3A_2538 : vector<16xi32>
      %gather3A_2540 = tpu.vector_load_idx %arg5[%add3A_2539] : memref<38656xf32, #tpu.memory_space<vmem>>[vector<16xi32>], vector<16xf32>,
      %add3A_2541 = arith.constant 64 : i32
      %add3A_2542 = arith.addi %mul3A_2514, %add3A_2541 : i32
      %get3A_2543 = arith.index_cast %add3A_2542 : i32 to index
      %get3A_2544 = tpu.vector_load %arg7[%get3A_2543] {strides = array<i32>} : memref<16384xi32, #tpu.memory_space<vmem>>, vector<16xi32>,
      %add3A_2545 = vector.broadcast %sub3A_503 : i32 to vector<16xi32>
      %add3A_2546 = arith.addi %get3A_2544, %add3A_2545 : vector<16xi32>
      %gather3A_2547 = tpu.vector_load_idx %arg5[%add3A_2546] : memref<38656xf32, #tpu.memory_space<vmem>>[vector<16xi32>], vector<16xf32>,
      %add3A_2548 = arith.constant 80 : i32
      %add3A_2549 = arith.addi %mul3A_2514, %add3A_2548 : i32
      %get3A_2550 = arith.index_cast %add3A_2549 : i32 to index
      %get3A_2551 = tpu.vector_load %arg7[%get3A_2550] {strides = array<i32>} : memref<16384xi32, #tpu.memory_space<vmem>>, vector<16xi32>,
      %add3A_2552 = vector.broadcast %sub3A_503 : i32 to vector<16xi32>
      %add3A_2553 = arith.addi %get3A_2551, %add3A_2552 : vector<16xi32>
      %gather3A_2554 = tpu.vector_load_idx %arg5[%add3A_2553] : memref<38656xf32, #tpu.memory_space<vmem>>[vector<16xi32>], vector<16xf32>,
      %add3A_2555 = arith.constant 96 : i32
      %add3A_2556 = arith.addi %mul3A_2514, %add3A_2555 : i32
      %get3A_2557 = arith.index_cast %add3A_2556 : i32 to index
      %get3A_2558 = tpu.vector_load %arg7[%get3A_2557] {strides = array<i32>} : memref<16384xi32, #tpu.memory_space<vmem>>, vector<16xi32>,
      %add3A_2559 = vector.broadcast %sub3A_503 : i32 to vector<16xi32>
      %add3A_2560 = arith.addi %get3A_2558, %add3A_2559 : vector<16xi32>
      %gather3A_2561 = tpu.vector_load_idx %arg5[%add3A_2560] : memref<38656xf32, #tpu.memory_space<vmem>>[vector<16xi32>], vector<16xf32>,
      %add3A_2562 = arith.constant 112 : i32
      %add3A_2563 = arith.addi %mul3A_2514, %add3A_2562 : i32
      %get3A_2564 = arith.index_cast %add3A_2563 : i32 to index
      %get3A_2565 = tpu.vector_load %arg7[%get3A_2564] {strides = array<i32>} : memref<16384xi32, #tpu.memory_space<vmem>>, vector<16xi32>,
      %add3A_2566 = vector.broadcast %sub3A_503 : i32 to vector<16xi32>
      %add3A_2567 = arith.addi %get3A_2565, %add3A_2566 : vector<16xi32>
      %gather3A_2568 = tpu.vector_load_idx %arg5[%add3A_2567] : memref<38656xf32, #tpu.memory_space<vmem>>[vector<16xi32>], vector<16xf32>,
      %add3A_2569 = arith.constant 0 : i32
      %add3A_2570 = arith.addi %mul3A_2514, %add3A_2569 : i32
      %swap3A = arith.index_cast %add3A_2570 : i32 to index
      %swap3A_2571 = tpu.vector_load %arg8[%swap3A] {strides = array<i32>} : memref<16384xf32, #tpu.memory_space<vmem>>, vector<16xf32>,
      tpu.vector_store %arg8[%swap3A], %gather3A {strides = array<i32>} : memref<16384xf32, #tpu.memory_space<vmem>>, vector<16xf32>,
      %add3A_2572 = arith.constant 16 : i32
      %add3A_2573 = arith.addi %mul3A_2514, %add3A_2572 : i32
      %swap3A_2574 = arith.index_cast %add3A_2573 : i32 to index
      %swap3A_2575 = tpu.vector_load %arg8[%swap3A_2574] {strides = array<i32>} : memref<16384xf32, #tpu.memory_space<vmem>>, vector<16xf32>,
      tpu.vector_store %arg8[%swap3A_2574], %gather3A_2526 {strides = array<i32>} : memref<16384xf32, #tpu.memory_space<vmem>>, vector<16xf32>,
      %add3A_2576 = arith.constant 32 : i32
      %add3A_2577 = arith.addi %mul3A_2514, %add3A_2576 : i32
      %swap3A_2578 = arith.index_cast %add3A_2577 : i32 to index
      %swap3A_2579 = tpu.vector_load %arg8[%swap3A_2578] {strides = array<i32>} : memref<16384xf32, #tpu.memory_space<vmem>>, vector<16xf32>,
      tpu.vector_store %arg8[%swap3A_2578], %gather3A_2533 {strides = array<i32>} : memref<16384xf32, #tpu.memory_space<vmem>>, vector<16xf32>,
      %add3A_2580 = arith.constant 48 : i32
      %add3A_2581 = arith.addi %mul3A_2514, %add3A_2580 : i32
      %swap3A_2582 = arith.index_cast %add3A_2581 : i32 to index
      %swap3A_2583 = tpu.vector_load %arg8[%swap3A_2582] {strides = array<i32>} : memref<16384xf32, #tpu.memory_space<vmem>>, vector<16xf32>,
      tpu.vector_store %arg8[%swap3A_2582], %gather3A_2540 {strides = array<i32>} : memref<16384xf32, #tpu.memory_space<vmem>>, vector<16xf32>,
      %add3A_2584 = arith.constant 64 : i32
      %add3A_2585 = arith.addi %mul3A_2514, %add3A_2584 : i32
      %swap3A_2586 = arith.index_cast %add3A_2585 : i32 to index
      %swap3A_2587 = tpu.vector_load %arg8[%swap3A_2586] {strides = array<i32>} : memref<16384xf32, #tpu.memory_space<vmem>>, vector<16xf32>,
      tpu.vector_store %arg8[%swap3A_2586], %gather3A_2547 {strides = array<i32>} : memref<16384xf32, #tpu.memory_space<vmem>>, vector<16xf32>,
      %add3A_2588 = arith.constant 80 : i32
      %add3A_2589 = arith.addi %mul3A_2514, %add3A_2588 : i32
      %swap3A_2590 = arith.index_cast %add3A_2589 : i32 to index
      %swap3A_2591 = tpu.vector_load %arg8[%swap3A_2590] {strides = array<i32>} : memref<16384xf32, #tpu.memory_space<vmem>>, vector<16xf32>,
      tpu.vector_store %arg8[%swap3A_2590], %gather3A_2554 {strides = array<i32>} : memref<16384xf32, #tpu.memory_space<vmem>>, vector<16xf32>,
      %add3A_2592 = arith.constant 96 : i32
      %add3A_2593 = arith.addi %mul3A_2514, %add3A_2592 : i32
      %swap3A_2594 = arith.index_cast %add3A_2593 : i32 to index
      %swap3A_2595 = tpu.vector_load %arg8[%swap3A_2594] {strides = array<i32>} : memref<16384xf32, #tpu.memory_space<vmem>>, vector<16xf32>,
      tpu.vector_store %arg8[%swap3A_2594], %gather3A_2561 {strides = array<i32>} : memref<16384xf32, #tpu.memory_space<vmem>>, vector<16xf32>,
      %add3A_2596 = arith.constant 112 : i32
      %add3A_2597 = arith.addi %mul3A_2514, %add3A_2596 : i32
      %swap3A_2598 = arith.index_cast %add3A_2597 : i32 to index
      %swap3A_2599 = tpu.vector_load %arg8[%swap3A_2598] {strides = array<i32>} : memref<16384xf32, #tpu.memory_space<vmem>>, vector<16xf32>,
      tpu.vector_store %arg8[%swap3A_2598], %gather3A_2568 {strides = array<i32>} : memref<16384xf32, #tpu.memory_space<vmem>>, vector<16xf32>,
    }
    %scan3A_618 = arith.constant 128 : i32
    %dma_start3A_619 = arith.constant 0 : i32
    %dma_start3A_620 = tpu.memref_slice %arg4[%select_n3A_456, %select_n3A_472, %dma_start3A_619] : memref<26x16x16384xf32, #tpu.memory_space<hbm>> -> memref<1x1x16384xf32, #tpu.memory_space<hbm>>
    %dma_start3A_621 = tpu.memref_squeeze %dma_start3A_620 : memref<1x1x16384xf32, #tpu.memory_space<hbm>> -> memref<16384xf32, #tpu.memory_space<hbm>>
    %dma_start3A_622 = arith.constant 0 : i32
    %dma_start3A_623 = tpu.memref_slice %arg4[%select_n3A_456, %select_n3A_472, %dma_start3A_622] : memref<26x16x16384xf32, #tpu.memory_space<hbm>> -> memref<1x1x16384xf32, #tpu.memory_space<hbm>>
    %dma_start3A_624 = tpu.memref_squeeze %dma_start3A_623 : memref<1x1x16384xf32, #tpu.memory_space<hbm>> -> memref<16384xf32, #tpu.memory_space<hbm>>
    tpu.enqueue_dma source(%arg8 : memref<16384xf32, #tpu.memory_space<vmem>>) target(%dma_start3A_624 : memref<16384xf32, #tpu.memory_space<hbm>>) target_semaphore(%arg11 : memref<!tpu.dma_semaphore, #tpu.memory_space<semaphore_mem>>)
    %mul3A_625 = arith.constant 13 : i32
    %mul3A_626 = arith.muli %add3A, %mul3A_625 : i32
    %add3A_627 = arith.constant 3 : i32
    %add3A_628 = arith.addi %mul3A_626, %add3A_627 : i32
    %jit3A_629 = arith.constant 16 : i32
    %div3A_630 = arith.divsi %add3A_628, %jit3A_629 : i32
    %sign3A_631 = arith.constant 0 : i32
    %sign3A_632 = arith.cmpi sgt, %add3A_628, %sign3A_631 : i32
    %sign3A_633 = arith.extui %sign3A_632 : i1 to i32
    %sign3A_634 = arith.constant 0 : i32
    %sign3A_635 = arith.cmpi slt, %add3A_628, %sign3A_634 : i32
    %sign3A_636 = arith.extui %sign3A_635 : i1 to i32
    %sign3A_637 = arith.subi %sign3A_633, %sign3A_636 : i32
    %sign3A_638 = arith.constant 0 : i32
    %sign3A_639 = arith.cmpi sgt, %jit3A_629, %sign3A_638 : i32
    %sign3A_640 = arith.extui %sign3A_639 : i1 to i32
    %sign3A_641 = arith.constant 0 : i32
    %sign3A_642 = arith.cmpi slt, %jit3A_629, %sign3A_641 : i32
    %sign3A_643 = arith.extui %sign3A_642 : i1 to i32
    %sign3A_644 = arith.subi %sign3A_640, %sign3A_643 : i32
    %ne3A_645 = arith.cmpi ne, %sign3A_637, %sign3A_644 : i32
    %rem3A_646 = arith.remsi %add3A_628, %jit3A_629 : i32
    %ne3A_647 = arith.constant 0 : i32
    %ne3A_648 = arith.cmpi ne, %rem3A_646, %ne3A_647 : i32
    %and3A_649 = arith.andi %ne3A_645, %ne3A_648 : i1
    %sub3A_650 = arith.constant 1 : i32
    %sub3A_651 = arith.subi %div3A_630, %sub3A_650 : i32
    %select_n3A_652 = arith.select %and3A_649, %sub3A_651, %div3A_630 : i32
    %jit3A_653 = arith.constant 16 : i32
    %eq3A_654 = arith.constant 0 : i32
    %eq3A_655 = arith.cmpi eq, %jit3A_653, %eq3A_654 : i32
    %jit3A_656 = arith.constant 1 : i32
    %select_n3A_657 = arith.select %eq3A_655, %jit3A_656, %jit3A_653 : i32
    %rem3A_658 = arith.remsi %add3A_628, %select_n3A_657 : i32
    %ne3A_659 = arith.constant 0 : i32
    %ne3A_660 = arith.cmpi ne, %rem3A_658, %ne3A_659 : i32
    %lt3A_661 = arith.constant 0 : i32
    %lt3A_662 = arith.cmpi slt, %rem3A_658, %lt3A_661 : i32
    %lt3A_663 = arith.constant 0 : i32
    %lt3A_664 = arith.cmpi slt, %select_n3A_657, %lt3A_663 : i32
    %ne3A_665 = arith.xori %lt3A_662, %lt3A_664 : i1
    %and3A_666 = arith.andi %ne3A_665, %ne3A_660 : i1
    %add3A_667 = arith.addi %rem3A_658, %select_n3A_657 : i32
    %select_n3A_668 = arith.select %and3A_666, %add3A_667, %rem3A_658 : i32
    %mul3A_669 = arith.constant 38462 : i32
    %mul3A_670 = arith.muli %select_n3A_652, %mul3A_669 : i32
    %jit3A_671 = arith.constant 128 : i32
    %div3A_672 = arith.divsi %mul3A_670, %jit3A_671 : i32
    %sign3A_673 = arith.constant 0 : i32
    %sign3A_674 = arith.cmpi sgt, %mul3A_670, %sign3A_673 : i32
    %sign3A_675 = arith.extui %sign3A_674 : i1 to i32
    %sign3A_676 = arith.constant 0 : i32
    %sign3A_677 = arith.cmpi slt, %mul3A_670, %sign3A_676 : i32
    %sign3A_678 = arith.extui %sign3A_677 : i1 to i32
    %sign3A_679 = arith.subi %sign3A_675, %sign3A_678 : i32
    %sign3A_680 = arith.constant 0 : i32
    %sign3A_681 = arith.cmpi sgt, %jit3A_671, %sign3A_680 : i32
    %sign3A_682 = arith.extui %sign3A_681 : i1 to i32
    %sign3A_683 = arith.constant 0 : i32
    %sign3A_684 = arith.cmpi slt, %jit3A_671, %sign3A_683 : i32
    %sign3A_685 = arith.extui %sign3A_684 : i1 to i32
    %sign3A_686 = arith.subi %sign3A_682, %sign3A_685 : i32
    %ne3A_687 = arith.cmpi ne, %sign3A_679, %sign3A_686 : i32
    %rem3A_688 = arith.remsi %mul3A_670, %jit3A_671 : i32
    %ne3A_689 = arith.constant 0 : i32
    %ne3A_690 = arith.cmpi ne, %rem3A_688, %ne3A_689 : i32
    %and3A_691 = arith.andi %ne3A_687, %ne3A_690 : i1
    %sub3A_692 = arith.constant 1 : i32
    %sub3A_693 = arith.subi %div3A_672, %sub3A_692 : i32
    %select_n3A_694 = arith.select %and3A_691, %sub3A_693, %div3A_672 : i32
    %mul3A_695 = arith.constant 128 : i32
    %mul3A_696 = arith.muli %select_n3A_694, %mul3A_695 : i32
    %min3A_697 = arith.constant 961408 : i32
    %min3A_698 = arith.minsi %mul3A_696, %min3A_697 : i32
    %sub3A_699 = arith.subi %mul3A_670, %min3A_698 : i32
    %jit3A_700 = arith.constant 16 : i32
    %eq3A_701 = arith.constant 0 : i32
    %eq3A_702 = arith.cmpi eq, %jit3A_700, %eq3A_701 : i32
    %jit3A_703 = arith.constant 1 : i32
    %select_n3A_704 = arith.select %eq3A_702, %jit3A_703, %jit3A_700 : i32
    %rem3A_705 = arith.remsi %add3A_628, %select_n3A_704 : i32
    %ne3A_706 = arith.constant 0 : i32
    %ne3A_707 = arith.cmpi ne, %rem3A_705, %ne3A_706 : i32
    %lt3A_708 = arith.constant 0 : i32
    %lt3A_709 = arith.cmpi slt, %rem3A_705, %lt3A_708 : i32
    %lt3A_710 = arith.constant 0 : i32
    %lt3A_711 = arith.cmpi slt, %select_n3A_704, %lt3A_710 : i32
    %ne3A_712 = arith.xori %lt3A_709, %lt3A_711 : i1
    %and3A_713 = arith.andi %ne3A_712, %ne3A_707 : i1
    %add3A_714 = arith.addi %rem3A_705, %select_n3A_704 : i32
    %select_n3A_715 = arith.select %and3A_713, %add3A_714, %rem3A_705 : i32
    %eq3A_716 = arith.constant 0 : i32
    %eq3A_717 = arith.cmpi eq, %select_n3A_715, %eq3A_716 : i32
    %convert_element_type3A_718 = arith.extui %eq3A_717 : i1 to i32
    %cond3A_719 = arith.constant 0 : i32
    %cond3A_720 = arith.cmpi ne, %convert_element_type3A_718, %cond3A_719 : i32
    scf.if %cond3A_720 {
      "tpu.region"() ({
        %run_scoped3A = tpu.sem_alloc : memref<!tpu.dma_semaphore, #tpu.memory_space<semaphore_mem>>
        %dma_start3A_2512 = arith.constant 0 : i32
        %dma_start3A_2513 = tpu.memref_slice %arg2[%select_n3A_652, %dma_start3A_2512] : memref<26x16384xi32, #tpu.memory_space<hbm>> -> memref<1x16384xi32, #tpu.memory_space<hbm>>
        %dma_start3A_2514 = tpu.memref_squeeze %dma_start3A_2513 : memref<1x16384xi32, #tpu.memory_space<hbm>> -> memref<16384xi32, #tpu.memory_space<hbm>>
        %dma_start3A_2515 = arith.constant 0 : i32
        %dma_start3A_2516 = tpu.memref_slice %arg2[%select_n3A_652, %dma_start3A_2515] : memref<26x16384xi32, #tpu.memory_space<hbm>> -> memref<1x16384xi32, #tpu.memory_space<hbm>>
        %dma_start3A_2517 = tpu.memref_squeeze %dma_start3A_2516 : memref<1x16384xi32, #tpu.memory_space<hbm>> -> memref<16384xi32, #tpu.memory_space<hbm>>
        tpu.enqueue_dma source(%dma_start3A_2517 : memref<16384xi32, #tpu.memory_space<hbm>>) target(%arg7 : memref<16384xi32, #tpu.memory_space<vmem>>) target_semaphore(%run_scoped3A : memref<!tpu.dma_semaphore, #tpu.memory_space<semaphore_mem>>)
        %dma_wait3A_2518 = arith.constant 0 : i32
        %dma_wait3A_2519 = tpu.memref_slice %arg2[%select_n3A_652, %dma_wait3A_2518] : memref<26x16384xi32, #tpu.memory_space<hbm>> -> memref<1x16384xi32, #tpu.memory_space<hbm>>
        %dma_wait3A_2520 = tpu.memref_squeeze %dma_wait3A_2519 : memref<1x16384xi32, #tpu.memory_space<hbm>> -> memref<16384xi32, #tpu.memory_space<hbm>>
        %dma_wait3A_2521 = arith.constant 0 : i32
        %dma_wait3A_2522 = tpu.memref_slice %arg2[%select_n3A_652, %dma_wait3A_2521] : memref<26x16384xi32, #tpu.memory_space<hbm>> -> memref<1x16384xi32, #tpu.memory_space<hbm>>
        %dma_wait3A_2523 = tpu.memref_squeeze %dma_wait3A_2522 : memref<1x16384xi32, #tpu.memory_space<hbm>> -> memref<16384xi32, #tpu.memory_space<hbm>>
        tpu.wait_dma2 semaphore(%run_scoped3A : memref<!tpu.dma_semaphore, #tpu.memory_space<semaphore_mem>>) src(%dma_wait3A_2523 : memref<16384xi32, #tpu.memory_space<hbm>>) dst(%arg7 : memref<16384xi32, #tpu.memory_space<vmem>>)
        tpu.yield
      }) : () -> ()
    } else {
    }
    %mul3A_721 = arith.constant 13 : i32
    %mul3A_722 = arith.muli %add3A, %mul3A_721 : i32
    %add3A_723 = arith.constant 4 : i32
    %add3A_724 = arith.addi %mul3A_722, %add3A_723 : i32
    %jit3A_725 = arith.constant 16 : i32
    %div3A_726 = arith.divsi %add3A_724, %jit3A_725 : i32
    %sign3A_727 = arith.constant 0 : i32
    %sign3A_728 = arith.cmpi sgt, %add3A_724, %sign3A_727 : i32
    %sign3A_729 = arith.extui %sign3A_728 : i1 to i32
    %sign3A_730 = arith.constant 0 : i32
    %sign3A_731 = arith.cmpi slt, %add3A_724, %sign3A_730 : i32
    %sign3A_732 = arith.extui %sign3A_731 : i1 to i32
    %sign3A_733 = arith.subi %sign3A_729, %sign3A_732 : i32
    %sign3A_734 = arith.constant 0 : i32
    %sign3A_735 = arith.cmpi sgt, %jit3A_725, %sign3A_734 : i32
    %sign3A_736 = arith.extui %sign3A_735 : i1 to i32
    %sign3A_737 = arith.constant 0 : i32
    %sign3A_738 = arith.cmpi slt, %jit3A_725, %sign3A_737 : i32
    %sign3A_739 = arith.extui %sign3A_738 : i1 to i32
    %sign3A_740 = arith.subi %sign3A_736, %sign3A_739 : i32
    %ne3A_741 = arith.cmpi ne, %sign3A_733, %sign3A_740 : i32
    %rem3A_742 = arith.remsi %add3A_724, %jit3A_725 : i32
    %ne3A_743 = arith.constant 0 : i32
    %ne3A_744 = arith.cmpi ne, %rem3A_742, %ne3A_743 : i32
    %and3A_745 = arith.andi %ne3A_741, %ne3A_744 : i1
    %sub3A_746 = arith.constant 1 : i32
    %sub3A_747 = arith.subi %div3A_726, %sub3A_746 : i32
    %select_n3A_748 = arith.select %and3A_745, %sub3A_747, %div3A_726 : i32
    %jit3A_749 = arith.constant 16 : i32
    %eq3A_750 = arith.constant 0 : i32
    %eq3A_751 = arith.cmpi eq, %jit3A_749, %eq3A_750 : i32
    %jit3A_752 = arith.constant 1 : i32
    %select_n3A_753 = arith.select %eq3A_751, %jit3A_752, %jit3A_749 : i32
    %rem3A_754 = arith.remsi %add3A_724, %select_n3A_753 : i32
    %ne3A_755 = arith.constant 0 : i32
    %ne3A_756 = arith.cmpi ne, %rem3A_754, %ne3A_755 : i32
    %lt3A_757 = arith.constant 0 : i32
    %lt3A_758 = arith.cmpi slt, %rem3A_754, %lt3A_757 : i32
    %lt3A_759 = arith.constant 0 : i32
    %lt3A_760 = arith.cmpi slt, %select_n3A_753, %lt3A_759 : i32
    %ne3A_761 = arith.xori %lt3A_758, %lt3A_760 : i1
    %and3A_762 = arith.andi %ne3A_761, %ne3A_756 : i1
    %add3A_763 = arith.addi %rem3A_754, %select_n3A_753 : i32
    %select_n3A_764 = arith.select %and3A_762, %add3A_763, %rem3A_754 : i32
    %mul3A_765 = arith.constant 38462 : i32
    %mul3A_766 = arith.muli %select_n3A_748, %mul3A_765 : i32
    %jit3A_767 = arith.constant 128 : i32
    %div3A_768 = arith.divsi %mul3A_766, %jit3A_767 : i32
    %sign3A_769 = arith.constant 0 : i32
    %sign3A_770 = arith.cmpi sgt, %mul3A_766, %sign3A_769 : i32
    %sign3A_771 = arith.extui %sign3A_770 : i1 to i32
    %sign3A_772 = arith.constant 0 : i32
    %sign3A_773 = arith.cmpi slt, %mul3A_766, %sign3A_772 : i32
    %sign3A_774 = arith.extui %sign3A_773 : i1 to i32
    %sign3A_775 = arith.subi %sign3A_771, %sign3A_774 : i32
    %sign3A_776 = arith.constant 0 : i32
    %sign3A_777 = arith.cmpi sgt, %jit3A_767, %sign3A_776 : i32
    %sign3A_778 = arith.extui %sign3A_777 : i1 to i32
    %sign3A_779 = arith.constant 0 : i32
    %sign3A_780 = arith.cmpi slt, %jit3A_767, %sign3A_779 : i32
    %sign3A_781 = arith.extui %sign3A_780 : i1 to i32
    %sign3A_782 = arith.subi %sign3A_778, %sign3A_781 : i32
    %ne3A_783 = arith.cmpi ne, %sign3A_775, %sign3A_782 : i32
    %rem3A_784 = arith.remsi %mul3A_766, %jit3A_767 : i32
    %ne3A_785 = arith.constant 0 : i32
    %ne3A_786 = arith.cmpi ne, %rem3A_784, %ne3A_785 : i32
    %and3A_787 = arith.andi %ne3A_783, %ne3A_786 : i1
    %sub3A_788 = arith.constant 1 : i32
    %sub3A_789 = arith.subi %div3A_768, %sub3A_788 : i32
    %select_n3A_790 = arith.select %and3A_787, %sub3A_789, %div3A_768 : i32
    %mul3A_791 = arith.constant 128 : i32
    %mul3A_792 = arith.muli %select_n3A_790, %mul3A_791 : i32
    %min3A_793 = arith.constant 961408 : i32
    %min3A_794 = arith.minsi %mul3A_792, %min3A_793 : i32
    %sub3A_795 = arith.subi %mul3A_766, %min3A_794 : i32
    %dma_start3A_796 = tpu.memref_slice %arg3[%select_n3A_764, %min3A_794] : memref<16x1000012xf32, #tpu.memory_space<hbm>> -> memref<1x38656xf32, #tpu.memory_space<hbm>>
    %dma_start3A_797 = tpu.memref_squeeze %dma_start3A_796 : memref<1x38656xf32, #tpu.memory_space<hbm>> -> memref<38656xf32, #tpu.memory_space<hbm>>
    %dma_start3A_798 = tpu.memref_slice %arg3[%select_n3A_764, %min3A_794] : memref<16x1000012xf32, #tpu.memory_space<hbm>> -> memref<1x38656xf32, #tpu.memory_space<hbm>>
    %dma_start3A_799 = tpu.memref_squeeze %dma_start3A_798 : memref<1x38656xf32, #tpu.memory_space<hbm>> -> memref<38656xf32, #tpu.memory_space<hbm>>
    tpu.enqueue_dma source(%dma_start3A_799 : memref<38656xf32, #tpu.memory_space<hbm>>) target(%arg5 : memref<38656xf32, #tpu.memory_space<vmem>>) target_semaphore(%arg9 : memref<!tpu.dma_semaphore, #tpu.memory_space<semaphore_mem>>)
    %dma_wait3A_800 = tpu.memref_slice %arg3[%select_n3A_568, %min3A_598] : memref<16x1000012xf32, #tpu.memory_space<hbm>> -> memref<1x38656xf32, #tpu.memory_space<hbm>>
    %dma_wait3A_801 = tpu.memref_squeeze %dma_wait3A_800 : memref<1x38656xf32, #tpu.memory_space<hbm>> -> memref<38656xf32, #tpu.memory_space<hbm>>
    %dma_wait3A_802 = tpu.memref_slice %arg3[%select_n3A_568, %min3A_598] : memref<16x1000012xf32, #tpu.memory_space<hbm>> -> memref<1x38656xf32, #tpu.memory_space<hbm>>
    %dma_wait3A_803 = tpu.memref_squeeze %dma_wait3A_802 : memref<1x38656xf32, #tpu.memory_space<hbm>> -> memref<38656xf32, #tpu.memory_space<hbm>>
    tpu.wait_dma2 semaphore(%arg10 : memref<!tpu.dma_semaphore, #tpu.memory_space<semaphore_mem>>) src(%dma_wait3A_803 : memref<38656xf32, #tpu.memory_space<hbm>>) dst(%arg6 : memref<38656xf32, #tpu.memory_space<vmem>>)
    %dma_wait3A_804 = arith.constant 0 : i32
    %dma_wait3A_805 = tpu.memref_slice %arg4[%select_n3A_456, %select_n3A_472, %dma_wait3A_804] : memref<26x16x16384xf32, #tpu.memory_space<hbm>> -> memref<1x1x16384xf32, #tpu.memory_space<hbm>>
    %dma_wait3A_806 = tpu.memref_squeeze %dma_wait3A_805 : memref<1x1x16384xf32, #tpu.memory_space<hbm>> -> memref<16384xf32, #tpu.memory_space<hbm>>
    %dma_wait3A_807 = arith.constant 0 : i32
    %dma_wait3A_808 = tpu.memref_slice %arg4[%select_n3A_456, %select_n3A_472, %dma_wait3A_807] : memref<26x16x16384xf32, #tpu.memory_space<hbm>> -> memref<1x1x16384xf32, #tpu.memory_space<hbm>>
    %dma_wait3A_809 = tpu.memref_squeeze %dma_wait3A_808 : memref<1x1x16384xf32, #tpu.memory_space<hbm>> -> memref<16384xf32, #tpu.memory_space<hbm>>
    tpu.wait_dma2 semaphore(%arg11 : memref<!tpu.dma_semaphore, #tpu.memory_space<semaphore_mem>>) src(%arg8 : memref<16384xf32, #tpu.memory_space<vmem>>) dst(%dma_wait3A_809 : memref<16384xf32, #tpu.memory_space<hbm>>)
    %scan3A_810 = arith.constant 0 : i32
    %scan3A_811 = arith.constant 128 : i32
    %scan3A_812 = arith.addi %scan3A_810, %scan3A_811 : i32
    %scan3A_813 = arith.constant 1 : i32
    scf.for %scan3A_2512 = %scan3A_810 to %scan3A_812 step %scan3A_813  : i32 {
      %mul3A_2513 = arith.constant 128 : i32
      %mul3A_2514 = arith.muli %scan3A_2512, %mul3A_2513 : i32
      %add3A_2515 = arith.constant 0 : i32
      %add3A_2516 = arith.addi %mul3A_2514, %add3A_2515 : i32
      %get3A = arith.index_cast %add3A_2516 : i32 to index
      %get3A_2517 = tpu.vector_load %arg7[%get3A] {strides = array<i32>} : memref<16384xi32, #tpu.memory_space<vmem>>, vector<16xi32>,
      %add3A_2518 = vector.broadcast %sub3A_699 : i32 to vector<16xi32>
      %add3A_2519 = arith.addi %get3A_2517, %add3A_2518 : vector<16xi32>
      %gather3A = tpu.vector_load_idx %arg6[%add3A_2519] : memref<38656xf32, #tpu.memory_space<vmem>>[vector<16xi32>], vector<16xf32>,
      %add3A_2520 = arith.constant 16 : i32
      %add3A_2521 = arith.addi %mul3A_2514, %add3A_2520 : i32
      %get3A_2522 = arith.index_cast %add3A_2521 : i32 to index
      %get3A_2523 = tpu.vector_load %arg7[%get3A_2522] {strides = array<i32>} : memref<16384xi32, #tpu.memory_space<vmem>>, vector<16xi32>,
      %add3A_2524 = vector.broadcast %sub3A_699 : i32 to vector<16xi32>
      %add3A_2525 = arith.addi %get3A_2523, %add3A_2524 : vector<16xi32>
      %gather3A_2526 = tpu.vector_load_idx %arg6[%add3A_2525] : memref<38656xf32, #tpu.memory_space<vmem>>[vector<16xi32>], vector<16xf32>,
      %add3A_2527 = arith.constant 32 : i32
      %add3A_2528 = arith.addi %mul3A_2514, %add3A_2527 : i32
      %get3A_2529 = arith.index_cast %add3A_2528 : i32 to index
      %get3A_2530 = tpu.vector_load %arg7[%get3A_2529] {strides = array<i32>} : memref<16384xi32, #tpu.memory_space<vmem>>, vector<16xi32>,
      %add3A_2531 = vector.broadcast %sub3A_699 : i32 to vector<16xi32>
      %add3A_2532 = arith.addi %get3A_2530, %add3A_2531 : vector<16xi32>
      %gather3A_2533 = tpu.vector_load_idx %arg6[%add3A_2532] : memref<38656xf32, #tpu.memory_space<vmem>>[vector<16xi32>], vector<16xf32>,
      %add3A_2534 = arith.constant 48 : i32
      %add3A_2535 = arith.addi %mul3A_2514, %add3A_2534 : i32
      %get3A_2536 = arith.index_cast %add3A_2535 : i32 to index
      %get3A_2537 = tpu.vector_load %arg7[%get3A_2536] {strides = array<i32>} : memref<16384xi32, #tpu.memory_space<vmem>>, vector<16xi32>,
      %add3A_2538 = vector.broadcast %sub3A_699 : i32 to vector<16xi32>
      %add3A_2539 = arith.addi %get3A_2537, %add3A_2538 : vector<16xi32>
      %gather3A_2540 = tpu.vector_load_idx %arg6[%add3A_2539] : memref<38656xf32, #tpu.memory_space<vmem>>[vector<16xi32>], vector<16xf32>,
      %add3A_2541 = arith.constant 64 : i32
      %add3A_2542 = arith.addi %mul3A_2514, %add3A_2541 : i32
      %get3A_2543 = arith.index_cast %add3A_2542 : i32 to index
      %get3A_2544 = tpu.vector_load %arg7[%get3A_2543] {strides = array<i32>} : memref<16384xi32, #tpu.memory_space<vmem>>, vector<16xi32>,
      %add3A_2545 = vector.broadcast %sub3A_699 : i32 to vector<16xi32>
      %add3A_2546 = arith.addi %get3A_2544, %add3A_2545 : vector<16xi32>
      %gather3A_2547 = tpu.vector_load_idx %arg6[%add3A_2546] : memref<38656xf32, #tpu.memory_space<vmem>>[vector<16xi32>], vector<16xf32>,
      %add3A_2548 = arith.constant 80 : i32
      %add3A_2549 = arith.addi %mul3A_2514, %add3A_2548 : i32
      %get3A_2550 = arith.index_cast %add3A_2549 : i32 to index
      %get3A_2551 = tpu.vector_load %arg7[%get3A_2550] {strides = array<i32>} : memref<16384xi32, #tpu.memory_space<vmem>>, vector<16xi32>,
      %add3A_2552 = vector.broadcast %sub3A_699 : i32 to vector<16xi32>
      %add3A_2553 = arith.addi %get3A_2551, %add3A_2552 : vector<16xi32>
      %gather3A_2554 = tpu.vector_load_idx %arg6[%add3A_2553] : memref<38656xf32, #tpu.memory_space<vmem>>[vector<16xi32>], vector<16xf32>,
      %add3A_2555 = arith.constant 96 : i32
      %add3A_2556 = arith.addi %mul3A_2514, %add3A_2555 : i32
      %get3A_2557 = arith.index_cast %add3A_2556 : i32 to index
      %get3A_2558 = tpu.vector_load %arg7[%get3A_2557] {strides = array<i32>} : memref<16384xi32, #tpu.memory_space<vmem>>, vector<16xi32>,
      %add3A_2559 = vector.broadcast %sub3A_699 : i32 to vector<16xi32>
      %add3A_2560 = arith.addi %get3A_2558, %add3A_2559 : vector<16xi32>
      %gather3A_2561 = tpu.vector_load_idx %arg6[%add3A_2560] : memref<38656xf32, #tpu.memory_space<vmem>>[vector<16xi32>], vector<16xf32>,
      %add3A_2562 = arith.constant 112 : i32
      %add3A_2563 = arith.addi %mul3A_2514, %add3A_2562 : i32
      %get3A_2564 = arith.index_cast %add3A_2563 : i32 to index
      %get3A_2565 = tpu.vector_load %arg7[%get3A_2564] {strides = array<i32>} : memref<16384xi32, #tpu.memory_space<vmem>>, vector<16xi32>,
      %add3A_2566 = vector.broadcast %sub3A_699 : i32 to vector<16xi32>
      %add3A_2567 = arith.addi %get3A_2565, %add3A_2566 : vector<16xi32>
      %gather3A_2568 = tpu.vector_load_idx %arg6[%add3A_2567] : memref<38656xf32, #tpu.memory_space<vmem>>[vector<16xi32>], vector<16xf32>,
      %add3A_2569 = arith.constant 0 : i32
      %add3A_2570 = arith.addi %mul3A_2514, %add3A_2569 : i32
      %swap3A = arith.index_cast %add3A_2570 : i32 to index
      %swap3A_2571 = tpu.vector_load %arg8[%swap3A] {strides = array<i32>} : memref<16384xf32, #tpu.memory_space<vmem>>, vector<16xf32>,
      tpu.vector_store %arg8[%swap3A], %gather3A {strides = array<i32>} : memref<16384xf32, #tpu.memory_space<vmem>>, vector<16xf32>,
      %add3A_2572 = arith.constant 16 : i32
      %add3A_2573 = arith.addi %mul3A_2514, %add3A_2572 : i32
      %swap3A_2574 = arith.index_cast %add3A_2573 : i32 to index
      %swap3A_2575 = tpu.vector_load %arg8[%swap3A_2574] {strides = array<i32>} : memref<16384xf32, #tpu.memory_space<vmem>>, vector<16xf32>,
      tpu.vector_store %arg8[%swap3A_2574], %gather3A_2526 {strides = array<i32>} : memref<16384xf32, #tpu.memory_space<vmem>>, vector<16xf32>,
      %add3A_2576 = arith.constant 32 : i32
      %add3A_2577 = arith.addi %mul3A_2514, %add3A_2576 : i32
      %swap3A_2578 = arith.index_cast %add3A_2577 : i32 to index
      %swap3A_2579 = tpu.vector_load %arg8[%swap3A_2578] {strides = array<i32>} : memref<16384xf32, #tpu.memory_space<vmem>>, vector<16xf32>,
      tpu.vector_store %arg8[%swap3A_2578], %gather3A_2533 {strides = array<i32>} : memref<16384xf32, #tpu.memory_space<vmem>>, vector<16xf32>,
      %add3A_2580 = arith.constant 48 : i32
      %add3A_2581 = arith.addi %mul3A_2514, %add3A_2580 : i32
      %swap3A_2582 = arith.index_cast %add3A_2581 : i32 to index
      %swap3A_2583 = tpu.vector_load %arg8[%swap3A_2582] {strides = array<i32>} : memref<16384xf32, #tpu.memory_space<vmem>>, vector<16xf32>,
      tpu.vector_store %arg8[%swap3A_2582], %gather3A_2540 {strides = array<i32>} : memref<16384xf32, #tpu.memory_space<vmem>>, vector<16xf32>,
      %add3A_2584 = arith.constant 64 : i32
      %add3A_2585 = arith.addi %mul3A_2514, %add3A_2584 : i32
      %swap3A_2586 = arith.index_cast %add3A_2585 : i32 to index
      %swap3A_2587 = tpu.vector_load %arg8[%swap3A_2586] {strides = array<i32>} : memref<16384xf32, #tpu.memory_space<vmem>>, vector<16xf32>,
      tpu.vector_store %arg8[%swap3A_2586], %gather3A_2547 {strides = array<i32>} : memref<16384xf32, #tpu.memory_space<vmem>>, vector<16xf32>,
      %add3A_2588 = arith.constant 80 : i32
      %add3A_2589 = arith.addi %mul3A_2514, %add3A_2588 : i32
      %swap3A_2590 = arith.index_cast %add3A_2589 : i32 to index
      %swap3A_2591 = tpu.vector_load %arg8[%swap3A_2590] {strides = array<i32>} : memref<16384xf32, #tpu.memory_space<vmem>>, vector<16xf32>,
      tpu.vector_store %arg8[%swap3A_2590], %gather3A_2554 {strides = array<i32>} : memref<16384xf32, #tpu.memory_space<vmem>>, vector<16xf32>,
      %add3A_2592 = arith.constant 96 : i32
      %add3A_2593 = arith.addi %mul3A_2514, %add3A_2592 : i32
      %swap3A_2594 = arith.index_cast %add3A_2593 : i32 to index
      %swap3A_2595 = tpu.vector_load %arg8[%swap3A_2594] {strides = array<i32>} : memref<16384xf32, #tpu.memory_space<vmem>>, vector<16xf32>,
      tpu.vector_store %arg8[%swap3A_2594], %gather3A_2561 {strides = array<i32>} : memref<16384xf32, #tpu.memory_space<vmem>>, vector<16xf32>,
      %add3A_2596 = arith.constant 112 : i32
      %add3A_2597 = arith.addi %mul3A_2514, %add3A_2596 : i32
      %swap3A_2598 = arith.index_cast %add3A_2597 : i32 to index
      %swap3A_2599 = tpu.vector_load %arg8[%swap3A_2598] {strides = array<i32>} : memref<16384xf32, #tpu.memory_space<vmem>>, vector<16xf32>,
      tpu.vector_store %arg8[%swap3A_2598], %gather3A_2568 {strides = array<i32>} : memref<16384xf32, #tpu.memory_space<vmem>>, vector<16xf32>,
    }
    %scan3A_814 = arith.constant 128 : i32
    %dma_start3A_815 = arith.constant 0 : i32
    %dma_start3A_816 = tpu.memref_slice %arg4[%select_n3A_652, %select_n3A_668, %dma_start3A_815] : memref<26x16x16384xf32, #tpu.memory_space<hbm>> -> memref<1x1x16384xf32, #tpu.memory_space<hbm>>
    %dma_start3A_817 = tpu.memref_squeeze %dma_start3A_816 : memref<1x1x16384xf32, #tpu.memory_space<hbm>> -> memref<16384xf32, #tpu.memory_space<hbm>>
    %dma_start3A_818 = arith.constant 0 : i32
    %dma_start3A_819 = tpu.memref_slice %arg4[%select_n3A_652, %select_n3A_668, %dma_start3A_818] : memref<26x16x16384xf32, #tpu.memory_space<hbm>> -> memref<1x1x16384xf32, #tpu.memory_space<hbm>>
    %dma_start3A_820 = tpu.memref_squeeze %dma_start3A_819 : memref<1x1x16384xf32, #tpu.memory_space<hbm>> -> memref<16384xf32, #tpu.memory_space<hbm>>
    tpu.enqueue_dma source(%arg8 : memref<16384xf32, #tpu.memory_space<vmem>>) target(%dma_start3A_820 : memref<16384xf32, #tpu.memory_space<hbm>>) target_semaphore(%arg11 : memref<!tpu.dma_semaphore, #tpu.memory_space<semaphore_mem>>)
    %mul3A_821 = arith.constant 13 : i32
    %mul3A_822 = arith.muli %add3A, %mul3A_821 : i32
    %add3A_823 = arith.constant 4 : i32
    %add3A_824 = arith.addi %mul3A_822, %add3A_823 : i32
    %jit3A_825 = arith.constant 16 : i32
    %div3A_826 = arith.divsi %add3A_824, %jit3A_825 : i32
    %sign3A_827 = arith.constant 0 : i32
    %sign3A_828 = arith.cmpi sgt, %add3A_824, %sign3A_827 : i32
    %sign3A_829 = arith.extui %sign3A_828 : i1 to i32
    %sign3A_830 = arith.constant 0 : i32
    %sign3A_831 = arith.cmpi slt, %add3A_824, %sign3A_830 : i32
    %sign3A_832 = arith.extui %sign3A_831 : i1 to i32
    %sign3A_833 = arith.subi %sign3A_829, %sign3A_832 : i32
    %sign3A_834 = arith.constant 0 : i32
    %sign3A_835 = arith.cmpi sgt, %jit3A_825, %sign3A_834 : i32
    %sign3A_836 = arith.extui %sign3A_835 : i1 to i32
    %sign3A_837 = arith.constant 0 : i32
    %sign3A_838 = arith.cmpi slt, %jit3A_825, %sign3A_837 : i32
    %sign3A_839 = arith.extui %sign3A_838 : i1 to i32
    %sign3A_840 = arith.subi %sign3A_836, %sign3A_839 : i32
    %ne3A_841 = arith.cmpi ne, %sign3A_833, %sign3A_840 : i32
    %rem3A_842 = arith.remsi %add3A_824, %jit3A_825 : i32
    %ne3A_843 = arith.constant 0 : i32
    %ne3A_844 = arith.cmpi ne, %rem3A_842, %ne3A_843 : i32
    %and3A_845 = arith.andi %ne3A_841, %ne3A_844 : i1
    %sub3A_846 = arith.constant 1 : i32
    %sub3A_847 = arith.subi %div3A_826, %sub3A_846 : i32
    %select_n3A_848 = arith.select %and3A_845, %sub3A_847, %div3A_826 : i32
    %jit3A_849 = arith.constant 16 : i32
    %eq3A_850 = arith.constant 0 : i32
    %eq3A_851 = arith.cmpi eq, %jit3A_849, %eq3A_850 : i32
    %jit3A_852 = arith.constant 1 : i32
    %select_n3A_853 = arith.select %eq3A_851, %jit3A_852, %jit3A_849 : i32
    %rem3A_854 = arith.remsi %add3A_824, %select_n3A_853 : i32
    %ne3A_855 = arith.constant 0 : i32
    %ne3A_856 = arith.cmpi ne, %rem3A_854, %ne3A_855 : i32
    %lt3A_857 = arith.constant 0 : i32
    %lt3A_858 = arith.cmpi slt, %rem3A_854, %lt3A_857 : i32
    %lt3A_859 = arith.constant 0 : i32
    %lt3A_860 = arith.cmpi slt, %select_n3A_853, %lt3A_859 : i32
    %ne3A_861 = arith.xori %lt3A_858, %lt3A_860 : i1
    %and3A_862 = arith.andi %ne3A_861, %ne3A_856 : i1
    %add3A_863 = arith.addi %rem3A_854, %select_n3A_853 : i32
    %select_n3A_864 = arith.select %and3A_862, %add3A_863, %rem3A_854 : i32
    %mul3A_865 = arith.constant 38462 : i32
    %mul3A_866 = arith.muli %select_n3A_848, %mul3A_865 : i32
    %jit3A_867 = arith.constant 128 : i32
    %div3A_868 = arith.divsi %mul3A_866, %jit3A_867 : i32
    %sign3A_869 = arith.constant 0 : i32
    %sign3A_870 = arith.cmpi sgt, %mul3A_866, %sign3A_869 : i32
    %sign3A_871 = arith.extui %sign3A_870 : i1 to i32
    %sign3A_872 = arith.constant 0 : i32
    %sign3A_873 = arith.cmpi slt, %mul3A_866, %sign3A_872 : i32
    %sign3A_874 = arith.extui %sign3A_873 : i1 to i32
    %sign3A_875 = arith.subi %sign3A_871, %sign3A_874 : i32
    %sign3A_876 = arith.constant 0 : i32
    %sign3A_877 = arith.cmpi sgt, %jit3A_867, %sign3A_876 : i32
    %sign3A_878 = arith.extui %sign3A_877 : i1 to i32
    %sign3A_879 = arith.constant 0 : i32
    %sign3A_880 = arith.cmpi slt, %jit3A_867, %sign3A_879 : i32
    %sign3A_881 = arith.extui %sign3A_880 : i1 to i32
    %sign3A_882 = arith.subi %sign3A_878, %sign3A_881 : i32
    %ne3A_883 = arith.cmpi ne, %sign3A_875, %sign3A_882 : i32
    %rem3A_884 = arith.remsi %mul3A_866, %jit3A_867 : i32
    %ne3A_885 = arith.constant 0 : i32
    %ne3A_886 = arith.cmpi ne, %rem3A_884, %ne3A_885 : i32
    %and3A_887 = arith.andi %ne3A_883, %ne3A_886 : i1
    %sub3A_888 = arith.constant 1 : i32
    %sub3A_889 = arith.subi %div3A_868, %sub3A_888 : i32
    %select_n3A_890 = arith.select %and3A_887, %sub3A_889, %div3A_868 : i32
    %mul3A_891 = arith.constant 128 : i32
    %mul3A_892 = arith.muli %select_n3A_890, %mul3A_891 : i32
    %min3A_893 = arith.constant 961408 : i32
    %min3A_894 = arith.minsi %mul3A_892, %min3A_893 : i32
    %sub3A_895 = arith.subi %mul3A_866, %min3A_894 : i32
    %jit3A_896 = arith.constant 16 : i32
    %eq3A_897 = arith.constant 0 : i32
    %eq3A_898 = arith.cmpi eq, %jit3A_896, %eq3A_897 : i32
    %jit3A_899 = arith.constant 1 : i32
    %select_n3A_900 = arith.select %eq3A_898, %jit3A_899, %jit3A_896 : i32
    %rem3A_901 = arith.remsi %add3A_824, %select_n3A_900 : i32
    %ne3A_902 = arith.constant 0 : i32
    %ne3A_903 = arith.cmpi ne, %rem3A_901, %ne3A_902 : i32
    %lt3A_904 = arith.constant 0 : i32
    %lt3A_905 = arith.cmpi slt, %rem3A_901, %lt3A_904 : i32
    %lt3A_906 = arith.constant 0 : i32
    %lt3A_907 = arith.cmpi slt, %select_n3A_900, %lt3A_906 : i32
    %ne3A_908 = arith.xori %lt3A_905, %lt3A_907 : i1
    %and3A_909 = arith.andi %ne3A_908, %ne3A_903 : i1
    %add3A_910 = arith.addi %rem3A_901, %select_n3A_900 : i32
    %select_n3A_911 = arith.select %and3A_909, %add3A_910, %rem3A_901 : i32
    %eq3A_912 = arith.constant 0 : i32
    %eq3A_913 = arith.cmpi eq, %select_n3A_911, %eq3A_912 : i32
    %convert_element_type3A_914 = arith.extui %eq3A_913 : i1 to i32
    %cond3A_915 = arith.constant 0 : i32
    %cond3A_916 = arith.cmpi ne, %convert_element_type3A_914, %cond3A_915 : i32
    scf.if %cond3A_916 {
      "tpu.region"() ({
        %run_scoped3A = tpu.sem_alloc : memref<!tpu.dma_semaphore, #tpu.memory_space<semaphore_mem>>
        %dma_start3A_2512 = arith.constant 0 : i32
        %dma_start3A_2513 = tpu.memref_slice %arg2[%select_n3A_848, %dma_start3A_2512] : memref<26x16384xi32, #tpu.memory_space<hbm>> -> memref<1x16384xi32, #tpu.memory_space<hbm>>
        %dma_start3A_2514 = tpu.memref_squeeze %dma_start3A_2513 : memref<1x16384xi32, #tpu.memory_space<hbm>> -> memref<16384xi32, #tpu.memory_space<hbm>>
        %dma_start3A_2515 = arith.constant 0 : i32
        %dma_start3A_2516 = tpu.memref_slice %arg2[%select_n3A_848, %dma_start3A_2515] : memref<26x16384xi32, #tpu.memory_space<hbm>> -> memref<1x16384xi32, #tpu.memory_space<hbm>>
        %dma_start3A_2517 = tpu.memref_squeeze %dma_start3A_2516 : memref<1x16384xi32, #tpu.memory_space<hbm>> -> memref<16384xi32, #tpu.memory_space<hbm>>
        tpu.enqueue_dma source(%dma_start3A_2517 : memref<16384xi32, #tpu.memory_space<hbm>>) target(%arg7 : memref<16384xi32, #tpu.memory_space<vmem>>) target_semaphore(%run_scoped3A : memref<!tpu.dma_semaphore, #tpu.memory_space<semaphore_mem>>)
        %dma_wait3A_2518 = arith.constant 0 : i32
        %dma_wait3A_2519 = tpu.memref_slice %arg2[%select_n3A_848, %dma_wait3A_2518] : memref<26x16384xi32, #tpu.memory_space<hbm>> -> memref<1x16384xi32, #tpu.memory_space<hbm>>
        %dma_wait3A_2520 = tpu.memref_squeeze %dma_wait3A_2519 : memref<1x16384xi32, #tpu.memory_space<hbm>> -> memref<16384xi32, #tpu.memory_space<hbm>>
        %dma_wait3A_2521 = arith.constant 0 : i32
        %dma_wait3A_2522 = tpu.memref_slice %arg2[%select_n3A_848, %dma_wait3A_2521] : memref<26x16384xi32, #tpu.memory_space<hbm>> -> memref<1x16384xi32, #tpu.memory_space<hbm>>
        %dma_wait3A_2523 = tpu.memref_squeeze %dma_wait3A_2522 : memref<1x16384xi32, #tpu.memory_space<hbm>> -> memref<16384xi32, #tpu.memory_space<hbm>>
        tpu.wait_dma2 semaphore(%run_scoped3A : memref<!tpu.dma_semaphore, #tpu.memory_space<semaphore_mem>>) src(%dma_wait3A_2523 : memref<16384xi32, #tpu.memory_space<hbm>>) dst(%arg7 : memref<16384xi32, #tpu.memory_space<vmem>>)
        tpu.yield
      }) : () -> ()
    } else {
    }
    %mul3A_917 = arith.constant 13 : i32
    %mul3A_918 = arith.muli %add3A, %mul3A_917 : i32
    %add3A_919 = arith.constant 5 : i32
    %add3A_920 = arith.addi %mul3A_918, %add3A_919 : i32
    %jit3A_921 = arith.constant 16 : i32
    %div3A_922 = arith.divsi %add3A_920, %jit3A_921 : i32
    %sign3A_923 = arith.constant 0 : i32
    %sign3A_924 = arith.cmpi sgt, %add3A_920, %sign3A_923 : i32
    %sign3A_925 = arith.extui %sign3A_924 : i1 to i32
    %sign3A_926 = arith.constant 0 : i32
    %sign3A_927 = arith.cmpi slt, %add3A_920, %sign3A_926 : i32
    %sign3A_928 = arith.extui %sign3A_927 : i1 to i32
    %sign3A_929 = arith.subi %sign3A_925, %sign3A_928 : i32
    %sign3A_930 = arith.constant 0 : i32
    %sign3A_931 = arith.cmpi sgt, %jit3A_921, %sign3A_930 : i32
    %sign3A_932 = arith.extui %sign3A_931 : i1 to i32
    %sign3A_933 = arith.constant 0 : i32
    %sign3A_934 = arith.cmpi slt, %jit3A_921, %sign3A_933 : i32
    %sign3A_935 = arith.extui %sign3A_934 : i1 to i32
    %sign3A_936 = arith.subi %sign3A_932, %sign3A_935 : i32
    %ne3A_937 = arith.cmpi ne, %sign3A_929, %sign3A_936 : i32
    %rem3A_938 = arith.remsi %add3A_920, %jit3A_921 : i32
    %ne3A_939 = arith.constant 0 : i32
    %ne3A_940 = arith.cmpi ne, %rem3A_938, %ne3A_939 : i32
    %and3A_941 = arith.andi %ne3A_937, %ne3A_940 : i1
    %sub3A_942 = arith.constant 1 : i32
    %sub3A_943 = arith.subi %div3A_922, %sub3A_942 : i32
    %select_n3A_944 = arith.select %and3A_941, %sub3A_943, %div3A_922 : i32
    %jit3A_945 = arith.constant 16 : i32
    %eq3A_946 = arith.constant 0 : i32
    %eq3A_947 = arith.cmpi eq, %jit3A_945, %eq3A_946 : i32
    %jit3A_948 = arith.constant 1 : i32
    %select_n3A_949 = arith.select %eq3A_947, %jit3A_948, %jit3A_945 : i32
    %rem3A_950 = arith.remsi %add3A_920, %select_n3A_949 : i32
    %ne3A_951 = arith.constant 0 : i32
    %ne3A_952 = arith.cmpi ne, %rem3A_950, %ne3A_951 : i32
    %lt3A_953 = arith.constant 0 : i32
    %lt3A_954 = arith.cmpi slt, %rem3A_950, %lt3A_953 : i32
    %lt3A_955 = arith.constant 0 : i32
    %lt3A_956 = arith.cmpi slt, %select_n3A_949, %lt3A_955 : i32
    %ne3A_957 = arith.xori %lt3A_954, %lt3A_956 : i1
    %and3A_958 = arith.andi %ne3A_957, %ne3A_952 : i1
    %add3A_959 = arith.addi %rem3A_950, %select_n3A_949 : i32
    %select_n3A_960 = arith.select %and3A_958, %add3A_959, %rem3A_950 : i32
    %mul3A_961 = arith.constant 38462 : i32
    %mul3A_962 = arith.muli %select_n3A_944, %mul3A_961 : i32
    %jit3A_963 = arith.constant 128 : i32
    %div3A_964 = arith.divsi %mul3A_962, %jit3A_963 : i32
    %sign3A_965 = arith.constant 0 : i32
    %sign3A_966 = arith.cmpi sgt, %mul3A_962, %sign3A_965 : i32
    %sign3A_967 = arith.extui %sign3A_966 : i1 to i32
    %sign3A_968 = arith.constant 0 : i32
    %sign3A_969 = arith.cmpi slt, %mul3A_962, %sign3A_968 : i32
    %sign3A_970 = arith.extui %sign3A_969 : i1 to i32
    %sign3A_971 = arith.subi %sign3A_967, %sign3A_970 : i32
    %sign3A_972 = arith.constant 0 : i32
    %sign3A_973 = arith.cmpi sgt, %jit3A_963, %sign3A_972 : i32
    %sign3A_974 = arith.extui %sign3A_973 : i1 to i32
    %sign3A_975 = arith.constant 0 : i32
    %sign3A_976 = arith.cmpi slt, %jit3A_963, %sign3A_975 : i32
    %sign3A_977 = arith.extui %sign3A_976 : i1 to i32
    %sign3A_978 = arith.subi %sign3A_974, %sign3A_977 : i32
    %ne3A_979 = arith.cmpi ne, %sign3A_971, %sign3A_978 : i32
    %rem3A_980 = arith.remsi %mul3A_962, %jit3A_963 : i32
    %ne3A_981 = arith.constant 0 : i32
    %ne3A_982 = arith.cmpi ne, %rem3A_980, %ne3A_981 : i32
    %and3A_983 = arith.andi %ne3A_979, %ne3A_982 : i1
    %sub3A_984 = arith.constant 1 : i32
    %sub3A_985 = arith.subi %div3A_964, %sub3A_984 : i32
    %select_n3A_986 = arith.select %and3A_983, %sub3A_985, %div3A_964 : i32
    %mul3A_987 = arith.constant 128 : i32
    %mul3A_988 = arith.muli %select_n3A_986, %mul3A_987 : i32
    %min3A_989 = arith.constant 961408 : i32
    %min3A_990 = arith.minsi %mul3A_988, %min3A_989 : i32
    %sub3A_991 = arith.subi %mul3A_962, %min3A_990 : i32
    %dma_start3A_992 = tpu.memref_slice %arg3[%select_n3A_960, %min3A_990] : memref<16x1000012xf32, #tpu.memory_space<hbm>> -> memref<1x38656xf32, #tpu.memory_space<hbm>>
    %dma_start3A_993 = tpu.memref_squeeze %dma_start3A_992 : memref<1x38656xf32, #tpu.memory_space<hbm>> -> memref<38656xf32, #tpu.memory_space<hbm>>
    %dma_start3A_994 = tpu.memref_slice %arg3[%select_n3A_960, %min3A_990] : memref<16x1000012xf32, #tpu.memory_space<hbm>> -> memref<1x38656xf32, #tpu.memory_space<hbm>>
    %dma_start3A_995 = tpu.memref_squeeze %dma_start3A_994 : memref<1x38656xf32, #tpu.memory_space<hbm>> -> memref<38656xf32, #tpu.memory_space<hbm>>
    tpu.enqueue_dma source(%dma_start3A_995 : memref<38656xf32, #tpu.memory_space<hbm>>) target(%arg6 : memref<38656xf32, #tpu.memory_space<vmem>>) target_semaphore(%arg10 : memref<!tpu.dma_semaphore, #tpu.memory_space<semaphore_mem>>)
    %dma_wait3A_996 = tpu.memref_slice %arg3[%select_n3A_764, %min3A_794] : memref<16x1000012xf32, #tpu.memory_space<hbm>> -> memref<1x38656xf32, #tpu.memory_space<hbm>>
    %dma_wait3A_997 = tpu.memref_squeeze %dma_wait3A_996 : memref<1x38656xf32, #tpu.memory_space<hbm>> -> memref<38656xf32, #tpu.memory_space<hbm>>
    %dma_wait3A_998 = tpu.memref_slice %arg3[%select_n3A_764, %min3A_794] : memref<16x1000012xf32, #tpu.memory_space<hbm>> -> memref<1x38656xf32, #tpu.memory_space<hbm>>
    %dma_wait3A_999 = tpu.memref_squeeze %dma_wait3A_998 : memref<1x38656xf32, #tpu.memory_space<hbm>> -> memref<38656xf32, #tpu.memory_space<hbm>>
    tpu.wait_dma2 semaphore(%arg9 : memref<!tpu.dma_semaphore, #tpu.memory_space<semaphore_mem>>) src(%dma_wait3A_999 : memref<38656xf32, #tpu.memory_space<hbm>>) dst(%arg5 : memref<38656xf32, #tpu.memory_space<vmem>>)
    %dma_wait3A_1000 = arith.constant 0 : i32
    %dma_wait3A_1001 = tpu.memref_slice %arg4[%select_n3A_652, %select_n3A_668, %dma_wait3A_1000] : memref<26x16x16384xf32, #tpu.memory_space<hbm>> -> memref<1x1x16384xf32, #tpu.memory_space<hbm>>
    %dma_wait3A_1002 = tpu.memref_squeeze %dma_wait3A_1001 : memref<1x1x16384xf32, #tpu.memory_space<hbm>> -> memref<16384xf32, #tpu.memory_space<hbm>>
    %dma_wait3A_1003 = arith.constant 0 : i32
    %dma_wait3A_1004 = tpu.memref_slice %arg4[%select_n3A_652, %select_n3A_668, %dma_wait3A_1003] : memref<26x16x16384xf32, #tpu.memory_space<hbm>> -> memref<1x1x16384xf32, #tpu.memory_space<hbm>>
    %dma_wait3A_1005 = tpu.memref_squeeze %dma_wait3A_1004 : memref<1x1x16384xf32, #tpu.memory_space<hbm>> -> memref<16384xf32, #tpu.memory_space<hbm>>
    tpu.wait_dma2 semaphore(%arg11 : memref<!tpu.dma_semaphore, #tpu.memory_space<semaphore_mem>>) src(%arg8 : memref<16384xf32, #tpu.memory_space<vmem>>) dst(%dma_wait3A_1005 : memref<16384xf32, #tpu.memory_space<hbm>>)
    %scan3A_1006 = arith.constant 0 : i32
    %scan3A_1007 = arith.constant 128 : i32
    %scan3A_1008 = arith.addi %scan3A_1006, %scan3A_1007 : i32
    %scan3A_1009 = arith.constant 1 : i32
    scf.for %scan3A_2512 = %scan3A_1006 to %scan3A_1008 step %scan3A_1009  : i32 {
      %mul3A_2513 = arith.constant 128 : i32
      %mul3A_2514 = arith.muli %scan3A_2512, %mul3A_2513 : i32
      %add3A_2515 = arith.constant 0 : i32
      %add3A_2516 = arith.addi %mul3A_2514, %add3A_2515 : i32
      %get3A = arith.index_cast %add3A_2516 : i32 to index
      %get3A_2517 = tpu.vector_load %arg7[%get3A] {strides = array<i32>} : memref<16384xi32, #tpu.memory_space<vmem>>, vector<16xi32>,
      %add3A_2518 = vector.broadcast %sub3A_895 : i32 to vector<16xi32>
      %add3A_2519 = arith.addi %get3A_2517, %add3A_2518 : vector<16xi32>
      %gather3A = tpu.vector_load_idx %arg5[%add3A_2519] : memref<38656xf32, #tpu.memory_space<vmem>>[vector<16xi32>], vector<16xf32>,
      %add3A_2520 = arith.constant 16 : i32
      %add3A_2521 = arith.addi %mul3A_2514, %add3A_2520 : i32
      %get3A_2522 = arith.index_cast %add3A_2521 : i32 to index
      %get3A_2523 = tpu.vector_load %arg7[%get3A_2522] {strides = array<i32>} : memref<16384xi32, #tpu.memory_space<vmem>>, vector<16xi32>,
      %add3A_2524 = vector.broadcast %sub3A_895 : i32 to vector<16xi32>
      %add3A_2525 = arith.addi %get3A_2523, %add3A_2524 : vector<16xi32>
      %gather3A_2526 = tpu.vector_load_idx %arg5[%add3A_2525] : memref<38656xf32, #tpu.memory_space<vmem>>[vector<16xi32>], vector<16xf32>,
      %add3A_2527 = arith.constant 32 : i32
      %add3A_2528 = arith.addi %mul3A_2514, %add3A_2527 : i32
      %get3A_2529 = arith.index_cast %add3A_2528 : i32 to index
      %get3A_2530 = tpu.vector_load %arg7[%get3A_2529] {strides = array<i32>} : memref<16384xi32, #tpu.memory_space<vmem>>, vector<16xi32>,
      %add3A_2531 = vector.broadcast %sub3A_895 : i32 to vector<16xi32>
      %add3A_2532 = arith.addi %get3A_2530, %add3A_2531 : vector<16xi32>
      %gather3A_2533 = tpu.vector_load_idx %arg5[%add3A_2532] : memref<38656xf32, #tpu.memory_space<vmem>>[vector<16xi32>], vector<16xf32>,
      %add3A_2534 = arith.constant 48 : i32
      %add3A_2535 = arith.addi %mul3A_2514, %add3A_2534 : i32
      %get3A_2536 = arith.index_cast %add3A_2535 : i32 to index
      %get3A_2537 = tpu.vector_load %arg7[%get3A_2536] {strides = array<i32>} : memref<16384xi32, #tpu.memory_space<vmem>>, vector<16xi32>,
      %add3A_2538 = vector.broadcast %sub3A_895 : i32 to vector<16xi32>
      %add3A_2539 = arith.addi %get3A_2537, %add3A_2538 : vector<16xi32>
      %gather3A_2540 = tpu.vector_load_idx %arg5[%add3A_2539] : memref<38656xf32, #tpu.memory_space<vmem>>[vector<16xi32>], vector<16xf32>,
      %add3A_2541 = arith.constant 64 : i32
      %add3A_2542 = arith.addi %mul3A_2514, %add3A_2541 : i32
      %get3A_2543 = arith.index_cast %add3A_2542 : i32 to index
      %get3A_2544 = tpu.vector_load %arg7[%get3A_2543] {strides = array<i32>} : memref<16384xi32, #tpu.memory_space<vmem>>, vector<16xi32>,
      %add3A_2545 = vector.broadcast %sub3A_895 : i32 to vector<16xi32>
      %add3A_2546 = arith.addi %get3A_2544, %add3A_2545 : vector<16xi32>
      %gather3A_2547 = tpu.vector_load_idx %arg5[%add3A_2546] : memref<38656xf32, #tpu.memory_space<vmem>>[vector<16xi32>], vector<16xf32>,
      %add3A_2548 = arith.constant 80 : i32
      %add3A_2549 = arith.addi %mul3A_2514, %add3A_2548 : i32
      %get3A_2550 = arith.index_cast %add3A_2549 : i32 to index
      %get3A_2551 = tpu.vector_load %arg7[%get3A_2550] {strides = array<i32>} : memref<16384xi32, #tpu.memory_space<vmem>>, vector<16xi32>,
      %add3A_2552 = vector.broadcast %sub3A_895 : i32 to vector<16xi32>
      %add3A_2553 = arith.addi %get3A_2551, %add3A_2552 : vector<16xi32>
      %gather3A_2554 = tpu.vector_load_idx %arg5[%add3A_2553] : memref<38656xf32, #tpu.memory_space<vmem>>[vector<16xi32>], vector<16xf32>,
      %add3A_2555 = arith.constant 96 : i32
      %add3A_2556 = arith.addi %mul3A_2514, %add3A_2555 : i32
      %get3A_2557 = arith.index_cast %add3A_2556 : i32 to index
      %get3A_2558 = tpu.vector_load %arg7[%get3A_2557] {strides = array<i32>} : memref<16384xi32, #tpu.memory_space<vmem>>, vector<16xi32>,
      %add3A_2559 = vector.broadcast %sub3A_895 : i32 to vector<16xi32>
      %add3A_2560 = arith.addi %get3A_2558, %add3A_2559 : vector<16xi32>
      %gather3A_2561 = tpu.vector_load_idx %arg5[%add3A_2560] : memref<38656xf32, #tpu.memory_space<vmem>>[vector<16xi32>], vector<16xf32>,
      %add3A_2562 = arith.constant 112 : i32
      %add3A_2563 = arith.addi %mul3A_2514, %add3A_2562 : i32
      %get3A_2564 = arith.index_cast %add3A_2563 : i32 to index
      %get3A_2565 = tpu.vector_load %arg7[%get3A_2564] {strides = array<i32>} : memref<16384xi32, #tpu.memory_space<vmem>>, vector<16xi32>,
      %add3A_2566 = vector.broadcast %sub3A_895 : i32 to vector<16xi32>
      %add3A_2567 = arith.addi %get3A_2565, %add3A_2566 : vector<16xi32>
      %gather3A_2568 = tpu.vector_load_idx %arg5[%add3A_2567] : memref<38656xf32, #tpu.memory_space<vmem>>[vector<16xi32>], vector<16xf32>,
      %add3A_2569 = arith.constant 0 : i32
      %add3A_2570 = arith.addi %mul3A_2514, %add3A_2569 : i32
      %swap3A = arith.index_cast %add3A_2570 : i32 to index
      %swap3A_2571 = tpu.vector_load %arg8[%swap3A] {strides = array<i32>} : memref<16384xf32, #tpu.memory_space<vmem>>, vector<16xf32>,
      tpu.vector_store %arg8[%swap3A], %gather3A {strides = array<i32>} : memref<16384xf32, #tpu.memory_space<vmem>>, vector<16xf32>,
      %add3A_2572 = arith.constant 16 : i32
      %add3A_2573 = arith.addi %mul3A_2514, %add3A_2572 : i32
      %swap3A_2574 = arith.index_cast %add3A_2573 : i32 to index
      %swap3A_2575 = tpu.vector_load %arg8[%swap3A_2574] {strides = array<i32>} : memref<16384xf32, #tpu.memory_space<vmem>>, vector<16xf32>,
      tpu.vector_store %arg8[%swap3A_2574], %gather3A_2526 {strides = array<i32>} : memref<16384xf32, #tpu.memory_space<vmem>>, vector<16xf32>,
      %add3A_2576 = arith.constant 32 : i32
      %add3A_2577 = arith.addi %mul3A_2514, %add3A_2576 : i32
      %swap3A_2578 = arith.index_cast %add3A_2577 : i32 to index
      %swap3A_2579 = tpu.vector_load %arg8[%swap3A_2578] {strides = array<i32>} : memref<16384xf32, #tpu.memory_space<vmem>>, vector<16xf32>,
      tpu.vector_store %arg8[%swap3A_2578], %gather3A_2533 {strides = array<i32>} : memref<16384xf32, #tpu.memory_space<vmem>>, vector<16xf32>,
      %add3A_2580 = arith.constant 48 : i32
      %add3A_2581 = arith.addi %mul3A_2514, %add3A_2580 : i32
      %swap3A_2582 = arith.index_cast %add3A_2581 : i32 to index
      %swap3A_2583 = tpu.vector_load %arg8[%swap3A_2582] {strides = array<i32>} : memref<16384xf32, #tpu.memory_space<vmem>>, vector<16xf32>,
      tpu.vector_store %arg8[%swap3A_2582], %gather3A_2540 {strides = array<i32>} : memref<16384xf32, #tpu.memory_space<vmem>>, vector<16xf32>,
      %add3A_2584 = arith.constant 64 : i32
      %add3A_2585 = arith.addi %mul3A_2514, %add3A_2584 : i32
      %swap3A_2586 = arith.index_cast %add3A_2585 : i32 to index
      %swap3A_2587 = tpu.vector_load %arg8[%swap3A_2586] {strides = array<i32>} : memref<16384xf32, #tpu.memory_space<vmem>>, vector<16xf32>,
      tpu.vector_store %arg8[%swap3A_2586], %gather3A_2547 {strides = array<i32>} : memref<16384xf32, #tpu.memory_space<vmem>>, vector<16xf32>,
      %add3A_2588 = arith.constant 80 : i32
      %add3A_2589 = arith.addi %mul3A_2514, %add3A_2588 : i32
      %swap3A_2590 = arith.index_cast %add3A_2589 : i32 to index
      %swap3A_2591 = tpu.vector_load %arg8[%swap3A_2590] {strides = array<i32>} : memref<16384xf32, #tpu.memory_space<vmem>>, vector<16xf32>,
      tpu.vector_store %arg8[%swap3A_2590], %gather3A_2554 {strides = array<i32>} : memref<16384xf32, #tpu.memory_space<vmem>>, vector<16xf32>,
      %add3A_2592 = arith.constant 96 : i32
      %add3A_2593 = arith.addi %mul3A_2514, %add3A_2592 : i32
      %swap3A_2594 = arith.index_cast %add3A_2593 : i32 to index
      %swap3A_2595 = tpu.vector_load %arg8[%swap3A_2594] {strides = array<i32>} : memref<16384xf32, #tpu.memory_space<vmem>>, vector<16xf32>,
      tpu.vector_store %arg8[%swap3A_2594], %gather3A_2561 {strides = array<i32>} : memref<16384xf32, #tpu.memory_space<vmem>>, vector<16xf32>,
      %add3A_2596 = arith.constant 112 : i32
      %add3A_2597 = arith.addi %mul3A_2514, %add3A_2596 : i32
      %swap3A_2598 = arith.index_cast %add3A_2597 : i32 to index
      %swap3A_2599 = tpu.vector_load %arg8[%swap3A_2598] {strides = array<i32>} : memref<16384xf32, #tpu.memory_space<vmem>>, vector<16xf32>,
      tpu.vector_store %arg8[%swap3A_2598], %gather3A_2568 {strides = array<i32>} : memref<16384xf32, #tpu.memory_space<vmem>>, vector<16xf32>,
    }
    %scan3A_1010 = arith.constant 128 : i32
    %dma_start3A_1011 = arith.constant 0 : i32
    %dma_start3A_1012 = tpu.memref_slice %arg4[%select_n3A_848, %select_n3A_864, %dma_start3A_1011] : memref<26x16x16384xf32, #tpu.memory_space<hbm>> -> memref<1x1x16384xf32, #tpu.memory_space<hbm>>
    %dma_start3A_1013 = tpu.memref_squeeze %dma_start3A_1012 : memref<1x1x16384xf32, #tpu.memory_space<hbm>> -> memref<16384xf32, #tpu.memory_space<hbm>>
    %dma_start3A_1014 = arith.constant 0 : i32
    %dma_start3A_1015 = tpu.memref_slice %arg4[%select_n3A_848, %select_n3A_864, %dma_start3A_1014] : memref<26x16x16384xf32, #tpu.memory_space<hbm>> -> memref<1x1x16384xf32, #tpu.memory_space<hbm>>
    %dma_start3A_1016 = tpu.memref_squeeze %dma_start3A_1015 : memref<1x1x16384xf32, #tpu.memory_space<hbm>> -> memref<16384xf32, #tpu.memory_space<hbm>>
    tpu.enqueue_dma source(%arg8 : memref<16384xf32, #tpu.memory_space<vmem>>) target(%dma_start3A_1016 : memref<16384xf32, #tpu.memory_space<hbm>>) target_semaphore(%arg11 : memref<!tpu.dma_semaphore, #tpu.memory_space<semaphore_mem>>)
    %mul3A_1017 = arith.constant 13 : i32
    %mul3A_1018 = arith.muli %add3A, %mul3A_1017 : i32
    %add3A_1019 = arith.constant 5 : i32
    %add3A_1020 = arith.addi %mul3A_1018, %add3A_1019 : i32
    %jit3A_1021 = arith.constant 16 : i32
    %div3A_1022 = arith.divsi %add3A_1020, %jit3A_1021 : i32
    %sign3A_1023 = arith.constant 0 : i32
    %sign3A_1024 = arith.cmpi sgt, %add3A_1020, %sign3A_1023 : i32
    %sign3A_1025 = arith.extui %sign3A_1024 : i1 to i32
    %sign3A_1026 = arith.constant 0 : i32
    %sign3A_1027 = arith.cmpi slt, %add3A_1020, %sign3A_1026 : i32
    %sign3A_1028 = arith.extui %sign3A_1027 : i1 to i32
    %sign3A_1029 = arith.subi %sign3A_1025, %sign3A_1028 : i32
    %sign3A_1030 = arith.constant 0 : i32
    %sign3A_1031 = arith.cmpi sgt, %jit3A_1021, %sign3A_1030 : i32
    %sign3A_1032 = arith.extui %sign3A_1031 : i1 to i32
    %sign3A_1033 = arith.constant 0 : i32
    %sign3A_1034 = arith.cmpi slt, %jit3A_1021, %sign3A_1033 : i32
    %sign3A_1035 = arith.extui %sign3A_1034 : i1 to i32
    %sign3A_1036 = arith.subi %sign3A_1032, %sign3A_1035 : i32
    %ne3A_1037 = arith.cmpi ne, %sign3A_1029, %sign3A_1036 : i32
    %rem3A_1038 = arith.remsi %add3A_1020, %jit3A_1021 : i32
    %ne3A_1039 = arith.constant 0 : i32
    %ne3A_1040 = arith.cmpi ne, %rem3A_1038, %ne3A_1039 : i32
    %and3A_1041 = arith.andi %ne3A_1037, %ne3A_1040 : i1
    %sub3A_1042 = arith.constant 1 : i32
    %sub3A_1043 = arith.subi %div3A_1022, %sub3A_1042 : i32
    %select_n3A_1044 = arith.select %and3A_1041, %sub3A_1043, %div3A_1022 : i32
    %jit3A_1045 = arith.constant 16 : i32
    %eq3A_1046 = arith.constant 0 : i32
    %eq3A_1047 = arith.cmpi eq, %jit3A_1045, %eq3A_1046 : i32
    %jit3A_1048 = arith.constant 1 : i32
    %select_n3A_1049 = arith.select %eq3A_1047, %jit3A_1048, %jit3A_1045 : i32
    %rem3A_1050 = arith.remsi %add3A_1020, %select_n3A_1049 : i32
    %ne3A_1051 = arith.constant 0 : i32
    %ne3A_1052 = arith.cmpi ne, %rem3A_1050, %ne3A_1051 : i32
    %lt3A_1053 = arith.constant 0 : i32
    %lt3A_1054 = arith.cmpi slt, %rem3A_1050, %lt3A_1053 : i32
    %lt3A_1055 = arith.constant 0 : i32
    %lt3A_1056 = arith.cmpi slt, %select_n3A_1049, %lt3A_1055 : i32
    %ne3A_1057 = arith.xori %lt3A_1054, %lt3A_1056 : i1
    %and3A_1058 = arith.andi %ne3A_1057, %ne3A_1052 : i1
    %add3A_1059 = arith.addi %rem3A_1050, %select_n3A_1049 : i32
    %select_n3A_1060 = arith.select %and3A_1058, %add3A_1059, %rem3A_1050 : i32
    %mul3A_1061 = arith.constant 38462 : i32
    %mul3A_1062 = arith.muli %select_n3A_1044, %mul3A_1061 : i32
    %jit3A_1063 = arith.constant 128 : i32
    %div3A_1064 = arith.divsi %mul3A_1062, %jit3A_1063 : i32
    %sign3A_1065 = arith.constant 0 : i32
    %sign3A_1066 = arith.cmpi sgt, %mul3A_1062, %sign3A_1065 : i32
    %sign3A_1067 = arith.extui %sign3A_1066 : i1 to i32
    %sign3A_1068 = arith.constant 0 : i32
    %sign3A_1069 = arith.cmpi slt, %mul3A_1062, %sign3A_1068 : i32
    %sign3A_1070 = arith.extui %sign3A_1069 : i1 to i32
    %sign3A_1071 = arith.subi %sign3A_1067, %sign3A_1070 : i32
    %sign3A_1072 = arith.constant 0 : i32
    %sign3A_1073 = arith.cmpi sgt, %jit3A_1063, %sign3A_1072 : i32
    %sign3A_1074 = arith.extui %sign3A_1073 : i1 to i32
    %sign3A_1075 = arith.constant 0 : i32
    %sign3A_1076 = arith.cmpi slt, %jit3A_1063, %sign3A_1075 : i32
    %sign3A_1077 = arith.extui %sign3A_1076 : i1 to i32
    %sign3A_1078 = arith.subi %sign3A_1074, %sign3A_1077 : i32
    %ne3A_1079 = arith.cmpi ne, %sign3A_1071, %sign3A_1078 : i32
    %rem3A_1080 = arith.remsi %mul3A_1062, %jit3A_1063 : i32
    %ne3A_1081 = arith.constant 0 : i32
    %ne3A_1082 = arith.cmpi ne, %rem3A_1080, %ne3A_1081 : i32
    %and3A_1083 = arith.andi %ne3A_1079, %ne3A_1082 : i1
    %sub3A_1084 = arith.constant 1 : i32
    %sub3A_1085 = arith.subi %div3A_1064, %sub3A_1084 : i32
    %select_n3A_1086 = arith.select %and3A_1083, %sub3A_1085, %div3A_1064 : i32
    %mul3A_1087 = arith.constant 128 : i32
    %mul3A_1088 = arith.muli %select_n3A_1086, %mul3A_1087 : i32
    %min3A_1089 = arith.constant 961408 : i32
    %min3A_1090 = arith.minsi %mul3A_1088, %min3A_1089 : i32
    %sub3A_1091 = arith.subi %mul3A_1062, %min3A_1090 : i32
    %jit3A_1092 = arith.constant 16 : i32
    %eq3A_1093 = arith.constant 0 : i32
    %eq3A_1094 = arith.cmpi eq, %jit3A_1092, %eq3A_1093 : i32
    %jit3A_1095 = arith.constant 1 : i32
    %select_n3A_1096 = arith.select %eq3A_1094, %jit3A_1095, %jit3A_1092 : i32
    %rem3A_1097 = arith.remsi %add3A_1020, %select_n3A_1096 : i32
    %ne3A_1098 = arith.constant 0 : i32
    %ne3A_1099 = arith.cmpi ne, %rem3A_1097, %ne3A_1098 : i32
    %lt3A_1100 = arith.constant 0 : i32
    %lt3A_1101 = arith.cmpi slt, %rem3A_1097, %lt3A_1100 : i32
    %lt3A_1102 = arith.constant 0 : i32
    %lt3A_1103 = arith.cmpi slt, %select_n3A_1096, %lt3A_1102 : i32
    %ne3A_1104 = arith.xori %lt3A_1101, %lt3A_1103 : i1
    %and3A_1105 = arith.andi %ne3A_1104, %ne3A_1099 : i1
    %add3A_1106 = arith.addi %rem3A_1097, %select_n3A_1096 : i32
    %select_n3A_1107 = arith.select %and3A_1105, %add3A_1106, %rem3A_1097 : i32
    %eq3A_1108 = arith.constant 0 : i32
    %eq3A_1109 = arith.cmpi eq, %select_n3A_1107, %eq3A_1108 : i32
    %convert_element_type3A_1110 = arith.extui %eq3A_1109 : i1 to i32
    %cond3A_1111 = arith.constant 0 : i32
    %cond3A_1112 = arith.cmpi ne, %convert_element_type3A_1110, %cond3A_1111 : i32
    scf.if %cond3A_1112 {
      "tpu.region"() ({
        %run_scoped3A = tpu.sem_alloc : memref<!tpu.dma_semaphore, #tpu.memory_space<semaphore_mem>>
        %dma_start3A_2512 = arith.constant 0 : i32
        %dma_start3A_2513 = tpu.memref_slice %arg2[%select_n3A_1044, %dma_start3A_2512] : memref<26x16384xi32, #tpu.memory_space<hbm>> -> memref<1x16384xi32, #tpu.memory_space<hbm>>
        %dma_start3A_2514 = tpu.memref_squeeze %dma_start3A_2513 : memref<1x16384xi32, #tpu.memory_space<hbm>> -> memref<16384xi32, #tpu.memory_space<hbm>>
        %dma_start3A_2515 = arith.constant 0 : i32
        %dma_start3A_2516 = tpu.memref_slice %arg2[%select_n3A_1044, %dma_start3A_2515] : memref<26x16384xi32, #tpu.memory_space<hbm>> -> memref<1x16384xi32, #tpu.memory_space<hbm>>
        %dma_start3A_2517 = tpu.memref_squeeze %dma_start3A_2516 : memref<1x16384xi32, #tpu.memory_space<hbm>> -> memref<16384xi32, #tpu.memory_space<hbm>>
        tpu.enqueue_dma source(%dma_start3A_2517 : memref<16384xi32, #tpu.memory_space<hbm>>) target(%arg7 : memref<16384xi32, #tpu.memory_space<vmem>>) target_semaphore(%run_scoped3A : memref<!tpu.dma_semaphore, #tpu.memory_space<semaphore_mem>>)
        %dma_wait3A_2518 = arith.constant 0 : i32
        %dma_wait3A_2519 = tpu.memref_slice %arg2[%select_n3A_1044, %dma_wait3A_2518] : memref<26x16384xi32, #tpu.memory_space<hbm>> -> memref<1x16384xi32, #tpu.memory_space<hbm>>
        %dma_wait3A_2520 = tpu.memref_squeeze %dma_wait3A_2519 : memref<1x16384xi32, #tpu.memory_space<hbm>> -> memref<16384xi32, #tpu.memory_space<hbm>>
        %dma_wait3A_2521 = arith.constant 0 : i32
        %dma_wait3A_2522 = tpu.memref_slice %arg2[%select_n3A_1044, %dma_wait3A_2521] : memref<26x16384xi32, #tpu.memory_space<hbm>> -> memref<1x16384xi32, #tpu.memory_space<hbm>>
        %dma_wait3A_2523 = tpu.memref_squeeze %dma_wait3A_2522 : memref<1x16384xi32, #tpu.memory_space<hbm>> -> memref<16384xi32, #tpu.memory_space<hbm>>
        tpu.wait_dma2 semaphore(%run_scoped3A : memref<!tpu.dma_semaphore, #tpu.memory_space<semaphore_mem>>) src(%dma_wait3A_2523 : memref<16384xi32, #tpu.memory_space<hbm>>) dst(%arg7 : memref<16384xi32, #tpu.memory_space<vmem>>)
        tpu.yield
      }) : () -> ()
    } else {
    }
    %mul3A_1113 = arith.constant 13 : i32
    %mul3A_1114 = arith.muli %add3A, %mul3A_1113 : i32
    %add3A_1115 = arith.constant 6 : i32
    %add3A_1116 = arith.addi %mul3A_1114, %add3A_1115 : i32
    %jit3A_1117 = arith.constant 16 : i32
    %div3A_1118 = arith.divsi %add3A_1116, %jit3A_1117 : i32
    %sign3A_1119 = arith.constant 0 : i32
    %sign3A_1120 = arith.cmpi sgt, %add3A_1116, %sign3A_1119 : i32
    %sign3A_1121 = arith.extui %sign3A_1120 : i1 to i32
    %sign3A_1122 = arith.constant 0 : i32
    %sign3A_1123 = arith.cmpi slt, %add3A_1116, %sign3A_1122 : i32
    %sign3A_1124 = arith.extui %sign3A_1123 : i1 to i32
    %sign3A_1125 = arith.subi %sign3A_1121, %sign3A_1124 : i32
    %sign3A_1126 = arith.constant 0 : i32
    %sign3A_1127 = arith.cmpi sgt, %jit3A_1117, %sign3A_1126 : i32
    %sign3A_1128 = arith.extui %sign3A_1127 : i1 to i32
    %sign3A_1129 = arith.constant 0 : i32
    %sign3A_1130 = arith.cmpi slt, %jit3A_1117, %sign3A_1129 : i32
    %sign3A_1131 = arith.extui %sign3A_1130 : i1 to i32
    %sign3A_1132 = arith.subi %sign3A_1128, %sign3A_1131 : i32
    %ne3A_1133 = arith.cmpi ne, %sign3A_1125, %sign3A_1132 : i32
    %rem3A_1134 = arith.remsi %add3A_1116, %jit3A_1117 : i32
    %ne3A_1135 = arith.constant 0 : i32
    %ne3A_1136 = arith.cmpi ne, %rem3A_1134, %ne3A_1135 : i32
    %and3A_1137 = arith.andi %ne3A_1133, %ne3A_1136 : i1
    %sub3A_1138 = arith.constant 1 : i32
    %sub3A_1139 = arith.subi %div3A_1118, %sub3A_1138 : i32
    %select_n3A_1140 = arith.select %and3A_1137, %sub3A_1139, %div3A_1118 : i32
    %jit3A_1141 = arith.constant 16 : i32
    %eq3A_1142 = arith.constant 0 : i32
    %eq3A_1143 = arith.cmpi eq, %jit3A_1141, %eq3A_1142 : i32
    %jit3A_1144 = arith.constant 1 : i32
    %select_n3A_1145 = arith.select %eq3A_1143, %jit3A_1144, %jit3A_1141 : i32
    %rem3A_1146 = arith.remsi %add3A_1116, %select_n3A_1145 : i32
    %ne3A_1147 = arith.constant 0 : i32
    %ne3A_1148 = arith.cmpi ne, %rem3A_1146, %ne3A_1147 : i32
    %lt3A_1149 = arith.constant 0 : i32
    %lt3A_1150 = arith.cmpi slt, %rem3A_1146, %lt3A_1149 : i32
    %lt3A_1151 = arith.constant 0 : i32
    %lt3A_1152 = arith.cmpi slt, %select_n3A_1145, %lt3A_1151 : i32
    %ne3A_1153 = arith.xori %lt3A_1150, %lt3A_1152 : i1
    %and3A_1154 = arith.andi %ne3A_1153, %ne3A_1148 : i1
    %add3A_1155 = arith.addi %rem3A_1146, %select_n3A_1145 : i32
    %select_n3A_1156 = arith.select %and3A_1154, %add3A_1155, %rem3A_1146 : i32
    %mul3A_1157 = arith.constant 38462 : i32
    %mul3A_1158 = arith.muli %select_n3A_1140, %mul3A_1157 : i32
    %jit3A_1159 = arith.constant 128 : i32
    %div3A_1160 = arith.divsi %mul3A_1158, %jit3A_1159 : i32
    %sign3A_1161 = arith.constant 0 : i32
    %sign3A_1162 = arith.cmpi sgt, %mul3A_1158, %sign3A_1161 : i32
    %sign3A_1163 = arith.extui %sign3A_1162 : i1 to i32
    %sign3A_1164 = arith.constant 0 : i32
    %sign3A_1165 = arith.cmpi slt, %mul3A_1158, %sign3A_1164 : i32
    %sign3A_1166 = arith.extui %sign3A_1165 : i1 to i32
    %sign3A_1167 = arith.subi %sign3A_1163, %sign3A_1166 : i32
    %sign3A_1168 = arith.constant 0 : i32
    %sign3A_1169 = arith.cmpi sgt, %jit3A_1159, %sign3A_1168 : i32
    %sign3A_1170 = arith.extui %sign3A_1169 : i1 to i32
    %sign3A_1171 = arith.constant 0 : i32
    %sign3A_1172 = arith.cmpi slt, %jit3A_1159, %sign3A_1171 : i32
    %sign3A_1173 = arith.extui %sign3A_1172 : i1 to i32
    %sign3A_1174 = arith.subi %sign3A_1170, %sign3A_1173 : i32
    %ne3A_1175 = arith.cmpi ne, %sign3A_1167, %sign3A_1174 : i32
    %rem3A_1176 = arith.remsi %mul3A_1158, %jit3A_1159 : i32
    %ne3A_1177 = arith.constant 0 : i32
    %ne3A_1178 = arith.cmpi ne, %rem3A_1176, %ne3A_1177 : i32
    %and3A_1179 = arith.andi %ne3A_1175, %ne3A_1178 : i1
    %sub3A_1180 = arith.constant 1 : i32
    %sub3A_1181 = arith.subi %div3A_1160, %sub3A_1180 : i32
    %select_n3A_1182 = arith.select %and3A_1179, %sub3A_1181, %div3A_1160 : i32
    %mul3A_1183 = arith.constant 128 : i32
    %mul3A_1184 = arith.muli %select_n3A_1182, %mul3A_1183 : i32
    %min3A_1185 = arith.constant 961408 : i32
    %min3A_1186 = arith.minsi %mul3A_1184, %min3A_1185 : i32
    %sub3A_1187 = arith.subi %mul3A_1158, %min3A_1186 : i32
    %dma_start3A_1188 = tpu.memref_slice %arg3[%select_n3A_1156, %min3A_1186] : memref<16x1000012xf32, #tpu.memory_space<hbm>> -> memref<1x38656xf32, #tpu.memory_space<hbm>>
    %dma_start3A_1189 = tpu.memref_squeeze %dma_start3A_1188 : memref<1x38656xf32, #tpu.memory_space<hbm>> -> memref<38656xf32, #tpu.memory_space<hbm>>
    %dma_start3A_1190 = tpu.memref_slice %arg3[%select_n3A_1156, %min3A_1186] : memref<16x1000012xf32, #tpu.memory_space<hbm>> -> memref<1x38656xf32, #tpu.memory_space<hbm>>
    %dma_start3A_1191 = tpu.memref_squeeze %dma_start3A_1190 : memref<1x38656xf32, #tpu.memory_space<hbm>> -> memref<38656xf32, #tpu.memory_space<hbm>>
    tpu.enqueue_dma source(%dma_start3A_1191 : memref<38656xf32, #tpu.memory_space<hbm>>) target(%arg5 : memref<38656xf32, #tpu.memory_space<vmem>>) target_semaphore(%arg9 : memref<!tpu.dma_semaphore, #tpu.memory_space<semaphore_mem>>)
    %dma_wait3A_1192 = tpu.memref_slice %arg3[%select_n3A_960, %min3A_990] : memref<16x1000012xf32, #tpu.memory_space<hbm>> -> memref<1x38656xf32, #tpu.memory_space<hbm>>
    %dma_wait3A_1193 = tpu.memref_squeeze %dma_wait3A_1192 : memref<1x38656xf32, #tpu.memory_space<hbm>> -> memref<38656xf32, #tpu.memory_space<hbm>>
    %dma_wait3A_1194 = tpu.memref_slice %arg3[%select_n3A_960, %min3A_990] : memref<16x1000012xf32, #tpu.memory_space<hbm>> -> memref<1x38656xf32, #tpu.memory_space<hbm>>
    %dma_wait3A_1195 = tpu.memref_squeeze %dma_wait3A_1194 : memref<1x38656xf32, #tpu.memory_space<hbm>> -> memref<38656xf32, #tpu.memory_space<hbm>>
    tpu.wait_dma2 semaphore(%arg10 : memref<!tpu.dma_semaphore, #tpu.memory_space<semaphore_mem>>) src(%dma_wait3A_1195 : memref<38656xf32, #tpu.memory_space<hbm>>) dst(%arg6 : memref<38656xf32, #tpu.memory_space<vmem>>)
    %dma_wait3A_1196 = arith.constant 0 : i32
    %dma_wait3A_1197 = tpu.memref_slice %arg4[%select_n3A_848, %select_n3A_864, %dma_wait3A_1196] : memref<26x16x16384xf32, #tpu.memory_space<hbm>> -> memref<1x1x16384xf32, #tpu.memory_space<hbm>>
    %dma_wait3A_1198 = tpu.memref_squeeze %dma_wait3A_1197 : memref<1x1x16384xf32, #tpu.memory_space<hbm>> -> memref<16384xf32, #tpu.memory_space<hbm>>
    %dma_wait3A_1199 = arith.constant 0 : i32
    %dma_wait3A_1200 = tpu.memref_slice %arg4[%select_n3A_848, %select_n3A_864, %dma_wait3A_1199] : memref<26x16x16384xf32, #tpu.memory_space<hbm>> -> memref<1x1x16384xf32, #tpu.memory_space<hbm>>
    %dma_wait3A_1201 = tpu.memref_squeeze %dma_wait3A_1200 : memref<1x1x16384xf32, #tpu.memory_space<hbm>> -> memref<16384xf32, #tpu.memory_space<hbm>>
    tpu.wait_dma2 semaphore(%arg11 : memref<!tpu.dma_semaphore, #tpu.memory_space<semaphore_mem>>) src(%arg8 : memref<16384xf32, #tpu.memory_space<vmem>>) dst(%dma_wait3A_1201 : memref<16384xf32, #tpu.memory_space<hbm>>)
    %scan3A_1202 = arith.constant 0 : i32
    %scan3A_1203 = arith.constant 128 : i32
    %scan3A_1204 = arith.addi %scan3A_1202, %scan3A_1203 : i32
    %scan3A_1205 = arith.constant 1 : i32
    scf.for %scan3A_2512 = %scan3A_1202 to %scan3A_1204 step %scan3A_1205  : i32 {
      %mul3A_2513 = arith.constant 128 : i32
      %mul3A_2514 = arith.muli %scan3A_2512, %mul3A_2513 : i32
      %add3A_2515 = arith.constant 0 : i32
      %add3A_2516 = arith.addi %mul3A_2514, %add3A_2515 : i32
      %get3A = arith.index_cast %add3A_2516 : i32 to index
      %get3A_2517 = tpu.vector_load %arg7[%get3A] {strides = array<i32>} : memref<16384xi32, #tpu.memory_space<vmem>>, vector<16xi32>,
      %add3A_2518 = vector.broadcast %sub3A_1091 : i32 to vector<16xi32>
      %add3A_2519 = arith.addi %get3A_2517, %add3A_2518 : vector<16xi32>
      %gather3A = tpu.vector_load_idx %arg6[%add3A_2519] : memref<38656xf32, #tpu.memory_space<vmem>>[vector<16xi32>], vector<16xf32>,
      %add3A_2520 = arith.constant 16 : i32
      %add3A_2521 = arith.addi %mul3A_2514, %add3A_2520 : i32
      %get3A_2522 = arith.index_cast %add3A_2521 : i32 to index
      %get3A_2523 = tpu.vector_load %arg7[%get3A_2522] {strides = array<i32>} : memref<16384xi32, #tpu.memory_space<vmem>>, vector<16xi32>,
      %add3A_2524 = vector.broadcast %sub3A_1091 : i32 to vector<16xi32>
      %add3A_2525 = arith.addi %get3A_2523, %add3A_2524 : vector<16xi32>
      %gather3A_2526 = tpu.vector_load_idx %arg6[%add3A_2525] : memref<38656xf32, #tpu.memory_space<vmem>>[vector<16xi32>], vector<16xf32>,
      %add3A_2527 = arith.constant 32 : i32
      %add3A_2528 = arith.addi %mul3A_2514, %add3A_2527 : i32
      %get3A_2529 = arith.index_cast %add3A_2528 : i32 to index
      %get3A_2530 = tpu.vector_load %arg7[%get3A_2529] {strides = array<i32>} : memref<16384xi32, #tpu.memory_space<vmem>>, vector<16xi32>,
      %add3A_2531 = vector.broadcast %sub3A_1091 : i32 to vector<16xi32>
      %add3A_2532 = arith.addi %get3A_2530, %add3A_2531 : vector<16xi32>
      %gather3A_2533 = tpu.vector_load_idx %arg6[%add3A_2532] : memref<38656xf32, #tpu.memory_space<vmem>>[vector<16xi32>], vector<16xf32>,
      %add3A_2534 = arith.constant 48 : i32
      %add3A_2535 = arith.addi %mul3A_2514, %add3A_2534 : i32
      %get3A_2536 = arith.index_cast %add3A_2535 : i32 to index
      %get3A_2537 = tpu.vector_load %arg7[%get3A_2536] {strides = array<i32>} : memref<16384xi32, #tpu.memory_space<vmem>>, vector<16xi32>,
      %add3A_2538 = vector.broadcast %sub3A_1091 : i32 to vector<16xi32>
      %add3A_2539 = arith.addi %get3A_2537, %add3A_2538 : vector<16xi32>
      %gather3A_2540 = tpu.vector_load_idx %arg6[%add3A_2539] : memref<38656xf32, #tpu.memory_space<vmem>>[vector<16xi32>], vector<16xf32>,
      %add3A_2541 = arith.constant 64 : i32
      %add3A_2542 = arith.addi %mul3A_2514, %add3A_2541 : i32
      %get3A_2543 = arith.index_cast %add3A_2542 : i32 to index
      %get3A_2544 = tpu.vector_load %arg7[%get3A_2543] {strides = array<i32>} : memref<16384xi32, #tpu.memory_space<vmem>>, vector<16xi32>,
      %add3A_2545 = vector.broadcast %sub3A_1091 : i32 to vector<16xi32>
      %add3A_2546 = arith.addi %get3A_2544, %add3A_2545 : vector<16xi32>
      %gather3A_2547 = tpu.vector_load_idx %arg6[%add3A_2546] : memref<38656xf32, #tpu.memory_space<vmem>>[vector<16xi32>], vector<16xf32>,
      %add3A_2548 = arith.constant 80 : i32
      %add3A_2549 = arith.addi %mul3A_2514, %add3A_2548 : i32
      %get3A_2550 = arith.index_cast %add3A_2549 : i32 to index
      %get3A_2551 = tpu.vector_load %arg7[%get3A_2550] {strides = array<i32>} : memref<16384xi32, #tpu.memory_space<vmem>>, vector<16xi32>,
      %add3A_2552 = vector.broadcast %sub3A_1091 : i32 to vector<16xi32>
      %add3A_2553 = arith.addi %get3A_2551, %add3A_2552 : vector<16xi32>
      %gather3A_2554 = tpu.vector_load_idx %arg6[%add3A_2553] : memref<38656xf32, #tpu.memory_space<vmem>>[vector<16xi32>], vector<16xf32>,
      %add3A_2555 = arith.constant 96 : i32
      %add3A_2556 = arith.addi %mul3A_2514, %add3A_2555 : i32
      %get3A_2557 = arith.index_cast %add3A_2556 : i32 to index
      %get3A_2558 = tpu.vector_load %arg7[%get3A_2557] {strides = array<i32>} : memref<16384xi32, #tpu.memory_space<vmem>>, vector<16xi32>,
      %add3A_2559 = vector.broadcast %sub3A_1091 : i32 to vector<16xi32>
      %add3A_2560 = arith.addi %get3A_2558, %add3A_2559 : vector<16xi32>
      %gather3A_2561 = tpu.vector_load_idx %arg6[%add3A_2560] : memref<38656xf32, #tpu.memory_space<vmem>>[vector<16xi32>], vector<16xf32>,
      %add3A_2562 = arith.constant 112 : i32
      %add3A_2563 = arith.addi %mul3A_2514, %add3A_2562 : i32
      %get3A_2564 = arith.index_cast %add3A_2563 : i32 to index
      %get3A_2565 = tpu.vector_load %arg7[%get3A_2564] {strides = array<i32>} : memref<16384xi32, #tpu.memory_space<vmem>>, vector<16xi32>,
      %add3A_2566 = vector.broadcast %sub3A_1091 : i32 to vector<16xi32>
      %add3A_2567 = arith.addi %get3A_2565, %add3A_2566 : vector<16xi32>
      %gather3A_2568 = tpu.vector_load_idx %arg6[%add3A_2567] : memref<38656xf32, #tpu.memory_space<vmem>>[vector<16xi32>], vector<16xf32>,
      %add3A_2569 = arith.constant 0 : i32
      %add3A_2570 = arith.addi %mul3A_2514, %add3A_2569 : i32
      %swap3A = arith.index_cast %add3A_2570 : i32 to index
      %swap3A_2571 = tpu.vector_load %arg8[%swap3A] {strides = array<i32>} : memref<16384xf32, #tpu.memory_space<vmem>>, vector<16xf32>,
      tpu.vector_store %arg8[%swap3A], %gather3A {strides = array<i32>} : memref<16384xf32, #tpu.memory_space<vmem>>, vector<16xf32>,
      %add3A_2572 = arith.constant 16 : i32
      %add3A_2573 = arith.addi %mul3A_2514, %add3A_2572 : i32
      %swap3A_2574 = arith.index_cast %add3A_2573 : i32 to index
      %swap3A_2575 = tpu.vector_load %arg8[%swap3A_2574] {strides = array<i32>} : memref<16384xf32, #tpu.memory_space<vmem>>, vector<16xf32>,
      tpu.vector_store %arg8[%swap3A_2574], %gather3A_2526 {strides = array<i32>} : memref<16384xf32, #tpu.memory_space<vmem>>, vector<16xf32>,
      %add3A_2576 = arith.constant 32 : i32
      %add3A_2577 = arith.addi %mul3A_2514, %add3A_2576 : i32
      %swap3A_2578 = arith.index_cast %add3A_2577 : i32 to index
      %swap3A_2579 = tpu.vector_load %arg8[%swap3A_2578] {strides = array<i32>} : memref<16384xf32, #tpu.memory_space<vmem>>, vector<16xf32>,
      tpu.vector_store %arg8[%swap3A_2578], %gather3A_2533 {strides = array<i32>} : memref<16384xf32, #tpu.memory_space<vmem>>, vector<16xf32>,
      %add3A_2580 = arith.constant 48 : i32
      %add3A_2581 = arith.addi %mul3A_2514, %add3A_2580 : i32
      %swap3A_2582 = arith.index_cast %add3A_2581 : i32 to index
      %swap3A_2583 = tpu.vector_load %arg8[%swap3A_2582] {strides = array<i32>} : memref<16384xf32, #tpu.memory_space<vmem>>, vector<16xf32>,
      tpu.vector_store %arg8[%swap3A_2582], %gather3A_2540 {strides = array<i32>} : memref<16384xf32, #tpu.memory_space<vmem>>, vector<16xf32>,
      %add3A_2584 = arith.constant 64 : i32
      %add3A_2585 = arith.addi %mul3A_2514, %add3A_2584 : i32
      %swap3A_2586 = arith.index_cast %add3A_2585 : i32 to index
      %swap3A_2587 = tpu.vector_load %arg8[%swap3A_2586] {strides = array<i32>} : memref<16384xf32, #tpu.memory_space<vmem>>, vector<16xf32>,
      tpu.vector_store %arg8[%swap3A_2586], %gather3A_2547 {strides = array<i32>} : memref<16384xf32, #tpu.memory_space<vmem>>, vector<16xf32>,
      %add3A_2588 = arith.constant 80 : i32
      %add3A_2589 = arith.addi %mul3A_2514, %add3A_2588 : i32
      %swap3A_2590 = arith.index_cast %add3A_2589 : i32 to index
      %swap3A_2591 = tpu.vector_load %arg8[%swap3A_2590] {strides = array<i32>} : memref<16384xf32, #tpu.memory_space<vmem>>, vector<16xf32>,
      tpu.vector_store %arg8[%swap3A_2590], %gather3A_2554 {strides = array<i32>} : memref<16384xf32, #tpu.memory_space<vmem>>, vector<16xf32>,
      %add3A_2592 = arith.constant 96 : i32
      %add3A_2593 = arith.addi %mul3A_2514, %add3A_2592 : i32
      %swap3A_2594 = arith.index_cast %add3A_2593 : i32 to index
      %swap3A_2595 = tpu.vector_load %arg8[%swap3A_2594] {strides = array<i32>} : memref<16384xf32, #tpu.memory_space<vmem>>, vector<16xf32>,
      tpu.vector_store %arg8[%swap3A_2594], %gather3A_2561 {strides = array<i32>} : memref<16384xf32, #tpu.memory_space<vmem>>, vector<16xf32>,
      %add3A_2596 = arith.constant 112 : i32
      %add3A_2597 = arith.addi %mul3A_2514, %add3A_2596 : i32
      %swap3A_2598 = arith.index_cast %add3A_2597 : i32 to index
      %swap3A_2599 = tpu.vector_load %arg8[%swap3A_2598] {strides = array<i32>} : memref<16384xf32, #tpu.memory_space<vmem>>, vector<16xf32>,
      tpu.vector_store %arg8[%swap3A_2598], %gather3A_2568 {strides = array<i32>} : memref<16384xf32, #tpu.memory_space<vmem>>, vector<16xf32>,
    }
    %scan3A_1206 = arith.constant 128 : i32
    %dma_start3A_1207 = arith.constant 0 : i32
    %dma_start3A_1208 = tpu.memref_slice %arg4[%select_n3A_1044, %select_n3A_1060, %dma_start3A_1207] : memref<26x16x16384xf32, #tpu.memory_space<hbm>> -> memref<1x1x16384xf32, #tpu.memory_space<hbm>>
    %dma_start3A_1209 = tpu.memref_squeeze %dma_start3A_1208 : memref<1x1x16384xf32, #tpu.memory_space<hbm>> -> memref<16384xf32, #tpu.memory_space<hbm>>
    %dma_start3A_1210 = arith.constant 0 : i32
    %dma_start3A_1211 = tpu.memref_slice %arg4[%select_n3A_1044, %select_n3A_1060, %dma_start3A_1210] : memref<26x16x16384xf32, #tpu.memory_space<hbm>> -> memref<1x1x16384xf32, #tpu.memory_space<hbm>>
    %dma_start3A_1212 = tpu.memref_squeeze %dma_start3A_1211 : memref<1x1x16384xf32, #tpu.memory_space<hbm>> -> memref<16384xf32, #tpu.memory_space<hbm>>
    tpu.enqueue_dma source(%arg8 : memref<16384xf32, #tpu.memory_space<vmem>>) target(%dma_start3A_1212 : memref<16384xf32, #tpu.memory_space<hbm>>) target_semaphore(%arg11 : memref<!tpu.dma_semaphore, #tpu.memory_space<semaphore_mem>>)
    %mul3A_1213 = arith.constant 13 : i32
    %mul3A_1214 = arith.muli %add3A, %mul3A_1213 : i32
    %add3A_1215 = arith.constant 6 : i32
    %add3A_1216 = arith.addi %mul3A_1214, %add3A_1215 : i32
    %jit3A_1217 = arith.constant 16 : i32
    %div3A_1218 = arith.divsi %add3A_1216, %jit3A_1217 : i32
    %sign3A_1219 = arith.constant 0 : i32
    %sign3A_1220 = arith.cmpi sgt, %add3A_1216, %sign3A_1219 : i32
    %sign3A_1221 = arith.extui %sign3A_1220 : i1 to i32
    %sign3A_1222 = arith.constant 0 : i32
    %sign3A_1223 = arith.cmpi slt, %add3A_1216, %sign3A_1222 : i32
    %sign3A_1224 = arith.extui %sign3A_1223 : i1 to i32
    %sign3A_1225 = arith.subi %sign3A_1221, %sign3A_1224 : i32
    %sign3A_1226 = arith.constant 0 : i32
    %sign3A_1227 = arith.cmpi sgt, %jit3A_1217, %sign3A_1226 : i32
    %sign3A_1228 = arith.extui %sign3A_1227 : i1 to i32
    %sign3A_1229 = arith.constant 0 : i32
    %sign3A_1230 = arith.cmpi slt, %jit3A_1217, %sign3A_1229 : i32
    %sign3A_1231 = arith.extui %sign3A_1230 : i1 to i32
    %sign3A_1232 = arith.subi %sign3A_1228, %sign3A_1231 : i32
    %ne3A_1233 = arith.cmpi ne, %sign3A_1225, %sign3A_1232 : i32
    %rem3A_1234 = arith.remsi %add3A_1216, %jit3A_1217 : i32
    %ne3A_1235 = arith.constant 0 : i32
    %ne3A_1236 = arith.cmpi ne, %rem3A_1234, %ne3A_1235 : i32
    %and3A_1237 = arith.andi %ne3A_1233, %ne3A_1236 : i1
    %sub3A_1238 = arith.constant 1 : i32
    %sub3A_1239 = arith.subi %div3A_1218, %sub3A_1238 : i32
    %select_n3A_1240 = arith.select %and3A_1237, %sub3A_1239, %div3A_1218 : i32
    %jit3A_1241 = arith.constant 16 : i32
    %eq3A_1242 = arith.constant 0 : i32
    %eq3A_1243 = arith.cmpi eq, %jit3A_1241, %eq3A_1242 : i32
    %jit3A_1244 = arith.constant 1 : i32
    %select_n3A_1245 = arith.select %eq3A_1243, %jit3A_1244, %jit3A_1241 : i32
    %rem3A_1246 = arith.remsi %add3A_1216, %select_n3A_1245 : i32
    %ne3A_1247 = arith.constant 0 : i32
    %ne3A_1248 = arith.cmpi ne, %rem3A_1246, %ne3A_1247 : i32
    %lt3A_1249 = arith.constant 0 : i32
    %lt3A_1250 = arith.cmpi slt, %rem3A_1246, %lt3A_1249 : i32
    %lt3A_1251 = arith.constant 0 : i32
    %lt3A_1252 = arith.cmpi slt, %select_n3A_1245, %lt3A_1251 : i32
    %ne3A_1253 = arith.xori %lt3A_1250, %lt3A_1252 : i1
    %and3A_1254 = arith.andi %ne3A_1253, %ne3A_1248 : i1
    %add3A_1255 = arith.addi %rem3A_1246, %select_n3A_1245 : i32
    %select_n3A_1256 = arith.select %and3A_1254, %add3A_1255, %rem3A_1246 : i32
    %mul3A_1257 = arith.constant 38462 : i32
    %mul3A_1258 = arith.muli %select_n3A_1240, %mul3A_1257 : i32
    %jit3A_1259 = arith.constant 128 : i32
    %div3A_1260 = arith.divsi %mul3A_1258, %jit3A_1259 : i32
    %sign3A_1261 = arith.constant 0 : i32
    %sign3A_1262 = arith.cmpi sgt, %mul3A_1258, %sign3A_1261 : i32
    %sign3A_1263 = arith.extui %sign3A_1262 : i1 to i32
    %sign3A_1264 = arith.constant 0 : i32
    %sign3A_1265 = arith.cmpi slt, %mul3A_1258, %sign3A_1264 : i32
    %sign3A_1266 = arith.extui %sign3A_1265 : i1 to i32
    %sign3A_1267 = arith.subi %sign3A_1263, %sign3A_1266 : i32
    %sign3A_1268 = arith.constant 0 : i32
    %sign3A_1269 = arith.cmpi sgt, %jit3A_1259, %sign3A_1268 : i32
    %sign3A_1270 = arith.extui %sign3A_1269 : i1 to i32
    %sign3A_1271 = arith.constant 0 : i32
    %sign3A_1272 = arith.cmpi slt, %jit3A_1259, %sign3A_1271 : i32
    %sign3A_1273 = arith.extui %sign3A_1272 : i1 to i32
    %sign3A_1274 = arith.subi %sign3A_1270, %sign3A_1273 : i32
    %ne3A_1275 = arith.cmpi ne, %sign3A_1267, %sign3A_1274 : i32
    %rem3A_1276 = arith.remsi %mul3A_1258, %jit3A_1259 : i32
    %ne3A_1277 = arith.constant 0 : i32
    %ne3A_1278 = arith.cmpi ne, %rem3A_1276, %ne3A_1277 : i32
    %and3A_1279 = arith.andi %ne3A_1275, %ne3A_1278 : i1
    %sub3A_1280 = arith.constant 1 : i32
    %sub3A_1281 = arith.subi %div3A_1260, %sub3A_1280 : i32
    %select_n3A_1282 = arith.select %and3A_1279, %sub3A_1281, %div3A_1260 : i32
    %mul3A_1283 = arith.constant 128 : i32
    %mul3A_1284 = arith.muli %select_n3A_1282, %mul3A_1283 : i32
    %min3A_1285 = arith.constant 961408 : i32
    %min3A_1286 = arith.minsi %mul3A_1284, %min3A_1285 : i32
    %sub3A_1287 = arith.subi %mul3A_1258, %min3A_1286 : i32
    %jit3A_1288 = arith.constant 16 : i32
    %eq3A_1289 = arith.constant 0 : i32
    %eq3A_1290 = arith.cmpi eq, %jit3A_1288, %eq3A_1289 : i32
    %jit3A_1291 = arith.constant 1 : i32
    %select_n3A_1292 = arith.select %eq3A_1290, %jit3A_1291, %jit3A_1288 : i32
    %rem3A_1293 = arith.remsi %add3A_1216, %select_n3A_1292 : i32
    %ne3A_1294 = arith.constant 0 : i32
    %ne3A_1295 = arith.cmpi ne, %rem3A_1293, %ne3A_1294 : i32
    %lt3A_1296 = arith.constant 0 : i32
    %lt3A_1297 = arith.cmpi slt, %rem3A_1293, %lt3A_1296 : i32
    %lt3A_1298 = arith.constant 0 : i32
    %lt3A_1299 = arith.cmpi slt, %select_n3A_1292, %lt3A_1298 : i32
    %ne3A_1300 = arith.xori %lt3A_1297, %lt3A_1299 : i1
    %and3A_1301 = arith.andi %ne3A_1300, %ne3A_1295 : i1
    %add3A_1302 = arith.addi %rem3A_1293, %select_n3A_1292 : i32
    %select_n3A_1303 = arith.select %and3A_1301, %add3A_1302, %rem3A_1293 : i32
    %eq3A_1304 = arith.constant 0 : i32
    %eq3A_1305 = arith.cmpi eq, %select_n3A_1303, %eq3A_1304 : i32
    %convert_element_type3A_1306 = arith.extui %eq3A_1305 : i1 to i32
    %cond3A_1307 = arith.constant 0 : i32
    %cond3A_1308 = arith.cmpi ne, %convert_element_type3A_1306, %cond3A_1307 : i32
    scf.if %cond3A_1308 {
      "tpu.region"() ({
        %run_scoped3A = tpu.sem_alloc : memref<!tpu.dma_semaphore, #tpu.memory_space<semaphore_mem>>
        %dma_start3A_2512 = arith.constant 0 : i32
        %dma_start3A_2513 = tpu.memref_slice %arg2[%select_n3A_1240, %dma_start3A_2512] : memref<26x16384xi32, #tpu.memory_space<hbm>> -> memref<1x16384xi32, #tpu.memory_space<hbm>>
        %dma_start3A_2514 = tpu.memref_squeeze %dma_start3A_2513 : memref<1x16384xi32, #tpu.memory_space<hbm>> -> memref<16384xi32, #tpu.memory_space<hbm>>
        %dma_start3A_2515 = arith.constant 0 : i32
        %dma_start3A_2516 = tpu.memref_slice %arg2[%select_n3A_1240, %dma_start3A_2515] : memref<26x16384xi32, #tpu.memory_space<hbm>> -> memref<1x16384xi32, #tpu.memory_space<hbm>>
        %dma_start3A_2517 = tpu.memref_squeeze %dma_start3A_2516 : memref<1x16384xi32, #tpu.memory_space<hbm>> -> memref<16384xi32, #tpu.memory_space<hbm>>
        tpu.enqueue_dma source(%dma_start3A_2517 : memref<16384xi32, #tpu.memory_space<hbm>>) target(%arg7 : memref<16384xi32, #tpu.memory_space<vmem>>) target_semaphore(%run_scoped3A : memref<!tpu.dma_semaphore, #tpu.memory_space<semaphore_mem>>)
        %dma_wait3A_2518 = arith.constant 0 : i32
        %dma_wait3A_2519 = tpu.memref_slice %arg2[%select_n3A_1240, %dma_wait3A_2518] : memref<26x16384xi32, #tpu.memory_space<hbm>> -> memref<1x16384xi32, #tpu.memory_space<hbm>>
        %dma_wait3A_2520 = tpu.memref_squeeze %dma_wait3A_2519 : memref<1x16384xi32, #tpu.memory_space<hbm>> -> memref<16384xi32, #tpu.memory_space<hbm>>
        %dma_wait3A_2521 = arith.constant 0 : i32
        %dma_wait3A_2522 = tpu.memref_slice %arg2[%select_n3A_1240, %dma_wait3A_2521] : memref<26x16384xi32, #tpu.memory_space<hbm>> -> memref<1x16384xi32, #tpu.memory_space<hbm>>
        %dma_wait3A_2523 = tpu.memref_squeeze %dma_wait3A_2522 : memref<1x16384xi32, #tpu.memory_space<hbm>> -> memref<16384xi32, #tpu.memory_space<hbm>>
        tpu.wait_dma2 semaphore(%run_scoped3A : memref<!tpu.dma_semaphore, #tpu.memory_space<semaphore_mem>>) src(%dma_wait3A_2523 : memref<16384xi32, #tpu.memory_space<hbm>>) dst(%arg7 : memref<16384xi32, #tpu.memory_space<vmem>>)
        tpu.yield
      }) : () -> ()
    } else {
    }
    %mul3A_1309 = arith.constant 13 : i32
    %mul3A_1310 = arith.muli %add3A, %mul3A_1309 : i32
    %add3A_1311 = arith.constant 7 : i32
    %add3A_1312 = arith.addi %mul3A_1310, %add3A_1311 : i32
    %jit3A_1313 = arith.constant 16 : i32
    %div3A_1314 = arith.divsi %add3A_1312, %jit3A_1313 : i32
    %sign3A_1315 = arith.constant 0 : i32
    %sign3A_1316 = arith.cmpi sgt, %add3A_1312, %sign3A_1315 : i32
    %sign3A_1317 = arith.extui %sign3A_1316 : i1 to i32
    %sign3A_1318 = arith.constant 0 : i32
    %sign3A_1319 = arith.cmpi slt, %add3A_1312, %sign3A_1318 : i32
    %sign3A_1320 = arith.extui %sign3A_1319 : i1 to i32
    %sign3A_1321 = arith.subi %sign3A_1317, %sign3A_1320 : i32
    %sign3A_1322 = arith.constant 0 : i32
    %sign3A_1323 = arith.cmpi sgt, %jit3A_1313, %sign3A_1322 : i32
    %sign3A_1324 = arith.extui %sign3A_1323 : i1 to i32
    %sign3A_1325 = arith.constant 0 : i32
    %sign3A_1326 = arith.cmpi slt, %jit3A_1313, %sign3A_1325 : i32
    %sign3A_1327 = arith.extui %sign3A_1326 : i1 to i32
    %sign3A_1328 = arith.subi %sign3A_1324, %sign3A_1327 : i32
    %ne3A_1329 = arith.cmpi ne, %sign3A_1321, %sign3A_1328 : i32
    %rem3A_1330 = arith.remsi %add3A_1312, %jit3A_1313 : i32
    %ne3A_1331 = arith.constant 0 : i32
    %ne3A_1332 = arith.cmpi ne, %rem3A_1330, %ne3A_1331 : i32
    %and3A_1333 = arith.andi %ne3A_1329, %ne3A_1332 : i1
    %sub3A_1334 = arith.constant 1 : i32
    %sub3A_1335 = arith.subi %div3A_1314, %sub3A_1334 : i32
    %select_n3A_1336 = arith.select %and3A_1333, %sub3A_1335, %div3A_1314 : i32
    %jit3A_1337 = arith.constant 16 : i32
    %eq3A_1338 = arith.constant 0 : i32
    %eq3A_1339 = arith.cmpi eq, %jit3A_1337, %eq3A_1338 : i32
    %jit3A_1340 = arith.constant 1 : i32
    %select_n3A_1341 = arith.select %eq3A_1339, %jit3A_1340, %jit3A_1337 : i32
    %rem3A_1342 = arith.remsi %add3A_1312, %select_n3A_1341 : i32
    %ne3A_1343 = arith.constant 0 : i32
    %ne3A_1344 = arith.cmpi ne, %rem3A_1342, %ne3A_1343 : i32
    %lt3A_1345 = arith.constant 0 : i32
    %lt3A_1346 = arith.cmpi slt, %rem3A_1342, %lt3A_1345 : i32
    %lt3A_1347 = arith.constant 0 : i32
    %lt3A_1348 = arith.cmpi slt, %select_n3A_1341, %lt3A_1347 : i32
    %ne3A_1349 = arith.xori %lt3A_1346, %lt3A_1348 : i1
    %and3A_1350 = arith.andi %ne3A_1349, %ne3A_1344 : i1
    %add3A_1351 = arith.addi %rem3A_1342, %select_n3A_1341 : i32
    %select_n3A_1352 = arith.select %and3A_1350, %add3A_1351, %rem3A_1342 : i32
    %mul3A_1353 = arith.constant 38462 : i32
    %mul3A_1354 = arith.muli %select_n3A_1336, %mul3A_1353 : i32
    %jit3A_1355 = arith.constant 128 : i32
    %div3A_1356 = arith.divsi %mul3A_1354, %jit3A_1355 : i32
    %sign3A_1357 = arith.constant 0 : i32
    %sign3A_1358 = arith.cmpi sgt, %mul3A_1354, %sign3A_1357 : i32
    %sign3A_1359 = arith.extui %sign3A_1358 : i1 to i32
    %sign3A_1360 = arith.constant 0 : i32
    %sign3A_1361 = arith.cmpi slt, %mul3A_1354, %sign3A_1360 : i32
    %sign3A_1362 = arith.extui %sign3A_1361 : i1 to i32
    %sign3A_1363 = arith.subi %sign3A_1359, %sign3A_1362 : i32
    %sign3A_1364 = arith.constant 0 : i32
    %sign3A_1365 = arith.cmpi sgt, %jit3A_1355, %sign3A_1364 : i32
    %sign3A_1366 = arith.extui %sign3A_1365 : i1 to i32
    %sign3A_1367 = arith.constant 0 : i32
    %sign3A_1368 = arith.cmpi slt, %jit3A_1355, %sign3A_1367 : i32
    %sign3A_1369 = arith.extui %sign3A_1368 : i1 to i32
    %sign3A_1370 = arith.subi %sign3A_1366, %sign3A_1369 : i32
    %ne3A_1371 = arith.cmpi ne, %sign3A_1363, %sign3A_1370 : i32
    %rem3A_1372 = arith.remsi %mul3A_1354, %jit3A_1355 : i32
    %ne3A_1373 = arith.constant 0 : i32
    %ne3A_1374 = arith.cmpi ne, %rem3A_1372, %ne3A_1373 : i32
    %and3A_1375 = arith.andi %ne3A_1371, %ne3A_1374 : i1
    %sub3A_1376 = arith.constant 1 : i32
    %sub3A_1377 = arith.subi %div3A_1356, %sub3A_1376 : i32
    %select_n3A_1378 = arith.select %and3A_1375, %sub3A_1377, %div3A_1356 : i32
    %mul3A_1379 = arith.constant 128 : i32
    %mul3A_1380 = arith.muli %select_n3A_1378, %mul3A_1379 : i32
    %min3A_1381 = arith.constant 961408 : i32
    %min3A_1382 = arith.minsi %mul3A_1380, %min3A_1381 : i32
    %sub3A_1383 = arith.subi %mul3A_1354, %min3A_1382 : i32
    %dma_start3A_1384 = tpu.memref_slice %arg3[%select_n3A_1352, %min3A_1382] : memref<16x1000012xf32, #tpu.memory_space<hbm>> -> memref<1x38656xf32, #tpu.memory_space<hbm>>
    %dma_start3A_1385 = tpu.memref_squeeze %dma_start3A_1384 : memref<1x38656xf32, #tpu.memory_space<hbm>> -> memref<38656xf32, #tpu.memory_space<hbm>>
    %dma_start3A_1386 = tpu.memref_slice %arg3[%select_n3A_1352, %min3A_1382] : memref<16x1000012xf32, #tpu.memory_space<hbm>> -> memref<1x38656xf32, #tpu.memory_space<hbm>>
    %dma_start3A_1387 = tpu.memref_squeeze %dma_start3A_1386 : memref<1x38656xf32, #tpu.memory_space<hbm>> -> memref<38656xf32, #tpu.memory_space<hbm>>
    tpu.enqueue_dma source(%dma_start3A_1387 : memref<38656xf32, #tpu.memory_space<hbm>>) target(%arg6 : memref<38656xf32, #tpu.memory_space<vmem>>) target_semaphore(%arg10 : memref<!tpu.dma_semaphore, #tpu.memory_space<semaphore_mem>>)
    %dma_wait3A_1388 = tpu.memref_slice %arg3[%select_n3A_1156, %min3A_1186] : memref<16x1000012xf32, #tpu.memory_space<hbm>> -> memref<1x38656xf32, #tpu.memory_space<hbm>>
    %dma_wait3A_1389 = tpu.memref_squeeze %dma_wait3A_1388 : memref<1x38656xf32, #tpu.memory_space<hbm>> -> memref<38656xf32, #tpu.memory_space<hbm>>
    %dma_wait3A_1390 = tpu.memref_slice %arg3[%select_n3A_1156, %min3A_1186] : memref<16x1000012xf32, #tpu.memory_space<hbm>> -> memref<1x38656xf32, #tpu.memory_space<hbm>>
    %dma_wait3A_1391 = tpu.memref_squeeze %dma_wait3A_1390 : memref<1x38656xf32, #tpu.memory_space<hbm>> -> memref<38656xf32, #tpu.memory_space<hbm>>
    tpu.wait_dma2 semaphore(%arg9 : memref<!tpu.dma_semaphore, #tpu.memory_space<semaphore_mem>>) src(%dma_wait3A_1391 : memref<38656xf32, #tpu.memory_space<hbm>>) dst(%arg5 : memref<38656xf32, #tpu.memory_space<vmem>>)
    %dma_wait3A_1392 = arith.constant 0 : i32
    %dma_wait3A_1393 = tpu.memref_slice %arg4[%select_n3A_1044, %select_n3A_1060, %dma_wait3A_1392] : memref<26x16x16384xf32, #tpu.memory_space<hbm>> -> memref<1x1x16384xf32, #tpu.memory_space<hbm>>
    %dma_wait3A_1394 = tpu.memref_squeeze %dma_wait3A_1393 : memref<1x1x16384xf32, #tpu.memory_space<hbm>> -> memref<16384xf32, #tpu.memory_space<hbm>>
    %dma_wait3A_1395 = arith.constant 0 : i32
    %dma_wait3A_1396 = tpu.memref_slice %arg4[%select_n3A_1044, %select_n3A_1060, %dma_wait3A_1395] : memref<26x16x16384xf32, #tpu.memory_space<hbm>> -> memref<1x1x16384xf32, #tpu.memory_space<hbm>>
    %dma_wait3A_1397 = tpu.memref_squeeze %dma_wait3A_1396 : memref<1x1x16384xf32, #tpu.memory_space<hbm>> -> memref<16384xf32, #tpu.memory_space<hbm>>
    tpu.wait_dma2 semaphore(%arg11 : memref<!tpu.dma_semaphore, #tpu.memory_space<semaphore_mem>>) src(%arg8 : memref<16384xf32, #tpu.memory_space<vmem>>) dst(%dma_wait3A_1397 : memref<16384xf32, #tpu.memory_space<hbm>>)
    %scan3A_1398 = arith.constant 0 : i32
    %scan3A_1399 = arith.constant 128 : i32
    %scan3A_1400 = arith.addi %scan3A_1398, %scan3A_1399 : i32
    %scan3A_1401 = arith.constant 1 : i32
    scf.for %scan3A_2512 = %scan3A_1398 to %scan3A_1400 step %scan3A_1401  : i32 {
      %mul3A_2513 = arith.constant 128 : i32
      %mul3A_2514 = arith.muli %scan3A_2512, %mul3A_2513 : i32
      %add3A_2515 = arith.constant 0 : i32
      %add3A_2516 = arith.addi %mul3A_2514, %add3A_2515 : i32
      %get3A = arith.index_cast %add3A_2516 : i32 to index
      %get3A_2517 = tpu.vector_load %arg7[%get3A] {strides = array<i32>} : memref<16384xi32, #tpu.memory_space<vmem>>, vector<16xi32>,
      %add3A_2518 = vector.broadcast %sub3A_1287 : i32 to vector<16xi32>
      %add3A_2519 = arith.addi %get3A_2517, %add3A_2518 : vector<16xi32>
      %gather3A = tpu.vector_load_idx %arg5[%add3A_2519] : memref<38656xf32, #tpu.memory_space<vmem>>[vector<16xi32>], vector<16xf32>,
      %add3A_2520 = arith.constant 16 : i32
      %add3A_2521 = arith.addi %mul3A_2514, %add3A_2520 : i32
      %get3A_2522 = arith.index_cast %add3A_2521 : i32 to index
      %get3A_2523 = tpu.vector_load %arg7[%get3A_2522] {strides = array<i32>} : memref<16384xi32, #tpu.memory_space<vmem>>, vector<16xi32>,
      %add3A_2524 = vector.broadcast %sub3A_1287 : i32 to vector<16xi32>
      %add3A_2525 = arith.addi %get3A_2523, %add3A_2524 : vector<16xi32>
      %gather3A_2526 = tpu.vector_load_idx %arg5[%add3A_2525] : memref<38656xf32, #tpu.memory_space<vmem>>[vector<16xi32>], vector<16xf32>,
      %add3A_2527 = arith.constant 32 : i32
      %add3A_2528 = arith.addi %mul3A_2514, %add3A_2527 : i32
      %get3A_2529 = arith.index_cast %add3A_2528 : i32 to index
      %get3A_2530 = tpu.vector_load %arg7[%get3A_2529] {strides = array<i32>} : memref<16384xi32, #tpu.memory_space<vmem>>, vector<16xi32>,
      %add3A_2531 = vector.broadcast %sub3A_1287 : i32 to vector<16xi32>
      %add3A_2532 = arith.addi %get3A_2530, %add3A_2531 : vector<16xi32>
      %gather3A_2533 = tpu.vector_load_idx %arg5[%add3A_2532] : memref<38656xf32, #tpu.memory_space<vmem>>[vector<16xi32>], vector<16xf32>,
      %add3A_2534 = arith.constant 48 : i32
      %add3A_2535 = arith.addi %mul3A_2514, %add3A_2534 : i32
      %get3A_2536 = arith.index_cast %add3A_2535 : i32 to index
      %get3A_2537 = tpu.vector_load %arg7[%get3A_2536] {strides = array<i32>} : memref<16384xi32, #tpu.memory_space<vmem>>, vector<16xi32>,
      %add3A_2538 = vector.broadcast %sub3A_1287 : i32 to vector<16xi32>
      %add3A_2539 = arith.addi %get3A_2537, %add3A_2538 : vector<16xi32>
      %gather3A_2540 = tpu.vector_load_idx %arg5[%add3A_2539] : memref<38656xf32, #tpu.memory_space<vmem>>[vector<16xi32>], vector<16xf32>,
      %add3A_2541 = arith.constant 64 : i32
      %add3A_2542 = arith.addi %mul3A_2514, %add3A_2541 : i32
      %get3A_2543 = arith.index_cast %add3A_2542 : i32 to index
      %get3A_2544 = tpu.vector_load %arg7[%get3A_2543] {strides = array<i32>} : memref<16384xi32, #tpu.memory_space<vmem>>, vector<16xi32>,
      %add3A_2545 = vector.broadcast %sub3A_1287 : i32 to vector<16xi32>
      %add3A_2546 = arith.addi %get3A_2544, %add3A_2545 : vector<16xi32>
      %gather3A_2547 = tpu.vector_load_idx %arg5[%add3A_2546] : memref<38656xf32, #tpu.memory_space<vmem>>[vector<16xi32>], vector<16xf32>,
      %add3A_2548 = arith.constant 80 : i32
      %add3A_2549 = arith.addi %mul3A_2514, %add3A_2548 : i32
      %get3A_2550 = arith.index_cast %add3A_2549 : i32 to index
      %get3A_2551 = tpu.vector_load %arg7[%get3A_2550] {strides = array<i32>} : memref<16384xi32, #tpu.memory_space<vmem>>, vector<16xi32>,
      %add3A_2552 = vector.broadcast %sub3A_1287 : i32 to vector<16xi32>
      %add3A_2553 = arith.addi %get3A_2551, %add3A_2552 : vector<16xi32>
      %gather3A_2554 = tpu.vector_load_idx %arg5[%add3A_2553] : memref<38656xf32, #tpu.memory_space<vmem>>[vector<16xi32>], vector<16xf32>,
      %add3A_2555 = arith.constant 96 : i32
      %add3A_2556 = arith.addi %mul3A_2514, %add3A_2555 : i32
      %get3A_2557 = arith.index_cast %add3A_2556 : i32 to index
      %get3A_2558 = tpu.vector_load %arg7[%get3A_2557] {strides = array<i32>} : memref<16384xi32, #tpu.memory_space<vmem>>, vector<16xi32>,
      %add3A_2559 = vector.broadcast %sub3A_1287 : i32 to vector<16xi32>
      %add3A_2560 = arith.addi %get3A_2558, %add3A_2559 : vector<16xi32>
      %gather3A_2561 = tpu.vector_load_idx %arg5[%add3A_2560] : memref<38656xf32, #tpu.memory_space<vmem>>[vector<16xi32>], vector<16xf32>,
      %add3A_2562 = arith.constant 112 : i32
      %add3A_2563 = arith.addi %mul3A_2514, %add3A_2562 : i32
      %get3A_2564 = arith.index_cast %add3A_2563 : i32 to index
      %get3A_2565 = tpu.vector_load %arg7[%get3A_2564] {strides = array<i32>} : memref<16384xi32, #tpu.memory_space<vmem>>, vector<16xi32>,
      %add3A_2566 = vector.broadcast %sub3A_1287 : i32 to vector<16xi32>
      %add3A_2567 = arith.addi %get3A_2565, %add3A_2566 : vector<16xi32>
      %gather3A_2568 = tpu.vector_load_idx %arg5[%add3A_2567] : memref<38656xf32, #tpu.memory_space<vmem>>[vector<16xi32>], vector<16xf32>,
      %add3A_2569 = arith.constant 0 : i32
      %add3A_2570 = arith.addi %mul3A_2514, %add3A_2569 : i32
      %swap3A = arith.index_cast %add3A_2570 : i32 to index
      %swap3A_2571 = tpu.vector_load %arg8[%swap3A] {strides = array<i32>} : memref<16384xf32, #tpu.memory_space<vmem>>, vector<16xf32>,
      tpu.vector_store %arg8[%swap3A], %gather3A {strides = array<i32>} : memref<16384xf32, #tpu.memory_space<vmem>>, vector<16xf32>,
      %add3A_2572 = arith.constant 16 : i32
      %add3A_2573 = arith.addi %mul3A_2514, %add3A_2572 : i32
      %swap3A_2574 = arith.index_cast %add3A_2573 : i32 to index
      %swap3A_2575 = tpu.vector_load %arg8[%swap3A_2574] {strides = array<i32>} : memref<16384xf32, #tpu.memory_space<vmem>>, vector<16xf32>,
      tpu.vector_store %arg8[%swap3A_2574], %gather3A_2526 {strides = array<i32>} : memref<16384xf32, #tpu.memory_space<vmem>>, vector<16xf32>,
      %add3A_2576 = arith.constant 32 : i32
      %add3A_2577 = arith.addi %mul3A_2514, %add3A_2576 : i32
      %swap3A_2578 = arith.index_cast %add3A_2577 : i32 to index
      %swap3A_2579 = tpu.vector_load %arg8[%swap3A_2578] {strides = array<i32>} : memref<16384xf32, #tpu.memory_space<vmem>>, vector<16xf32>,
      tpu.vector_store %arg8[%swap3A_2578], %gather3A_2533 {strides = array<i32>} : memref<16384xf32, #tpu.memory_space<vmem>>, vector<16xf32>,
      %add3A_2580 = arith.constant 48 : i32
      %add3A_2581 = arith.addi %mul3A_2514, %add3A_2580 : i32
      %swap3A_2582 = arith.index_cast %add3A_2581 : i32 to index
      %swap3A_2583 = tpu.vector_load %arg8[%swap3A_2582] {strides = array<i32>} : memref<16384xf32, #tpu.memory_space<vmem>>, vector<16xf32>,
      tpu.vector_store %arg8[%swap3A_2582], %gather3A_2540 {strides = array<i32>} : memref<16384xf32, #tpu.memory_space<vmem>>, vector<16xf32>,
      %add3A_2584 = arith.constant 64 : i32
      %add3A_2585 = arith.addi %mul3A_2514, %add3A_2584 : i32
      %swap3A_2586 = arith.index_cast %add3A_2585 : i32 to index
      %swap3A_2587 = tpu.vector_load %arg8[%swap3A_2586] {strides = array<i32>} : memref<16384xf32, #tpu.memory_space<vmem>>, vector<16xf32>,
      tpu.vector_store %arg8[%swap3A_2586], %gather3A_2547 {strides = array<i32>} : memref<16384xf32, #tpu.memory_space<vmem>>, vector<16xf32>,
      %add3A_2588 = arith.constant 80 : i32
      %add3A_2589 = arith.addi %mul3A_2514, %add3A_2588 : i32
      %swap3A_2590 = arith.index_cast %add3A_2589 : i32 to index
      %swap3A_2591 = tpu.vector_load %arg8[%swap3A_2590] {strides = array<i32>} : memref<16384xf32, #tpu.memory_space<vmem>>, vector<16xf32>,
      tpu.vector_store %arg8[%swap3A_2590], %gather3A_2554 {strides = array<i32>} : memref<16384xf32, #tpu.memory_space<vmem>>, vector<16xf32>,
      %add3A_2592 = arith.constant 96 : i32
      %add3A_2593 = arith.addi %mul3A_2514, %add3A_2592 : i32
      %swap3A_2594 = arith.index_cast %add3A_2593 : i32 to index
      %swap3A_2595 = tpu.vector_load %arg8[%swap3A_2594] {strides = array<i32>} : memref<16384xf32, #tpu.memory_space<vmem>>, vector<16xf32>,
      tpu.vector_store %arg8[%swap3A_2594], %gather3A_2561 {strides = array<i32>} : memref<16384xf32, #tpu.memory_space<vmem>>, vector<16xf32>,
      %add3A_2596 = arith.constant 112 : i32
      %add3A_2597 = arith.addi %mul3A_2514, %add3A_2596 : i32
      %swap3A_2598 = arith.index_cast %add3A_2597 : i32 to index
      %swap3A_2599 = tpu.vector_load %arg8[%swap3A_2598] {strides = array<i32>} : memref<16384xf32, #tpu.memory_space<vmem>>, vector<16xf32>,
      tpu.vector_store %arg8[%swap3A_2598], %gather3A_2568 {strides = array<i32>} : memref<16384xf32, #tpu.memory_space<vmem>>, vector<16xf32>,
    }
    %scan3A_1402 = arith.constant 128 : i32
    %dma_start3A_1403 = arith.constant 0 : i32
    %dma_start3A_1404 = tpu.memref_slice %arg4[%select_n3A_1240, %select_n3A_1256, %dma_start3A_1403] : memref<26x16x16384xf32, #tpu.memory_space<hbm>> -> memref<1x1x16384xf32, #tpu.memory_space<hbm>>
    %dma_start3A_1405 = tpu.memref_squeeze %dma_start3A_1404 : memref<1x1x16384xf32, #tpu.memory_space<hbm>> -> memref<16384xf32, #tpu.memory_space<hbm>>
    %dma_start3A_1406 = arith.constant 0 : i32
    %dma_start3A_1407 = tpu.memref_slice %arg4[%select_n3A_1240, %select_n3A_1256, %dma_start3A_1406] : memref<26x16x16384xf32, #tpu.memory_space<hbm>> -> memref<1x1x16384xf32, #tpu.memory_space<hbm>>
    %dma_start3A_1408 = tpu.memref_squeeze %dma_start3A_1407 : memref<1x1x16384xf32, #tpu.memory_space<hbm>> -> memref<16384xf32, #tpu.memory_space<hbm>>
    tpu.enqueue_dma source(%arg8 : memref<16384xf32, #tpu.memory_space<vmem>>) target(%dma_start3A_1408 : memref<16384xf32, #tpu.memory_space<hbm>>) target_semaphore(%arg11 : memref<!tpu.dma_semaphore, #tpu.memory_space<semaphore_mem>>)
    %mul3A_1409 = arith.constant 13 : i32
    %mul3A_1410 = arith.muli %add3A, %mul3A_1409 : i32
    %add3A_1411 = arith.constant 7 : i32
    %add3A_1412 = arith.addi %mul3A_1410, %add3A_1411 : i32
    %jit3A_1413 = arith.constant 16 : i32
    %div3A_1414 = arith.divsi %add3A_1412, %jit3A_1413 : i32
    %sign3A_1415 = arith.constant 0 : i32
    %sign3A_1416 = arith.cmpi sgt, %add3A_1412, %sign3A_1415 : i32
    %sign3A_1417 = arith.extui %sign3A_1416 : i1 to i32
    %sign3A_1418 = arith.constant 0 : i32
    %sign3A_1419 = arith.cmpi slt, %add3A_1412, %sign3A_1418 : i32
    %sign3A_1420 = arith.extui %sign3A_1419 : i1 to i32
    %sign3A_1421 = arith.subi %sign3A_1417, %sign3A_1420 : i32
    %sign3A_1422 = arith.constant 0 : i32
    %sign3A_1423 = arith.cmpi sgt, %jit3A_1413, %sign3A_1422 : i32
    %sign3A_1424 = arith.extui %sign3A_1423 : i1 to i32
    %sign3A_1425 = arith.constant 0 : i32
    %sign3A_1426 = arith.cmpi slt, %jit3A_1413, %sign3A_1425 : i32
    %sign3A_1427 = arith.extui %sign3A_1426 : i1 to i32
    %sign3A_1428 = arith.subi %sign3A_1424, %sign3A_1427 : i32
    %ne3A_1429 = arith.cmpi ne, %sign3A_1421, %sign3A_1428 : i32
    %rem3A_1430 = arith.remsi %add3A_1412, %jit3A_1413 : i32
    %ne3A_1431 = arith.constant 0 : i32
    %ne3A_1432 = arith.cmpi ne, %rem3A_1430, %ne3A_1431 : i32
    %and3A_1433 = arith.andi %ne3A_1429, %ne3A_1432 : i1
    %sub3A_1434 = arith.constant 1 : i32
    %sub3A_1435 = arith.subi %div3A_1414, %sub3A_1434 : i32
    %select_n3A_1436 = arith.select %and3A_1433, %sub3A_1435, %div3A_1414 : i32
    %jit3A_1437 = arith.constant 16 : i32
    %eq3A_1438 = arith.constant 0 : i32
    %eq3A_1439 = arith.cmpi eq, %jit3A_1437, %eq3A_1438 : i32
    %jit3A_1440 = arith.constant 1 : i32
    %select_n3A_1441 = arith.select %eq3A_1439, %jit3A_1440, %jit3A_1437 : i32
    %rem3A_1442 = arith.remsi %add3A_1412, %select_n3A_1441 : i32
    %ne3A_1443 = arith.constant 0 : i32
    %ne3A_1444 = arith.cmpi ne, %rem3A_1442, %ne3A_1443 : i32
    %lt3A_1445 = arith.constant 0 : i32
    %lt3A_1446 = arith.cmpi slt, %rem3A_1442, %lt3A_1445 : i32
    %lt3A_1447 = arith.constant 0 : i32
    %lt3A_1448 = arith.cmpi slt, %select_n3A_1441, %lt3A_1447 : i32
    %ne3A_1449 = arith.xori %lt3A_1446, %lt3A_1448 : i1
    %and3A_1450 = arith.andi %ne3A_1449, %ne3A_1444 : i1
    %add3A_1451 = arith.addi %rem3A_1442, %select_n3A_1441 : i32
    %select_n3A_1452 = arith.select %and3A_1450, %add3A_1451, %rem3A_1442 : i32
    %mul3A_1453 = arith.constant 38462 : i32
    %mul3A_1454 = arith.muli %select_n3A_1436, %mul3A_1453 : i32
    %jit3A_1455 = arith.constant 128 : i32
    %div3A_1456 = arith.divsi %mul3A_1454, %jit3A_1455 : i32
    %sign3A_1457 = arith.constant 0 : i32
    %sign3A_1458 = arith.cmpi sgt, %mul3A_1454, %sign3A_1457 : i32
    %sign3A_1459 = arith.extui %sign3A_1458 : i1 to i32
    %sign3A_1460 = arith.constant 0 : i32
    %sign3A_1461 = arith.cmpi slt, %mul3A_1454, %sign3A_1460 : i32
    %sign3A_1462 = arith.extui %sign3A_1461 : i1 to i32
    %sign3A_1463 = arith.subi %sign3A_1459, %sign3A_1462 : i32
    %sign3A_1464 = arith.constant 0 : i32
    %sign3A_1465 = arith.cmpi sgt, %jit3A_1455, %sign3A_1464 : i32
    %sign3A_1466 = arith.extui %sign3A_1465 : i1 to i32
    %sign3A_1467 = arith.constant 0 : i32
    %sign3A_1468 = arith.cmpi slt, %jit3A_1455, %sign3A_1467 : i32
    %sign3A_1469 = arith.extui %sign3A_1468 : i1 to i32
    %sign3A_1470 = arith.subi %sign3A_1466, %sign3A_1469 : i32
    %ne3A_1471 = arith.cmpi ne, %sign3A_1463, %sign3A_1470 : i32
    %rem3A_1472 = arith.remsi %mul3A_1454, %jit3A_1455 : i32
    %ne3A_1473 = arith.constant 0 : i32
    %ne3A_1474 = arith.cmpi ne, %rem3A_1472, %ne3A_1473 : i32
    %and3A_1475 = arith.andi %ne3A_1471, %ne3A_1474 : i1
    %sub3A_1476 = arith.constant 1 : i32
    %sub3A_1477 = arith.subi %div3A_1456, %sub3A_1476 : i32
    %select_n3A_1478 = arith.select %and3A_1475, %sub3A_1477, %div3A_1456 : i32
    %mul3A_1479 = arith.constant 128 : i32
    %mul3A_1480 = arith.muli %select_n3A_1478, %mul3A_1479 : i32
    %min3A_1481 = arith.constant 961408 : i32
    %min3A_1482 = arith.minsi %mul3A_1480, %min3A_1481 : i32
    %sub3A_1483 = arith.subi %mul3A_1454, %min3A_1482 : i32
    %jit3A_1484 = arith.constant 16 : i32
    %eq3A_1485 = arith.constant 0 : i32
    %eq3A_1486 = arith.cmpi eq, %jit3A_1484, %eq3A_1485 : i32
    %jit3A_1487 = arith.constant 1 : i32
    %select_n3A_1488 = arith.select %eq3A_1486, %jit3A_1487, %jit3A_1484 : i32
    %rem3A_1489 = arith.remsi %add3A_1412, %select_n3A_1488 : i32
    %ne3A_1490 = arith.constant 0 : i32
    %ne3A_1491 = arith.cmpi ne, %rem3A_1489, %ne3A_1490 : i32
    %lt3A_1492 = arith.constant 0 : i32
    %lt3A_1493 = arith.cmpi slt, %rem3A_1489, %lt3A_1492 : i32
    %lt3A_1494 = arith.constant 0 : i32
    %lt3A_1495 = arith.cmpi slt, %select_n3A_1488, %lt3A_1494 : i32
    %ne3A_1496 = arith.xori %lt3A_1493, %lt3A_1495 : i1
    %and3A_1497 = arith.andi %ne3A_1496, %ne3A_1491 : i1
    %add3A_1498 = arith.addi %rem3A_1489, %select_n3A_1488 : i32
    %select_n3A_1499 = arith.select %and3A_1497, %add3A_1498, %rem3A_1489 : i32
    %eq3A_1500 = arith.constant 0 : i32
    %eq3A_1501 = arith.cmpi eq, %select_n3A_1499, %eq3A_1500 : i32
    %convert_element_type3A_1502 = arith.extui %eq3A_1501 : i1 to i32
    %cond3A_1503 = arith.constant 0 : i32
    %cond3A_1504 = arith.cmpi ne, %convert_element_type3A_1502, %cond3A_1503 : i32
    scf.if %cond3A_1504 {
      "tpu.region"() ({
        %run_scoped3A = tpu.sem_alloc : memref<!tpu.dma_semaphore, #tpu.memory_space<semaphore_mem>>
        %dma_start3A_2512 = arith.constant 0 : i32
        %dma_start3A_2513 = tpu.memref_slice %arg2[%select_n3A_1436, %dma_start3A_2512] : memref<26x16384xi32, #tpu.memory_space<hbm>> -> memref<1x16384xi32, #tpu.memory_space<hbm>>
        %dma_start3A_2514 = tpu.memref_squeeze %dma_start3A_2513 : memref<1x16384xi32, #tpu.memory_space<hbm>> -> memref<16384xi32, #tpu.memory_space<hbm>>
        %dma_start3A_2515 = arith.constant 0 : i32
        %dma_start3A_2516 = tpu.memref_slice %arg2[%select_n3A_1436, %dma_start3A_2515] : memref<26x16384xi32, #tpu.memory_space<hbm>> -> memref<1x16384xi32, #tpu.memory_space<hbm>>
        %dma_start3A_2517 = tpu.memref_squeeze %dma_start3A_2516 : memref<1x16384xi32, #tpu.memory_space<hbm>> -> memref<16384xi32, #tpu.memory_space<hbm>>
        tpu.enqueue_dma source(%dma_start3A_2517 : memref<16384xi32, #tpu.memory_space<hbm>>) target(%arg7 : memref<16384xi32, #tpu.memory_space<vmem>>) target_semaphore(%run_scoped3A : memref<!tpu.dma_semaphore, #tpu.memory_space<semaphore_mem>>)
        %dma_wait3A_2518 = arith.constant 0 : i32
        %dma_wait3A_2519 = tpu.memref_slice %arg2[%select_n3A_1436, %dma_wait3A_2518] : memref<26x16384xi32, #tpu.memory_space<hbm>> -> memref<1x16384xi32, #tpu.memory_space<hbm>>
        %dma_wait3A_2520 = tpu.memref_squeeze %dma_wait3A_2519 : memref<1x16384xi32, #tpu.memory_space<hbm>> -> memref<16384xi32, #tpu.memory_space<hbm>>
        %dma_wait3A_2521 = arith.constant 0 : i32
        %dma_wait3A_2522 = tpu.memref_slice %arg2[%select_n3A_1436, %dma_wait3A_2521] : memref<26x16384xi32, #tpu.memory_space<hbm>> -> memref<1x16384xi32, #tpu.memory_space<hbm>>
        %dma_wait3A_2523 = tpu.memref_squeeze %dma_wait3A_2522 : memref<1x16384xi32, #tpu.memory_space<hbm>> -> memref<16384xi32, #tpu.memory_space<hbm>>
        tpu.wait_dma2 semaphore(%run_scoped3A : memref<!tpu.dma_semaphore, #tpu.memory_space<semaphore_mem>>) src(%dma_wait3A_2523 : memref<16384xi32, #tpu.memory_space<hbm>>) dst(%arg7 : memref<16384xi32, #tpu.memory_space<vmem>>)
        tpu.yield
      }) : () -> ()
    } else {
    }
    %mul3A_1505 = arith.constant 13 : i32
    %mul3A_1506 = arith.muli %add3A, %mul3A_1505 : i32
    %add3A_1507 = arith.constant 8 : i32
    %add3A_1508 = arith.addi %mul3A_1506, %add3A_1507 : i32
    %jit3A_1509 = arith.constant 16 : i32
    %div3A_1510 = arith.divsi %add3A_1508, %jit3A_1509 : i32
    %sign3A_1511 = arith.constant 0 : i32
    %sign3A_1512 = arith.cmpi sgt, %add3A_1508, %sign3A_1511 : i32
    %sign3A_1513 = arith.extui %sign3A_1512 : i1 to i32
    %sign3A_1514 = arith.constant 0 : i32
    %sign3A_1515 = arith.cmpi slt, %add3A_1508, %sign3A_1514 : i32
    %sign3A_1516 = arith.extui %sign3A_1515 : i1 to i32
    %sign3A_1517 = arith.subi %sign3A_1513, %sign3A_1516 : i32
    %sign3A_1518 = arith.constant 0 : i32
    %sign3A_1519 = arith.cmpi sgt, %jit3A_1509, %sign3A_1518 : i32
    %sign3A_1520 = arith.extui %sign3A_1519 : i1 to i32
    %sign3A_1521 = arith.constant 0 : i32
    %sign3A_1522 = arith.cmpi slt, %jit3A_1509, %sign3A_1521 : i32
    %sign3A_1523 = arith.extui %sign3A_1522 : i1 to i32
    %sign3A_1524 = arith.subi %sign3A_1520, %sign3A_1523 : i32
    %ne3A_1525 = arith.cmpi ne, %sign3A_1517, %sign3A_1524 : i32
    %rem3A_1526 = arith.remsi %add3A_1508, %jit3A_1509 : i32
    %ne3A_1527 = arith.constant 0 : i32
    %ne3A_1528 = arith.cmpi ne, %rem3A_1526, %ne3A_1527 : i32
    %and3A_1529 = arith.andi %ne3A_1525, %ne3A_1528 : i1
    %sub3A_1530 = arith.constant 1 : i32
    %sub3A_1531 = arith.subi %div3A_1510, %sub3A_1530 : i32
    %select_n3A_1532 = arith.select %and3A_1529, %sub3A_1531, %div3A_1510 : i32
    %jit3A_1533 = arith.constant 16 : i32
    %eq3A_1534 = arith.constant 0 : i32
    %eq3A_1535 = arith.cmpi eq, %jit3A_1533, %eq3A_1534 : i32
    %jit3A_1536 = arith.constant 1 : i32
    %select_n3A_1537 = arith.select %eq3A_1535, %jit3A_1536, %jit3A_1533 : i32
    %rem3A_1538 = arith.remsi %add3A_1508, %select_n3A_1537 : i32
    %ne3A_1539 = arith.constant 0 : i32
    %ne3A_1540 = arith.cmpi ne, %rem3A_1538, %ne3A_1539 : i32
    %lt3A_1541 = arith.constant 0 : i32
    %lt3A_1542 = arith.cmpi slt, %rem3A_1538, %lt3A_1541 : i32
    %lt3A_1543 = arith.constant 0 : i32
    %lt3A_1544 = arith.cmpi slt, %select_n3A_1537, %lt3A_1543 : i32
    %ne3A_1545 = arith.xori %lt3A_1542, %lt3A_1544 : i1
    %and3A_1546 = arith.andi %ne3A_1545, %ne3A_1540 : i1
    %add3A_1547 = arith.addi %rem3A_1538, %select_n3A_1537 : i32
    %select_n3A_1548 = arith.select %and3A_1546, %add3A_1547, %rem3A_1538 : i32
    %mul3A_1549 = arith.constant 38462 : i32
    %mul3A_1550 = arith.muli %select_n3A_1532, %mul3A_1549 : i32
    %jit3A_1551 = arith.constant 128 : i32
    %div3A_1552 = arith.divsi %mul3A_1550, %jit3A_1551 : i32
    %sign3A_1553 = arith.constant 0 : i32
    %sign3A_1554 = arith.cmpi sgt, %mul3A_1550, %sign3A_1553 : i32
    %sign3A_1555 = arith.extui %sign3A_1554 : i1 to i32
    %sign3A_1556 = arith.constant 0 : i32
    %sign3A_1557 = arith.cmpi slt, %mul3A_1550, %sign3A_1556 : i32
    %sign3A_1558 = arith.extui %sign3A_1557 : i1 to i32
    %sign3A_1559 = arith.subi %sign3A_1555, %sign3A_1558 : i32
    %sign3A_1560 = arith.constant 0 : i32
    %sign3A_1561 = arith.cmpi sgt, %jit3A_1551, %sign3A_1560 : i32
    %sign3A_1562 = arith.extui %sign3A_1561 : i1 to i32
    %sign3A_1563 = arith.constant 0 : i32
    %sign3A_1564 = arith.cmpi slt, %jit3A_1551, %sign3A_1563 : i32
    %sign3A_1565 = arith.extui %sign3A_1564 : i1 to i32
    %sign3A_1566 = arith.subi %sign3A_1562, %sign3A_1565 : i32
    %ne3A_1567 = arith.cmpi ne, %sign3A_1559, %sign3A_1566 : i32
    %rem3A_1568 = arith.remsi %mul3A_1550, %jit3A_1551 : i32
    %ne3A_1569 = arith.constant 0 : i32
    %ne3A_1570 = arith.cmpi ne, %rem3A_1568, %ne3A_1569 : i32
    %and3A_1571 = arith.andi %ne3A_1567, %ne3A_1570 : i1
    %sub3A_1572 = arith.constant 1 : i32
    %sub3A_1573 = arith.subi %div3A_1552, %sub3A_1572 : i32
    %select_n3A_1574 = arith.select %and3A_1571, %sub3A_1573, %div3A_1552 : i32
    %mul3A_1575 = arith.constant 128 : i32
    %mul3A_1576 = arith.muli %select_n3A_1574, %mul3A_1575 : i32
    %min3A_1577 = arith.constant 961408 : i32
    %min3A_1578 = arith.minsi %mul3A_1576, %min3A_1577 : i32
    %sub3A_1579 = arith.subi %mul3A_1550, %min3A_1578 : i32
    %dma_start3A_1580 = tpu.memref_slice %arg3[%select_n3A_1548, %min3A_1578] : memref<16x1000012xf32, #tpu.memory_space<hbm>> -> memref<1x38656xf32, #tpu.memory_space<hbm>>
    %dma_start3A_1581 = tpu.memref_squeeze %dma_start3A_1580 : memref<1x38656xf32, #tpu.memory_space<hbm>> -> memref<38656xf32, #tpu.memory_space<hbm>>
    %dma_start3A_1582 = tpu.memref_slice %arg3[%select_n3A_1548, %min3A_1578] : memref<16x1000012xf32, #tpu.memory_space<hbm>> -> memref<1x38656xf32, #tpu.memory_space<hbm>>
    %dma_start3A_1583 = tpu.memref_squeeze %dma_start3A_1582 : memref<1x38656xf32, #tpu.memory_space<hbm>> -> memref<38656xf32, #tpu.memory_space<hbm>>
    tpu.enqueue_dma source(%dma_start3A_1583 : memref<38656xf32, #tpu.memory_space<hbm>>) target(%arg5 : memref<38656xf32, #tpu.memory_space<vmem>>) target_semaphore(%arg9 : memref<!tpu.dma_semaphore, #tpu.memory_space<semaphore_mem>>)
    %dma_wait3A_1584 = tpu.memref_slice %arg3[%select_n3A_1352, %min3A_1382] : memref<16x1000012xf32, #tpu.memory_space<hbm>> -> memref<1x38656xf32, #tpu.memory_space<hbm>>
    %dma_wait3A_1585 = tpu.memref_squeeze %dma_wait3A_1584 : memref<1x38656xf32, #tpu.memory_space<hbm>> -> memref<38656xf32, #tpu.memory_space<hbm>>
    %dma_wait3A_1586 = tpu.memref_slice %arg3[%select_n3A_1352, %min3A_1382] : memref<16x1000012xf32, #tpu.memory_space<hbm>> -> memref<1x38656xf32, #tpu.memory_space<hbm>>
    %dma_wait3A_1587 = tpu.memref_squeeze %dma_wait3A_1586 : memref<1x38656xf32, #tpu.memory_space<hbm>> -> memref<38656xf32, #tpu.memory_space<hbm>>
    tpu.wait_dma2 semaphore(%arg10 : memref<!tpu.dma_semaphore, #tpu.memory_space<semaphore_mem>>) src(%dma_wait3A_1587 : memref<38656xf32, #tpu.memory_space<hbm>>) dst(%arg6 : memref<38656xf32, #tpu.memory_space<vmem>>)
    %dma_wait3A_1588 = arith.constant 0 : i32
    %dma_wait3A_1589 = tpu.memref_slice %arg4[%select_n3A_1240, %select_n3A_1256, %dma_wait3A_1588] : memref<26x16x16384xf32, #tpu.memory_space<hbm>> -> memref<1x1x16384xf32, #tpu.memory_space<hbm>>
    %dma_wait3A_1590 = tpu.memref_squeeze %dma_wait3A_1589 : memref<1x1x16384xf32, #tpu.memory_space<hbm>> -> memref<16384xf32, #tpu.memory_space<hbm>>
    %dma_wait3A_1591 = arith.constant 0 : i32
    %dma_wait3A_1592 = tpu.memref_slice %arg4[%select_n3A_1240, %select_n3A_1256, %dma_wait3A_1591] : memref<26x16x16384xf32, #tpu.memory_space<hbm>> -> memref<1x1x16384xf32, #tpu.memory_space<hbm>>
    %dma_wait3A_1593 = tpu.memref_squeeze %dma_wait3A_1592 : memref<1x1x16384xf32, #tpu.memory_space<hbm>> -> memref<16384xf32, #tpu.memory_space<hbm>>
    tpu.wait_dma2 semaphore(%arg11 : memref<!tpu.dma_semaphore, #tpu.memory_space<semaphore_mem>>) src(%arg8 : memref<16384xf32, #tpu.memory_space<vmem>>) dst(%dma_wait3A_1593 : memref<16384xf32, #tpu.memory_space<hbm>>)
    %scan3A_1594 = arith.constant 0 : i32
    %scan3A_1595 = arith.constant 128 : i32
    %scan3A_1596 = arith.addi %scan3A_1594, %scan3A_1595 : i32
    %scan3A_1597 = arith.constant 1 : i32
    scf.for %scan3A_2512 = %scan3A_1594 to %scan3A_1596 step %scan3A_1597  : i32 {
      %mul3A_2513 = arith.constant 128 : i32
      %mul3A_2514 = arith.muli %scan3A_2512, %mul3A_2513 : i32
      %add3A_2515 = arith.constant 0 : i32
      %add3A_2516 = arith.addi %mul3A_2514, %add3A_2515 : i32
      %get3A = arith.index_cast %add3A_2516 : i32 to index
      %get3A_2517 = tpu.vector_load %arg7[%get3A] {strides = array<i32>} : memref<16384xi32, #tpu.memory_space<vmem>>, vector<16xi32>,
      %add3A_2518 = vector.broadcast %sub3A_1483 : i32 to vector<16xi32>
      %add3A_2519 = arith.addi %get3A_2517, %add3A_2518 : vector<16xi32>
      %gather3A = tpu.vector_load_idx %arg6[%add3A_2519] : memref<38656xf32, #tpu.memory_space<vmem>>[vector<16xi32>], vector<16xf32>,
      %add3A_2520 = arith.constant 16 : i32
      %add3A_2521 = arith.addi %mul3A_2514, %add3A_2520 : i32
      %get3A_2522 = arith.index_cast %add3A_2521 : i32 to index
      %get3A_2523 = tpu.vector_load %arg7[%get3A_2522] {strides = array<i32>} : memref<16384xi32, #tpu.memory_space<vmem>>, vector<16xi32>,
      %add3A_2524 = vector.broadcast %sub3A_1483 : i32 to vector<16xi32>
      %add3A_2525 = arith.addi %get3A_2523, %add3A_2524 : vector<16xi32>
      %gather3A_2526 = tpu.vector_load_idx %arg6[%add3A_2525] : memref<38656xf32, #tpu.memory_space<vmem>>[vector<16xi32>], vector<16xf32>,
      %add3A_2527 = arith.constant 32 : i32
      %add3A_2528 = arith.addi %mul3A_2514, %add3A_2527 : i32
      %get3A_2529 = arith.index_cast %add3A_2528 : i32 to index
      %get3A_2530 = tpu.vector_load %arg7[%get3A_2529] {strides = array<i32>} : memref<16384xi32, #tpu.memory_space<vmem>>, vector<16xi32>,
      %add3A_2531 = vector.broadcast %sub3A_1483 : i32 to vector<16xi32>
      %add3A_2532 = arith.addi %get3A_2530, %add3A_2531 : vector<16xi32>
      %gather3A_2533 = tpu.vector_load_idx %arg6[%add3A_2532] : memref<38656xf32, #tpu.memory_space<vmem>>[vector<16xi32>], vector<16xf32>,
      %add3A_2534 = arith.constant 48 : i32
      %add3A_2535 = arith.addi %mul3A_2514, %add3A_2534 : i32
      %get3A_2536 = arith.index_cast %add3A_2535 : i32 to index
      %get3A_2537 = tpu.vector_load %arg7[%get3A_2536] {strides = array<i32>} : memref<16384xi32, #tpu.memory_space<vmem>>, vector<16xi32>,
      %add3A_2538 = vector.broadcast %sub3A_1483 : i32 to vector<16xi32>
      %add3A_2539 = arith.addi %get3A_2537, %add3A_2538 : vector<16xi32>
      %gather3A_2540 = tpu.vector_load_idx %arg6[%add3A_2539] : memref<38656xf32, #tpu.memory_space<vmem>>[vector<16xi32>], vector<16xf32>,
      %add3A_2541 = arith.constant 64 : i32
      %add3A_2542 = arith.addi %mul3A_2514, %add3A_2541 : i32
      %get3A_2543 = arith.index_cast %add3A_2542 : i32 to index
      %get3A_2544 = tpu.vector_load %arg7[%get3A_2543] {strides = array<i32>} : memref<16384xi32, #tpu.memory_space<vmem>>, vector<16xi32>,
      %add3A_2545 = vector.broadcast %sub3A_1483 : i32 to vector<16xi32>
      %add3A_2546 = arith.addi %get3A_2544, %add3A_2545 : vector<16xi32>
      %gather3A_2547 = tpu.vector_load_idx %arg6[%add3A_2546] : memref<38656xf32, #tpu.memory_space<vmem>>[vector<16xi32>], vector<16xf32>,
      %add3A_2548 = arith.constant 80 : i32
      %add3A_2549 = arith.addi %mul3A_2514, %add3A_2548 : i32
      %get3A_2550 = arith.index_cast %add3A_2549 : i32 to index
      %get3A_2551 = tpu.vector_load %arg7[%get3A_2550] {strides = array<i32>} : memref<16384xi32, #tpu.memory_space<vmem>>, vector<16xi32>,
      %add3A_2552 = vector.broadcast %sub3A_1483 : i32 to vector<16xi32>
      %add3A_2553 = arith.addi %get3A_2551, %add3A_2552 : vector<16xi32>
      %gather3A_2554 = tpu.vector_load_idx %arg6[%add3A_2553] : memref<38656xf32, #tpu.memory_space<vmem>>[vector<16xi32>], vector<16xf32>,
      %add3A_2555 = arith.constant 96 : i32
      %add3A_2556 = arith.addi %mul3A_2514, %add3A_2555 : i32
      %get3A_2557 = arith.index_cast %add3A_2556 : i32 to index
      %get3A_2558 = tpu.vector_load %arg7[%get3A_2557] {strides = array<i32>} : memref<16384xi32, #tpu.memory_space<vmem>>, vector<16xi32>,
      %add3A_2559 = vector.broadcast %sub3A_1483 : i32 to vector<16xi32>
      %add3A_2560 = arith.addi %get3A_2558, %add3A_2559 : vector<16xi32>
      %gather3A_2561 = tpu.vector_load_idx %arg6[%add3A_2560] : memref<38656xf32, #tpu.memory_space<vmem>>[vector<16xi32>], vector<16xf32>,
      %add3A_2562 = arith.constant 112 : i32
      %add3A_2563 = arith.addi %mul3A_2514, %add3A_2562 : i32
      %get3A_2564 = arith.index_cast %add3A_2563 : i32 to index
      %get3A_2565 = tpu.vector_load %arg7[%get3A_2564] {strides = array<i32>} : memref<16384xi32, #tpu.memory_space<vmem>>, vector<16xi32>,
      %add3A_2566 = vector.broadcast %sub3A_1483 : i32 to vector<16xi32>
      %add3A_2567 = arith.addi %get3A_2565, %add3A_2566 : vector<16xi32>
      %gather3A_2568 = tpu.vector_load_idx %arg6[%add3A_2567] : memref<38656xf32, #tpu.memory_space<vmem>>[vector<16xi32>], vector<16xf32>,
      %add3A_2569 = arith.constant 0 : i32
      %add3A_2570 = arith.addi %mul3A_2514, %add3A_2569 : i32
      %swap3A = arith.index_cast %add3A_2570 : i32 to index
      %swap3A_2571 = tpu.vector_load %arg8[%swap3A] {strides = array<i32>} : memref<16384xf32, #tpu.memory_space<vmem>>, vector<16xf32>,
      tpu.vector_store %arg8[%swap3A], %gather3A {strides = array<i32>} : memref<16384xf32, #tpu.memory_space<vmem>>, vector<16xf32>,
      %add3A_2572 = arith.constant 16 : i32
      %add3A_2573 = arith.addi %mul3A_2514, %add3A_2572 : i32
      %swap3A_2574 = arith.index_cast %add3A_2573 : i32 to index
      %swap3A_2575 = tpu.vector_load %arg8[%swap3A_2574] {strides = array<i32>} : memref<16384xf32, #tpu.memory_space<vmem>>, vector<16xf32>,
      tpu.vector_store %arg8[%swap3A_2574], %gather3A_2526 {strides = array<i32>} : memref<16384xf32, #tpu.memory_space<vmem>>, vector<16xf32>,
      %add3A_2576 = arith.constant 32 : i32
      %add3A_2577 = arith.addi %mul3A_2514, %add3A_2576 : i32
      %swap3A_2578 = arith.index_cast %add3A_2577 : i32 to index
      %swap3A_2579 = tpu.vector_load %arg8[%swap3A_2578] {strides = array<i32>} : memref<16384xf32, #tpu.memory_space<vmem>>, vector<16xf32>,
      tpu.vector_store %arg8[%swap3A_2578], %gather3A_2533 {strides = array<i32>} : memref<16384xf32, #tpu.memory_space<vmem>>, vector<16xf32>,
      %add3A_2580 = arith.constant 48 : i32
      %add3A_2581 = arith.addi %mul3A_2514, %add3A_2580 : i32
      %swap3A_2582 = arith.index_cast %add3A_2581 : i32 to index
      %swap3A_2583 = tpu.vector_load %arg8[%swap3A_2582] {strides = array<i32>} : memref<16384xf32, #tpu.memory_space<vmem>>, vector<16xf32>,
      tpu.vector_store %arg8[%swap3A_2582], %gather3A_2540 {strides = array<i32>} : memref<16384xf32, #tpu.memory_space<vmem>>, vector<16xf32>,
      %add3A_2584 = arith.constant 64 : i32
      %add3A_2585 = arith.addi %mul3A_2514, %add3A_2584 : i32
      %swap3A_2586 = arith.index_cast %add3A_2585 : i32 to index
      %swap3A_2587 = tpu.vector_load %arg8[%swap3A_2586] {strides = array<i32>} : memref<16384xf32, #tpu.memory_space<vmem>>, vector<16xf32>,
      tpu.vector_store %arg8[%swap3A_2586], %gather3A_2547 {strides = array<i32>} : memref<16384xf32, #tpu.memory_space<vmem>>, vector<16xf32>,
      %add3A_2588 = arith.constant 80 : i32
      %add3A_2589 = arith.addi %mul3A_2514, %add3A_2588 : i32
      %swap3A_2590 = arith.index_cast %add3A_2589 : i32 to index
      %swap3A_2591 = tpu.vector_load %arg8[%swap3A_2590] {strides = array<i32>} : memref<16384xf32, #tpu.memory_space<vmem>>, vector<16xf32>,
      tpu.vector_store %arg8[%swap3A_2590], %gather3A_2554 {strides = array<i32>} : memref<16384xf32, #tpu.memory_space<vmem>>, vector<16xf32>,
      %add3A_2592 = arith.constant 96 : i32
      %add3A_2593 = arith.addi %mul3A_2514, %add3A_2592 : i32
      %swap3A_2594 = arith.index_cast %add3A_2593 : i32 to index
      %swap3A_2595 = tpu.vector_load %arg8[%swap3A_2594] {strides = array<i32>} : memref<16384xf32, #tpu.memory_space<vmem>>, vector<16xf32>,
      tpu.vector_store %arg8[%swap3A_2594], %gather3A_2561 {strides = array<i32>} : memref<16384xf32, #tpu.memory_space<vmem>>, vector<16xf32>,
      %add3A_2596 = arith.constant 112 : i32
      %add3A_2597 = arith.addi %mul3A_2514, %add3A_2596 : i32
      %swap3A_2598 = arith.index_cast %add3A_2597 : i32 to index
      %swap3A_2599 = tpu.vector_load %arg8[%swap3A_2598] {strides = array<i32>} : memref<16384xf32, #tpu.memory_space<vmem>>, vector<16xf32>,
      tpu.vector_store %arg8[%swap3A_2598], %gather3A_2568 {strides = array<i32>} : memref<16384xf32, #tpu.memory_space<vmem>>, vector<16xf32>,
    }
    %scan3A_1598 = arith.constant 128 : i32
    %dma_start3A_1599 = arith.constant 0 : i32
    %dma_start3A_1600 = tpu.memref_slice %arg4[%select_n3A_1436, %select_n3A_1452, %dma_start3A_1599] : memref<26x16x16384xf32, #tpu.memory_space<hbm>> -> memref<1x1x16384xf32, #tpu.memory_space<hbm>>
    %dma_start3A_1601 = tpu.memref_squeeze %dma_start3A_1600 : memref<1x1x16384xf32, #tpu.memory_space<hbm>> -> memref<16384xf32, #tpu.memory_space<hbm>>
    %dma_start3A_1602 = arith.constant 0 : i32
    %dma_start3A_1603 = tpu.memref_slice %arg4[%select_n3A_1436, %select_n3A_1452, %dma_start3A_1602] : memref<26x16x16384xf32, #tpu.memory_space<hbm>> -> memref<1x1x16384xf32, #tpu.memory_space<hbm>>
    %dma_start3A_1604 = tpu.memref_squeeze %dma_start3A_1603 : memref<1x1x16384xf32, #tpu.memory_space<hbm>> -> memref<16384xf32, #tpu.memory_space<hbm>>
    tpu.enqueue_dma source(%arg8 : memref<16384xf32, #tpu.memory_space<vmem>>) target(%dma_start3A_1604 : memref<16384xf32, #tpu.memory_space<hbm>>) target_semaphore(%arg11 : memref<!tpu.dma_semaphore, #tpu.memory_space<semaphore_mem>>)
    %mul3A_1605 = arith.constant 13 : i32
    %mul3A_1606 = arith.muli %add3A, %mul3A_1605 : i32
    %add3A_1607 = arith.constant 8 : i32
    %add3A_1608 = arith.addi %mul3A_1606, %add3A_1607 : i32
    %jit3A_1609 = arith.constant 16 : i32
    %div3A_1610 = arith.divsi %add3A_1608, %jit3A_1609 : i32
    %sign3A_1611 = arith.constant 0 : i32
    %sign3A_1612 = arith.cmpi sgt, %add3A_1608, %sign3A_1611 : i32
    %sign3A_1613 = arith.extui %sign3A_1612 : i1 to i32
    %sign3A_1614 = arith.constant 0 : i32
    %sign3A_1615 = arith.cmpi slt, %add3A_1608, %sign3A_1614 : i32
    %sign3A_1616 = arith.extui %sign3A_1615 : i1 to i32
    %sign3A_1617 = arith.subi %sign3A_1613, %sign3A_1616 : i32
    %sign3A_1618 = arith.constant 0 : i32
    %sign3A_1619 = arith.cmpi sgt, %jit3A_1609, %sign3A_1618 : i32
    %sign3A_1620 = arith.extui %sign3A_1619 : i1 to i32
    %sign3A_1621 = arith.constant 0 : i32
    %sign3A_1622 = arith.cmpi slt, %jit3A_1609, %sign3A_1621 : i32
    %sign3A_1623 = arith.extui %sign3A_1622 : i1 to i32
    %sign3A_1624 = arith.subi %sign3A_1620, %sign3A_1623 : i32
    %ne3A_1625 = arith.cmpi ne, %sign3A_1617, %sign3A_1624 : i32
    %rem3A_1626 = arith.remsi %add3A_1608, %jit3A_1609 : i32
    %ne3A_1627 = arith.constant 0 : i32
    %ne3A_1628 = arith.cmpi ne, %rem3A_1626, %ne3A_1627 : i32
    %and3A_1629 = arith.andi %ne3A_1625, %ne3A_1628 : i1
    %sub3A_1630 = arith.constant 1 : i32
    %sub3A_1631 = arith.subi %div3A_1610, %sub3A_1630 : i32
    %select_n3A_1632 = arith.select %and3A_1629, %sub3A_1631, %div3A_1610 : i32
    %jit3A_1633 = arith.constant 16 : i32
    %eq3A_1634 = arith.constant 0 : i32
    %eq3A_1635 = arith.cmpi eq, %jit3A_1633, %eq3A_1634 : i32
    %jit3A_1636 = arith.constant 1 : i32
    %select_n3A_1637 = arith.select %eq3A_1635, %jit3A_1636, %jit3A_1633 : i32
    %rem3A_1638 = arith.remsi %add3A_1608, %select_n3A_1637 : i32
    %ne3A_1639 = arith.constant 0 : i32
    %ne3A_1640 = arith.cmpi ne, %rem3A_1638, %ne3A_1639 : i32
    %lt3A_1641 = arith.constant 0 : i32
    %lt3A_1642 = arith.cmpi slt, %rem3A_1638, %lt3A_1641 : i32
    %lt3A_1643 = arith.constant 0 : i32
    %lt3A_1644 = arith.cmpi slt, %select_n3A_1637, %lt3A_1643 : i32
    %ne3A_1645 = arith.xori %lt3A_1642, %lt3A_1644 : i1
    %and3A_1646 = arith.andi %ne3A_1645, %ne3A_1640 : i1
    %add3A_1647 = arith.addi %rem3A_1638, %select_n3A_1637 : i32
    %select_n3A_1648 = arith.select %and3A_1646, %add3A_1647, %rem3A_1638 : i32
    %mul3A_1649 = arith.constant 38462 : i32
    %mul3A_1650 = arith.muli %select_n3A_1632, %mul3A_1649 : i32
    %jit3A_1651 = arith.constant 128 : i32
    %div3A_1652 = arith.divsi %mul3A_1650, %jit3A_1651 : i32
    %sign3A_1653 = arith.constant 0 : i32
    %sign3A_1654 = arith.cmpi sgt, %mul3A_1650, %sign3A_1653 : i32
    %sign3A_1655 = arith.extui %sign3A_1654 : i1 to i32
    %sign3A_1656 = arith.constant 0 : i32
    %sign3A_1657 = arith.cmpi slt, %mul3A_1650, %sign3A_1656 : i32
    %sign3A_1658 = arith.extui %sign3A_1657 : i1 to i32
    %sign3A_1659 = arith.subi %sign3A_1655, %sign3A_1658 : i32
    %sign3A_1660 = arith.constant 0 : i32
    %sign3A_1661 = arith.cmpi sgt, %jit3A_1651, %sign3A_1660 : i32
    %sign3A_1662 = arith.extui %sign3A_1661 : i1 to i32
    %sign3A_1663 = arith.constant 0 : i32
    %sign3A_1664 = arith.cmpi slt, %jit3A_1651, %sign3A_1663 : i32
    %sign3A_1665 = arith.extui %sign3A_1664 : i1 to i32
    %sign3A_1666 = arith.subi %sign3A_1662, %sign3A_1665 : i32
    %ne3A_1667 = arith.cmpi ne, %sign3A_1659, %sign3A_1666 : i32
    %rem3A_1668 = arith.remsi %mul3A_1650, %jit3A_1651 : i32
    %ne3A_1669 = arith.constant 0 : i32
    %ne3A_1670 = arith.cmpi ne, %rem3A_1668, %ne3A_1669 : i32
    %and3A_1671 = arith.andi %ne3A_1667, %ne3A_1670 : i1
    %sub3A_1672 = arith.constant 1 : i32
    %sub3A_1673 = arith.subi %div3A_1652, %sub3A_1672 : i32
    %select_n3A_1674 = arith.select %and3A_1671, %sub3A_1673, %div3A_1652 : i32
    %mul3A_1675 = arith.constant 128 : i32
    %mul3A_1676 = arith.muli %select_n3A_1674, %mul3A_1675 : i32
    %min3A_1677 = arith.constant 961408 : i32
    %min3A_1678 = arith.minsi %mul3A_1676, %min3A_1677 : i32
    %sub3A_1679 = arith.subi %mul3A_1650, %min3A_1678 : i32
    %jit3A_1680 = arith.constant 16 : i32
    %eq3A_1681 = arith.constant 0 : i32
    %eq3A_1682 = arith.cmpi eq, %jit3A_1680, %eq3A_1681 : i32
    %jit3A_1683 = arith.constant 1 : i32
    %select_n3A_1684 = arith.select %eq3A_1682, %jit3A_1683, %jit3A_1680 : i32
    %rem3A_1685 = arith.remsi %add3A_1608, %select_n3A_1684 : i32
    %ne3A_1686 = arith.constant 0 : i32
    %ne3A_1687 = arith.cmpi ne, %rem3A_1685, %ne3A_1686 : i32
    %lt3A_1688 = arith.constant 0 : i32
    %lt3A_1689 = arith.cmpi slt, %rem3A_1685, %lt3A_1688 : i32
    %lt3A_1690 = arith.constant 0 : i32
    %lt3A_1691 = arith.cmpi slt, %select_n3A_1684, %lt3A_1690 : i32
    %ne3A_1692 = arith.xori %lt3A_1689, %lt3A_1691 : i1
    %and3A_1693 = arith.andi %ne3A_1692, %ne3A_1687 : i1
    %add3A_1694 = arith.addi %rem3A_1685, %select_n3A_1684 : i32
    %select_n3A_1695 = arith.select %and3A_1693, %add3A_1694, %rem3A_1685 : i32
    %eq3A_1696 = arith.constant 0 : i32
    %eq3A_1697 = arith.cmpi eq, %select_n3A_1695, %eq3A_1696 : i32
    %convert_element_type3A_1698 = arith.extui %eq3A_1697 : i1 to i32
    %cond3A_1699 = arith.constant 0 : i32
    %cond3A_1700 = arith.cmpi ne, %convert_element_type3A_1698, %cond3A_1699 : i32
    scf.if %cond3A_1700 {
      "tpu.region"() ({
        %run_scoped3A = tpu.sem_alloc : memref<!tpu.dma_semaphore, #tpu.memory_space<semaphore_mem>>
        %dma_start3A_2512 = arith.constant 0 : i32
        %dma_start3A_2513 = tpu.memref_slice %arg2[%select_n3A_1632, %dma_start3A_2512] : memref<26x16384xi32, #tpu.memory_space<hbm>> -> memref<1x16384xi32, #tpu.memory_space<hbm>>
        %dma_start3A_2514 = tpu.memref_squeeze %dma_start3A_2513 : memref<1x16384xi32, #tpu.memory_space<hbm>> -> memref<16384xi32, #tpu.memory_space<hbm>>
        %dma_start3A_2515 = arith.constant 0 : i32
        %dma_start3A_2516 = tpu.memref_slice %arg2[%select_n3A_1632, %dma_start3A_2515] : memref<26x16384xi32, #tpu.memory_space<hbm>> -> memref<1x16384xi32, #tpu.memory_space<hbm>>
        %dma_start3A_2517 = tpu.memref_squeeze %dma_start3A_2516 : memref<1x16384xi32, #tpu.memory_space<hbm>> -> memref<16384xi32, #tpu.memory_space<hbm>>
        tpu.enqueue_dma source(%dma_start3A_2517 : memref<16384xi32, #tpu.memory_space<hbm>>) target(%arg7 : memref<16384xi32, #tpu.memory_space<vmem>>) target_semaphore(%run_scoped3A : memref<!tpu.dma_semaphore, #tpu.memory_space<semaphore_mem>>)
        %dma_wait3A_2518 = arith.constant 0 : i32
        %dma_wait3A_2519 = tpu.memref_slice %arg2[%select_n3A_1632, %dma_wait3A_2518] : memref<26x16384xi32, #tpu.memory_space<hbm>> -> memref<1x16384xi32, #tpu.memory_space<hbm>>
        %dma_wait3A_2520 = tpu.memref_squeeze %dma_wait3A_2519 : memref<1x16384xi32, #tpu.memory_space<hbm>> -> memref<16384xi32, #tpu.memory_space<hbm>>
        %dma_wait3A_2521 = arith.constant 0 : i32
        %dma_wait3A_2522 = tpu.memref_slice %arg2[%select_n3A_1632, %dma_wait3A_2521] : memref<26x16384xi32, #tpu.memory_space<hbm>> -> memref<1x16384xi32, #tpu.memory_space<hbm>>
        %dma_wait3A_2523 = tpu.memref_squeeze %dma_wait3A_2522 : memref<1x16384xi32, #tpu.memory_space<hbm>> -> memref<16384xi32, #tpu.memory_space<hbm>>
        tpu.wait_dma2 semaphore(%run_scoped3A : memref<!tpu.dma_semaphore, #tpu.memory_space<semaphore_mem>>) src(%dma_wait3A_2523 : memref<16384xi32, #tpu.memory_space<hbm>>) dst(%arg7 : memref<16384xi32, #tpu.memory_space<vmem>>)
        tpu.yield
      }) : () -> ()
    } else {
    }
    %mul3A_1701 = arith.constant 13 : i32
    %mul3A_1702 = arith.muli %add3A, %mul3A_1701 : i32
    %add3A_1703 = arith.constant 9 : i32
    %add3A_1704 = arith.addi %mul3A_1702, %add3A_1703 : i32
    %jit3A_1705 = arith.constant 16 : i32
    %div3A_1706 = arith.divsi %add3A_1704, %jit3A_1705 : i32
    %sign3A_1707 = arith.constant 0 : i32
    %sign3A_1708 = arith.cmpi sgt, %add3A_1704, %sign3A_1707 : i32
    %sign3A_1709 = arith.extui %sign3A_1708 : i1 to i32
    %sign3A_1710 = arith.constant 0 : i32
    %sign3A_1711 = arith.cmpi slt, %add3A_1704, %sign3A_1710 : i32
    %sign3A_1712 = arith.extui %sign3A_1711 : i1 to i32
    %sign3A_1713 = arith.subi %sign3A_1709, %sign3A_1712 : i32
    %sign3A_1714 = arith.constant 0 : i32
    %sign3A_1715 = arith.cmpi sgt, %jit3A_1705, %sign3A_1714 : i32
    %sign3A_1716 = arith.extui %sign3A_1715 : i1 to i32
    %sign3A_1717 = arith.constant 0 : i32
    %sign3A_1718 = arith.cmpi slt, %jit3A_1705, %sign3A_1717 : i32
    %sign3A_1719 = arith.extui %sign3A_1718 : i1 to i32
    %sign3A_1720 = arith.subi %sign3A_1716, %sign3A_1719 : i32
    %ne3A_1721 = arith.cmpi ne, %sign3A_1713, %sign3A_1720 : i32
    %rem3A_1722 = arith.remsi %add3A_1704, %jit3A_1705 : i32
    %ne3A_1723 = arith.constant 0 : i32
    %ne3A_1724 = arith.cmpi ne, %rem3A_1722, %ne3A_1723 : i32
    %and3A_1725 = arith.andi %ne3A_1721, %ne3A_1724 : i1
    %sub3A_1726 = arith.constant 1 : i32
    %sub3A_1727 = arith.subi %div3A_1706, %sub3A_1726 : i32
    %select_n3A_1728 = arith.select %and3A_1725, %sub3A_1727, %div3A_1706 : i32
    %jit3A_1729 = arith.constant 16 : i32
    %eq3A_1730 = arith.constant 0 : i32
    %eq3A_1731 = arith.cmpi eq, %jit3A_1729, %eq3A_1730 : i32
    %jit3A_1732 = arith.constant 1 : i32
    %select_n3A_1733 = arith.select %eq3A_1731, %jit3A_1732, %jit3A_1729 : i32
    %rem3A_1734 = arith.remsi %add3A_1704, %select_n3A_1733 : i32
    %ne3A_1735 = arith.constant 0 : i32
    %ne3A_1736 = arith.cmpi ne, %rem3A_1734, %ne3A_1735 : i32
    %lt3A_1737 = arith.constant 0 : i32
    %lt3A_1738 = arith.cmpi slt, %rem3A_1734, %lt3A_1737 : i32
    %lt3A_1739 = arith.constant 0 : i32
    %lt3A_1740 = arith.cmpi slt, %select_n3A_1733, %lt3A_1739 : i32
    %ne3A_1741 = arith.xori %lt3A_1738, %lt3A_1740 : i1
    %and3A_1742 = arith.andi %ne3A_1741, %ne3A_1736 : i1
    %add3A_1743 = arith.addi %rem3A_1734, %select_n3A_1733 : i32
    %select_n3A_1744 = arith.select %and3A_1742, %add3A_1743, %rem3A_1734 : i32
    %mul3A_1745 = arith.constant 38462 : i32
    %mul3A_1746 = arith.muli %select_n3A_1728, %mul3A_1745 : i32
    %jit3A_1747 = arith.constant 128 : i32
    %div3A_1748 = arith.divsi %mul3A_1746, %jit3A_1747 : i32
    %sign3A_1749 = arith.constant 0 : i32
    %sign3A_1750 = arith.cmpi sgt, %mul3A_1746, %sign3A_1749 : i32
    %sign3A_1751 = arith.extui %sign3A_1750 : i1 to i32
    %sign3A_1752 = arith.constant 0 : i32
    %sign3A_1753 = arith.cmpi slt, %mul3A_1746, %sign3A_1752 : i32
    %sign3A_1754 = arith.extui %sign3A_1753 : i1 to i32
    %sign3A_1755 = arith.subi %sign3A_1751, %sign3A_1754 : i32
    %sign3A_1756 = arith.constant 0 : i32
    %sign3A_1757 = arith.cmpi sgt, %jit3A_1747, %sign3A_1756 : i32
    %sign3A_1758 = arith.extui %sign3A_1757 : i1 to i32
    %sign3A_1759 = arith.constant 0 : i32
    %sign3A_1760 = arith.cmpi slt, %jit3A_1747, %sign3A_1759 : i32
    %sign3A_1761 = arith.extui %sign3A_1760 : i1 to i32
    %sign3A_1762 = arith.subi %sign3A_1758, %sign3A_1761 : i32
    %ne3A_1763 = arith.cmpi ne, %sign3A_1755, %sign3A_1762 : i32
    %rem3A_1764 = arith.remsi %mul3A_1746, %jit3A_1747 : i32
    %ne3A_1765 = arith.constant 0 : i32
    %ne3A_1766 = arith.cmpi ne, %rem3A_1764, %ne3A_1765 : i32
    %and3A_1767 = arith.andi %ne3A_1763, %ne3A_1766 : i1
    %sub3A_1768 = arith.constant 1 : i32
    %sub3A_1769 = arith.subi %div3A_1748, %sub3A_1768 : i32
    %select_n3A_1770 = arith.select %and3A_1767, %sub3A_1769, %div3A_1748 : i32
    %mul3A_1771 = arith.constant 128 : i32
    %mul3A_1772 = arith.muli %select_n3A_1770, %mul3A_1771 : i32
    %min3A_1773 = arith.constant 961408 : i32
    %min3A_1774 = arith.minsi %mul3A_1772, %min3A_1773 : i32
    %sub3A_1775 = arith.subi %mul3A_1746, %min3A_1774 : i32
    %dma_start3A_1776 = tpu.memref_slice %arg3[%select_n3A_1744, %min3A_1774] : memref<16x1000012xf32, #tpu.memory_space<hbm>> -> memref<1x38656xf32, #tpu.memory_space<hbm>>
    %dma_start3A_1777 = tpu.memref_squeeze %dma_start3A_1776 : memref<1x38656xf32, #tpu.memory_space<hbm>> -> memref<38656xf32, #tpu.memory_space<hbm>>
    %dma_start3A_1778 = tpu.memref_slice %arg3[%select_n3A_1744, %min3A_1774] : memref<16x1000012xf32, #tpu.memory_space<hbm>> -> memref<1x38656xf32, #tpu.memory_space<hbm>>
    %dma_start3A_1779 = tpu.memref_squeeze %dma_start3A_1778 : memref<1x38656xf32, #tpu.memory_space<hbm>> -> memref<38656xf32, #tpu.memory_space<hbm>>
    tpu.enqueue_dma source(%dma_start3A_1779 : memref<38656xf32, #tpu.memory_space<hbm>>) target(%arg6 : memref<38656xf32, #tpu.memory_space<vmem>>) target_semaphore(%arg10 : memref<!tpu.dma_semaphore, #tpu.memory_space<semaphore_mem>>)
    %dma_wait3A_1780 = tpu.memref_slice %arg3[%select_n3A_1548, %min3A_1578] : memref<16x1000012xf32, #tpu.memory_space<hbm>> -> memref<1x38656xf32, #tpu.memory_space<hbm>>
    %dma_wait3A_1781 = tpu.memref_squeeze %dma_wait3A_1780 : memref<1x38656xf32, #tpu.memory_space<hbm>> -> memref<38656xf32, #tpu.memory_space<hbm>>
    %dma_wait3A_1782 = tpu.memref_slice %arg3[%select_n3A_1548, %min3A_1578] : memref<16x1000012xf32, #tpu.memory_space<hbm>> -> memref<1x38656xf32, #tpu.memory_space<hbm>>
    %dma_wait3A_1783 = tpu.memref_squeeze %dma_wait3A_1782 : memref<1x38656xf32, #tpu.memory_space<hbm>> -> memref<38656xf32, #tpu.memory_space<hbm>>
    tpu.wait_dma2 semaphore(%arg9 : memref<!tpu.dma_semaphore, #tpu.memory_space<semaphore_mem>>) src(%dma_wait3A_1783 : memref<38656xf32, #tpu.memory_space<hbm>>) dst(%arg5 : memref<38656xf32, #tpu.memory_space<vmem>>)
    %dma_wait3A_1784 = arith.constant 0 : i32
    %dma_wait3A_1785 = tpu.memref_slice %arg4[%select_n3A_1436, %select_n3A_1452, %dma_wait3A_1784] : memref<26x16x16384xf32, #tpu.memory_space<hbm>> -> memref<1x1x16384xf32, #tpu.memory_space<hbm>>
    %dma_wait3A_1786 = tpu.memref_squeeze %dma_wait3A_1785 : memref<1x1x16384xf32, #tpu.memory_space<hbm>> -> memref<16384xf32, #tpu.memory_space<hbm>>
    %dma_wait3A_1787 = arith.constant 0 : i32
    %dma_wait3A_1788 = tpu.memref_slice %arg4[%select_n3A_1436, %select_n3A_1452, %dma_wait3A_1787] : memref<26x16x16384xf32, #tpu.memory_space<hbm>> -> memref<1x1x16384xf32, #tpu.memory_space<hbm>>
    %dma_wait3A_1789 = tpu.memref_squeeze %dma_wait3A_1788 : memref<1x1x16384xf32, #tpu.memory_space<hbm>> -> memref<16384xf32, #tpu.memory_space<hbm>>
    tpu.wait_dma2 semaphore(%arg11 : memref<!tpu.dma_semaphore, #tpu.memory_space<semaphore_mem>>) src(%arg8 : memref<16384xf32, #tpu.memory_space<vmem>>) dst(%dma_wait3A_1789 : memref<16384xf32, #tpu.memory_space<hbm>>)
    %scan3A_1790 = arith.constant 0 : i32
    %scan3A_1791 = arith.constant 128 : i32
    %scan3A_1792 = arith.addi %scan3A_1790, %scan3A_1791 : i32
    %scan3A_1793 = arith.constant 1 : i32
    scf.for %scan3A_2512 = %scan3A_1790 to %scan3A_1792 step %scan3A_1793  : i32 {
      %mul3A_2513 = arith.constant 128 : i32
      %mul3A_2514 = arith.muli %scan3A_2512, %mul3A_2513 : i32
      %add3A_2515 = arith.constant 0 : i32
      %add3A_2516 = arith.addi %mul3A_2514, %add3A_2515 : i32
      %get3A = arith.index_cast %add3A_2516 : i32 to index
      %get3A_2517 = tpu.vector_load %arg7[%get3A] {strides = array<i32>} : memref<16384xi32, #tpu.memory_space<vmem>>, vector<16xi32>,
      %add3A_2518 = vector.broadcast %sub3A_1679 : i32 to vector<16xi32>
      %add3A_2519 = arith.addi %get3A_2517, %add3A_2518 : vector<16xi32>
      %gather3A = tpu.vector_load_idx %arg5[%add3A_2519] : memref<38656xf32, #tpu.memory_space<vmem>>[vector<16xi32>], vector<16xf32>,
      %add3A_2520 = arith.constant 16 : i32
      %add3A_2521 = arith.addi %mul3A_2514, %add3A_2520 : i32
      %get3A_2522 = arith.index_cast %add3A_2521 : i32 to index
      %get3A_2523 = tpu.vector_load %arg7[%get3A_2522] {strides = array<i32>} : memref<16384xi32, #tpu.memory_space<vmem>>, vector<16xi32>,
      %add3A_2524 = vector.broadcast %sub3A_1679 : i32 to vector<16xi32>
      %add3A_2525 = arith.addi %get3A_2523, %add3A_2524 : vector<16xi32>
      %gather3A_2526 = tpu.vector_load_idx %arg5[%add3A_2525] : memref<38656xf32, #tpu.memory_space<vmem>>[vector<16xi32>], vector<16xf32>,
      %add3A_2527 = arith.constant 32 : i32
      %add3A_2528 = arith.addi %mul3A_2514, %add3A_2527 : i32
      %get3A_2529 = arith.index_cast %add3A_2528 : i32 to index
      %get3A_2530 = tpu.vector_load %arg7[%get3A_2529] {strides = array<i32>} : memref<16384xi32, #tpu.memory_space<vmem>>, vector<16xi32>,
      %add3A_2531 = vector.broadcast %sub3A_1679 : i32 to vector<16xi32>
      %add3A_2532 = arith.addi %get3A_2530, %add3A_2531 : vector<16xi32>
      %gather3A_2533 = tpu.vector_load_idx %arg5[%add3A_2532] : memref<38656xf32, #tpu.memory_space<vmem>>[vector<16xi32>], vector<16xf32>,
      %add3A_2534 = arith.constant 48 : i32
      %add3A_2535 = arith.addi %mul3A_2514, %add3A_2534 : i32
      %get3A_2536 = arith.index_cast %add3A_2535 : i32 to index
      %get3A_2537 = tpu.vector_load %arg7[%get3A_2536] {strides = array<i32>} : memref<16384xi32, #tpu.memory_space<vmem>>, vector<16xi32>,
      %add3A_2538 = vector.broadcast %sub3A_1679 : i32 to vector<16xi32>
      %add3A_2539 = arith.addi %get3A_2537, %add3A_2538 : vector<16xi32>
      %gather3A_2540 = tpu.vector_load_idx %arg5[%add3A_2539] : memref<38656xf32, #tpu.memory_space<vmem>>[vector<16xi32>], vector<16xf32>,
      %add3A_2541 = arith.constant 64 : i32
      %add3A_2542 = arith.addi %mul3A_2514, %add3A_2541 : i32
      %get3A_2543 = arith.index_cast %add3A_2542 : i32 to index
      %get3A_2544 = tpu.vector_load %arg7[%get3A_2543] {strides = array<i32>} : memref<16384xi32, #tpu.memory_space<vmem>>, vector<16xi32>,
      %add3A_2545 = vector.broadcast %sub3A_1679 : i32 to vector<16xi32>
      %add3A_2546 = arith.addi %get3A_2544, %add3A_2545 : vector<16xi32>
      %gather3A_2547 = tpu.vector_load_idx %arg5[%add3A_2546] : memref<38656xf32, #tpu.memory_space<vmem>>[vector<16xi32>], vector<16xf32>,
      %add3A_2548 = arith.constant 80 : i32
      %add3A_2549 = arith.addi %mul3A_2514, %add3A_2548 : i32
      %get3A_2550 = arith.index_cast %add3A_2549 : i32 to index
      %get3A_2551 = tpu.vector_load %arg7[%get3A_2550] {strides = array<i32>} : memref<16384xi32, #tpu.memory_space<vmem>>, vector<16xi32>,
      %add3A_2552 = vector.broadcast %sub3A_1679 : i32 to vector<16xi32>
      %add3A_2553 = arith.addi %get3A_2551, %add3A_2552 : vector<16xi32>
      %gather3A_2554 = tpu.vector_load_idx %arg5[%add3A_2553] : memref<38656xf32, #tpu.memory_space<vmem>>[vector<16xi32>], vector<16xf32>,
      %add3A_2555 = arith.constant 96 : i32
      %add3A_2556 = arith.addi %mul3A_2514, %add3A_2555 : i32
      %get3A_2557 = arith.index_cast %add3A_2556 : i32 to index
      %get3A_2558 = tpu.vector_load %arg7[%get3A_2557] {strides = array<i32>} : memref<16384xi32, #tpu.memory_space<vmem>>, vector<16xi32>,
      %add3A_2559 = vector.broadcast %sub3A_1679 : i32 to vector<16xi32>
      %add3A_2560 = arith.addi %get3A_2558, %add3A_2559 : vector<16xi32>
      %gather3A_2561 = tpu.vector_load_idx %arg5[%add3A_2560] : memref<38656xf32, #tpu.memory_space<vmem>>[vector<16xi32>], vector<16xf32>,
      %add3A_2562 = arith.constant 112 : i32
      %add3A_2563 = arith.addi %mul3A_2514, %add3A_2562 : i32
      %get3A_2564 = arith.index_cast %add3A_2563 : i32 to index
      %get3A_2565 = tpu.vector_load %arg7[%get3A_2564] {strides = array<i32>} : memref<16384xi32, #tpu.memory_space<vmem>>, vector<16xi32>,
      %add3A_2566 = vector.broadcast %sub3A_1679 : i32 to vector<16xi32>
      %add3A_2567 = arith.addi %get3A_2565, %add3A_2566 : vector<16xi32>
      %gather3A_2568 = tpu.vector_load_idx %arg5[%add3A_2567] : memref<38656xf32, #tpu.memory_space<vmem>>[vector<16xi32>], vector<16xf32>,
      %add3A_2569 = arith.constant 0 : i32
      %add3A_2570 = arith.addi %mul3A_2514, %add3A_2569 : i32
      %swap3A = arith.index_cast %add3A_2570 : i32 to index
      %swap3A_2571 = tpu.vector_load %arg8[%swap3A] {strides = array<i32>} : memref<16384xf32, #tpu.memory_space<vmem>>, vector<16xf32>,
      tpu.vector_store %arg8[%swap3A], %gather3A {strides = array<i32>} : memref<16384xf32, #tpu.memory_space<vmem>>, vector<16xf32>,
      %add3A_2572 = arith.constant 16 : i32
      %add3A_2573 = arith.addi %mul3A_2514, %add3A_2572 : i32
      %swap3A_2574 = arith.index_cast %add3A_2573 : i32 to index
      %swap3A_2575 = tpu.vector_load %arg8[%swap3A_2574] {strides = array<i32>} : memref<16384xf32, #tpu.memory_space<vmem>>, vector<16xf32>,
      tpu.vector_store %arg8[%swap3A_2574], %gather3A_2526 {strides = array<i32>} : memref<16384xf32, #tpu.memory_space<vmem>>, vector<16xf32>,
      %add3A_2576 = arith.constant 32 : i32
      %add3A_2577 = arith.addi %mul3A_2514, %add3A_2576 : i32
      %swap3A_2578 = arith.index_cast %add3A_2577 : i32 to index
      %swap3A_2579 = tpu.vector_load %arg8[%swap3A_2578] {strides = array<i32>} : memref<16384xf32, #tpu.memory_space<vmem>>, vector<16xf32>,
      tpu.vector_store %arg8[%swap3A_2578], %gather3A_2533 {strides = array<i32>} : memref<16384xf32, #tpu.memory_space<vmem>>, vector<16xf32>,
      %add3A_2580 = arith.constant 48 : i32
      %add3A_2581 = arith.addi %mul3A_2514, %add3A_2580 : i32
      %swap3A_2582 = arith.index_cast %add3A_2581 : i32 to index
      %swap3A_2583 = tpu.vector_load %arg8[%swap3A_2582] {strides = array<i32>} : memref<16384xf32, #tpu.memory_space<vmem>>, vector<16xf32>,
      tpu.vector_store %arg8[%swap3A_2582], %gather3A_2540 {strides = array<i32>} : memref<16384xf32, #tpu.memory_space<vmem>>, vector<16xf32>,
      %add3A_2584 = arith.constant 64 : i32
      %add3A_2585 = arith.addi %mul3A_2514, %add3A_2584 : i32
      %swap3A_2586 = arith.index_cast %add3A_2585 : i32 to index
      %swap3A_2587 = tpu.vector_load %arg8[%swap3A_2586] {strides = array<i32>} : memref<16384xf32, #tpu.memory_space<vmem>>, vector<16xf32>,
      tpu.vector_store %arg8[%swap3A_2586], %gather3A_2547 {strides = array<i32>} : memref<16384xf32, #tpu.memory_space<vmem>>, vector<16xf32>,
      %add3A_2588 = arith.constant 80 : i32
      %add3A_2589 = arith.addi %mul3A_2514, %add3A_2588 : i32
      %swap3A_2590 = arith.index_cast %add3A_2589 : i32 to index
      %swap3A_2591 = tpu.vector_load %arg8[%swap3A_2590] {strides = array<i32>} : memref<16384xf32, #tpu.memory_space<vmem>>, vector<16xf32>,
      tpu.vector_store %arg8[%swap3A_2590], %gather3A_2554 {strides = array<i32>} : memref<16384xf32, #tpu.memory_space<vmem>>, vector<16xf32>,
      %add3A_2592 = arith.constant 96 : i32
      %add3A_2593 = arith.addi %mul3A_2514, %add3A_2592 : i32
      %swap3A_2594 = arith.index_cast %add3A_2593 : i32 to index
      %swap3A_2595 = tpu.vector_load %arg8[%swap3A_2594] {strides = array<i32>} : memref<16384xf32, #tpu.memory_space<vmem>>, vector<16xf32>,
      tpu.vector_store %arg8[%swap3A_2594], %gather3A_2561 {strides = array<i32>} : memref<16384xf32, #tpu.memory_space<vmem>>, vector<16xf32>,
      %add3A_2596 = arith.constant 112 : i32
      %add3A_2597 = arith.addi %mul3A_2514, %add3A_2596 : i32
      %swap3A_2598 = arith.index_cast %add3A_2597 : i32 to index
      %swap3A_2599 = tpu.vector_load %arg8[%swap3A_2598] {strides = array<i32>} : memref<16384xf32, #tpu.memory_space<vmem>>, vector<16xf32>,
      tpu.vector_store %arg8[%swap3A_2598], %gather3A_2568 {strides = array<i32>} : memref<16384xf32, #tpu.memory_space<vmem>>, vector<16xf32>,
    }
    %scan3A_1794 = arith.constant 128 : i32
    %dma_start3A_1795 = arith.constant 0 : i32
    %dma_start3A_1796 = tpu.memref_slice %arg4[%select_n3A_1632, %select_n3A_1648, %dma_start3A_1795] : memref<26x16x16384xf32, #tpu.memory_space<hbm>> -> memref<1x1x16384xf32, #tpu.memory_space<hbm>>
    %dma_start3A_1797 = tpu.memref_squeeze %dma_start3A_1796 : memref<1x1x16384xf32, #tpu.memory_space<hbm>> -> memref<16384xf32, #tpu.memory_space<hbm>>
    %dma_start3A_1798 = arith.constant 0 : i32
    %dma_start3A_1799 = tpu.memref_slice %arg4[%select_n3A_1632, %select_n3A_1648, %dma_start3A_1798] : memref<26x16x16384xf32, #tpu.memory_space<hbm>> -> memref<1x1x16384xf32, #tpu.memory_space<hbm>>
    %dma_start3A_1800 = tpu.memref_squeeze %dma_start3A_1799 : memref<1x1x16384xf32, #tpu.memory_space<hbm>> -> memref<16384xf32, #tpu.memory_space<hbm>>
    tpu.enqueue_dma source(%arg8 : memref<16384xf32, #tpu.memory_space<vmem>>) target(%dma_start3A_1800 : memref<16384xf32, #tpu.memory_space<hbm>>) target_semaphore(%arg11 : memref<!tpu.dma_semaphore, #tpu.memory_space<semaphore_mem>>)
    %mul3A_1801 = arith.constant 13 : i32
    %mul3A_1802 = arith.muli %add3A, %mul3A_1801 : i32
    %add3A_1803 = arith.constant 9 : i32
    %add3A_1804 = arith.addi %mul3A_1802, %add3A_1803 : i32
    %jit3A_1805 = arith.constant 16 : i32
    %div3A_1806 = arith.divsi %add3A_1804, %jit3A_1805 : i32
    %sign3A_1807 = arith.constant 0 : i32
    %sign3A_1808 = arith.cmpi sgt, %add3A_1804, %sign3A_1807 : i32
    %sign3A_1809 = arith.extui %sign3A_1808 : i1 to i32
    %sign3A_1810 = arith.constant 0 : i32
    %sign3A_1811 = arith.cmpi slt, %add3A_1804, %sign3A_1810 : i32
    %sign3A_1812 = arith.extui %sign3A_1811 : i1 to i32
    %sign3A_1813 = arith.subi %sign3A_1809, %sign3A_1812 : i32
    %sign3A_1814 = arith.constant 0 : i32
    %sign3A_1815 = arith.cmpi sgt, %jit3A_1805, %sign3A_1814 : i32
    %sign3A_1816 = arith.extui %sign3A_1815 : i1 to i32
    %sign3A_1817 = arith.constant 0 : i32
    %sign3A_1818 = arith.cmpi slt, %jit3A_1805, %sign3A_1817 : i32
    %sign3A_1819 = arith.extui %sign3A_1818 : i1 to i32
    %sign3A_1820 = arith.subi %sign3A_1816, %sign3A_1819 : i32
    %ne3A_1821 = arith.cmpi ne, %sign3A_1813, %sign3A_1820 : i32
    %rem3A_1822 = arith.remsi %add3A_1804, %jit3A_1805 : i32
    %ne3A_1823 = arith.constant 0 : i32
    %ne3A_1824 = arith.cmpi ne, %rem3A_1822, %ne3A_1823 : i32
    %and3A_1825 = arith.andi %ne3A_1821, %ne3A_1824 : i1
    %sub3A_1826 = arith.constant 1 : i32
    %sub3A_1827 = arith.subi %div3A_1806, %sub3A_1826 : i32
    %select_n3A_1828 = arith.select %and3A_1825, %sub3A_1827, %div3A_1806 : i32
    %jit3A_1829 = arith.constant 16 : i32
    %eq3A_1830 = arith.constant 0 : i32
    %eq3A_1831 = arith.cmpi eq, %jit3A_1829, %eq3A_1830 : i32
    %jit3A_1832 = arith.constant 1 : i32
    %select_n3A_1833 = arith.select %eq3A_1831, %jit3A_1832, %jit3A_1829 : i32
    %rem3A_1834 = arith.remsi %add3A_1804, %select_n3A_1833 : i32
    %ne3A_1835 = arith.constant 0 : i32
    %ne3A_1836 = arith.cmpi ne, %rem3A_1834, %ne3A_1835 : i32
    %lt3A_1837 = arith.constant 0 : i32
    %lt3A_1838 = arith.cmpi slt, %rem3A_1834, %lt3A_1837 : i32
    %lt3A_1839 = arith.constant 0 : i32
    %lt3A_1840 = arith.cmpi slt, %select_n3A_1833, %lt3A_1839 : i32
    %ne3A_1841 = arith.xori %lt3A_1838, %lt3A_1840 : i1
    %and3A_1842 = arith.andi %ne3A_1841, %ne3A_1836 : i1
    %add3A_1843 = arith.addi %rem3A_1834, %select_n3A_1833 : i32
    %select_n3A_1844 = arith.select %and3A_1842, %add3A_1843, %rem3A_1834 : i32
    %mul3A_1845 = arith.constant 38462 : i32
    %mul3A_1846 = arith.muli %select_n3A_1828, %mul3A_1845 : i32
    %jit3A_1847 = arith.constant 128 : i32
    %div3A_1848 = arith.divsi %mul3A_1846, %jit3A_1847 : i32
    %sign3A_1849 = arith.constant 0 : i32
    %sign3A_1850 = arith.cmpi sgt, %mul3A_1846, %sign3A_1849 : i32
    %sign3A_1851 = arith.extui %sign3A_1850 : i1 to i32
    %sign3A_1852 = arith.constant 0 : i32
    %sign3A_1853 = arith.cmpi slt, %mul3A_1846, %sign3A_1852 : i32
    %sign3A_1854 = arith.extui %sign3A_1853 : i1 to i32
    %sign3A_1855 = arith.subi %sign3A_1851, %sign3A_1854 : i32
    %sign3A_1856 = arith.constant 0 : i32
    %sign3A_1857 = arith.cmpi sgt, %jit3A_1847, %sign3A_1856 : i32
    %sign3A_1858 = arith.extui %sign3A_1857 : i1 to i32
    %sign3A_1859 = arith.constant 0 : i32
    %sign3A_1860 = arith.cmpi slt, %jit3A_1847, %sign3A_1859 : i32
    %sign3A_1861 = arith.extui %sign3A_1860 : i1 to i32
    %sign3A_1862 = arith.subi %sign3A_1858, %sign3A_1861 : i32
    %ne3A_1863 = arith.cmpi ne, %sign3A_1855, %sign3A_1862 : i32
    %rem3A_1864 = arith.remsi %mul3A_1846, %jit3A_1847 : i32
    %ne3A_1865 = arith.constant 0 : i32
    %ne3A_1866 = arith.cmpi ne, %rem3A_1864, %ne3A_1865 : i32
    %and3A_1867 = arith.andi %ne3A_1863, %ne3A_1866 : i1
    %sub3A_1868 = arith.constant 1 : i32
    %sub3A_1869 = arith.subi %div3A_1848, %sub3A_1868 : i32
    %select_n3A_1870 = arith.select %and3A_1867, %sub3A_1869, %div3A_1848 : i32
    %mul3A_1871 = arith.constant 128 : i32
    %mul3A_1872 = arith.muli %select_n3A_1870, %mul3A_1871 : i32
    %min3A_1873 = arith.constant 961408 : i32
    %min3A_1874 = arith.minsi %mul3A_1872, %min3A_1873 : i32
    %sub3A_1875 = arith.subi %mul3A_1846, %min3A_1874 : i32
    %jit3A_1876 = arith.constant 16 : i32
    %eq3A_1877 = arith.constant 0 : i32
    %eq3A_1878 = arith.cmpi eq, %jit3A_1876, %eq3A_1877 : i32
    %jit3A_1879 = arith.constant 1 : i32
    %select_n3A_1880 = arith.select %eq3A_1878, %jit3A_1879, %jit3A_1876 : i32
    %rem3A_1881 = arith.remsi %add3A_1804, %select_n3A_1880 : i32
    %ne3A_1882 = arith.constant 0 : i32
    %ne3A_1883 = arith.cmpi ne, %rem3A_1881, %ne3A_1882 : i32
    %lt3A_1884 = arith.constant 0 : i32
    %lt3A_1885 = arith.cmpi slt, %rem3A_1881, %lt3A_1884 : i32
    %lt3A_1886 = arith.constant 0 : i32
    %lt3A_1887 = arith.cmpi slt, %select_n3A_1880, %lt3A_1886 : i32
    %ne3A_1888 = arith.xori %lt3A_1885, %lt3A_1887 : i1
    %and3A_1889 = arith.andi %ne3A_1888, %ne3A_1883 : i1
    %add3A_1890 = arith.addi %rem3A_1881, %select_n3A_1880 : i32
    %select_n3A_1891 = arith.select %and3A_1889, %add3A_1890, %rem3A_1881 : i32
    %eq3A_1892 = arith.constant 0 : i32
    %eq3A_1893 = arith.cmpi eq, %select_n3A_1891, %eq3A_1892 : i32
    %convert_element_type3A_1894 = arith.extui %eq3A_1893 : i1 to i32
    %cond3A_1895 = arith.constant 0 : i32
    %cond3A_1896 = arith.cmpi ne, %convert_element_type3A_1894, %cond3A_1895 : i32
    scf.if %cond3A_1896 {
      "tpu.region"() ({
        %run_scoped3A = tpu.sem_alloc : memref<!tpu.dma_semaphore, #tpu.memory_space<semaphore_mem>>
        %dma_start3A_2512 = arith.constant 0 : i32
        %dma_start3A_2513 = tpu.memref_slice %arg2[%select_n3A_1828, %dma_start3A_2512] : memref<26x16384xi32, #tpu.memory_space<hbm>> -> memref<1x16384xi32, #tpu.memory_space<hbm>>
        %dma_start3A_2514 = tpu.memref_squeeze %dma_start3A_2513 : memref<1x16384xi32, #tpu.memory_space<hbm>> -> memref<16384xi32, #tpu.memory_space<hbm>>
        %dma_start3A_2515 = arith.constant 0 : i32
        %dma_start3A_2516 = tpu.memref_slice %arg2[%select_n3A_1828, %dma_start3A_2515] : memref<26x16384xi32, #tpu.memory_space<hbm>> -> memref<1x16384xi32, #tpu.memory_space<hbm>>
        %dma_start3A_2517 = tpu.memref_squeeze %dma_start3A_2516 : memref<1x16384xi32, #tpu.memory_space<hbm>> -> memref<16384xi32, #tpu.memory_space<hbm>>
        tpu.enqueue_dma source(%dma_start3A_2517 : memref<16384xi32, #tpu.memory_space<hbm>>) target(%arg7 : memref<16384xi32, #tpu.memory_space<vmem>>) target_semaphore(%run_scoped3A : memref<!tpu.dma_semaphore, #tpu.memory_space<semaphore_mem>>)
        %dma_wait3A_2518 = arith.constant 0 : i32
        %dma_wait3A_2519 = tpu.memref_slice %arg2[%select_n3A_1828, %dma_wait3A_2518] : memref<26x16384xi32, #tpu.memory_space<hbm>> -> memref<1x16384xi32, #tpu.memory_space<hbm>>
        %dma_wait3A_2520 = tpu.memref_squeeze %dma_wait3A_2519 : memref<1x16384xi32, #tpu.memory_space<hbm>> -> memref<16384xi32, #tpu.memory_space<hbm>>
        %dma_wait3A_2521 = arith.constant 0 : i32
        %dma_wait3A_2522 = tpu.memref_slice %arg2[%select_n3A_1828, %dma_wait3A_2521] : memref<26x16384xi32, #tpu.memory_space<hbm>> -> memref<1x16384xi32, #tpu.memory_space<hbm>>
        %dma_wait3A_2523 = tpu.memref_squeeze %dma_wait3A_2522 : memref<1x16384xi32, #tpu.memory_space<hbm>> -> memref<16384xi32, #tpu.memory_space<hbm>>
        tpu.wait_dma2 semaphore(%run_scoped3A : memref<!tpu.dma_semaphore, #tpu.memory_space<semaphore_mem>>) src(%dma_wait3A_2523 : memref<16384xi32, #tpu.memory_space<hbm>>) dst(%arg7 : memref<16384xi32, #tpu.memory_space<vmem>>)
        tpu.yield
      }) : () -> ()
    } else {
    }
    %mul3A_1897 = arith.constant 13 : i32
    %mul3A_1898 = arith.muli %add3A, %mul3A_1897 : i32
    %add3A_1899 = arith.constant 10 : i32
    %add3A_1900 = arith.addi %mul3A_1898, %add3A_1899 : i32
    %jit3A_1901 = arith.constant 16 : i32
    %div3A_1902 = arith.divsi %add3A_1900, %jit3A_1901 : i32
    %sign3A_1903 = arith.constant 0 : i32
    %sign3A_1904 = arith.cmpi sgt, %add3A_1900, %sign3A_1903 : i32
    %sign3A_1905 = arith.extui %sign3A_1904 : i1 to i32
    %sign3A_1906 = arith.constant 0 : i32
    %sign3A_1907 = arith.cmpi slt, %add3A_1900, %sign3A_1906 : i32
    %sign3A_1908 = arith.extui %sign3A_1907 : i1 to i32
    %sign3A_1909 = arith.subi %sign3A_1905, %sign3A_1908 : i32
    %sign3A_1910 = arith.constant 0 : i32
    %sign3A_1911 = arith.cmpi sgt, %jit3A_1901, %sign3A_1910 : i32
    %sign3A_1912 = arith.extui %sign3A_1911 : i1 to i32
    %sign3A_1913 = arith.constant 0 : i32
    %sign3A_1914 = arith.cmpi slt, %jit3A_1901, %sign3A_1913 : i32
    %sign3A_1915 = arith.extui %sign3A_1914 : i1 to i32
    %sign3A_1916 = arith.subi %sign3A_1912, %sign3A_1915 : i32
    %ne3A_1917 = arith.cmpi ne, %sign3A_1909, %sign3A_1916 : i32
    %rem3A_1918 = arith.remsi %add3A_1900, %jit3A_1901 : i32
    %ne3A_1919 = arith.constant 0 : i32
    %ne3A_1920 = arith.cmpi ne, %rem3A_1918, %ne3A_1919 : i32
    %and3A_1921 = arith.andi %ne3A_1917, %ne3A_1920 : i1
    %sub3A_1922 = arith.constant 1 : i32
    %sub3A_1923 = arith.subi %div3A_1902, %sub3A_1922 : i32
    %select_n3A_1924 = arith.select %and3A_1921, %sub3A_1923, %div3A_1902 : i32
    %jit3A_1925 = arith.constant 16 : i32
    %eq3A_1926 = arith.constant 0 : i32
    %eq3A_1927 = arith.cmpi eq, %jit3A_1925, %eq3A_1926 : i32
    %jit3A_1928 = arith.constant 1 : i32
    %select_n3A_1929 = arith.select %eq3A_1927, %jit3A_1928, %jit3A_1925 : i32
    %rem3A_1930 = arith.remsi %add3A_1900, %select_n3A_1929 : i32
    %ne3A_1931 = arith.constant 0 : i32
    %ne3A_1932 = arith.cmpi ne, %rem3A_1930, %ne3A_1931 : i32
    %lt3A_1933 = arith.constant 0 : i32
    %lt3A_1934 = arith.cmpi slt, %rem3A_1930, %lt3A_1933 : i32
    %lt3A_1935 = arith.constant 0 : i32
    %lt3A_1936 = arith.cmpi slt, %select_n3A_1929, %lt3A_1935 : i32
    %ne3A_1937 = arith.xori %lt3A_1934, %lt3A_1936 : i1
    %and3A_1938 = arith.andi %ne3A_1937, %ne3A_1932 : i1
    %add3A_1939 = arith.addi %rem3A_1930, %select_n3A_1929 : i32
    %select_n3A_1940 = arith.select %and3A_1938, %add3A_1939, %rem3A_1930 : i32
    %mul3A_1941 = arith.constant 38462 : i32
    %mul3A_1942 = arith.muli %select_n3A_1924, %mul3A_1941 : i32
    %jit3A_1943 = arith.constant 128 : i32
    %div3A_1944 = arith.divsi %mul3A_1942, %jit3A_1943 : i32
    %sign3A_1945 = arith.constant 0 : i32
    %sign3A_1946 = arith.cmpi sgt, %mul3A_1942, %sign3A_1945 : i32
    %sign3A_1947 = arith.extui %sign3A_1946 : i1 to i32
    %sign3A_1948 = arith.constant 0 : i32
    %sign3A_1949 = arith.cmpi slt, %mul3A_1942, %sign3A_1948 : i32
    %sign3A_1950 = arith.extui %sign3A_1949 : i1 to i32
    %sign3A_1951 = arith.subi %sign3A_1947, %sign3A_1950 : i32
    %sign3A_1952 = arith.constant 0 : i32
    %sign3A_1953 = arith.cmpi sgt, %jit3A_1943, %sign3A_1952 : i32
    %sign3A_1954 = arith.extui %sign3A_1953 : i1 to i32
    %sign3A_1955 = arith.constant 0 : i32
    %sign3A_1956 = arith.cmpi slt, %jit3A_1943, %sign3A_1955 : i32
    %sign3A_1957 = arith.extui %sign3A_1956 : i1 to i32
    %sign3A_1958 = arith.subi %sign3A_1954, %sign3A_1957 : i32
    %ne3A_1959 = arith.cmpi ne, %sign3A_1951, %sign3A_1958 : i32
    %rem3A_1960 = arith.remsi %mul3A_1942, %jit3A_1943 : i32
    %ne3A_1961 = arith.constant 0 : i32
    %ne3A_1962 = arith.cmpi ne, %rem3A_1960, %ne3A_1961 : i32
    %and3A_1963 = arith.andi %ne3A_1959, %ne3A_1962 : i1
    %sub3A_1964 = arith.constant 1 : i32
    %sub3A_1965 = arith.subi %div3A_1944, %sub3A_1964 : i32
    %select_n3A_1966 = arith.select %and3A_1963, %sub3A_1965, %div3A_1944 : i32
    %mul3A_1967 = arith.constant 128 : i32
    %mul3A_1968 = arith.muli %select_n3A_1966, %mul3A_1967 : i32
    %min3A_1969 = arith.constant 961408 : i32
    %min3A_1970 = arith.minsi %mul3A_1968, %min3A_1969 : i32
    %sub3A_1971 = arith.subi %mul3A_1942, %min3A_1970 : i32
    %dma_start3A_1972 = tpu.memref_slice %arg3[%select_n3A_1940, %min3A_1970] : memref<16x1000012xf32, #tpu.memory_space<hbm>> -> memref<1x38656xf32, #tpu.memory_space<hbm>>
    %dma_start3A_1973 = tpu.memref_squeeze %dma_start3A_1972 : memref<1x38656xf32, #tpu.memory_space<hbm>> -> memref<38656xf32, #tpu.memory_space<hbm>>
    %dma_start3A_1974 = tpu.memref_slice %arg3[%select_n3A_1940, %min3A_1970] : memref<16x1000012xf32, #tpu.memory_space<hbm>> -> memref<1x38656xf32, #tpu.memory_space<hbm>>
    %dma_start3A_1975 = tpu.memref_squeeze %dma_start3A_1974 : memref<1x38656xf32, #tpu.memory_space<hbm>> -> memref<38656xf32, #tpu.memory_space<hbm>>
    tpu.enqueue_dma source(%dma_start3A_1975 : memref<38656xf32, #tpu.memory_space<hbm>>) target(%arg5 : memref<38656xf32, #tpu.memory_space<vmem>>) target_semaphore(%arg9 : memref<!tpu.dma_semaphore, #tpu.memory_space<semaphore_mem>>)
    %dma_wait3A_1976 = tpu.memref_slice %arg3[%select_n3A_1744, %min3A_1774] : memref<16x1000012xf32, #tpu.memory_space<hbm>> -> memref<1x38656xf32, #tpu.memory_space<hbm>>
    %dma_wait3A_1977 = tpu.memref_squeeze %dma_wait3A_1976 : memref<1x38656xf32, #tpu.memory_space<hbm>> -> memref<38656xf32, #tpu.memory_space<hbm>>
    %dma_wait3A_1978 = tpu.memref_slice %arg3[%select_n3A_1744, %min3A_1774] : memref<16x1000012xf32, #tpu.memory_space<hbm>> -> memref<1x38656xf32, #tpu.memory_space<hbm>>
    %dma_wait3A_1979 = tpu.memref_squeeze %dma_wait3A_1978 : memref<1x38656xf32, #tpu.memory_space<hbm>> -> memref<38656xf32, #tpu.memory_space<hbm>>
    tpu.wait_dma2 semaphore(%arg10 : memref<!tpu.dma_semaphore, #tpu.memory_space<semaphore_mem>>) src(%dma_wait3A_1979 : memref<38656xf32, #tpu.memory_space<hbm>>) dst(%arg6 : memref<38656xf32, #tpu.memory_space<vmem>>)
    %dma_wait3A_1980 = arith.constant 0 : i32
    %dma_wait3A_1981 = tpu.memref_slice %arg4[%select_n3A_1632, %select_n3A_1648, %dma_wait3A_1980] : memref<26x16x16384xf32, #tpu.memory_space<hbm>> -> memref<1x1x16384xf32, #tpu.memory_space<hbm>>
    %dma_wait3A_1982 = tpu.memref_squeeze %dma_wait3A_1981 : memref<1x1x16384xf32, #tpu.memory_space<hbm>> -> memref<16384xf32, #tpu.memory_space<hbm>>
    %dma_wait3A_1983 = arith.constant 0 : i32
    %dma_wait3A_1984 = tpu.memref_slice %arg4[%select_n3A_1632, %select_n3A_1648, %dma_wait3A_1983] : memref<26x16x16384xf32, #tpu.memory_space<hbm>> -> memref<1x1x16384xf32, #tpu.memory_space<hbm>>
    %dma_wait3A_1985 = tpu.memref_squeeze %dma_wait3A_1984 : memref<1x1x16384xf32, #tpu.memory_space<hbm>> -> memref<16384xf32, #tpu.memory_space<hbm>>
    tpu.wait_dma2 semaphore(%arg11 : memref<!tpu.dma_semaphore, #tpu.memory_space<semaphore_mem>>) src(%arg8 : memref<16384xf32, #tpu.memory_space<vmem>>) dst(%dma_wait3A_1985 : memref<16384xf32, #tpu.memory_space<hbm>>)
    %scan3A_1986 = arith.constant 0 : i32
    %scan3A_1987 = arith.constant 128 : i32
    %scan3A_1988 = arith.addi %scan3A_1986, %scan3A_1987 : i32
    %scan3A_1989 = arith.constant 1 : i32
    scf.for %scan3A_2512 = %scan3A_1986 to %scan3A_1988 step %scan3A_1989  : i32 {
      %mul3A_2513 = arith.constant 128 : i32
      %mul3A_2514 = arith.muli %scan3A_2512, %mul3A_2513 : i32
      %add3A_2515 = arith.constant 0 : i32
      %add3A_2516 = arith.addi %mul3A_2514, %add3A_2515 : i32
      %get3A = arith.index_cast %add3A_2516 : i32 to index
      %get3A_2517 = tpu.vector_load %arg7[%get3A] {strides = array<i32>} : memref<16384xi32, #tpu.memory_space<vmem>>, vector<16xi32>,
      %add3A_2518 = vector.broadcast %sub3A_1875 : i32 to vector<16xi32>
      %add3A_2519 = arith.addi %get3A_2517, %add3A_2518 : vector<16xi32>
      %gather3A = tpu.vector_load_idx %arg6[%add3A_2519] : memref<38656xf32, #tpu.memory_space<vmem>>[vector<16xi32>], vector<16xf32>,
      %add3A_2520 = arith.constant 16 : i32
      %add3A_2521 = arith.addi %mul3A_2514, %add3A_2520 : i32
      %get3A_2522 = arith.index_cast %add3A_2521 : i32 to index
      %get3A_2523 = tpu.vector_load %arg7[%get3A_2522] {strides = array<i32>} : memref<16384xi32, #tpu.memory_space<vmem>>, vector<16xi32>,
      %add3A_2524 = vector.broadcast %sub3A_1875 : i32 to vector<16xi32>
      %add3A_2525 = arith.addi %get3A_2523, %add3A_2524 : vector<16xi32>
      %gather3A_2526 = tpu.vector_load_idx %arg6[%add3A_2525] : memref<38656xf32, #tpu.memory_space<vmem>>[vector<16xi32>], vector<16xf32>,
      %add3A_2527 = arith.constant 32 : i32
      %add3A_2528 = arith.addi %mul3A_2514, %add3A_2527 : i32
      %get3A_2529 = arith.index_cast %add3A_2528 : i32 to index
      %get3A_2530 = tpu.vector_load %arg7[%get3A_2529] {strides = array<i32>} : memref<16384xi32, #tpu.memory_space<vmem>>, vector<16xi32>,
      %add3A_2531 = vector.broadcast %sub3A_1875 : i32 to vector<16xi32>
      %add3A_2532 = arith.addi %get3A_2530, %add3A_2531 : vector<16xi32>
      %gather3A_2533 = tpu.vector_load_idx %arg6[%add3A_2532] : memref<38656xf32, #tpu.memory_space<vmem>>[vector<16xi32>], vector<16xf32>,
      %add3A_2534 = arith.constant 48 : i32
      %add3A_2535 = arith.addi %mul3A_2514, %add3A_2534 : i32
      %get3A_2536 = arith.index_cast %add3A_2535 : i32 to index
      %get3A_2537 = tpu.vector_load %arg7[%get3A_2536] {strides = array<i32>} : memref<16384xi32, #tpu.memory_space<vmem>>, vector<16xi32>,
      %add3A_2538 = vector.broadcast %sub3A_1875 : i32 to vector<16xi32>
      %add3A_2539 = arith.addi %get3A_2537, %add3A_2538 : vector<16xi32>
      %gather3A_2540 = tpu.vector_load_idx %arg6[%add3A_2539] : memref<38656xf32, #tpu.memory_space<vmem>>[vector<16xi32>], vector<16xf32>,
      %add3A_2541 = arith.constant 64 : i32
      %add3A_2542 = arith.addi %mul3A_2514, %add3A_2541 : i32
      %get3A_2543 = arith.index_cast %add3A_2542 : i32 to index
      %get3A_2544 = tpu.vector_load %arg7[%get3A_2543] {strides = array<i32>} : memref<16384xi32, #tpu.memory_space<vmem>>, vector<16xi32>,
      %add3A_2545 = vector.broadcast %sub3A_1875 : i32 to vector<16xi32>
      %add3A_2546 = arith.addi %get3A_2544, %add3A_2545 : vector<16xi32>
      %gather3A_2547 = tpu.vector_load_idx %arg6[%add3A_2546] : memref<38656xf32, #tpu.memory_space<vmem>>[vector<16xi32>], vector<16xf32>,
      %add3A_2548 = arith.constant 80 : i32
      %add3A_2549 = arith.addi %mul3A_2514, %add3A_2548 : i32
      %get3A_2550 = arith.index_cast %add3A_2549 : i32 to index
      %get3A_2551 = tpu.vector_load %arg7[%get3A_2550] {strides = array<i32>} : memref<16384xi32, #tpu.memory_space<vmem>>, vector<16xi32>,
      %add3A_2552 = vector.broadcast %sub3A_1875 : i32 to vector<16xi32>
      %add3A_2553 = arith.addi %get3A_2551, %add3A_2552 : vector<16xi32>
      %gather3A_2554 = tpu.vector_load_idx %arg6[%add3A_2553] : memref<38656xf32, #tpu.memory_space<vmem>>[vector<16xi32>], vector<16xf32>,
      %add3A_2555 = arith.constant 96 : i32
      %add3A_2556 = arith.addi %mul3A_2514, %add3A_2555 : i32
      %get3A_2557 = arith.index_cast %add3A_2556 : i32 to index
      %get3A_2558 = tpu.vector_load %arg7[%get3A_2557] {strides = array<i32>} : memref<16384xi32, #tpu.memory_space<vmem>>, vector<16xi32>,
      %add3A_2559 = vector.broadcast %sub3A_1875 : i32 to vector<16xi32>
      %add3A_2560 = arith.addi %get3A_2558, %add3A_2559 : vector<16xi32>
      %gather3A_2561 = tpu.vector_load_idx %arg6[%add3A_2560] : memref<38656xf32, #tpu.memory_space<vmem>>[vector<16xi32>], vector<16xf32>,
      %add3A_2562 = arith.constant 112 : i32
      %add3A_2563 = arith.addi %mul3A_2514, %add3A_2562 : i32
      %get3A_2564 = arith.index_cast %add3A_2563 : i32 to index
      %get3A_2565 = tpu.vector_load %arg7[%get3A_2564] {strides = array<i32>} : memref<16384xi32, #tpu.memory_space<vmem>>, vector<16xi32>,
      %add3A_2566 = vector.broadcast %sub3A_1875 : i32 to vector<16xi32>
      %add3A_2567 = arith.addi %get3A_2565, %add3A_2566 : vector<16xi32>
      %gather3A_2568 = tpu.vector_load_idx %arg6[%add3A_2567] : memref<38656xf32, #tpu.memory_space<vmem>>[vector<16xi32>], vector<16xf32>,
      %add3A_2569 = arith.constant 0 : i32
      %add3A_2570 = arith.addi %mul3A_2514, %add3A_2569 : i32
      %swap3A = arith.index_cast %add3A_2570 : i32 to index
      %swap3A_2571 = tpu.vector_load %arg8[%swap3A] {strides = array<i32>} : memref<16384xf32, #tpu.memory_space<vmem>>, vector<16xf32>,
      tpu.vector_store %arg8[%swap3A], %gather3A {strides = array<i32>} : memref<16384xf32, #tpu.memory_space<vmem>>, vector<16xf32>,
      %add3A_2572 = arith.constant 16 : i32
      %add3A_2573 = arith.addi %mul3A_2514, %add3A_2572 : i32
      %swap3A_2574 = arith.index_cast %add3A_2573 : i32 to index
      %swap3A_2575 = tpu.vector_load %arg8[%swap3A_2574] {strides = array<i32>} : memref<16384xf32, #tpu.memory_space<vmem>>, vector<16xf32>,
      tpu.vector_store %arg8[%swap3A_2574], %gather3A_2526 {strides = array<i32>} : memref<16384xf32, #tpu.memory_space<vmem>>, vector<16xf32>,
      %add3A_2576 = arith.constant 32 : i32
      %add3A_2577 = arith.addi %mul3A_2514, %add3A_2576 : i32
      %swap3A_2578 = arith.index_cast %add3A_2577 : i32 to index
      %swap3A_2579 = tpu.vector_load %arg8[%swap3A_2578] {strides = array<i32>} : memref<16384xf32, #tpu.memory_space<vmem>>, vector<16xf32>,
      tpu.vector_store %arg8[%swap3A_2578], %gather3A_2533 {strides = array<i32>} : memref<16384xf32, #tpu.memory_space<vmem>>, vector<16xf32>,
      %add3A_2580 = arith.constant 48 : i32
      %add3A_2581 = arith.addi %mul3A_2514, %add3A_2580 : i32
      %swap3A_2582 = arith.index_cast %add3A_2581 : i32 to index
      %swap3A_2583 = tpu.vector_load %arg8[%swap3A_2582] {strides = array<i32>} : memref<16384xf32, #tpu.memory_space<vmem>>, vector<16xf32>,
      tpu.vector_store %arg8[%swap3A_2582], %gather3A_2540 {strides = array<i32>} : memref<16384xf32, #tpu.memory_space<vmem>>, vector<16xf32>,
      %add3A_2584 = arith.constant 64 : i32
      %add3A_2585 = arith.addi %mul3A_2514, %add3A_2584 : i32
      %swap3A_2586 = arith.index_cast %add3A_2585 : i32 to index
      %swap3A_2587 = tpu.vector_load %arg8[%swap3A_2586] {strides = array<i32>} : memref<16384xf32, #tpu.memory_space<vmem>>, vector<16xf32>,
      tpu.vector_store %arg8[%swap3A_2586], %gather3A_2547 {strides = array<i32>} : memref<16384xf32, #tpu.memory_space<vmem>>, vector<16xf32>,
      %add3A_2588 = arith.constant 80 : i32
      %add3A_2589 = arith.addi %mul3A_2514, %add3A_2588 : i32
      %swap3A_2590 = arith.index_cast %add3A_2589 : i32 to index
      %swap3A_2591 = tpu.vector_load %arg8[%swap3A_2590] {strides = array<i32>} : memref<16384xf32, #tpu.memory_space<vmem>>, vector<16xf32>,
      tpu.vector_store %arg8[%swap3A_2590], %gather3A_2554 {strides = array<i32>} : memref<16384xf32, #tpu.memory_space<vmem>>, vector<16xf32>,
      %add3A_2592 = arith.constant 96 : i32
      %add3A_2593 = arith.addi %mul3A_2514, %add3A_2592 : i32
      %swap3A_2594 = arith.index_cast %add3A_2593 : i32 to index
      %swap3A_2595 = tpu.vector_load %arg8[%swap3A_2594] {strides = array<i32>} : memref<16384xf32, #tpu.memory_space<vmem>>, vector<16xf32>,
      tpu.vector_store %arg8[%swap3A_2594], %gather3A_2561 {strides = array<i32>} : memref<16384xf32, #tpu.memory_space<vmem>>, vector<16xf32>,
      %add3A_2596 = arith.constant 112 : i32
      %add3A_2597 = arith.addi %mul3A_2514, %add3A_2596 : i32
      %swap3A_2598 = arith.index_cast %add3A_2597 : i32 to index
      %swap3A_2599 = tpu.vector_load %arg8[%swap3A_2598] {strides = array<i32>} : memref<16384xf32, #tpu.memory_space<vmem>>, vector<16xf32>,
      tpu.vector_store %arg8[%swap3A_2598], %gather3A_2568 {strides = array<i32>} : memref<16384xf32, #tpu.memory_space<vmem>>, vector<16xf32>,
    }
    %scan3A_1990 = arith.constant 128 : i32
    %dma_start3A_1991 = arith.constant 0 : i32
    %dma_start3A_1992 = tpu.memref_slice %arg4[%select_n3A_1828, %select_n3A_1844, %dma_start3A_1991] : memref<26x16x16384xf32, #tpu.memory_space<hbm>> -> memref<1x1x16384xf32, #tpu.memory_space<hbm>>
    %dma_start3A_1993 = tpu.memref_squeeze %dma_start3A_1992 : memref<1x1x16384xf32, #tpu.memory_space<hbm>> -> memref<16384xf32, #tpu.memory_space<hbm>>
    %dma_start3A_1994 = arith.constant 0 : i32
    %dma_start3A_1995 = tpu.memref_slice %arg4[%select_n3A_1828, %select_n3A_1844, %dma_start3A_1994] : memref<26x16x16384xf32, #tpu.memory_space<hbm>> -> memref<1x1x16384xf32, #tpu.memory_space<hbm>>
    %dma_start3A_1996 = tpu.memref_squeeze %dma_start3A_1995 : memref<1x1x16384xf32, #tpu.memory_space<hbm>> -> memref<16384xf32, #tpu.memory_space<hbm>>
    tpu.enqueue_dma source(%arg8 : memref<16384xf32, #tpu.memory_space<vmem>>) target(%dma_start3A_1996 : memref<16384xf32, #tpu.memory_space<hbm>>) target_semaphore(%arg11 : memref<!tpu.dma_semaphore, #tpu.memory_space<semaphore_mem>>)
    %mul3A_1997 = arith.constant 13 : i32
    %mul3A_1998 = arith.muli %add3A, %mul3A_1997 : i32
    %add3A_1999 = arith.constant 10 : i32
    %add3A_2000 = arith.addi %mul3A_1998, %add3A_1999 : i32
    %jit3A_2001 = arith.constant 16 : i32
    %div3A_2002 = arith.divsi %add3A_2000, %jit3A_2001 : i32
    %sign3A_2003 = arith.constant 0 : i32
    %sign3A_2004 = arith.cmpi sgt, %add3A_2000, %sign3A_2003 : i32
    %sign3A_2005 = arith.extui %sign3A_2004 : i1 to i32
    %sign3A_2006 = arith.constant 0 : i32
    %sign3A_2007 = arith.cmpi slt, %add3A_2000, %sign3A_2006 : i32
    %sign3A_2008 = arith.extui %sign3A_2007 : i1 to i32
    %sign3A_2009 = arith.subi %sign3A_2005, %sign3A_2008 : i32
    %sign3A_2010 = arith.constant 0 : i32
    %sign3A_2011 = arith.cmpi sgt, %jit3A_2001, %sign3A_2010 : i32
    %sign3A_2012 = arith.extui %sign3A_2011 : i1 to i32
    %sign3A_2013 = arith.constant 0 : i32
    %sign3A_2014 = arith.cmpi slt, %jit3A_2001, %sign3A_2013 : i32
    %sign3A_2015 = arith.extui %sign3A_2014 : i1 to i32
    %sign3A_2016 = arith.subi %sign3A_2012, %sign3A_2015 : i32
    %ne3A_2017 = arith.cmpi ne, %sign3A_2009, %sign3A_2016 : i32
    %rem3A_2018 = arith.remsi %add3A_2000, %jit3A_2001 : i32
    %ne3A_2019 = arith.constant 0 : i32
    %ne3A_2020 = arith.cmpi ne, %rem3A_2018, %ne3A_2019 : i32
    %and3A_2021 = arith.andi %ne3A_2017, %ne3A_2020 : i1
    %sub3A_2022 = arith.constant 1 : i32
    %sub3A_2023 = arith.subi %div3A_2002, %sub3A_2022 : i32
    %select_n3A_2024 = arith.select %and3A_2021, %sub3A_2023, %div3A_2002 : i32
    %jit3A_2025 = arith.constant 16 : i32
    %eq3A_2026 = arith.constant 0 : i32
    %eq3A_2027 = arith.cmpi eq, %jit3A_2025, %eq3A_2026 : i32
    %jit3A_2028 = arith.constant 1 : i32
    %select_n3A_2029 = arith.select %eq3A_2027, %jit3A_2028, %jit3A_2025 : i32
    %rem3A_2030 = arith.remsi %add3A_2000, %select_n3A_2029 : i32
    %ne3A_2031 = arith.constant 0 : i32
    %ne3A_2032 = arith.cmpi ne, %rem3A_2030, %ne3A_2031 : i32
    %lt3A_2033 = arith.constant 0 : i32
    %lt3A_2034 = arith.cmpi slt, %rem3A_2030, %lt3A_2033 : i32
    %lt3A_2035 = arith.constant 0 : i32
    %lt3A_2036 = arith.cmpi slt, %select_n3A_2029, %lt3A_2035 : i32
    %ne3A_2037 = arith.xori %lt3A_2034, %lt3A_2036 : i1
    %and3A_2038 = arith.andi %ne3A_2037, %ne3A_2032 : i1
    %add3A_2039 = arith.addi %rem3A_2030, %select_n3A_2029 : i32
    %select_n3A_2040 = arith.select %and3A_2038, %add3A_2039, %rem3A_2030 : i32
    %mul3A_2041 = arith.constant 38462 : i32
    %mul3A_2042 = arith.muli %select_n3A_2024, %mul3A_2041 : i32
    %jit3A_2043 = arith.constant 128 : i32
    %div3A_2044 = arith.divsi %mul3A_2042, %jit3A_2043 : i32
    %sign3A_2045 = arith.constant 0 : i32
    %sign3A_2046 = arith.cmpi sgt, %mul3A_2042, %sign3A_2045 : i32
    %sign3A_2047 = arith.extui %sign3A_2046 : i1 to i32
    %sign3A_2048 = arith.constant 0 : i32
    %sign3A_2049 = arith.cmpi slt, %mul3A_2042, %sign3A_2048 : i32
    %sign3A_2050 = arith.extui %sign3A_2049 : i1 to i32
    %sign3A_2051 = arith.subi %sign3A_2047, %sign3A_2050 : i32
    %sign3A_2052 = arith.constant 0 : i32
    %sign3A_2053 = arith.cmpi sgt, %jit3A_2043, %sign3A_2052 : i32
    %sign3A_2054 = arith.extui %sign3A_2053 : i1 to i32
    %sign3A_2055 = arith.constant 0 : i32
    %sign3A_2056 = arith.cmpi slt, %jit3A_2043, %sign3A_2055 : i32
    %sign3A_2057 = arith.extui %sign3A_2056 : i1 to i32
    %sign3A_2058 = arith.subi %sign3A_2054, %sign3A_2057 : i32
    %ne3A_2059 = arith.cmpi ne, %sign3A_2051, %sign3A_2058 : i32
    %rem3A_2060 = arith.remsi %mul3A_2042, %jit3A_2043 : i32
    %ne3A_2061 = arith.constant 0 : i32
    %ne3A_2062 = arith.cmpi ne, %rem3A_2060, %ne3A_2061 : i32
    %and3A_2063 = arith.andi %ne3A_2059, %ne3A_2062 : i1
    %sub3A_2064 = arith.constant 1 : i32
    %sub3A_2065 = arith.subi %div3A_2044, %sub3A_2064 : i32
    %select_n3A_2066 = arith.select %and3A_2063, %sub3A_2065, %div3A_2044 : i32
    %mul3A_2067 = arith.constant 128 : i32
    %mul3A_2068 = arith.muli %select_n3A_2066, %mul3A_2067 : i32
    %min3A_2069 = arith.constant 961408 : i32
    %min3A_2070 = arith.minsi %mul3A_2068, %min3A_2069 : i32
    %sub3A_2071 = arith.subi %mul3A_2042, %min3A_2070 : i32
    %jit3A_2072 = arith.constant 16 : i32
    %eq3A_2073 = arith.constant 0 : i32
    %eq3A_2074 = arith.cmpi eq, %jit3A_2072, %eq3A_2073 : i32
    %jit3A_2075 = arith.constant 1 : i32
    %select_n3A_2076 = arith.select %eq3A_2074, %jit3A_2075, %jit3A_2072 : i32
    %rem3A_2077 = arith.remsi %add3A_2000, %select_n3A_2076 : i32
    %ne3A_2078 = arith.constant 0 : i32
    %ne3A_2079 = arith.cmpi ne, %rem3A_2077, %ne3A_2078 : i32
    %lt3A_2080 = arith.constant 0 : i32
    %lt3A_2081 = arith.cmpi slt, %rem3A_2077, %lt3A_2080 : i32
    %lt3A_2082 = arith.constant 0 : i32
    %lt3A_2083 = arith.cmpi slt, %select_n3A_2076, %lt3A_2082 : i32
    %ne3A_2084 = arith.xori %lt3A_2081, %lt3A_2083 : i1
    %and3A_2085 = arith.andi %ne3A_2084, %ne3A_2079 : i1
    %add3A_2086 = arith.addi %rem3A_2077, %select_n3A_2076 : i32
    %select_n3A_2087 = arith.select %and3A_2085, %add3A_2086, %rem3A_2077 : i32
    %eq3A_2088 = arith.constant 0 : i32
    %eq3A_2089 = arith.cmpi eq, %select_n3A_2087, %eq3A_2088 : i32
    %convert_element_type3A_2090 = arith.extui %eq3A_2089 : i1 to i32
    %cond3A_2091 = arith.constant 0 : i32
    %cond3A_2092 = arith.cmpi ne, %convert_element_type3A_2090, %cond3A_2091 : i32
    scf.if %cond3A_2092 {
      "tpu.region"() ({
        %run_scoped3A = tpu.sem_alloc : memref<!tpu.dma_semaphore, #tpu.memory_space<semaphore_mem>>
        %dma_start3A_2512 = arith.constant 0 : i32
        %dma_start3A_2513 = tpu.memref_slice %arg2[%select_n3A_2024, %dma_start3A_2512] : memref<26x16384xi32, #tpu.memory_space<hbm>> -> memref<1x16384xi32, #tpu.memory_space<hbm>>
        %dma_start3A_2514 = tpu.memref_squeeze %dma_start3A_2513 : memref<1x16384xi32, #tpu.memory_space<hbm>> -> memref<16384xi32, #tpu.memory_space<hbm>>
        %dma_start3A_2515 = arith.constant 0 : i32
        %dma_start3A_2516 = tpu.memref_slice %arg2[%select_n3A_2024, %dma_start3A_2515] : memref<26x16384xi32, #tpu.memory_space<hbm>> -> memref<1x16384xi32, #tpu.memory_space<hbm>>
        %dma_start3A_2517 = tpu.memref_squeeze %dma_start3A_2516 : memref<1x16384xi32, #tpu.memory_space<hbm>> -> memref<16384xi32, #tpu.memory_space<hbm>>
        tpu.enqueue_dma source(%dma_start3A_2517 : memref<16384xi32, #tpu.memory_space<hbm>>) target(%arg7 : memref<16384xi32, #tpu.memory_space<vmem>>) target_semaphore(%run_scoped3A : memref<!tpu.dma_semaphore, #tpu.memory_space<semaphore_mem>>)
        %dma_wait3A_2518 = arith.constant 0 : i32
        %dma_wait3A_2519 = tpu.memref_slice %arg2[%select_n3A_2024, %dma_wait3A_2518] : memref<26x16384xi32, #tpu.memory_space<hbm>> -> memref<1x16384xi32, #tpu.memory_space<hbm>>
        %dma_wait3A_2520 = tpu.memref_squeeze %dma_wait3A_2519 : memref<1x16384xi32, #tpu.memory_space<hbm>> -> memref<16384xi32, #tpu.memory_space<hbm>>
        %dma_wait3A_2521 = arith.constant 0 : i32
        %dma_wait3A_2522 = tpu.memref_slice %arg2[%select_n3A_2024, %dma_wait3A_2521] : memref<26x16384xi32, #tpu.memory_space<hbm>> -> memref<1x16384xi32, #tpu.memory_space<hbm>>
        %dma_wait3A_2523 = tpu.memref_squeeze %dma_wait3A_2522 : memref<1x16384xi32, #tpu.memory_space<hbm>> -> memref<16384xi32, #tpu.memory_space<hbm>>
        tpu.wait_dma2 semaphore(%run_scoped3A : memref<!tpu.dma_semaphore, #tpu.memory_space<semaphore_mem>>) src(%dma_wait3A_2523 : memref<16384xi32, #tpu.memory_space<hbm>>) dst(%arg7 : memref<16384xi32, #tpu.memory_space<vmem>>)
        tpu.yield
      }) : () -> ()
    } else {
    }
    %mul3A_2093 = arith.constant 13 : i32
    %mul3A_2094 = arith.muli %add3A, %mul3A_2093 : i32
    %add3A_2095 = arith.constant 11 : i32
    %add3A_2096 = arith.addi %mul3A_2094, %add3A_2095 : i32
    %jit3A_2097 = arith.constant 16 : i32
    %div3A_2098 = arith.divsi %add3A_2096, %jit3A_2097 : i32
    %sign3A_2099 = arith.constant 0 : i32
    %sign3A_2100 = arith.cmpi sgt, %add3A_2096, %sign3A_2099 : i32
    %sign3A_2101 = arith.extui %sign3A_2100 : i1 to i32
    %sign3A_2102 = arith.constant 0 : i32
    %sign3A_2103 = arith.cmpi slt, %add3A_2096, %sign3A_2102 : i32
    %sign3A_2104 = arith.extui %sign3A_2103 : i1 to i32
    %sign3A_2105 = arith.subi %sign3A_2101, %sign3A_2104 : i32
    %sign3A_2106 = arith.constant 0 : i32
    %sign3A_2107 = arith.cmpi sgt, %jit3A_2097, %sign3A_2106 : i32
    %sign3A_2108 = arith.extui %sign3A_2107 : i1 to i32
    %sign3A_2109 = arith.constant 0 : i32
    %sign3A_2110 = arith.cmpi slt, %jit3A_2097, %sign3A_2109 : i32
    %sign3A_2111 = arith.extui %sign3A_2110 : i1 to i32
    %sign3A_2112 = arith.subi %sign3A_2108, %sign3A_2111 : i32
    %ne3A_2113 = arith.cmpi ne, %sign3A_2105, %sign3A_2112 : i32
    %rem3A_2114 = arith.remsi %add3A_2096, %jit3A_2097 : i32
    %ne3A_2115 = arith.constant 0 : i32
    %ne3A_2116 = arith.cmpi ne, %rem3A_2114, %ne3A_2115 : i32
    %and3A_2117 = arith.andi %ne3A_2113, %ne3A_2116 : i1
    %sub3A_2118 = arith.constant 1 : i32
    %sub3A_2119 = arith.subi %div3A_2098, %sub3A_2118 : i32
    %select_n3A_2120 = arith.select %and3A_2117, %sub3A_2119, %div3A_2098 : i32
    %jit3A_2121 = arith.constant 16 : i32
    %eq3A_2122 = arith.constant 0 : i32
    %eq3A_2123 = arith.cmpi eq, %jit3A_2121, %eq3A_2122 : i32
    %jit3A_2124 = arith.constant 1 : i32
    %select_n3A_2125 = arith.select %eq3A_2123, %jit3A_2124, %jit3A_2121 : i32
    %rem3A_2126 = arith.remsi %add3A_2096, %select_n3A_2125 : i32
    %ne3A_2127 = arith.constant 0 : i32
    %ne3A_2128 = arith.cmpi ne, %rem3A_2126, %ne3A_2127 : i32
    %lt3A_2129 = arith.constant 0 : i32
    %lt3A_2130 = arith.cmpi slt, %rem3A_2126, %lt3A_2129 : i32
    %lt3A_2131 = arith.constant 0 : i32
    %lt3A_2132 = arith.cmpi slt, %select_n3A_2125, %lt3A_2131 : i32
    %ne3A_2133 = arith.xori %lt3A_2130, %lt3A_2132 : i1
    %and3A_2134 = arith.andi %ne3A_2133, %ne3A_2128 : i1
    %add3A_2135 = arith.addi %rem3A_2126, %select_n3A_2125 : i32
    %select_n3A_2136 = arith.select %and3A_2134, %add3A_2135, %rem3A_2126 : i32
    %mul3A_2137 = arith.constant 38462 : i32
    %mul3A_2138 = arith.muli %select_n3A_2120, %mul3A_2137 : i32
    %jit3A_2139 = arith.constant 128 : i32
    %div3A_2140 = arith.divsi %mul3A_2138, %jit3A_2139 : i32
    %sign3A_2141 = arith.constant 0 : i32
    %sign3A_2142 = arith.cmpi sgt, %mul3A_2138, %sign3A_2141 : i32
    %sign3A_2143 = arith.extui %sign3A_2142 : i1 to i32
    %sign3A_2144 = arith.constant 0 : i32
    %sign3A_2145 = arith.cmpi slt, %mul3A_2138, %sign3A_2144 : i32
    %sign3A_2146 = arith.extui %sign3A_2145 : i1 to i32
    %sign3A_2147 = arith.subi %sign3A_2143, %sign3A_2146 : i32
    %sign3A_2148 = arith.constant 0 : i32
    %sign3A_2149 = arith.cmpi sgt, %jit3A_2139, %sign3A_2148 : i32
    %sign3A_2150 = arith.extui %sign3A_2149 : i1 to i32
    %sign3A_2151 = arith.constant 0 : i32
    %sign3A_2152 = arith.cmpi slt, %jit3A_2139, %sign3A_2151 : i32
    %sign3A_2153 = arith.extui %sign3A_2152 : i1 to i32
    %sign3A_2154 = arith.subi %sign3A_2150, %sign3A_2153 : i32
    %ne3A_2155 = arith.cmpi ne, %sign3A_2147, %sign3A_2154 : i32
    %rem3A_2156 = arith.remsi %mul3A_2138, %jit3A_2139 : i32
    %ne3A_2157 = arith.constant 0 : i32
    %ne3A_2158 = arith.cmpi ne, %rem3A_2156, %ne3A_2157 : i32
    %and3A_2159 = arith.andi %ne3A_2155, %ne3A_2158 : i1
    %sub3A_2160 = arith.constant 1 : i32
    %sub3A_2161 = arith.subi %div3A_2140, %sub3A_2160 : i32
    %select_n3A_2162 = arith.select %and3A_2159, %sub3A_2161, %div3A_2140 : i32
    %mul3A_2163 = arith.constant 128 : i32
    %mul3A_2164 = arith.muli %select_n3A_2162, %mul3A_2163 : i32
    %min3A_2165 = arith.constant 961408 : i32
    %min3A_2166 = arith.minsi %mul3A_2164, %min3A_2165 : i32
    %sub3A_2167 = arith.subi %mul3A_2138, %min3A_2166 : i32
    %dma_start3A_2168 = tpu.memref_slice %arg3[%select_n3A_2136, %min3A_2166] : memref<16x1000012xf32, #tpu.memory_space<hbm>> -> memref<1x38656xf32, #tpu.memory_space<hbm>>
    %dma_start3A_2169 = tpu.memref_squeeze %dma_start3A_2168 : memref<1x38656xf32, #tpu.memory_space<hbm>> -> memref<38656xf32, #tpu.memory_space<hbm>>
    %dma_start3A_2170 = tpu.memref_slice %arg3[%select_n3A_2136, %min3A_2166] : memref<16x1000012xf32, #tpu.memory_space<hbm>> -> memref<1x38656xf32, #tpu.memory_space<hbm>>
    %dma_start3A_2171 = tpu.memref_squeeze %dma_start3A_2170 : memref<1x38656xf32, #tpu.memory_space<hbm>> -> memref<38656xf32, #tpu.memory_space<hbm>>
    tpu.enqueue_dma source(%dma_start3A_2171 : memref<38656xf32, #tpu.memory_space<hbm>>) target(%arg6 : memref<38656xf32, #tpu.memory_space<vmem>>) target_semaphore(%arg10 : memref<!tpu.dma_semaphore, #tpu.memory_space<semaphore_mem>>)
    %dma_wait3A_2172 = tpu.memref_slice %arg3[%select_n3A_1940, %min3A_1970] : memref<16x1000012xf32, #tpu.memory_space<hbm>> -> memref<1x38656xf32, #tpu.memory_space<hbm>>
    %dma_wait3A_2173 = tpu.memref_squeeze %dma_wait3A_2172 : memref<1x38656xf32, #tpu.memory_space<hbm>> -> memref<38656xf32, #tpu.memory_space<hbm>>
    %dma_wait3A_2174 = tpu.memref_slice %arg3[%select_n3A_1940, %min3A_1970] : memref<16x1000012xf32, #tpu.memory_space<hbm>> -> memref<1x38656xf32, #tpu.memory_space<hbm>>
    %dma_wait3A_2175 = tpu.memref_squeeze %dma_wait3A_2174 : memref<1x38656xf32, #tpu.memory_space<hbm>> -> memref<38656xf32, #tpu.memory_space<hbm>>
    tpu.wait_dma2 semaphore(%arg9 : memref<!tpu.dma_semaphore, #tpu.memory_space<semaphore_mem>>) src(%dma_wait3A_2175 : memref<38656xf32, #tpu.memory_space<hbm>>) dst(%arg5 : memref<38656xf32, #tpu.memory_space<vmem>>)
    %dma_wait3A_2176 = arith.constant 0 : i32
    %dma_wait3A_2177 = tpu.memref_slice %arg4[%select_n3A_1828, %select_n3A_1844, %dma_wait3A_2176] : memref<26x16x16384xf32, #tpu.memory_space<hbm>> -> memref<1x1x16384xf32, #tpu.memory_space<hbm>>
    %dma_wait3A_2178 = tpu.memref_squeeze %dma_wait3A_2177 : memref<1x1x16384xf32, #tpu.memory_space<hbm>> -> memref<16384xf32, #tpu.memory_space<hbm>>
    %dma_wait3A_2179 = arith.constant 0 : i32
    %dma_wait3A_2180 = tpu.memref_slice %arg4[%select_n3A_1828, %select_n3A_1844, %dma_wait3A_2179] : memref<26x16x16384xf32, #tpu.memory_space<hbm>> -> memref<1x1x16384xf32, #tpu.memory_space<hbm>>
    %dma_wait3A_2181 = tpu.memref_squeeze %dma_wait3A_2180 : memref<1x1x16384xf32, #tpu.memory_space<hbm>> -> memref<16384xf32, #tpu.memory_space<hbm>>
    tpu.wait_dma2 semaphore(%arg11 : memref<!tpu.dma_semaphore, #tpu.memory_space<semaphore_mem>>) src(%arg8 : memref<16384xf32, #tpu.memory_space<vmem>>) dst(%dma_wait3A_2181 : memref<16384xf32, #tpu.memory_space<hbm>>)
    %scan3A_2182 = arith.constant 0 : i32
    %scan3A_2183 = arith.constant 128 : i32
    %scan3A_2184 = arith.addi %scan3A_2182, %scan3A_2183 : i32
    %scan3A_2185 = arith.constant 1 : i32
    scf.for %scan3A_2512 = %scan3A_2182 to %scan3A_2184 step %scan3A_2185  : i32 {
      %mul3A_2513 = arith.constant 128 : i32
      %mul3A_2514 = arith.muli %scan3A_2512, %mul3A_2513 : i32
      %add3A_2515 = arith.constant 0 : i32
      %add3A_2516 = arith.addi %mul3A_2514, %add3A_2515 : i32
      %get3A = arith.index_cast %add3A_2516 : i32 to index
      %get3A_2517 = tpu.vector_load %arg7[%get3A] {strides = array<i32>} : memref<16384xi32, #tpu.memory_space<vmem>>, vector<16xi32>,
      %add3A_2518 = vector.broadcast %sub3A_2071 : i32 to vector<16xi32>
      %add3A_2519 = arith.addi %get3A_2517, %add3A_2518 : vector<16xi32>
      %gather3A = tpu.vector_load_idx %arg5[%add3A_2519] : memref<38656xf32, #tpu.memory_space<vmem>>[vector<16xi32>], vector<16xf32>,
      %add3A_2520 = arith.constant 16 : i32
      %add3A_2521 = arith.addi %mul3A_2514, %add3A_2520 : i32
      %get3A_2522 = arith.index_cast %add3A_2521 : i32 to index
      %get3A_2523 = tpu.vector_load %arg7[%get3A_2522] {strides = array<i32>} : memref<16384xi32, #tpu.memory_space<vmem>>, vector<16xi32>,
      %add3A_2524 = vector.broadcast %sub3A_2071 : i32 to vector<16xi32>
      %add3A_2525 = arith.addi %get3A_2523, %add3A_2524 : vector<16xi32>
      %gather3A_2526 = tpu.vector_load_idx %arg5[%add3A_2525] : memref<38656xf32, #tpu.memory_space<vmem>>[vector<16xi32>], vector<16xf32>,
      %add3A_2527 = arith.constant 32 : i32
      %add3A_2528 = arith.addi %mul3A_2514, %add3A_2527 : i32
      %get3A_2529 = arith.index_cast %add3A_2528 : i32 to index
      %get3A_2530 = tpu.vector_load %arg7[%get3A_2529] {strides = array<i32>} : memref<16384xi32, #tpu.memory_space<vmem>>, vector<16xi32>,
      %add3A_2531 = vector.broadcast %sub3A_2071 : i32 to vector<16xi32>
      %add3A_2532 = arith.addi %get3A_2530, %add3A_2531 : vector<16xi32>
      %gather3A_2533 = tpu.vector_load_idx %arg5[%add3A_2532] : memref<38656xf32, #tpu.memory_space<vmem>>[vector<16xi32>], vector<16xf32>,
      %add3A_2534 = arith.constant 48 : i32
      %add3A_2535 = arith.addi %mul3A_2514, %add3A_2534 : i32
      %get3A_2536 = arith.index_cast %add3A_2535 : i32 to index
      %get3A_2537 = tpu.vector_load %arg7[%get3A_2536] {strides = array<i32>} : memref<16384xi32, #tpu.memory_space<vmem>>, vector<16xi32>,
      %add3A_2538 = vector.broadcast %sub3A_2071 : i32 to vector<16xi32>
      %add3A_2539 = arith.addi %get3A_2537, %add3A_2538 : vector<16xi32>
      %gather3A_2540 = tpu.vector_load_idx %arg5[%add3A_2539] : memref<38656xf32, #tpu.memory_space<vmem>>[vector<16xi32>], vector<16xf32>,
      %add3A_2541 = arith.constant 64 : i32
      %add3A_2542 = arith.addi %mul3A_2514, %add3A_2541 : i32
      %get3A_2543 = arith.index_cast %add3A_2542 : i32 to index
      %get3A_2544 = tpu.vector_load %arg7[%get3A_2543] {strides = array<i32>} : memref<16384xi32, #tpu.memory_space<vmem>>, vector<16xi32>,
      %add3A_2545 = vector.broadcast %sub3A_2071 : i32 to vector<16xi32>
      %add3A_2546 = arith.addi %get3A_2544, %add3A_2545 : vector<16xi32>
      %gather3A_2547 = tpu.vector_load_idx %arg5[%add3A_2546] : memref<38656xf32, #tpu.memory_space<vmem>>[vector<16xi32>], vector<16xf32>,
      %add3A_2548 = arith.constant 80 : i32
      %add3A_2549 = arith.addi %mul3A_2514, %add3A_2548 : i32
      %get3A_2550 = arith.index_cast %add3A_2549 : i32 to index
      %get3A_2551 = tpu.vector_load %arg7[%get3A_2550] {strides = array<i32>} : memref<16384xi32, #tpu.memory_space<vmem>>, vector<16xi32>,
      %add3A_2552 = vector.broadcast %sub3A_2071 : i32 to vector<16xi32>
      %add3A_2553 = arith.addi %get3A_2551, %add3A_2552 : vector<16xi32>
      %gather3A_2554 = tpu.vector_load_idx %arg5[%add3A_2553] : memref<38656xf32, #tpu.memory_space<vmem>>[vector<16xi32>], vector<16xf32>,
      %add3A_2555 = arith.constant 96 : i32
      %add3A_2556 = arith.addi %mul3A_2514, %add3A_2555 : i32
      %get3A_2557 = arith.index_cast %add3A_2556 : i32 to index
      %get3A_2558 = tpu.vector_load %arg7[%get3A_2557] {strides = array<i32>} : memref<16384xi32, #tpu.memory_space<vmem>>, vector<16xi32>,
      %add3A_2559 = vector.broadcast %sub3A_2071 : i32 to vector<16xi32>
      %add3A_2560 = arith.addi %get3A_2558, %add3A_2559 : vector<16xi32>
      %gather3A_2561 = tpu.vector_load_idx %arg5[%add3A_2560] : memref<38656xf32, #tpu.memory_space<vmem>>[vector<16xi32>], vector<16xf32>,
      %add3A_2562 = arith.constant 112 : i32
      %add3A_2563 = arith.addi %mul3A_2514, %add3A_2562 : i32
      %get3A_2564 = arith.index_cast %add3A_2563 : i32 to index
      %get3A_2565 = tpu.vector_load %arg7[%get3A_2564] {strides = array<i32>} : memref<16384xi32, #tpu.memory_space<vmem>>, vector<16xi32>,
      %add3A_2566 = vector.broadcast %sub3A_2071 : i32 to vector<16xi32>
      %add3A_2567 = arith.addi %get3A_2565, %add3A_2566 : vector<16xi32>
      %gather3A_2568 = tpu.vector_load_idx %arg5[%add3A_2567] : memref<38656xf32, #tpu.memory_space<vmem>>[vector<16xi32>], vector<16xf32>,
      %add3A_2569 = arith.constant 0 : i32
      %add3A_2570 = arith.addi %mul3A_2514, %add3A_2569 : i32
      %swap3A = arith.index_cast %add3A_2570 : i32 to index
      %swap3A_2571 = tpu.vector_load %arg8[%swap3A] {strides = array<i32>} : memref<16384xf32, #tpu.memory_space<vmem>>, vector<16xf32>,
      tpu.vector_store %arg8[%swap3A], %gather3A {strides = array<i32>} : memref<16384xf32, #tpu.memory_space<vmem>>, vector<16xf32>,
      %add3A_2572 = arith.constant 16 : i32
      %add3A_2573 = arith.addi %mul3A_2514, %add3A_2572 : i32
      %swap3A_2574 = arith.index_cast %add3A_2573 : i32 to index
      %swap3A_2575 = tpu.vector_load %arg8[%swap3A_2574] {strides = array<i32>} : memref<16384xf32, #tpu.memory_space<vmem>>, vector<16xf32>,
      tpu.vector_store %arg8[%swap3A_2574], %gather3A_2526 {strides = array<i32>} : memref<16384xf32, #tpu.memory_space<vmem>>, vector<16xf32>,
      %add3A_2576 = arith.constant 32 : i32
      %add3A_2577 = arith.addi %mul3A_2514, %add3A_2576 : i32
      %swap3A_2578 = arith.index_cast %add3A_2577 : i32 to index
      %swap3A_2579 = tpu.vector_load %arg8[%swap3A_2578] {strides = array<i32>} : memref<16384xf32, #tpu.memory_space<vmem>>, vector<16xf32>,
      tpu.vector_store %arg8[%swap3A_2578], %gather3A_2533 {strides = array<i32>} : memref<16384xf32, #tpu.memory_space<vmem>>, vector<16xf32>,
      %add3A_2580 = arith.constant 48 : i32
      %add3A_2581 = arith.addi %mul3A_2514, %add3A_2580 : i32
      %swap3A_2582 = arith.index_cast %add3A_2581 : i32 to index
      %swap3A_2583 = tpu.vector_load %arg8[%swap3A_2582] {strides = array<i32>} : memref<16384xf32, #tpu.memory_space<vmem>>, vector<16xf32>,
      tpu.vector_store %arg8[%swap3A_2582], %gather3A_2540 {strides = array<i32>} : memref<16384xf32, #tpu.memory_space<vmem>>, vector<16xf32>,
      %add3A_2584 = arith.constant 64 : i32
      %add3A_2585 = arith.addi %mul3A_2514, %add3A_2584 : i32
      %swap3A_2586 = arith.index_cast %add3A_2585 : i32 to index
      %swap3A_2587 = tpu.vector_load %arg8[%swap3A_2586] {strides = array<i32>} : memref<16384xf32, #tpu.memory_space<vmem>>, vector<16xf32>,
      tpu.vector_store %arg8[%swap3A_2586], %gather3A_2547 {strides = array<i32>} : memref<16384xf32, #tpu.memory_space<vmem>>, vector<16xf32>,
      %add3A_2588 = arith.constant 80 : i32
      %add3A_2589 = arith.addi %mul3A_2514, %add3A_2588 : i32
      %swap3A_2590 = arith.index_cast %add3A_2589 : i32 to index
      %swap3A_2591 = tpu.vector_load %arg8[%swap3A_2590] {strides = array<i32>} : memref<16384xf32, #tpu.memory_space<vmem>>, vector<16xf32>,
      tpu.vector_store %arg8[%swap3A_2590], %gather3A_2554 {strides = array<i32>} : memref<16384xf32, #tpu.memory_space<vmem>>, vector<16xf32>,
      %add3A_2592 = arith.constant 96 : i32
      %add3A_2593 = arith.addi %mul3A_2514, %add3A_2592 : i32
      %swap3A_2594 = arith.index_cast %add3A_2593 : i32 to index
      %swap3A_2595 = tpu.vector_load %arg8[%swap3A_2594] {strides = array<i32>} : memref<16384xf32, #tpu.memory_space<vmem>>, vector<16xf32>,
      tpu.vector_store %arg8[%swap3A_2594], %gather3A_2561 {strides = array<i32>} : memref<16384xf32, #tpu.memory_space<vmem>>, vector<16xf32>,
      %add3A_2596 = arith.constant 112 : i32
      %add3A_2597 = arith.addi %mul3A_2514, %add3A_2596 : i32
      %swap3A_2598 = arith.index_cast %add3A_2597 : i32 to index
      %swap3A_2599 = tpu.vector_load %arg8[%swap3A_2598] {strides = array<i32>} : memref<16384xf32, #tpu.memory_space<vmem>>, vector<16xf32>,
      tpu.vector_store %arg8[%swap3A_2598], %gather3A_2568 {strides = array<i32>} : memref<16384xf32, #tpu.memory_space<vmem>>, vector<16xf32>,
    }
    %scan3A_2186 = arith.constant 128 : i32
    %dma_start3A_2187 = arith.constant 0 : i32
    %dma_start3A_2188 = tpu.memref_slice %arg4[%select_n3A_2024, %select_n3A_2040, %dma_start3A_2187] : memref<26x16x16384xf32, #tpu.memory_space<hbm>> -> memref<1x1x16384xf32, #tpu.memory_space<hbm>>
    %dma_start3A_2189 = tpu.memref_squeeze %dma_start3A_2188 : memref<1x1x16384xf32, #tpu.memory_space<hbm>> -> memref<16384xf32, #tpu.memory_space<hbm>>
    %dma_start3A_2190 = arith.constant 0 : i32
    %dma_start3A_2191 = tpu.memref_slice %arg4[%select_n3A_2024, %select_n3A_2040, %dma_start3A_2190] : memref<26x16x16384xf32, #tpu.memory_space<hbm>> -> memref<1x1x16384xf32, #tpu.memory_space<hbm>>
    %dma_start3A_2192 = tpu.memref_squeeze %dma_start3A_2191 : memref<1x1x16384xf32, #tpu.memory_space<hbm>> -> memref<16384xf32, #tpu.memory_space<hbm>>
    tpu.enqueue_dma source(%arg8 : memref<16384xf32, #tpu.memory_space<vmem>>) target(%dma_start3A_2192 : memref<16384xf32, #tpu.memory_space<hbm>>) target_semaphore(%arg11 : memref<!tpu.dma_semaphore, #tpu.memory_space<semaphore_mem>>)
    %mul3A_2193 = arith.constant 13 : i32
    %mul3A_2194 = arith.muli %add3A, %mul3A_2193 : i32
    %add3A_2195 = arith.constant 11 : i32
    %add3A_2196 = arith.addi %mul3A_2194, %add3A_2195 : i32
    %jit3A_2197 = arith.constant 16 : i32
    %div3A_2198 = arith.divsi %add3A_2196, %jit3A_2197 : i32
    %sign3A_2199 = arith.constant 0 : i32
    %sign3A_2200 = arith.cmpi sgt, %add3A_2196, %sign3A_2199 : i32
    %sign3A_2201 = arith.extui %sign3A_2200 : i1 to i32
    %sign3A_2202 = arith.constant 0 : i32
    %sign3A_2203 = arith.cmpi slt, %add3A_2196, %sign3A_2202 : i32
    %sign3A_2204 = arith.extui %sign3A_2203 : i1 to i32
    %sign3A_2205 = arith.subi %sign3A_2201, %sign3A_2204 : i32
    %sign3A_2206 = arith.constant 0 : i32
    %sign3A_2207 = arith.cmpi sgt, %jit3A_2197, %sign3A_2206 : i32
    %sign3A_2208 = arith.extui %sign3A_2207 : i1 to i32
    %sign3A_2209 = arith.constant 0 : i32
    %sign3A_2210 = arith.cmpi slt, %jit3A_2197, %sign3A_2209 : i32
    %sign3A_2211 = arith.extui %sign3A_2210 : i1 to i32
    %sign3A_2212 = arith.subi %sign3A_2208, %sign3A_2211 : i32
    %ne3A_2213 = arith.cmpi ne, %sign3A_2205, %sign3A_2212 : i32
    %rem3A_2214 = arith.remsi %add3A_2196, %jit3A_2197 : i32
    %ne3A_2215 = arith.constant 0 : i32
    %ne3A_2216 = arith.cmpi ne, %rem3A_2214, %ne3A_2215 : i32
    %and3A_2217 = arith.andi %ne3A_2213, %ne3A_2216 : i1
    %sub3A_2218 = arith.constant 1 : i32
    %sub3A_2219 = arith.subi %div3A_2198, %sub3A_2218 : i32
    %select_n3A_2220 = arith.select %and3A_2217, %sub3A_2219, %div3A_2198 : i32
    %jit3A_2221 = arith.constant 16 : i32
    %eq3A_2222 = arith.constant 0 : i32
    %eq3A_2223 = arith.cmpi eq, %jit3A_2221, %eq3A_2222 : i32
    %jit3A_2224 = arith.constant 1 : i32
    %select_n3A_2225 = arith.select %eq3A_2223, %jit3A_2224, %jit3A_2221 : i32
    %rem3A_2226 = arith.remsi %add3A_2196, %select_n3A_2225 : i32
    %ne3A_2227 = arith.constant 0 : i32
    %ne3A_2228 = arith.cmpi ne, %rem3A_2226, %ne3A_2227 : i32
    %lt3A_2229 = arith.constant 0 : i32
    %lt3A_2230 = arith.cmpi slt, %rem3A_2226, %lt3A_2229 : i32
    %lt3A_2231 = arith.constant 0 : i32
    %lt3A_2232 = arith.cmpi slt, %select_n3A_2225, %lt3A_2231 : i32
    %ne3A_2233 = arith.xori %lt3A_2230, %lt3A_2232 : i1
    %and3A_2234 = arith.andi %ne3A_2233, %ne3A_2228 : i1
    %add3A_2235 = arith.addi %rem3A_2226, %select_n3A_2225 : i32
    %select_n3A_2236 = arith.select %and3A_2234, %add3A_2235, %rem3A_2226 : i32
    %mul3A_2237 = arith.constant 38462 : i32
    %mul3A_2238 = arith.muli %select_n3A_2220, %mul3A_2237 : i32
    %jit3A_2239 = arith.constant 128 : i32
    %div3A_2240 = arith.divsi %mul3A_2238, %jit3A_2239 : i32
    %sign3A_2241 = arith.constant 0 : i32
    %sign3A_2242 = arith.cmpi sgt, %mul3A_2238, %sign3A_2241 : i32
    %sign3A_2243 = arith.extui %sign3A_2242 : i1 to i32
    %sign3A_2244 = arith.constant 0 : i32
    %sign3A_2245 = arith.cmpi slt, %mul3A_2238, %sign3A_2244 : i32
    %sign3A_2246 = arith.extui %sign3A_2245 : i1 to i32
    %sign3A_2247 = arith.subi %sign3A_2243, %sign3A_2246 : i32
    %sign3A_2248 = arith.constant 0 : i32
    %sign3A_2249 = arith.cmpi sgt, %jit3A_2239, %sign3A_2248 : i32
    %sign3A_2250 = arith.extui %sign3A_2249 : i1 to i32
    %sign3A_2251 = arith.constant 0 : i32
    %sign3A_2252 = arith.cmpi slt, %jit3A_2239, %sign3A_2251 : i32
    %sign3A_2253 = arith.extui %sign3A_2252 : i1 to i32
    %sign3A_2254 = arith.subi %sign3A_2250, %sign3A_2253 : i32
    %ne3A_2255 = arith.cmpi ne, %sign3A_2247, %sign3A_2254 : i32
    %rem3A_2256 = arith.remsi %mul3A_2238, %jit3A_2239 : i32
    %ne3A_2257 = arith.constant 0 : i32
    %ne3A_2258 = arith.cmpi ne, %rem3A_2256, %ne3A_2257 : i32
    %and3A_2259 = arith.andi %ne3A_2255, %ne3A_2258 : i1
    %sub3A_2260 = arith.constant 1 : i32
    %sub3A_2261 = arith.subi %div3A_2240, %sub3A_2260 : i32
    %select_n3A_2262 = arith.select %and3A_2259, %sub3A_2261, %div3A_2240 : i32
    %mul3A_2263 = arith.constant 128 : i32
    %mul3A_2264 = arith.muli %select_n3A_2262, %mul3A_2263 : i32
    %min3A_2265 = arith.constant 961408 : i32
    %min3A_2266 = arith.minsi %mul3A_2264, %min3A_2265 : i32
    %sub3A_2267 = arith.subi %mul3A_2238, %min3A_2266 : i32
    %jit3A_2268 = arith.constant 16 : i32
    %eq3A_2269 = arith.constant 0 : i32
    %eq3A_2270 = arith.cmpi eq, %jit3A_2268, %eq3A_2269 : i32
    %jit3A_2271 = arith.constant 1 : i32
    %select_n3A_2272 = arith.select %eq3A_2270, %jit3A_2271, %jit3A_2268 : i32
    %rem3A_2273 = arith.remsi %add3A_2196, %select_n3A_2272 : i32
    %ne3A_2274 = arith.constant 0 : i32
    %ne3A_2275 = arith.cmpi ne, %rem3A_2273, %ne3A_2274 : i32
    %lt3A_2276 = arith.constant 0 : i32
    %lt3A_2277 = arith.cmpi slt, %rem3A_2273, %lt3A_2276 : i32
    %lt3A_2278 = arith.constant 0 : i32
    %lt3A_2279 = arith.cmpi slt, %select_n3A_2272, %lt3A_2278 : i32
    %ne3A_2280 = arith.xori %lt3A_2277, %lt3A_2279 : i1
    %and3A_2281 = arith.andi %ne3A_2280, %ne3A_2275 : i1
    %add3A_2282 = arith.addi %rem3A_2273, %select_n3A_2272 : i32
    %select_n3A_2283 = arith.select %and3A_2281, %add3A_2282, %rem3A_2273 : i32
    %eq3A_2284 = arith.constant 0 : i32
    %eq3A_2285 = arith.cmpi eq, %select_n3A_2283, %eq3A_2284 : i32
    %convert_element_type3A_2286 = arith.extui %eq3A_2285 : i1 to i32
    %cond3A_2287 = arith.constant 0 : i32
    %cond3A_2288 = arith.cmpi ne, %convert_element_type3A_2286, %cond3A_2287 : i32
    scf.if %cond3A_2288 {
      "tpu.region"() ({
        %run_scoped3A = tpu.sem_alloc : memref<!tpu.dma_semaphore, #tpu.memory_space<semaphore_mem>>
        %dma_start3A_2512 = arith.constant 0 : i32
        %dma_start3A_2513 = tpu.memref_slice %arg2[%select_n3A_2220, %dma_start3A_2512] : memref<26x16384xi32, #tpu.memory_space<hbm>> -> memref<1x16384xi32, #tpu.memory_space<hbm>>
        %dma_start3A_2514 = tpu.memref_squeeze %dma_start3A_2513 : memref<1x16384xi32, #tpu.memory_space<hbm>> -> memref<16384xi32, #tpu.memory_space<hbm>>
        %dma_start3A_2515 = arith.constant 0 : i32
        %dma_start3A_2516 = tpu.memref_slice %arg2[%select_n3A_2220, %dma_start3A_2515] : memref<26x16384xi32, #tpu.memory_space<hbm>> -> memref<1x16384xi32, #tpu.memory_space<hbm>>
        %dma_start3A_2517 = tpu.memref_squeeze %dma_start3A_2516 : memref<1x16384xi32, #tpu.memory_space<hbm>> -> memref<16384xi32, #tpu.memory_space<hbm>>
        tpu.enqueue_dma source(%dma_start3A_2517 : memref<16384xi32, #tpu.memory_space<hbm>>) target(%arg7 : memref<16384xi32, #tpu.memory_space<vmem>>) target_semaphore(%run_scoped3A : memref<!tpu.dma_semaphore, #tpu.memory_space<semaphore_mem>>)
        %dma_wait3A_2518 = arith.constant 0 : i32
        %dma_wait3A_2519 = tpu.memref_slice %arg2[%select_n3A_2220, %dma_wait3A_2518] : memref<26x16384xi32, #tpu.memory_space<hbm>> -> memref<1x16384xi32, #tpu.memory_space<hbm>>
        %dma_wait3A_2520 = tpu.memref_squeeze %dma_wait3A_2519 : memref<1x16384xi32, #tpu.memory_space<hbm>> -> memref<16384xi32, #tpu.memory_space<hbm>>
        %dma_wait3A_2521 = arith.constant 0 : i32
        %dma_wait3A_2522 = tpu.memref_slice %arg2[%select_n3A_2220, %dma_wait3A_2521] : memref<26x16384xi32, #tpu.memory_space<hbm>> -> memref<1x16384xi32, #tpu.memory_space<hbm>>
        %dma_wait3A_2523 = tpu.memref_squeeze %dma_wait3A_2522 : memref<1x16384xi32, #tpu.memory_space<hbm>> -> memref<16384xi32, #tpu.memory_space<hbm>>
        tpu.wait_dma2 semaphore(%run_scoped3A : memref<!tpu.dma_semaphore, #tpu.memory_space<semaphore_mem>>) src(%dma_wait3A_2523 : memref<16384xi32, #tpu.memory_space<hbm>>) dst(%arg7 : memref<16384xi32, #tpu.memory_space<vmem>>)
        tpu.yield
      }) : () -> ()
    } else {
    }
    %mul3A_2289 = arith.constant 13 : i32
    %mul3A_2290 = arith.muli %add3A, %mul3A_2289 : i32
    %add3A_2291 = arith.constant 12 : i32
    %add3A_2292 = arith.addi %mul3A_2290, %add3A_2291 : i32
    %jit3A_2293 = arith.constant 16 : i32
    %div3A_2294 = arith.divsi %add3A_2292, %jit3A_2293 : i32
    %sign3A_2295 = arith.constant 0 : i32
    %sign3A_2296 = arith.cmpi sgt, %add3A_2292, %sign3A_2295 : i32
    %sign3A_2297 = arith.extui %sign3A_2296 : i1 to i32
    %sign3A_2298 = arith.constant 0 : i32
    %sign3A_2299 = arith.cmpi slt, %add3A_2292, %sign3A_2298 : i32
    %sign3A_2300 = arith.extui %sign3A_2299 : i1 to i32
    %sign3A_2301 = arith.subi %sign3A_2297, %sign3A_2300 : i32
    %sign3A_2302 = arith.constant 0 : i32
    %sign3A_2303 = arith.cmpi sgt, %jit3A_2293, %sign3A_2302 : i32
    %sign3A_2304 = arith.extui %sign3A_2303 : i1 to i32
    %sign3A_2305 = arith.constant 0 : i32
    %sign3A_2306 = arith.cmpi slt, %jit3A_2293, %sign3A_2305 : i32
    %sign3A_2307 = arith.extui %sign3A_2306 : i1 to i32
    %sign3A_2308 = arith.subi %sign3A_2304, %sign3A_2307 : i32
    %ne3A_2309 = arith.cmpi ne, %sign3A_2301, %sign3A_2308 : i32
    %rem3A_2310 = arith.remsi %add3A_2292, %jit3A_2293 : i32
    %ne3A_2311 = arith.constant 0 : i32
    %ne3A_2312 = arith.cmpi ne, %rem3A_2310, %ne3A_2311 : i32
    %and3A_2313 = arith.andi %ne3A_2309, %ne3A_2312 : i1
    %sub3A_2314 = arith.constant 1 : i32
    %sub3A_2315 = arith.subi %div3A_2294, %sub3A_2314 : i32
    %select_n3A_2316 = arith.select %and3A_2313, %sub3A_2315, %div3A_2294 : i32
    %jit3A_2317 = arith.constant 16 : i32
    %eq3A_2318 = arith.constant 0 : i32
    %eq3A_2319 = arith.cmpi eq, %jit3A_2317, %eq3A_2318 : i32
    %jit3A_2320 = arith.constant 1 : i32
    %select_n3A_2321 = arith.select %eq3A_2319, %jit3A_2320, %jit3A_2317 : i32
    %rem3A_2322 = arith.remsi %add3A_2292, %select_n3A_2321 : i32
    %ne3A_2323 = arith.constant 0 : i32
    %ne3A_2324 = arith.cmpi ne, %rem3A_2322, %ne3A_2323 : i32
    %lt3A_2325 = arith.constant 0 : i32
    %lt3A_2326 = arith.cmpi slt, %rem3A_2322, %lt3A_2325 : i32
    %lt3A_2327 = arith.constant 0 : i32
    %lt3A_2328 = arith.cmpi slt, %select_n3A_2321, %lt3A_2327 : i32
    %ne3A_2329 = arith.xori %lt3A_2326, %lt3A_2328 : i1
    %and3A_2330 = arith.andi %ne3A_2329, %ne3A_2324 : i1
    %add3A_2331 = arith.addi %rem3A_2322, %select_n3A_2321 : i32
    %select_n3A_2332 = arith.select %and3A_2330, %add3A_2331, %rem3A_2322 : i32
    %mul3A_2333 = arith.constant 38462 : i32
    %mul3A_2334 = arith.muli %select_n3A_2316, %mul3A_2333 : i32
    %jit3A_2335 = arith.constant 128 : i32
    %div3A_2336 = arith.divsi %mul3A_2334, %jit3A_2335 : i32
    %sign3A_2337 = arith.constant 0 : i32
    %sign3A_2338 = arith.cmpi sgt, %mul3A_2334, %sign3A_2337 : i32
    %sign3A_2339 = arith.extui %sign3A_2338 : i1 to i32
    %sign3A_2340 = arith.constant 0 : i32
    %sign3A_2341 = arith.cmpi slt, %mul3A_2334, %sign3A_2340 : i32
    %sign3A_2342 = arith.extui %sign3A_2341 : i1 to i32
    %sign3A_2343 = arith.subi %sign3A_2339, %sign3A_2342 : i32
    %sign3A_2344 = arith.constant 0 : i32
    %sign3A_2345 = arith.cmpi sgt, %jit3A_2335, %sign3A_2344 : i32
    %sign3A_2346 = arith.extui %sign3A_2345 : i1 to i32
    %sign3A_2347 = arith.constant 0 : i32
    %sign3A_2348 = arith.cmpi slt, %jit3A_2335, %sign3A_2347 : i32
    %sign3A_2349 = arith.extui %sign3A_2348 : i1 to i32
    %sign3A_2350 = arith.subi %sign3A_2346, %sign3A_2349 : i32
    %ne3A_2351 = arith.cmpi ne, %sign3A_2343, %sign3A_2350 : i32
    %rem3A_2352 = arith.remsi %mul3A_2334, %jit3A_2335 : i32
    %ne3A_2353 = arith.constant 0 : i32
    %ne3A_2354 = arith.cmpi ne, %rem3A_2352, %ne3A_2353 : i32
    %and3A_2355 = arith.andi %ne3A_2351, %ne3A_2354 : i1
    %sub3A_2356 = arith.constant 1 : i32
    %sub3A_2357 = arith.subi %div3A_2336, %sub3A_2356 : i32
    %select_n3A_2358 = arith.select %and3A_2355, %sub3A_2357, %div3A_2336 : i32
    %mul3A_2359 = arith.constant 128 : i32
    %mul3A_2360 = arith.muli %select_n3A_2358, %mul3A_2359 : i32
    %min3A_2361 = arith.constant 961408 : i32
    %min3A_2362 = arith.minsi %mul3A_2360, %min3A_2361 : i32
    %sub3A_2363 = arith.subi %mul3A_2334, %min3A_2362 : i32
    %dma_start3A_2364 = tpu.memref_slice %arg3[%select_n3A_2332, %min3A_2362] : memref<16x1000012xf32, #tpu.memory_space<hbm>> -> memref<1x38656xf32, #tpu.memory_space<hbm>>
    %dma_start3A_2365 = tpu.memref_squeeze %dma_start3A_2364 : memref<1x38656xf32, #tpu.memory_space<hbm>> -> memref<38656xf32, #tpu.memory_space<hbm>>
    %dma_start3A_2366 = tpu.memref_slice %arg3[%select_n3A_2332, %min3A_2362] : memref<16x1000012xf32, #tpu.memory_space<hbm>> -> memref<1x38656xf32, #tpu.memory_space<hbm>>
    %dma_start3A_2367 = tpu.memref_squeeze %dma_start3A_2366 : memref<1x38656xf32, #tpu.memory_space<hbm>> -> memref<38656xf32, #tpu.memory_space<hbm>>
    tpu.enqueue_dma source(%dma_start3A_2367 : memref<38656xf32, #tpu.memory_space<hbm>>) target(%arg5 : memref<38656xf32, #tpu.memory_space<vmem>>) target_semaphore(%arg9 : memref<!tpu.dma_semaphore, #tpu.memory_space<semaphore_mem>>)
    %dma_wait3A_2368 = tpu.memref_slice %arg3[%select_n3A_2136, %min3A_2166] : memref<16x1000012xf32, #tpu.memory_space<hbm>> -> memref<1x38656xf32, #tpu.memory_space<hbm>>
    %dma_wait3A_2369 = tpu.memref_squeeze %dma_wait3A_2368 : memref<1x38656xf32, #tpu.memory_space<hbm>> -> memref<38656xf32, #tpu.memory_space<hbm>>
    %dma_wait3A_2370 = tpu.memref_slice %arg3[%select_n3A_2136, %min3A_2166] : memref<16x1000012xf32, #tpu.memory_space<hbm>> -> memref<1x38656xf32, #tpu.memory_space<hbm>>
    %dma_wait3A_2371 = tpu.memref_squeeze %dma_wait3A_2370 : memref<1x38656xf32, #tpu.memory_space<hbm>> -> memref<38656xf32, #tpu.memory_space<hbm>>
    tpu.wait_dma2 semaphore(%arg10 : memref<!tpu.dma_semaphore, #tpu.memory_space<semaphore_mem>>) src(%dma_wait3A_2371 : memref<38656xf32, #tpu.memory_space<hbm>>) dst(%arg6 : memref<38656xf32, #tpu.memory_space<vmem>>)
    %dma_wait3A_2372 = arith.constant 0 : i32
    %dma_wait3A_2373 = tpu.memref_slice %arg4[%select_n3A_2024, %select_n3A_2040, %dma_wait3A_2372] : memref<26x16x16384xf32, #tpu.memory_space<hbm>> -> memref<1x1x16384xf32, #tpu.memory_space<hbm>>
    %dma_wait3A_2374 = tpu.memref_squeeze %dma_wait3A_2373 : memref<1x1x16384xf32, #tpu.memory_space<hbm>> -> memref<16384xf32, #tpu.memory_space<hbm>>
    %dma_wait3A_2375 = arith.constant 0 : i32
    %dma_wait3A_2376 = tpu.memref_slice %arg4[%select_n3A_2024, %select_n3A_2040, %dma_wait3A_2375] : memref<26x16x16384xf32, #tpu.memory_space<hbm>> -> memref<1x1x16384xf32, #tpu.memory_space<hbm>>
    %dma_wait3A_2377 = tpu.memref_squeeze %dma_wait3A_2376 : memref<1x1x16384xf32, #tpu.memory_space<hbm>> -> memref<16384xf32, #tpu.memory_space<hbm>>
    tpu.wait_dma2 semaphore(%arg11 : memref<!tpu.dma_semaphore, #tpu.memory_space<semaphore_mem>>) src(%arg8 : memref<16384xf32, #tpu.memory_space<vmem>>) dst(%dma_wait3A_2377 : memref<16384xf32, #tpu.memory_space<hbm>>)
    %scan3A_2378 = arith.constant 0 : i32
    %scan3A_2379 = arith.constant 128 : i32
    %scan3A_2380 = arith.addi %scan3A_2378, %scan3A_2379 : i32
    %scan3A_2381 = arith.constant 1 : i32
    scf.for %scan3A_2512 = %scan3A_2378 to %scan3A_2380 step %scan3A_2381  : i32 {
      %mul3A_2513 = arith.constant 128 : i32
      %mul3A_2514 = arith.muli %scan3A_2512, %mul3A_2513 : i32
      %add3A_2515 = arith.constant 0 : i32
      %add3A_2516 = arith.addi %mul3A_2514, %add3A_2515 : i32
      %get3A = arith.index_cast %add3A_2516 : i32 to index
      %get3A_2517 = tpu.vector_load %arg7[%get3A] {strides = array<i32>} : memref<16384xi32, #tpu.memory_space<vmem>>, vector<16xi32>,
      %add3A_2518 = vector.broadcast %sub3A_2267 : i32 to vector<16xi32>
      %add3A_2519 = arith.addi %get3A_2517, %add3A_2518 : vector<16xi32>
      %gather3A = tpu.vector_load_idx %arg6[%add3A_2519] : memref<38656xf32, #tpu.memory_space<vmem>>[vector<16xi32>], vector<16xf32>,
      %add3A_2520 = arith.constant 16 : i32
      %add3A_2521 = arith.addi %mul3A_2514, %add3A_2520 : i32
      %get3A_2522 = arith.index_cast %add3A_2521 : i32 to index
      %get3A_2523 = tpu.vector_load %arg7[%get3A_2522] {strides = array<i32>} : memref<16384xi32, #tpu.memory_space<vmem>>, vector<16xi32>,
      %add3A_2524 = vector.broadcast %sub3A_2267 : i32 to vector<16xi32>
      %add3A_2525 = arith.addi %get3A_2523, %add3A_2524 : vector<16xi32>
      %gather3A_2526 = tpu.vector_load_idx %arg6[%add3A_2525] : memref<38656xf32, #tpu.memory_space<vmem>>[vector<16xi32>], vector<16xf32>,
      %add3A_2527 = arith.constant 32 : i32
      %add3A_2528 = arith.addi %mul3A_2514, %add3A_2527 : i32
      %get3A_2529 = arith.index_cast %add3A_2528 : i32 to index
      %get3A_2530 = tpu.vector_load %arg7[%get3A_2529] {strides = array<i32>} : memref<16384xi32, #tpu.memory_space<vmem>>, vector<16xi32>,
      %add3A_2531 = vector.broadcast %sub3A_2267 : i32 to vector<16xi32>
      %add3A_2532 = arith.addi %get3A_2530, %add3A_2531 : vector<16xi32>
      %gather3A_2533 = tpu.vector_load_idx %arg6[%add3A_2532] : memref<38656xf32, #tpu.memory_space<vmem>>[vector<16xi32>], vector<16xf32>,
      %add3A_2534 = arith.constant 48 : i32
      %add3A_2535 = arith.addi %mul3A_2514, %add3A_2534 : i32
      %get3A_2536 = arith.index_cast %add3A_2535 : i32 to index
      %get3A_2537 = tpu.vector_load %arg7[%get3A_2536] {strides = array<i32>} : memref<16384xi32, #tpu.memory_space<vmem>>, vector<16xi32>,
      %add3A_2538 = vector.broadcast %sub3A_2267 : i32 to vector<16xi32>
      %add3A_2539 = arith.addi %get3A_2537, %add3A_2538 : vector<16xi32>
      %gather3A_2540 = tpu.vector_load_idx %arg6[%add3A_2539] : memref<38656xf32, #tpu.memory_space<vmem>>[vector<16xi32>], vector<16xf32>,
      %add3A_2541 = arith.constant 64 : i32
      %add3A_2542 = arith.addi %mul3A_2514, %add3A_2541 : i32
      %get3A_2543 = arith.index_cast %add3A_2542 : i32 to index
      %get3A_2544 = tpu.vector_load %arg7[%get3A_2543] {strides = array<i32>} : memref<16384xi32, #tpu.memory_space<vmem>>, vector<16xi32>,
      %add3A_2545 = vector.broadcast %sub3A_2267 : i32 to vector<16xi32>
      %add3A_2546 = arith.addi %get3A_2544, %add3A_2545 : vector<16xi32>
      %gather3A_2547 = tpu.vector_load_idx %arg6[%add3A_2546] : memref<38656xf32, #tpu.memory_space<vmem>>[vector<16xi32>], vector<16xf32>,
      %add3A_2548 = arith.constant 80 : i32
      %add3A_2549 = arith.addi %mul3A_2514, %add3A_2548 : i32
      %get3A_2550 = arith.index_cast %add3A_2549 : i32 to index
      %get3A_2551 = tpu.vector_load %arg7[%get3A_2550] {strides = array<i32>} : memref<16384xi32, #tpu.memory_space<vmem>>, vector<16xi32>,
      %add3A_2552 = vector.broadcast %sub3A_2267 : i32 to vector<16xi32>
      %add3A_2553 = arith.addi %get3A_2551, %add3A_2552 : vector<16xi32>
      %gather3A_2554 = tpu.vector_load_idx %arg6[%add3A_2553] : memref<38656xf32, #tpu.memory_space<vmem>>[vector<16xi32>], vector<16xf32>,
      %add3A_2555 = arith.constant 96 : i32
      %add3A_2556 = arith.addi %mul3A_2514, %add3A_2555 : i32
      %get3A_2557 = arith.index_cast %add3A_2556 : i32 to index
      %get3A_2558 = tpu.vector_load %arg7[%get3A_2557] {strides = array<i32>} : memref<16384xi32, #tpu.memory_space<vmem>>, vector<16xi32>,
      %add3A_2559 = vector.broadcast %sub3A_2267 : i32 to vector<16xi32>
      %add3A_2560 = arith.addi %get3A_2558, %add3A_2559 : vector<16xi32>
      %gather3A_2561 = tpu.vector_load_idx %arg6[%add3A_2560] : memref<38656xf32, #tpu.memory_space<vmem>>[vector<16xi32>], vector<16xf32>,
      %add3A_2562 = arith.constant 112 : i32
      %add3A_2563 = arith.addi %mul3A_2514, %add3A_2562 : i32
      %get3A_2564 = arith.index_cast %add3A_2563 : i32 to index
      %get3A_2565 = tpu.vector_load %arg7[%get3A_2564] {strides = array<i32>} : memref<16384xi32, #tpu.memory_space<vmem>>, vector<16xi32>,
      %add3A_2566 = vector.broadcast %sub3A_2267 : i32 to vector<16xi32>
      %add3A_2567 = arith.addi %get3A_2565, %add3A_2566 : vector<16xi32>
      %gather3A_2568 = tpu.vector_load_idx %arg6[%add3A_2567] : memref<38656xf32, #tpu.memory_space<vmem>>[vector<16xi32>], vector<16xf32>,
      %add3A_2569 = arith.constant 0 : i32
      %add3A_2570 = arith.addi %mul3A_2514, %add3A_2569 : i32
      %swap3A = arith.index_cast %add3A_2570 : i32 to index
      %swap3A_2571 = tpu.vector_load %arg8[%swap3A] {strides = array<i32>} : memref<16384xf32, #tpu.memory_space<vmem>>, vector<16xf32>,
      tpu.vector_store %arg8[%swap3A], %gather3A {strides = array<i32>} : memref<16384xf32, #tpu.memory_space<vmem>>, vector<16xf32>,
      %add3A_2572 = arith.constant 16 : i32
      %add3A_2573 = arith.addi %mul3A_2514, %add3A_2572 : i32
      %swap3A_2574 = arith.index_cast %add3A_2573 : i32 to index
      %swap3A_2575 = tpu.vector_load %arg8[%swap3A_2574] {strides = array<i32>} : memref<16384xf32, #tpu.memory_space<vmem>>, vector<16xf32>,
      tpu.vector_store %arg8[%swap3A_2574], %gather3A_2526 {strides = array<i32>} : memref<16384xf32, #tpu.memory_space<vmem>>, vector<16xf32>,
      %add3A_2576 = arith.constant 32 : i32
      %add3A_2577 = arith.addi %mul3A_2514, %add3A_2576 : i32
      %swap3A_2578 = arith.index_cast %add3A_2577 : i32 to index
      %swap3A_2579 = tpu.vector_load %arg8[%swap3A_2578] {strides = array<i32>} : memref<16384xf32, #tpu.memory_space<vmem>>, vector<16xf32>,
      tpu.vector_store %arg8[%swap3A_2578], %gather3A_2533 {strides = array<i32>} : memref<16384xf32, #tpu.memory_space<vmem>>, vector<16xf32>,
      %add3A_2580 = arith.constant 48 : i32
      %add3A_2581 = arith.addi %mul3A_2514, %add3A_2580 : i32
      %swap3A_2582 = arith.index_cast %add3A_2581 : i32 to index
      %swap3A_2583 = tpu.vector_load %arg8[%swap3A_2582] {strides = array<i32>} : memref<16384xf32, #tpu.memory_space<vmem>>, vector<16xf32>,
      tpu.vector_store %arg8[%swap3A_2582], %gather3A_2540 {strides = array<i32>} : memref<16384xf32, #tpu.memory_space<vmem>>, vector<16xf32>,
      %add3A_2584 = arith.constant 64 : i32
      %add3A_2585 = arith.addi %mul3A_2514, %add3A_2584 : i32
      %swap3A_2586 = arith.index_cast %add3A_2585 : i32 to index
      %swap3A_2587 = tpu.vector_load %arg8[%swap3A_2586] {strides = array<i32>} : memref<16384xf32, #tpu.memory_space<vmem>>, vector<16xf32>,
      tpu.vector_store %arg8[%swap3A_2586], %gather3A_2547 {strides = array<i32>} : memref<16384xf32, #tpu.memory_space<vmem>>, vector<16xf32>,
      %add3A_2588 = arith.constant 80 : i32
      %add3A_2589 = arith.addi %mul3A_2514, %add3A_2588 : i32
      %swap3A_2590 = arith.index_cast %add3A_2589 : i32 to index
      %swap3A_2591 = tpu.vector_load %arg8[%swap3A_2590] {strides = array<i32>} : memref<16384xf32, #tpu.memory_space<vmem>>, vector<16xf32>,
      tpu.vector_store %arg8[%swap3A_2590], %gather3A_2554 {strides = array<i32>} : memref<16384xf32, #tpu.memory_space<vmem>>, vector<16xf32>,
      %add3A_2592 = arith.constant 96 : i32
      %add3A_2593 = arith.addi %mul3A_2514, %add3A_2592 : i32
      %swap3A_2594 = arith.index_cast %add3A_2593 : i32 to index
      %swap3A_2595 = tpu.vector_load %arg8[%swap3A_2594] {strides = array<i32>} : memref<16384xf32, #tpu.memory_space<vmem>>, vector<16xf32>,
      tpu.vector_store %arg8[%swap3A_2594], %gather3A_2561 {strides = array<i32>} : memref<16384xf32, #tpu.memory_space<vmem>>, vector<16xf32>,
      %add3A_2596 = arith.constant 112 : i32
      %add3A_2597 = arith.addi %mul3A_2514, %add3A_2596 : i32
      %swap3A_2598 = arith.index_cast %add3A_2597 : i32 to index
      %swap3A_2599 = tpu.vector_load %arg8[%swap3A_2598] {strides = array<i32>} : memref<16384xf32, #tpu.memory_space<vmem>>, vector<16xf32>,
      tpu.vector_store %arg8[%swap3A_2598], %gather3A_2568 {strides = array<i32>} : memref<16384xf32, #tpu.memory_space<vmem>>, vector<16xf32>,
    }
    %scan3A_2382 = arith.constant 128 : i32
    %dma_start3A_2383 = arith.constant 0 : i32
    %dma_start3A_2384 = tpu.memref_slice %arg4[%select_n3A_2220, %select_n3A_2236, %dma_start3A_2383] : memref<26x16x16384xf32, #tpu.memory_space<hbm>> -> memref<1x1x16384xf32, #tpu.memory_space<hbm>>
    %dma_start3A_2385 = tpu.memref_squeeze %dma_start3A_2384 : memref<1x1x16384xf32, #tpu.memory_space<hbm>> -> memref<16384xf32, #tpu.memory_space<hbm>>
    %dma_start3A_2386 = arith.constant 0 : i32
    %dma_start3A_2387 = tpu.memref_slice %arg4[%select_n3A_2220, %select_n3A_2236, %dma_start3A_2386] : memref<26x16x16384xf32, #tpu.memory_space<hbm>> -> memref<1x1x16384xf32, #tpu.memory_space<hbm>>
    %dma_start3A_2388 = tpu.memref_squeeze %dma_start3A_2387 : memref<1x1x16384xf32, #tpu.memory_space<hbm>> -> memref<16384xf32, #tpu.memory_space<hbm>>
    tpu.enqueue_dma source(%arg8 : memref<16384xf32, #tpu.memory_space<vmem>>) target(%dma_start3A_2388 : memref<16384xf32, #tpu.memory_space<hbm>>) target_semaphore(%arg11 : memref<!tpu.dma_semaphore, #tpu.memory_space<semaphore_mem>>)
    %mul3A_2389 = arith.constant 13 : i32
    %mul3A_2390 = arith.muli %add3A, %mul3A_2389 : i32
    %add3A_2391 = arith.constant 12 : i32
    %add3A_2392 = arith.addi %mul3A_2390, %add3A_2391 : i32
    %jit3A_2393 = arith.constant 16 : i32
    %div3A_2394 = arith.divsi %add3A_2392, %jit3A_2393 : i32
    %sign3A_2395 = arith.constant 0 : i32
    %sign3A_2396 = arith.cmpi sgt, %add3A_2392, %sign3A_2395 : i32
    %sign3A_2397 = arith.extui %sign3A_2396 : i1 to i32
    %sign3A_2398 = arith.constant 0 : i32
    %sign3A_2399 = arith.cmpi slt, %add3A_2392, %sign3A_2398 : i32
    %sign3A_2400 = arith.extui %sign3A_2399 : i1 to i32
    %sign3A_2401 = arith.subi %sign3A_2397, %sign3A_2400 : i32
    %sign3A_2402 = arith.constant 0 : i32
    %sign3A_2403 = arith.cmpi sgt, %jit3A_2393, %sign3A_2402 : i32
    %sign3A_2404 = arith.extui %sign3A_2403 : i1 to i32
    %sign3A_2405 = arith.constant 0 : i32
    %sign3A_2406 = arith.cmpi slt, %jit3A_2393, %sign3A_2405 : i32
    %sign3A_2407 = arith.extui %sign3A_2406 : i1 to i32
    %sign3A_2408 = arith.subi %sign3A_2404, %sign3A_2407 : i32
    %ne3A_2409 = arith.cmpi ne, %sign3A_2401, %sign3A_2408 : i32
    %rem3A_2410 = arith.remsi %add3A_2392, %jit3A_2393 : i32
    %ne3A_2411 = arith.constant 0 : i32
    %ne3A_2412 = arith.cmpi ne, %rem3A_2410, %ne3A_2411 : i32
    %and3A_2413 = arith.andi %ne3A_2409, %ne3A_2412 : i1
    %sub3A_2414 = arith.constant 1 : i32
    %sub3A_2415 = arith.subi %div3A_2394, %sub3A_2414 : i32
    %select_n3A_2416 = arith.select %and3A_2413, %sub3A_2415, %div3A_2394 : i32
    %jit3A_2417 = arith.constant 16 : i32
    %eq3A_2418 = arith.constant 0 : i32
    %eq3A_2419 = arith.cmpi eq, %jit3A_2417, %eq3A_2418 : i32
    %jit3A_2420 = arith.constant 1 : i32
    %select_n3A_2421 = arith.select %eq3A_2419, %jit3A_2420, %jit3A_2417 : i32
    %rem3A_2422 = arith.remsi %add3A_2392, %select_n3A_2421 : i32
    %ne3A_2423 = arith.constant 0 : i32
    %ne3A_2424 = arith.cmpi ne, %rem3A_2422, %ne3A_2423 : i32
    %lt3A_2425 = arith.constant 0 : i32
    %lt3A_2426 = arith.cmpi slt, %rem3A_2422, %lt3A_2425 : i32
    %lt3A_2427 = arith.constant 0 : i32
    %lt3A_2428 = arith.cmpi slt, %select_n3A_2421, %lt3A_2427 : i32
    %ne3A_2429 = arith.xori %lt3A_2426, %lt3A_2428 : i1
    %and3A_2430 = arith.andi %ne3A_2429, %ne3A_2424 : i1
    %add3A_2431 = arith.addi %rem3A_2422, %select_n3A_2421 : i32
    %select_n3A_2432 = arith.select %and3A_2430, %add3A_2431, %rem3A_2422 : i32
    %mul3A_2433 = arith.constant 38462 : i32
    %mul3A_2434 = arith.muli %select_n3A_2416, %mul3A_2433 : i32
    %jit3A_2435 = arith.constant 128 : i32
    %div3A_2436 = arith.divsi %mul3A_2434, %jit3A_2435 : i32
    %sign3A_2437 = arith.constant 0 : i32
    %sign3A_2438 = arith.cmpi sgt, %mul3A_2434, %sign3A_2437 : i32
    %sign3A_2439 = arith.extui %sign3A_2438 : i1 to i32
    %sign3A_2440 = arith.constant 0 : i32
    %sign3A_2441 = arith.cmpi slt, %mul3A_2434, %sign3A_2440 : i32
    %sign3A_2442 = arith.extui %sign3A_2441 : i1 to i32
    %sign3A_2443 = arith.subi %sign3A_2439, %sign3A_2442 : i32
    %sign3A_2444 = arith.constant 0 : i32
    %sign3A_2445 = arith.cmpi sgt, %jit3A_2435, %sign3A_2444 : i32
    %sign3A_2446 = arith.extui %sign3A_2445 : i1 to i32
    %sign3A_2447 = arith.constant 0 : i32
    %sign3A_2448 = arith.cmpi slt, %jit3A_2435, %sign3A_2447 : i32
    %sign3A_2449 = arith.extui %sign3A_2448 : i1 to i32
    %sign3A_2450 = arith.subi %sign3A_2446, %sign3A_2449 : i32
    %ne3A_2451 = arith.cmpi ne, %sign3A_2443, %sign3A_2450 : i32
    %rem3A_2452 = arith.remsi %mul3A_2434, %jit3A_2435 : i32
    %ne3A_2453 = arith.constant 0 : i32
    %ne3A_2454 = arith.cmpi ne, %rem3A_2452, %ne3A_2453 : i32
    %and3A_2455 = arith.andi %ne3A_2451, %ne3A_2454 : i1
    %sub3A_2456 = arith.constant 1 : i32
    %sub3A_2457 = arith.subi %div3A_2436, %sub3A_2456 : i32
    %select_n3A_2458 = arith.select %and3A_2455, %sub3A_2457, %div3A_2436 : i32
    %mul3A_2459 = arith.constant 128 : i32
    %mul3A_2460 = arith.muli %select_n3A_2458, %mul3A_2459 : i32
    %min3A_2461 = arith.constant 961408 : i32
    %min3A_2462 = arith.minsi %mul3A_2460, %min3A_2461 : i32
    %sub3A_2463 = arith.subi %mul3A_2434, %min3A_2462 : i32
    %jit3A_2464 = arith.constant 16 : i32
    %eq3A_2465 = arith.constant 0 : i32
    %eq3A_2466 = arith.cmpi eq, %jit3A_2464, %eq3A_2465 : i32
    %jit3A_2467 = arith.constant 1 : i32
    %select_n3A_2468 = arith.select %eq3A_2466, %jit3A_2467, %jit3A_2464 : i32
    %rem3A_2469 = arith.remsi %add3A_2392, %select_n3A_2468 : i32
    %ne3A_2470 = arith.constant 0 : i32
    %ne3A_2471 = arith.cmpi ne, %rem3A_2469, %ne3A_2470 : i32
    %lt3A_2472 = arith.constant 0 : i32
    %lt3A_2473 = arith.cmpi slt, %rem3A_2469, %lt3A_2472 : i32
    %lt3A_2474 = arith.constant 0 : i32
    %lt3A_2475 = arith.cmpi slt, %select_n3A_2468, %lt3A_2474 : i32
    %ne3A_2476 = arith.xori %lt3A_2473, %lt3A_2475 : i1
    %and3A_2477 = arith.andi %ne3A_2476, %ne3A_2471 : i1
    %add3A_2478 = arith.addi %rem3A_2469, %select_n3A_2468 : i32
    %select_n3A_2479 = arith.select %and3A_2477, %add3A_2478, %rem3A_2469 : i32
    %eq3A_2480 = arith.constant 0 : i32
    %eq3A_2481 = arith.cmpi eq, %select_n3A_2479, %eq3A_2480 : i32
    %convert_element_type3A_2482 = arith.extui %eq3A_2481 : i1 to i32
    %cond3A_2483 = arith.constant 0 : i32
    %cond3A_2484 = arith.cmpi ne, %convert_element_type3A_2482, %cond3A_2483 : i32
    scf.if %cond3A_2484 {
      "tpu.region"() ({
        %run_scoped3A = tpu.sem_alloc : memref<!tpu.dma_semaphore, #tpu.memory_space<semaphore_mem>>
        %dma_start3A_2512 = arith.constant 0 : i32
        %dma_start3A_2513 = tpu.memref_slice %arg2[%select_n3A_2416, %dma_start3A_2512] : memref<26x16384xi32, #tpu.memory_space<hbm>> -> memref<1x16384xi32, #tpu.memory_space<hbm>>
        %dma_start3A_2514 = tpu.memref_squeeze %dma_start3A_2513 : memref<1x16384xi32, #tpu.memory_space<hbm>> -> memref<16384xi32, #tpu.memory_space<hbm>>
        %dma_start3A_2515 = arith.constant 0 : i32
        %dma_start3A_2516 = tpu.memref_slice %arg2[%select_n3A_2416, %dma_start3A_2515] : memref<26x16384xi32, #tpu.memory_space<hbm>> -> memref<1x16384xi32, #tpu.memory_space<hbm>>
        %dma_start3A_2517 = tpu.memref_squeeze %dma_start3A_2516 : memref<1x16384xi32, #tpu.memory_space<hbm>> -> memref<16384xi32, #tpu.memory_space<hbm>>
        tpu.enqueue_dma source(%dma_start3A_2517 : memref<16384xi32, #tpu.memory_space<hbm>>) target(%arg7 : memref<16384xi32, #tpu.memory_space<vmem>>) target_semaphore(%run_scoped3A : memref<!tpu.dma_semaphore, #tpu.memory_space<semaphore_mem>>)
        %dma_wait3A_2518 = arith.constant 0 : i32
        %dma_wait3A_2519 = tpu.memref_slice %arg2[%select_n3A_2416, %dma_wait3A_2518] : memref<26x16384xi32, #tpu.memory_space<hbm>> -> memref<1x16384xi32, #tpu.memory_space<hbm>>
        %dma_wait3A_2520 = tpu.memref_squeeze %dma_wait3A_2519 : memref<1x16384xi32, #tpu.memory_space<hbm>> -> memref<16384xi32, #tpu.memory_space<hbm>>
        %dma_wait3A_2521 = arith.constant 0 : i32
        %dma_wait3A_2522 = tpu.memref_slice %arg2[%select_n3A_2416, %dma_wait3A_2521] : memref<26x16384xi32, #tpu.memory_space<hbm>> -> memref<1x16384xi32, #tpu.memory_space<hbm>>
        %dma_wait3A_2523 = tpu.memref_squeeze %dma_wait3A_2522 : memref<1x16384xi32, #tpu.memory_space<hbm>> -> memref<16384xi32, #tpu.memory_space<hbm>>
        tpu.wait_dma2 semaphore(%run_scoped3A : memref<!tpu.dma_semaphore, #tpu.memory_space<semaphore_mem>>) src(%dma_wait3A_2523 : memref<16384xi32, #tpu.memory_space<hbm>>) dst(%arg7 : memref<16384xi32, #tpu.memory_space<vmem>>)
        tpu.yield
      }) : () -> ()
    } else {
    }
    %dma_wait3A_2485 = tpu.memref_slice %arg3[%select_n3A_2332, %min3A_2362] : memref<16x1000012xf32, #tpu.memory_space<hbm>> -> memref<1x38656xf32, #tpu.memory_space<hbm>>
    %dma_wait3A_2486 = tpu.memref_squeeze %dma_wait3A_2485 : memref<1x38656xf32, #tpu.memory_space<hbm>> -> memref<38656xf32, #tpu.memory_space<hbm>>
    %dma_wait3A_2487 = tpu.memref_slice %arg3[%select_n3A_2332, %min3A_2362] : memref<16x1000012xf32, #tpu.memory_space<hbm>> -> memref<1x38656xf32, #tpu.memory_space<hbm>>
    %dma_wait3A_2488 = tpu.memref_squeeze %dma_wait3A_2487 : memref<1x38656xf32, #tpu.memory_space<hbm>> -> memref<38656xf32, #tpu.memory_space<hbm>>
    tpu.wait_dma2 semaphore(%arg9 : memref<!tpu.dma_semaphore, #tpu.memory_space<semaphore_mem>>) src(%dma_wait3A_2488 : memref<38656xf32, #tpu.memory_space<hbm>>) dst(%arg5 : memref<38656xf32, #tpu.memory_space<vmem>>)
    %dma_wait3A_2489 = arith.constant 0 : i32
    %dma_wait3A_2490 = tpu.memref_slice %arg4[%select_n3A_2220, %select_n3A_2236, %dma_wait3A_2489] : memref<26x16x16384xf32, #tpu.memory_space<hbm>> -> memref<1x1x16384xf32, #tpu.memory_space<hbm>>
    %dma_wait3A_2491 = tpu.memref_squeeze %dma_wait3A_2490 : memref<1x1x16384xf32, #tpu.memory_space<hbm>> -> memref<16384xf32, #tpu.memory_space<hbm>>
    %dma_wait3A_2492 = arith.constant 0 : i32
    %dma_wait3A_2493 = tpu.memref_slice %arg4[%select_n3A_2220, %select_n3A_2236, %dma_wait3A_2492] : memref<26x16x16384xf32, #tpu.memory_space<hbm>> -> memref<1x1x16384xf32, #tpu.memory_space<hbm>>
    %dma_wait3A_2494 = tpu.memref_squeeze %dma_wait3A_2493 : memref<1x1x16384xf32, #tpu.memory_space<hbm>> -> memref<16384xf32, #tpu.memory_space<hbm>>
    tpu.wait_dma2 semaphore(%arg11 : memref<!tpu.dma_semaphore, #tpu.memory_space<semaphore_mem>>) src(%arg8 : memref<16384xf32, #tpu.memory_space<vmem>>) dst(%dma_wait3A_2494 : memref<16384xf32, #tpu.memory_space<hbm>>)
    %scan3A_2495 = arith.constant 0 : i32
    %scan3A_2496 = arith.constant 128 : i32
    %scan3A_2497 = arith.addi %scan3A_2495, %scan3A_2496 : i32
    %scan3A_2498 = arith.constant 1 : i32
    scf.for %scan3A_2512 = %scan3A_2495 to %scan3A_2497 step %scan3A_2498  : i32 {
      %mul3A_2513 = arith.constant 128 : i32
      %mul3A_2514 = arith.muli %scan3A_2512, %mul3A_2513 : i32
      %add3A_2515 = arith.constant 0 : i32
      %add3A_2516 = arith.addi %mul3A_2514, %add3A_2515 : i32
      %get3A = arith.index_cast %add3A_2516 : i32 to index
      %get3A_2517 = tpu.vector_load %arg7[%get3A] {strides = array<i32>} : memref<16384xi32, #tpu.memory_space<vmem>>, vector<16xi32>,
      %add3A_2518 = vector.broadcast %sub3A_2463 : i32 to vector<16xi32>
      %add3A_2519 = arith.addi %get3A_2517, %add3A_2518 : vector<16xi32>
      %gather3A = tpu.vector_load_idx %arg5[%add3A_2519] : memref<38656xf32, #tpu.memory_space<vmem>>[vector<16xi32>], vector<16xf32>,
      %add3A_2520 = arith.constant 16 : i32
      %add3A_2521 = arith.addi %mul3A_2514, %add3A_2520 : i32
      %get3A_2522 = arith.index_cast %add3A_2521 : i32 to index
      %get3A_2523 = tpu.vector_load %arg7[%get3A_2522] {strides = array<i32>} : memref<16384xi32, #tpu.memory_space<vmem>>, vector<16xi32>,
      %add3A_2524 = vector.broadcast %sub3A_2463 : i32 to vector<16xi32>
      %add3A_2525 = arith.addi %get3A_2523, %add3A_2524 : vector<16xi32>
      %gather3A_2526 = tpu.vector_load_idx %arg5[%add3A_2525] : memref<38656xf32, #tpu.memory_space<vmem>>[vector<16xi32>], vector<16xf32>,
      %add3A_2527 = arith.constant 32 : i32
      %add3A_2528 = arith.addi %mul3A_2514, %add3A_2527 : i32
      %get3A_2529 = arith.index_cast %add3A_2528 : i32 to index
      %get3A_2530 = tpu.vector_load %arg7[%get3A_2529] {strides = array<i32>} : memref<16384xi32, #tpu.memory_space<vmem>>, vector<16xi32>,
      %add3A_2531 = vector.broadcast %sub3A_2463 : i32 to vector<16xi32>
      %add3A_2532 = arith.addi %get3A_2530, %add3A_2531 : vector<16xi32>
      %gather3A_2533 = tpu.vector_load_idx %arg5[%add3A_2532] : memref<38656xf32, #tpu.memory_space<vmem>>[vector<16xi32>], vector<16xf32>,
      %add3A_2534 = arith.constant 48 : i32
      %add3A_2535 = arith.addi %mul3A_2514, %add3A_2534 : i32
      %get3A_2536 = arith.index_cast %add3A_2535 : i32 to index
      %get3A_2537 = tpu.vector_load %arg7[%get3A_2536] {strides = array<i32>} : memref<16384xi32, #tpu.memory_space<vmem>>, vector<16xi32>,
      %add3A_2538 = vector.broadcast %sub3A_2463 : i32 to vector<16xi32>
      %add3A_2539 = arith.addi %get3A_2537, %add3A_2538 : vector<16xi32>
      %gather3A_2540 = tpu.vector_load_idx %arg5[%add3A_2539] : memref<38656xf32, #tpu.memory_space<vmem>>[vector<16xi32>], vector<16xf32>,
      %add3A_2541 = arith.constant 64 : i32
      %add3A_2542 = arith.addi %mul3A_2514, %add3A_2541 : i32
      %get3A_2543 = arith.index_cast %add3A_2542 : i32 to index
      %get3A_2544 = tpu.vector_load %arg7[%get3A_2543] {strides = array<i32>} : memref<16384xi32, #tpu.memory_space<vmem>>, vector<16xi32>,
      %add3A_2545 = vector.broadcast %sub3A_2463 : i32 to vector<16xi32>
      %add3A_2546 = arith.addi %get3A_2544, %add3A_2545 : vector<16xi32>
      %gather3A_2547 = tpu.vector_load_idx %arg5[%add3A_2546] : memref<38656xf32, #tpu.memory_space<vmem>>[vector<16xi32>], vector<16xf32>,
      %add3A_2548 = arith.constant 80 : i32
      %add3A_2549 = arith.addi %mul3A_2514, %add3A_2548 : i32
      %get3A_2550 = arith.index_cast %add3A_2549 : i32 to index
      %get3A_2551 = tpu.vector_load %arg7[%get3A_2550] {strides = array<i32>} : memref<16384xi32, #tpu.memory_space<vmem>>, vector<16xi32>,
      %add3A_2552 = vector.broadcast %sub3A_2463 : i32 to vector<16xi32>
      %add3A_2553 = arith.addi %get3A_2551, %add3A_2552 : vector<16xi32>
      %gather3A_2554 = tpu.vector_load_idx %arg5[%add3A_2553] : memref<38656xf32, #tpu.memory_space<vmem>>[vector<16xi32>], vector<16xf32>,
      %add3A_2555 = arith.constant 96 : i32
      %add3A_2556 = arith.addi %mul3A_2514, %add3A_2555 : i32
      %get3A_2557 = arith.index_cast %add3A_2556 : i32 to index
      %get3A_2558 = tpu.vector_load %arg7[%get3A_2557] {strides = array<i32>} : memref<16384xi32, #tpu.memory_space<vmem>>, vector<16xi32>,
      %add3A_2559 = vector.broadcast %sub3A_2463 : i32 to vector<16xi32>
      %add3A_2560 = arith.addi %get3A_2558, %add3A_2559 : vector<16xi32>
      %gather3A_2561 = tpu.vector_load_idx %arg5[%add3A_2560] : memref<38656xf32, #tpu.memory_space<vmem>>[vector<16xi32>], vector<16xf32>,
      %add3A_2562 = arith.constant 112 : i32
      %add3A_2563 = arith.addi %mul3A_2514, %add3A_2562 : i32
      %get3A_2564 = arith.index_cast %add3A_2563 : i32 to index
      %get3A_2565 = tpu.vector_load %arg7[%get3A_2564] {strides = array<i32>} : memref<16384xi32, #tpu.memory_space<vmem>>, vector<16xi32>,
      %add3A_2566 = vector.broadcast %sub3A_2463 : i32 to vector<16xi32>
      %add3A_2567 = arith.addi %get3A_2565, %add3A_2566 : vector<16xi32>
      %gather3A_2568 = tpu.vector_load_idx %arg5[%add3A_2567] : memref<38656xf32, #tpu.memory_space<vmem>>[vector<16xi32>], vector<16xf32>,
      %add3A_2569 = arith.constant 0 : i32
      %add3A_2570 = arith.addi %mul3A_2514, %add3A_2569 : i32
      %swap3A = arith.index_cast %add3A_2570 : i32 to index
      %swap3A_2571 = tpu.vector_load %arg8[%swap3A] {strides = array<i32>} : memref<16384xf32, #tpu.memory_space<vmem>>, vector<16xf32>,
      tpu.vector_store %arg8[%swap3A], %gather3A {strides = array<i32>} : memref<16384xf32, #tpu.memory_space<vmem>>, vector<16xf32>,
      %add3A_2572 = arith.constant 16 : i32
      %add3A_2573 = arith.addi %mul3A_2514, %add3A_2572 : i32
      %swap3A_2574 = arith.index_cast %add3A_2573 : i32 to index
      %swap3A_2575 = tpu.vector_load %arg8[%swap3A_2574] {strides = array<i32>} : memref<16384xf32, #tpu.memory_space<vmem>>, vector<16xf32>,
      tpu.vector_store %arg8[%swap3A_2574], %gather3A_2526 {strides = array<i32>} : memref<16384xf32, #tpu.memory_space<vmem>>, vector<16xf32>,
      %add3A_2576 = arith.constant 32 : i32
      %add3A_2577 = arith.addi %mul3A_2514, %add3A_2576 : i32
      %swap3A_2578 = arith.index_cast %add3A_2577 : i32 to index
      %swap3A_2579 = tpu.vector_load %arg8[%swap3A_2578] {strides = array<i32>} : memref<16384xf32, #tpu.memory_space<vmem>>, vector<16xf32>,
      tpu.vector_store %arg8[%swap3A_2578], %gather3A_2533 {strides = array<i32>} : memref<16384xf32, #tpu.memory_space<vmem>>, vector<16xf32>,
      %add3A_2580 = arith.constant 48 : i32
      %add3A_2581 = arith.addi %mul3A_2514, %add3A_2580 : i32
      %swap3A_2582 = arith.index_cast %add3A_2581 : i32 to index
      %swap3A_2583 = tpu.vector_load %arg8[%swap3A_2582] {strides = array<i32>} : memref<16384xf32, #tpu.memory_space<vmem>>, vector<16xf32>,
      tpu.vector_store %arg8[%swap3A_2582], %gather3A_2540 {strides = array<i32>} : memref<16384xf32, #tpu.memory_space<vmem>>, vector<16xf32>,
      %add3A_2584 = arith.constant 64 : i32
      %add3A_2585 = arith.addi %mul3A_2514, %add3A_2584 : i32
      %swap3A_2586 = arith.index_cast %add3A_2585 : i32 to index
      %swap3A_2587 = tpu.vector_load %arg8[%swap3A_2586] {strides = array<i32>} : memref<16384xf32, #tpu.memory_space<vmem>>, vector<16xf32>,
      tpu.vector_store %arg8[%swap3A_2586], %gather3A_2547 {strides = array<i32>} : memref<16384xf32, #tpu.memory_space<vmem>>, vector<16xf32>,
      %add3A_2588 = arith.constant 80 : i32
      %add3A_2589 = arith.addi %mul3A_2514, %add3A_2588 : i32
      %swap3A_2590 = arith.index_cast %add3A_2589 : i32 to index
      %swap3A_2591 = tpu.vector_load %arg8[%swap3A_2590] {strides = array<i32>} : memref<16384xf32, #tpu.memory_space<vmem>>, vector<16xf32>,
      tpu.vector_store %arg8[%swap3A_2590], %gather3A_2554 {strides = array<i32>} : memref<16384xf32, #tpu.memory_space<vmem>>, vector<16xf32>,
      %add3A_2592 = arith.constant 96 : i32
      %add3A_2593 = arith.addi %mul3A_2514, %add3A_2592 : i32
      %swap3A_2594 = arith.index_cast %add3A_2593 : i32 to index
      %swap3A_2595 = tpu.vector_load %arg8[%swap3A_2594] {strides = array<i32>} : memref<16384xf32, #tpu.memory_space<vmem>>, vector<16xf32>,
      tpu.vector_store %arg8[%swap3A_2594], %gather3A_2561 {strides = array<i32>} : memref<16384xf32, #tpu.memory_space<vmem>>, vector<16xf32>,
      %add3A_2596 = arith.constant 112 : i32
      %add3A_2597 = arith.addi %mul3A_2514, %add3A_2596 : i32
      %swap3A_2598 = arith.index_cast %add3A_2597 : i32 to index
      %swap3A_2599 = tpu.vector_load %arg8[%swap3A_2598] {strides = array<i32>} : memref<16384xf32, #tpu.memory_space<vmem>>, vector<16xf32>,
      tpu.vector_store %arg8[%swap3A_2598], %gather3A_2568 {strides = array<i32>} : memref<16384xf32, #tpu.memory_space<vmem>>, vector<16xf32>,
    }
    %scan3A_2499 = arith.constant 128 : i32
    %dma_start3A_2500 = arith.constant 0 : i32
    %dma_start3A_2501 = tpu.memref_slice %arg4[%select_n3A_2416, %select_n3A_2432, %dma_start3A_2500] : memref<26x16x16384xf32, #tpu.memory_space<hbm>> -> memref<1x1x16384xf32, #tpu.memory_space<hbm>>
    %dma_start3A_2502 = tpu.memref_squeeze %dma_start3A_2501 : memref<1x1x16384xf32, #tpu.memory_space<hbm>> -> memref<16384xf32, #tpu.memory_space<hbm>>
    %dma_start3A_2503 = arith.constant 0 : i32
    %dma_start3A_2504 = tpu.memref_slice %arg4[%select_n3A_2416, %select_n3A_2432, %dma_start3A_2503] : memref<26x16x16384xf32, #tpu.memory_space<hbm>> -> memref<1x1x16384xf32, #tpu.memory_space<hbm>>
    %dma_start3A_2505 = tpu.memref_squeeze %dma_start3A_2504 : memref<1x1x16384xf32, #tpu.memory_space<hbm>> -> memref<16384xf32, #tpu.memory_space<hbm>>
    tpu.enqueue_dma source(%arg8 : memref<16384xf32, #tpu.memory_space<vmem>>) target(%dma_start3A_2505 : memref<16384xf32, #tpu.memory_space<hbm>>) target_semaphore(%arg11 : memref<!tpu.dma_semaphore, #tpu.memory_space<semaphore_mem>>)
    %dma_wait3A_2506 = arith.constant 0 : i32
    %dma_wait3A_2507 = tpu.memref_slice %arg4[%select_n3A_2416, %select_n3A_2432, %dma_wait3A_2506] : memref<26x16x16384xf32, #tpu.memory_space<hbm>> -> memref<1x1x16384xf32, #tpu.memory_space<hbm>>
    %dma_wait3A_2508 = tpu.memref_squeeze %dma_wait3A_2507 : memref<1x1x16384xf32, #tpu.memory_space<hbm>> -> memref<16384xf32, #tpu.memory_space<hbm>>
    %dma_wait3A_2509 = arith.constant 0 : i32
    %dma_wait3A_2510 = tpu.memref_slice %arg4[%select_n3A_2416, %select_n3A_2432, %dma_wait3A_2509] : memref<26x16x16384xf32, #tpu.memory_space<hbm>> -> memref<1x1x16384xf32, #tpu.memory_space<hbm>>
    %dma_wait3A_2511 = tpu.memref_squeeze %dma_wait3A_2510 : memref<1x1x16384xf32, #tpu.memory_space<hbm>> -> memref<16384xf32, #tpu.memory_space<hbm>>
    tpu.wait_dma2 semaphore(%arg11 : memref<!tpu.dma_semaphore, #tpu.memory_space<semaphore_mem>>) src(%arg8 : memref<16384xf32, #tpu.memory_space<vmem>>) dst(%dma_wait3A_2511 : memref<16384xf32, #tpu.memory_space<hbm>>)
    return
  }
}

</mosaic_0001>

<sc_bundles>
// kernel: _run.3.cloned.1.call-start
scs
__scs_entry_jumppad:
0x0: {  	(pc) =	sbr.rel $0x88, $3  }
0x1: {  	(tag) =	ssettag $0x0;
	lr =	simm.s32 $0x1  }
0x2: {  	[smem:$0x3F9F] =	sst lr;
	_ =	strace $0xD0000000  }
0x3: {  	_ = 	snop  }
0x4: {  	_ = 	snop  }
0x5: {  	_ = 	snop  }
0x6: {  	_ = 	snop  }
0x7: {  	_ = 	snop  }
__scs_overlays_trampoline_lowered:
0x8: {  	[smem:$0x3FAE] =	sst s0  }
0x9: {  	[smem:$0x3FAF] =	sst s1  }
0xa: {  	[smem:$0x3FB0] =	sst s2  }
0xb: {  	[smem:$0x3FB1] =	sst s3  }
0xc: {  	[smem:$0x3FB2] =	sst s4  }
0xd: {  	[smem:$0x3FB3] =	sst s5  }
0xe: {  	[smem:$0x3FB4] =	sst s6  }
0xf: {  	[smem:$0x3FB5] =	sst s7  }
0x10: {  	[smem:$0x3FB6] =	sst s8  }
0x11: {  	[smem:$0x3FB7] =	sst s9;
	s0 =	simm.s32 @!p0 $0x0  }
0x12: {  	s1 =	sld [smem:$0x3F9D];
	s0 =	simm.s32 @p0 $0x1  }
0x13: {  	[smem:$0x3FB8] =	sst s0;
	s0 =	simm.s32 @!p1 $0x0  }
0x14: {  	s2 =	sld [smem:$0x3F9C];
	s0 =	simm.s32 @p1 $0x1  }
0x15: {  	[smem:$0x3FB9] =	sst s0;
	s0 =	simm.s32 @!p2 $0x0  }
0x16: {  	s3 =	sld [smem:$0x3FDB];
	s0 =	simm.s32 @p2 $0x1  }
0x17: {  	s4 =	simm.s32 $0x1BF5;
	[smem:$0x3FBB] =	sst s0  }
0x18: {  	s0 =	sld [smem:$0x3F9E];
	_ =	swait.ge [sflag:s4], $0x0  }
0x19: {  	s7 =	sld [smem:$0x3F9F]  }
0x1a: {  	s8 =	sadd.s32 $0xFFFFE003, lr  }
0x1b: {  	s9 =	sadd.s32 $0xFFFFFEF7, lr;
	s5 =	simm.s32 $0xFFFFFFFF;
	p2 =	slt.u32 s8, $0xFFFFF086  }
0x1c: {  	p1 =	slt.u32 s9, $0xF7A;
	s5 =	simm.s32 @!p2 $0x0  }
0x1d: {  	s5 =	simm.s32 @p1 $0x1;
	p0 =	seq.s32 s7, s2  }
0x1e: {  	s7 =	smul.u32 @!p0 $0xF7A, s2;
	p2 =	seq.s32 @!p0 s5, $0x0  }
0x1f: {  	s9 =	smul.u32 $0xF7A, s1;
	s8 =	simm.s32 @!p0 $0x1BF5;
	p2 =	por !p2, p0  }
0x20: {  	[sflag:s8] =	ssyncset.s32 @!p0 $0xFFFFF086;
	s6 =	sadd.s32 @!p0 s3, s7;
	s7 =	simm.s32 @!p0 $0x108  }
0x21: {  	s3 =	sadd.s32 s3, s9;
	s6 =	sadd.s32 @!p0 $0x88, s6;
	s7 =	simm.s32 @p2 $0x1082  }
0x22: {  	[simem:s7], [sflag:s8] =	dma.local @!p0 [hbm:s6], $0xF7A  }
0x23: {  	s9 =	sor.u32 $0xD0000000, s2;
	s6 =	simm.s32 $0x108;
	_ =	swait.ge @!p0 [sflag:s8], $0x0  }
0x24: {  	s3 =	sadd.s32 $0x88, s3;
	s6 =	simm.s32 @!p1 $0x1082;
	[sflag:s4] =	ssyncset.s32 $0xFFFFF086  }
0x25: {  	[simem:s6], [sflag:s4] =	dma.local [hbm:s3], $0xF7A  }
0x26: {  	[smem:$0x3F9F] =	sst s1;
	(tag) =	ssettag s2;
	_ =	strace s9  }
0x27: {  	s1 =	sld [smem:$0x3FAF]  }
0x28: {  	s2 =	sld [smem:$0x3FB0]  }
0x29: {  	s4 =	sld [smem:$0x3FB2]  }
0x2a: {  	p0 =	seq.s32 s5, $0x0;
	s5 =	sld [smem:$0x3FB3]  }
0x2b: {  	s6 =	sld [smem:$0x3FB4]  }
0x2c: {  	s7 =	sld [smem:$0x3FB5]  }
0x2d: {  	s3 =	simm.s32 $0x108;
	s8 =	sld [smem:$0x3FB6]  }
0x2e: {  	s3 =	simm.s32 @!p0 $0x1082;
	s9 =	sld [smem:$0x3FB7]  }
0x2f: {  	lr =	sadd.s32 s0, s3;
	s0 =	sld [smem:$0x3FAE]  }
0x30: {  	s3 =	sld [smem:$0x3FB1]  }
0x31: {  	[smem:$0x3FBA] =	sst s10  }
0x32: {  	s10 =	sld [smem:$0x3FB8];
	_ =	sdelay $0x3  }
0x33: {  	p0 =	seq.s32 s10, $0x1;
	s10 =	sld [smem:$0x3FBA];
	_ =	sdelay $0x3  }
0x34: {  	[smem:$0x3FBA] =	sst s10  }
0x35: {  	s10 =	sld [smem:$0x3FB9];
	_ =	sdelay $0x3  }
0x36: {  	p1 =	seq.s32 s10, $0x1;
	s10 =	sld [smem:$0x3FBA];
	_ =	sdelay $0x3  }
0x37: {  	[smem:$0x3FBA] =	sst s10  }
0x38: {  	s10 =	sld [smem:$0x3FBB]  }
0x39: {  	_ = 	snop;
	(pc) =	sbr.ind lr, $3  }
0x3a: {  	_ = 	snop  }
0x3b: {  	_ = 	snop  }
0x3c: {  	p2 =	seq.s32 s10, $0x1;
	s10 =	sld [smem:$0x3FBA]  }
0x3d: {  	_ =	shalt  }
0x3e: {  	_ =	shalt  }
0x3f: {  	_ =	shalt  }
0x40: {  	_ =	shalt  }
0x41: {  	_ =	shalt  }
0x42: {  	_ =	shalt  }
0x43: {  	_ =	shalt  }
0x44: {  	_ =	shalt  }
0x45: {  	_ =	shalt  }
0x46: {  	_ =	shalt  }
0x47: {  	_ =	shalt  }
0x48: {  	_ =	shalt  }
0x49: {  	_ =	shalt  }
0x4a: {  	_ =	shalt  }
0x4b: {  	_ =	shalt  }
0x4c: {  	_ =	shalt  }
0x4d: {  	_ =	shalt  }
0x4e: {  	_ =	shalt  }
0x4f: {  	_ =	shalt  }
0x50: {  	_ =	shalt  }
0x51: {  	_ =	shalt  }
0x52: {  	_ =	shalt  }
0x53: {  	_ =	shalt  }
0x54: {  	_ =	shalt  }
0x55: {  	_ =	shalt  }
0x56: {  	_ =	shalt  }
0x57: {  	_ =	shalt  }
0x58: {  	_ =	shalt  }
0x59: {  	_ =	shalt  }
0x5a: {  	_ =	shalt  }
0x5b: {  	_ =	shalt  }
0x5c: {  	_ =	shalt  }
0x5d: {  	_ =	shalt  }
0x5e: {  	_ =	shalt  }
0x5f: {  	_ =	shalt  }
0x60: {  	_ =	shalt  }
0x61: {  	_ =	shalt  }
0x62: {  	_ =	shalt  }
0x63: {  	_ =	shalt  }
0x64: {  	_ =	shalt  }
0x65: {  	_ =	shalt  }
0x66: {  	_ =	shalt  }
0x67: {  	_ =	shalt  }
0x68: {  	_ =	shalt  }
0x69: {  	_ =	shalt  }
0x6a: {  	_ =	shalt  }
0x6b: {  	_ =	shalt  }
0x6c: {  	_ =	shalt  }
0x6d: {  	_ =	shalt  }
0x6e: {  	_ =	shalt  }
0x6f: {  	_ =	shalt  }
0x70: {  	_ =	shalt  }
0x71: {  	_ =	shalt  }
0x72: {  	_ =	shalt  }
0x73: {  	_ =	shalt  }
0x74: {  	_ =	shalt  }
0x75: {  	_ =	shalt  }
0x76: {  	_ =	shalt  }
0x77: {  	_ =	shalt  }
0x78: {  	_ =	shalt  }
0x79: {  	_ =	shalt  }
0x7a: {  	_ =	shalt  }
0x7b: {  	_ =	shalt  }
0x7c: {  	_ =	shalt  }
0x7d: {  	_ =	shalt  }
0x7e: {  	_ =	shalt  }
0x7f: {  	_ =	shalt  }
0x80: {  	_ =	shalt  }
0x81: {  	_ =	shalt  }
0x82: {  	_ =	shalt  }
0x83: {  	_ =	shalt  }
0x84: {  	_ =	shalt  }
0x85: {  	_ =	shalt  }
0x86: {  	_ =	shalt  }
0x87: {  	_ =	shalt  }
.Lfunc_end0:
.L_simem_size_0:
called_computation_lowered:
.L_overlay_start_0:
0x88: {  	s2 =	sld [smem:$0x3FD9]  }
0x89: {  	s3 =	sld [smem:$0x3FFE];
	_ =	sdelay $0x1  }
0x8a: {  	s1 =	srdreg.scid  }
0x8b: {  	s0 =	sand.u32 $0x1, s1  }
0x8c: {  	s18 =	sshll.u32 s0, $0xA;
	s2 =	sadd.s32 s3, s2  }
0x8d: {  	s2 =	sadd.s32 s2, s18  }
0x8e: {  	[smem:$0x3FC6] =	sst s2  }
0x8f: {  	_ = 	snop  }
0x90: {  	s2 =	sld [smem:$0x3FC9]  }
0x91: {  	s19 =	sld [smem:$0x3FC8]  }
0x92: {  	s4 =	sld [smem:$0x3FD0];
	(tm) =	ssettm $0x1  }
0x93: {  	s5 =	sld [smem:$0x3FFB];
	_ =	sdelay $0x3  }
0x94: {  	_ =	strace s5  }
0x95: {  	s5 =	sld [smem:$0x3FFC];
	_ =	sdelay $0x3  }
0x96: {  	_ =	strace s5  }
0x97: {  	s5 =	sld [smem:$0x3FFD];
	_ =	sdelay $0x3  }
0x98: {  	_ =	strace s5  }
0x99: {  	_ =	strace $0x8FFFFFFF  }
0x9a: {  	s20 =	sld [smem:$0x3FDB];
	_ =	sdelay $0x1  }
0x9b: {  	s6 =	simm.s32 $_scs_section_size  }
0x9c: {  	s7 =	simm.s32 $_size__tile_overlayer_lowered;
	s8 =	simm.s32 $_tile_overlayer_lowered  }
0x9d: {  	s23 =	simm.s32 $0x1BFF;
	s22 =	sshll.u32 s8, $0x1;
	s5 =	sadd.s32 s6, s20  }
0x9e: {  	s9 =	simm.s32 $0x0;
	s21 =	sshll.u32 s7, $0x1;
	s7 =	sadd.s32 s22, s5  }
0x9f: {  	[timem:s9], [sflag:s23] =	dma.local [hbm:s7], s21  }
0xa0: {  	_ =	swait.ge [sflag:s23], s21  }
0xa1: {  	s6 =	ssub.s32 $0x0, s21;
	[sflag:s23] =	ssyncset.done $0x0  }
0xa2: {  	[sflag:s23] =	ssyncadd.s32 s6;
	_ =	sdelay $0x1  }
0xa3: {  	s24 =	simm.s32 $0x1B8B  }
0xa4: {  	_ =	swait.ge [sflag:s24], $0x1  }
0xa5: {  	[sflag:s24] =	ssyncset.done $0x0  }
0xa6: {  	s25 =	simm.s32 $0x1B8E;
	[sflag:s24] =	ssyncadd.s32 $0xFFFFFFFF  }
0xa7: {  	s26 =	simm.s32 $execute0_lowered;
	[smem:$0x3FD2] =	sst s25  }
0xa8: {  	s6 =	sshll.u32 s26, $0x1;
	_ =	strace $0x80000046;
	[dreg:$0x1] =	wrdreg $0xFFFFFFFF  }
0xa9: {  	s28 =	simm.s32 $_size_execute0_lowered;
	s5 =	sadd.s32 s5, s6;
	[dreg:$0x0] =	wrdreg $0x0  }
0xaa: {  	s6 =	sshll.u32 s28, $0x1;
	[dreg:$0x2] =	wrdreg s5  }
0xab: {  	[dreg:$0x3] =	wrdreg s6  }
0xac: {  	[dreg:$0x4] =	wrdreg $0xC0  }
0xad: {  	_ =	task [dreg:s9], $0x5FFFF  }
0xae: {  	[dreg:$0x1] =	wrdreg $0xFFFFFFFF  }
0xaf: {  	[dreg:$0x0] =	wrdreg $0x60  }
0xb0: {  	[dreg:$0x2] =	wrdreg s2  }
0xb1: {  	[dreg:$0x3] =	wrdreg s19  }
0xb2: {  	[dreg:$0x4] =	wrdreg s4  }
0xb3: {  	[dreg:$0x5] =	wrdreg $0x9  }
0xb4: {  	_ =	task.clear_ibuf [dreg:s9], $0x6FFFF;
	_ =	strace $0x90000046  }
0xb5: {  	s29 =	simm.s32 $0x9;
	_ =	strace $0x80000048  }
0xb6: {  	_ =	swait.ge [sflag:s29], $0x1  }
0xb7: {  	[sflag:s29] =	ssyncadd.s32 $0xFFFFFFFF  }
0xb8: {  	_ =	strace $0x90000048  }
0xb9: {  	_ =	sfence  }
0xba: {  	s30 =	sld [smem:$0x0];
	_ =	sdelay $0x2  }
0xbb: {  	s31 =	sshll.u32 s1, $0xD;
	s1 =	sshrl.u32 s1, $0x2  }
0xbc: {  	s3 =	sand.u32 $0x4000, s31;
	s1 =	sadd.s32 s1, s30  }
0xbd: {  	s0 =	sor.u32 s3, s0;
	s1 =	sshll.u32 s1, $0x11  }
0xbe: {  	s0 =	sor.u32 s1, s0  }
0xbf: {  	s0 =	sadd.s32 $0x8F2B, s0  }
0xc0: {  	[sflag:s0] =	ssyncadd.remote.s32 $0x1  }
0xc1: {  	_ =	sfence.sel $0xFFFF  }
0xc2: {  	[dreg:$0x0] =	wrdreg $0xFFFFFFFF;
	(pc) =	sbr.abs _section_cstart, $3  }
0xc3: {  	[dreg:$0x1] =	wrdreg $0xFFFFFFFF  }
0xc4: {  	_ =	task.clear_ibuf [dreg:s9], $0x2FFFF;
	_ =	strace $0x9FFFFFFF  }
0xc5: {  	(tm) =	ssettm $0x7FFFFFFF  }
tec
execute0_lowered:
.L_overlay_start_1:
0x0: {  	(tag) =	ssettag $0x1  }
0x1: {  	s0 =	srdreg.scid;
	s2 =	stileid.u32  }
0x2: {  	s1 =	sand.u32 $0x1, s0;
	s13 =	sshll.u32 s2, $0x1  }
0x3: {  	s0 =	sor.u32 s1, s13  }
0x4: {  	s1 =	ssub.s32 $0x2, s1;
	s19 =	smul.u32 $0xD, s0  }
0x5: {  	s7 =	sshrl.u32 s1, $0x1  }
0x6: {  	s22 =	rddreg [dreg:$0x0];
	s14 =	ssub.s32 s1, s7;
	s2 =	sshrl.u32 s19, $0x4  }
0x7: {  	s5 =	sand.u32 $0x8, s19;
	s9 =	sshll.u32 s19, $0x7;
	s11 =	sadd.s32 $0x1, s19  }
0x8: {  	[dreg:$0x1c] =	wrdreg s14;
	s21 =	sand.u32 $0x70, s19;
	s3 =	smul.u32 $0x963E, s2  }
0x9: {  	s5 =	sshrl.u32 s5, $0x3;
	s12 =	sand.u32 $0x380, s9;
	s18 =	sand.u32 $0xC000, s9  }
0xa: {  	s20 =	sand.u32 $0xF, s11;
	s26 =	sshll.u32 s11, $0x7;
	s9 =	sadd.s32 $0x2, s19  }
0xb: {  	s2 =	sshll.u32 s2, $0x12;
	s8 =	smul.u32 $0x7A1400, s5;
	[dreg:$0x1e] =	wrdreg s20  }
0xc: {  	s13 =	sand.u32 $0x380, s26;
	s5 =	sshll.u32 s5, $0x11;
	s6 =	sand.u32 $0x1FFF80, s3  }
0xd: {  	s14 =	sshrl.u32 s9, $0x4;
	s2 =	sor.u32 s2, s5;
	s6 =	smin.u32 s6, $0xEAB80  }
0xe: {  	s5 =	smul.u32 $0x963E, s14;
	s10 =	sshll.u32 s6, $0x3;
	s17 =	ssub.s32 s3, s6  }
0xf: {  	s6 =	sadd.s32 s22, s21;
	s8 =	sadd.s32 s8, s10;
	s10 =	sshrl.u32 s11, $0x4  }
0x10: {  	[dreg:$0x1d] =	wrdreg s17;
	s25 =	sadd.s32 s18, s6;
	s16 =	smul.u32 $0x963E, s10  }
0x11: {  	s17 =	sand.u32 $0x70, s11;
	s15 =	sor.u32 s12, s8;
	[dreg:$0x1b] =	wrdreg s25  }
0x12: {  	s8 =	sshrl.u32 s20, $0x3;
	[smem:$0x7DE] =	sst s15;
	s23 =	sand.u32 $0x7FFFFF80, s16  }
0x13: {  	s24 =	smul.u32 $0x7A1400, s8;
	s15 =	sand.u32 $0x1C000, s26;
	s7 =	smin.u32 s23, $0xEAB80  }
0x14: {  	s8 =	sshll.u32 s8, $0x11;
	s23 =	sshll.u32 s10, $0x12;
	s4 =	sshll.u32 s7, $0x3  }
0x15: {  	s7 =	ssub.s32 s16, s7;
	s16 =	sand.u32 $0x7FFFFF80, s5;
	s6 =	sadd.s32 s24, s4  }
0x16: {  	[dreg:$0x1f] =	wrdreg s7;
	s24 =	sshll.u32 s9, $0x7;
	s7 =	sor.u32 s23, s8  }
0x17: {  	s30 =	sor.u32 s13, s6;
	s6 =	sor.u32 s12, s2;
	s12 =	sand.u32 $0xF, s9  }
0x18: {  	s2 =	smin.u32 s16, $0xEAB80;
	s4 =	sor.u32 s13, s7;
	[smem:$0x7DF] =	sst s6  }
0x19: {  	s9 =	sand.u32 $0x70, s9;
	[smem:$0x7E9] =	sst s12;
	s3 =	sshrl.u32 s12, $0x3  }
0x1a: {  	s6 =	sadd.s32 s22, s17;
	s20 =	sshll.u32 s2, $0x3;
	s12 =	sadd.s32 $0x3, s19  }
0x1b: {  	[smem:$0x7E0] =	sst s4;
	s9 =	sadd.s32 s22, s9;
	s5 =	ssub.s32 s5, s2  }
0x1c: {  	s18 =	smul.u32 $0x7A1400, s3;
	s21 =	sadd.s32 s15, s6;
	s6 =	sshrl.u32 s12, $0x4  }
0x1d: {  	s25 =	sand.u32 $0xF, s12;
	s15 =	sand.u32 $0x1C000, s24;
	[smem:$0x7F6] =	sst s5  }
0x1e: {  	s3 =	sshll.u32 s3, $0x11;
	[dreg:$0x4] =	wrdreg s21;
	s10 =	smul.u32 $0x963E, s6  }
0x1f: {  	[smem:$0x7EB] =	sst s25;
	s8 =	sshrl.u32 s25, $0x3;
	s17 =	sadd.s32 s15, s9  }
0x20: {  	s9 =	sadd.s32 $0x4, s19;
	s21 =	sand.u32 $0x380, s24;
	s25 =	sshll.u32 s12, $0x7  }
0x21: {  	s6 =	sshll.u32 s6, $0x12;
	s1 =	sadd.s32 s18, s20;
	s4 =	smul.u32 $0x7A1400, s8  }
0x22: {  	[dreg:$0x5] =	wrdreg s17;
	s20 =	sshll.u32 s14, $0x12;
	s11 =	sshrl.u32 s9, $0x4  }
0x23: {  	s14 =	sand.u32 $0x70, s12;
	s15 =	sand.u32 $0xF, s9;
	s8 =	sshll.u32 s8, $0x11  }
0x24: {  	s26 =	sand.u32 $0x7FFFFF80, s10;
	s3 =	sor.u32 s20, s3;
	s28 =	sor.u32 s21, s1  }
0x25: {  	s24 =	smul.u32 $0x963E, s11;
	[smem:$0x7ED] =	sst s15;
	s5 =	sadd.s32 s22, s14  }
0x26: {  	s17 =	sshrl.u32 s15, $0x3;
	s6 =	sor.u32 s6, s8;
	s11 =	sshll.u32 s11, $0x12  }
0x27: {  	s7 =	smin.u32 s26, $0xEAB80;
	s23 =	sor.u32 s21, s3;
	s26 =	sand.u32 $0x1C000, s25  }
0x28: {  	s3 =	sand.u32 $0x380, s25;
	s21 =	sshll.u32 s9, $0x7;
	s16 =	sshll.u32 s7, $0x3  }
0x29: {  	[smem:$0x7E1] =	sst s23;
	s10 =	ssub.s32 s10, s7;
	s13 =	sadd.s32 s26, s5  }
0x2a: {  	s7 =	sadd.s32 $0x5, s19;
	s29 =	sor.u32 s3, s6;
	s0 =	sand.u32 $0x1C000, s21  }
0x2b: {  	s1 =	sand.u32 $0x380, s21;
	s18 =	sadd.s32 s4, s16;
	[smem:$0x7F7] =	sst s10  }
0x2c: {  	s16 =	sand.u32 $0x7FFFFF80, s24;
	s4 =	smul.u32 $0x7A1400, s17;
	[dreg:$0x6] =	wrdreg s13  }
0x2d: {  	s10 =	sshrl.u32 s7, $0x4;
	s20 =	sand.u32 $0xF, s7;
	s17 =	sshll.u32 s17, $0x11  }
0x2e: {  	s21 =	sshll.u32 s7, $0x7;
	s7 =	sand.u32 $0x70, s7;
	s12 =	smin.u32 s16, $0xEAB80  }
0x2f: {  	s26 =	sor.u32 s3, s18;
	s16 =	smul.u32 $0x963E, s10;
	[smem:$0x7EF] =	sst s20  }
0x30: {  	s6 =	sshrl.u32 s20, $0x3;
	s11 =	sor.u32 s11, s17;
	s7 =	sadd.s32 s22, s7  }
0x31: {  	s15 =	sshll.u32 s12, $0x3;
	s18 =	ssub.s32 s24, s12;
	s24 =	sand.u32 $0x70, s9  }
0x32: {  	s25 =	smul.u32 $0x7A1400, s6;
	s9 =	sadd.s32 $0x6, s19;
	s6 =	sshll.u32 s6, $0x11  }
0x33: {  	s5 =	sadd.s32 s4, s15;
	[smem:$0x7F8] =	sst s18;
	s23 =	sand.u32 $0x7FFFFF80, s16  }
0x34: {  	s8 =	sadd.s32 s22, s24;
	s14 =	sshrl.u32 s9, $0x4;
	s18 =	sor.u32 s1, s11  }
0x35: {  	s20 =	sand.u32 $0xF, s9;
	s3 =	smin.u32 s23, $0xEAB80;
	s12 =	sadd.s32 s0, s8  }
0x36: {  	s15 =	smul.u32 $0x963E, s14;
	s31 =	sor.u32 s1, s5;
	[smem:$0x7E2] =	sst s18  }
0x37: {  	[smem:$0x7F1] =	sst s20;
	s17 =	sshrl.u32 s20, $0x3;
	s1 =	sand.u32 $0x380, s21  }
0x38: {  	s20 =	sand.u32 $0x70, s9;
	s11 =	sshll.u32 s14, $0x12;
	s4 =	sshll.u32 s3, $0x3  }
0x39: {  	[dreg:$0x7] =	wrdreg s12;
	s24 =	smul.u32 $0x7A1400, s17;
	s12 =	sshll.u32 s10, $0x12  }
0x3a: {  	s8 =	sadd.s32 s22, s20;
	s13 =	sadd.s32 s25, s4;
	s23 =	sand.u32 $0x7FFFFF80, s15  }
0x3b: {  	s25 =	sand.u32 $0x1C000, s21;
	s4 =	ssub.s32 s16, s3;
	s3 =	sor.u32 s12, s6  }
0x3c: {  	s16 =	sshll.u32 s9, $0x7;
	s12 =	sshll.u32 s17, $0x11;
	s5 =	smin.u32 s23, $0xEAB80  }
0x3d: {  	[smem:$0x7F9] =	sst s4;
	s7 =	sadd.s32 s25, s7;
	s25 =	sand.u32 $0x1C000, s16  }
0x3e: {  	s18 =	sshll.u32 s5, $0x3;
	[dreg:$0x8] =	wrdreg s7;
	s7 =	sadd.s32 $0x7, s19  }
0x3f: {  	s4 =	ssub.s32 s15, s5;
	s5 =	sadd.s32 s25, s8;
	s15 =	sadd.s32 $0x8, s19  }
0x40: {  	s2 =	sadd.s32 s24, s18;
	s6 =	sshrl.u32 s7, $0x4;
	s24 =	sor.u32 s1, s13  }
0x41: {  	s13 =	sor.u32 s1, s3;
	s21 =	sand.u32 $0xF, s7;
	[smem:$0x7FA] =	sst s4  }
0x42: {  	[dreg:$0x9] =	wrdreg s5;
	s3 =	sand.u32 $0x380, s16;
	s17 =	sshrl.u32 s15, $0x4  }
0x43: {  	s14 =	sand.u32 $0xF, s15;
	s16 =	sshll.u32 s7, $0x7;
	[smem:$0x7E3] =	sst s13  }
0x44: {  	s7 =	sand.u32 $0x70, s7;
	s1 =	smul.u32 $0x963E, s6;
	[smem:$0x7F3] =	sst s21  }
0x45: {  	s10 =	sshrl.u32 s21, $0x3;
	s25 =	sor.u32 s3, s2;
	[smem:$0x7F4] =	sst s14  }
0x46: {  	s14 =	sshrl.u32 s14, $0x3;
	s5 =	sand.u32 $0x1C000, s16;
	s6 =	sshll.u32 s6, $0x12  }
0x47: {  	s7 =	sadd.s32 s22, s7;
	s20 =	smul.u32 $0x7A1400, s10;
	s23 =	sand.u32 $0x7FFFFF80, s1  }
0x48: {  	s4 =	smul.u32 $0x7A1400, s14;
	s7 =	sadd.s32 s5, s7;
	s9 =	smin.u32 s23, $0xEAB80  }
0x49: {  	[dreg:$0xa] =	wrdreg s7;
	s8 =	sshll.u32 s9, $0x3;
	s1 =	ssub.s32 s1, s9  }
0x4a: {  	s9 =	sshll.u32 s10, $0x11;
	s0 =	sadd.s32 s20, s8;
	s8 =	sor.u32 s11, s12  }
0x4b: {  	s11 =	smul.u32 $0x963E, s17;
	[smem:$0x7FB] =	sst s1;
	s20 =	sadd.s32 $0x9, s19  }
0x4c: {  	s6 =	sor.u32 s6, s9;
	s1 =	sand.u32 $0x380, s16;
	s13 =	sor.u32 s3, s8  }
0x4d: {  	s10 =	sor.u32 s1, s6;
	s12 =	sand.u32 $0xF, s20;
	[smem:$0x7E4] =	sst s13  }
0x4e: {  	s8 =	sadd.s32 $0xA, s19;
	s23 =	sand.u32 $0x7FFFFF80, s11;
	[smem:$0x7E5] =	sst s10  }
0x4f: {  	[smem:$0x7F5] =	sst s12;
	s10 =	sshrl.u32 s12, $0x3;
	s3 =	smin.u32 s23, $0xEAB80  }
0x50: {  	s23 =	sor.u32 s1, s0;
	s1 =	sshll.u32 s15, $0x7;
	s15 =	sand.u32 $0x70, s15  }
0x51: {  	s16 =	smul.u32 $0x7A1400, s10;
	s21 =	sshll.u32 s3, $0x3;
	s2 =	sadd.s32 s22, s15  }
0x52: {  	s9 =	sand.u32 $0x1C000, s1;
	s18 =	sadd.s32 s4, s21;
	s21 =	sshrl.u32 s20, $0x4  }
0x53: {  	s10 =	sshll.u32 s10, $0x11;
	s0 =	sadd.s32 s9, s2;
	s7 =	smul.u32 $0x963E, s21  }
0x54: {  	s15 =	sshll.u32 s17, $0x12;
	[dreg:$0xb] =	wrdreg s0;
	s0 =	sand.u32 $0x70, s20  }
0x55: {  	s17 =	sand.u32 $0x380, s1;
	s1 =	sadd.s32 s22, s0;
	s13 =	sand.u32 $0x7FFFFF80, s7  }
0x56: {  	s5 =	smin.u32 s13, $0xEAB80;
	s13 =	ssub.s32 s11, s3;
	s3 =	sshll.u32 s20, $0x7  }
0x57: {  	s20 =	sand.u32 $0xF, s8;
	s12 =	sshll.u32 s5, $0x3;
	[smem:$0x7FC] =	sst s13  }
0x58: {  	s9 =	sshrl.u32 s20, $0x3;
	s13 =	sand.u32 $0x1C000, s3;
	s4 =	sand.u32 $0x380, s3  }
0x59: {  	s6 =	sadd.s32 s16, s12;
	s16 =	sshll.u32 s14, $0x11;
	s12 =	sshrl.u32 s8, $0x4  }
0x5a: {  	s14 =	smul.u32 $0x7A1400, s9;
	s0 =	sadd.s32 s13, s1;
	s2 =	sor.u32 s15, s16  }
0x5b: {  	s15 =	sor.u32 s17, s18;
	s16 =	ssub.s32 s7, s5;
	[dreg:$0xc] =	wrdreg s0  }
0x5c: {  	s5 =	sadd.s32 $0xB, s19;
	s7 =	sshll.u32 s21, $0x12;
	s18 =	sor.u32 s17, s2  }
0x5d: {  	s2 =	smul.u32 $0x963E, s12;
	[smem:$0x7FD] =	sst s16;
	s3 =	sor.u32 s7, s10  }
0x5e: {  	s21 =	sand.u32 $0xF, s5;
	s16 =	sshll.u32 s8, $0x7;
	s8 =	sand.u32 $0x70, s8  }
0x5f: {  	[smem:$0x7E6] =	sst s18;
	s13 =	sor.u32 s4, s3;
	s8 =	sadd.s32 s22, s8  }
0x60: {  	s7 =	sand.u32 $0x1C000, s16;
	s1 =	sand.u32 $0x380, s16;
	s11 =	sand.u32 $0x7FFFFF80, s2  }
0x61: {  	s16 =	sshll.u32 s12, $0x12;
	s18 =	smin.u32 s11, $0xEAB80;
	s11 =	sshrl.u32 s5, $0x4  }
0x62: {  	[smem:$0x7E7] =	sst s13;
	s17 =	sshll.u32 s18, $0x3;
	s10 =	smul.u32 $0x963E, s11  }
0x63: {  	s18 =	ssub.s32 s2, s18;
	s11 =	sshll.u32 s11, $0x12;
	s17 =	sadd.s32 s14, s17  }
0x64: {  	s14 =	sor.u32 s4, s6;
	s6 =	sshrl.u32 s21, $0x3;
	s0 =	sand.u32 $0x7FFFFF80, s10  }
0x65: {  	s4 =	sshll.u32 s5, $0x7;
	s3 =	smul.u32 $0x7A1400, s6;
	s2 =	smin.u32 s0, $0xEAB80  }
0x66: {  	s12 =	sor.u32 s1, s17;
	s0 =	sadd.s32 s7, s8;
	s13 =	sshll.u32 s2, $0x3  }
0x67: {  	[dreg:$0xd] =	wrdreg s0;
	s0 =	sshll.u32 s9, $0x11;
	s9 =	sadd.s32 $0xC, s19  }
0x68: {  	s17 =	ssub.s32 s10, s2;
	s8 =	sadd.s32 s3, s13;
	s19 =	sshrl.u32 s9, $0x4  }
0x69: {  	s3 =	sor.u32 s16, s0;
	s13 =	sand.u32 $0xF, s9;
	s7 =	smul.u32 $0x963E, s19  }
0x6a: {  	s0 =	sand.u32 $0x1C000, s4;
	s16 =	sor.u32 s1, s3;
	s1 =	sand.u32 $0x70, s5  }
0x6b: {  	s10 =	sshrl.u32 s13, $0x3;
	s3 =	sadd.s32 s22, s1;
	s2 =	sand.u32 $0x7FFFFF80, s7  }
0x6c: {  	s0 =	sadd.s32 s0, s3;
	s5 =	smin.u32 s2, $0xEAB80;
	s2 =	smul.u32 $0x7A1400, s10  }
0x6d: {  	s6 =	sshll.u32 s6, $0x11;
	[dreg:$0xe] =	wrdreg s0;
	s1 =	sshll.u32 s5, $0x3  }
0x6e: {  	s0 =	sadd.s32 s2, s1;
	s1 =	sor.u32 s11, s6;
	s6 =	sld [smem:$0x7DE]  }
0x6f: {  	_ =	sdelay $0x1  }
0x70: {  	s2 =	sshrl.u32 s6, $0x3;
	s6 =	rddreg [dreg:$0x1]  }
0x71: {  	s11 =	sshrl.u32 s30, $0x3;
	s2 =	sadd.s32 s6, s2  }
0x72: {  	s11 =	sadd.s32 s6, s11;
	[dreg:$0xf] =	wrdreg s2  }
0x73: {  	s3 =	sshrl.u32 s28, $0x3;
	[dreg:$0x10] =	wrdreg s11  }
0x74: {  	s2 =	sadd.s32 s6, s3;
	s11 =	sshrl.u32 s26, $0x3;
	s3 =	sshrl.u32 s25, $0x3  }
0x75: {  	s25 =	sshrl.u32 s14, $0x3;
	s14 =	sshrl.u32 s12, $0x3;
	s12 =	sld [smem:$0x7E3]  }
0x76: {  	s26 =	sshrl.u32 s31, $0x3;
	[dreg:$0x11] =	wrdreg s2;
	s2 =	sadd.s32 s6, s11  }
0x77: {  	s11 =	sadd.s32 s6, s26;
	s26 =	sshrl.u32 s24, $0x3;
	[dreg:$0x12] =	wrdreg s2  }
0x78: {  	s24 =	sshrl.u32 s15, $0x3;
	[dreg:$0x13] =	wrdreg s11;
	s2 =	sadd.s32 s6, s26  }
0x79: {  	s15 =	sand.u32 $0x70, s9;
	s11 =	sshrl.u32 s23, $0x3;
	[dreg:$0x14] =	wrdreg s2  }
0x7a: {  	s2 =	sadd.s32 s6, s3;
	s3 =	sshll.u32 s9, $0x7;
	s9 =	sld [smem:$0x7E1]  }
0x7b: {  	s23 =	sadd.s32 s6, s11;
	s11 =	sadd.s32 s6, s14;
	s14 =	sld [smem:$0x7E4]  }
0x7c: {  	[dreg:$0x15] =	wrdreg s2  }
0x7d: {  	[dreg:$0x16] =	wrdreg s23  }
0x7e: {  	s26 =	sand.u32 $0x380, s4;
	[dreg:$0x19] =	wrdreg s11  }
0x7f: {  	s2 =	sadd.s32 s6, s24;
	s24 =	ssub.s32 s7, s5;
	s7 =	sld [smem:$0x7E0]  }
0x80: {  	s8 =	sor.u32 s26, s8;
	s11 =	sld [smem:$0x7E2]  }
0x81: {  	s4 =	sand.u32 $0x380, s3;
	s23 =	sshll.u32 s19, $0x12;
	s19 =	sld [smem:$0x7E6]  }
0x82: {  	s8 =	sshrl.u32 s8, $0x3;
	[dreg:$0x17] =	wrdreg s2;
	s2 =	sadd.s32 s6, s25  }
0x83: {  	s0 =	sor.u32 s4, s0;
	s8 =	sadd.s32 s6, s8;
	[dreg:$0x18] =	wrdreg s2  }
0x84: {  	s3 =	sand.u32 $0x1C000, s3;
	s0 =	sshrl.u32 s0, $0x3;
	[dreg:$0x1a] =	wrdreg s8  }
0x85: {  	s2 =	sor.u32 s26, s1;
	s26 =	sshll.u32 s10, $0x11;
	s8 =	rddreg [dreg:$0x2]  }
0x86: {  	s10 =	sshrl.u32 s29, $0x3;
	s25 =	sadd.s32 s6, s0;
	s6 =	sld [smem:$0x7DF]  }
0x87: {  	s0 =	sadd.s32 s22, s15;
	s1 =	sor.u32 s23, s26;
	s15 =	sld [smem:$0x7E5]  }
0x88: {  	s31 =	sadd.s32 s8, s10;
	s22 =	sld [smem:$0x7E7];
	s2 =	sshrl.u32 s2, $0x3  }
0x89: {  	s10 =	sld [smem:$0x7EB];
	s26 =	sadd.s32 s3, s0;
	s4 =	sor.u32 s4, s1  }
0x8a: {  	s0 =	sshrl.u32 s7, $0x3;
	s1 =	sshrl.u32 s9, $0x3;
	s9 =	sld [smem:$0x7E9]  }
0x8b: {  	s3 =	sshrl.u32 s14, $0x3;
	s7 =	sshrl.u32 s16, $0x3;
	s14 =	sld [smem:$0x7F1]  }
0x8c: {  	s16 =	sld [smem:$0x7F4];
	s29 =	sadd.s32 s8, s0;
	s30 =	sadd.s32 s8, s1  }
0x8d: {  	s0 =	sshrl.u32 s11, $0x3;
	s1 =	sshrl.u32 s12, $0x3;
	s4 =	sshrl.u32 s4, $0x3  }
0x8e: {  	s5 =	sshrl.u32 s6, $0x3;
	s0 =	sadd.s32 s8, s0;
	s23 =	sadd.s32 s8, s1  }
0x8f: {  	s1 =	sadd.s32 s8, s3;
	s3 =	sshrl.u32 s15, $0x3;
	s6 =	sshrl.u32 s22, $0x3  }
0x90: {  	s4 =	sadd.s32 s8, s4;
	s28 =	sadd.s32 s8, s5;
	s5 =	sshrl.u32 s19, $0x3  }
0x91: {  	s3 =	sadd.s32 s8, s3;
	s22 =	sadd.s32 s8, s5;
	s5 =	sadd.s32 s8, s6  }
0x92: {  	s6 =	sadd.s32 s8, s7;
	s7 =	sadd.s32 s8, s2;
	s8 =	rddreg [dreg:$0x1e]  }
0x93: {  	s11 =	sld [smem:$0x7ED];
	p0 =	sne.s32 s8, $0x0  }
0x94: {  	s12 =	sld [smem:$0x7EF];
	s2 =	simm.s32 @!p0 $0x0  }
0x95: {  	s15 =	sld [smem:$0x7F3];
	s2 =	simm.s32 @p0 $0x1;
	p0 =	sne.s32 s9, $0x0  }
0x96: {  	[smem:$0x7E8] =	sst s2;
	s2 =	simm.s32 @!p0 $0x0  }
0x97: {  	s19 =	sld [smem:$0x7F5];
	s2 =	simm.s32 @p0 $0x1;
	p0 =	sne.s32 s10, $0x0  }
0x98: {  	[smem:$0x7EA] =	sst s2;
	s2 =	simm.s32 @!p0 $0x0  }
0x99: {  	s8 =	rddreg [dreg:$0x1d];
	s2 =	simm.s32 @p0 $0x1;
	p0 =	sne.s32 s11, $0x0  }
0x9a: {  	s9 =	simm.s32 $0x0;
	[smem:$0x7EC] =	sst s2;
	s2 =	simm.s32 @!p0 $0x0  }
0x9b: {  	[smem:$0x7FF] =	sst s9;
	s2 =	simm.s32 @p0 $0x1;
	p0 =	sne.s32 s12, $0x0  }
0x9c: {  	[smem:$0x7EE] =	sst s2;
	s2 =	simm.s32 @!p0 $0x0  }
0x9d: {  	s10 =	rddreg [dreg:$0x1f];
	s2 =	simm.s32 @p0 $0x1;
	p0 =	sne.s32 s14, $0x0  }
0x9e: {  	[smem:$0x7F0] =	sst s2;
	s2 =	simm.s32 @!p0 $0x0  }
0x9f: {  	s11 =	sld [smem:$0x7F6];
	s2 =	simm.s32 @p0 $0x1  }
0xa0: {  	[smem:$0x7F2] =	sst s2  }
0xa1: {  	s12 =	sld [smem:$0x7F7];
	_ =	strace $0x80000047  }
0xa2: {  	p4 =	sne.s32 s13, $0x0;
	s13 =	rddreg [dreg:$0x1c]  }
0xa3: {  	s14 =	sld [smem:$0x7F8]  }
0xa4: {  	p6 =	sne.s32 s15, $0x0;
	s15 =	sld [smem:$0x7F9]  }
0xa5: {  	p0 =	sne.s32 s16, $0x0;
	s16 =	sld [smem:$0x7FA]  }
0xa6: {  	p1 =	sne.s32 s19, $0x0;
	s19 =	sld [smem:$0x7FB]  }
0xa7: {  	p2 =	sne.s32 s20, $0x0;
	p3 =	sne.s32 s21, $0x0;
	v10 =	vmov s18;
	s20 =	sld [smem:$0x7FC]  }
0xa8: {  	s18 =	simm.s32 $0x3;
	v11 =	vmov s17;
	s17 =	simm.s32 $0x2;
	v12 =	vmov s24;
	v0 =	vmov s8;
	s21 =	sld [smem:$0x7FD]  }
0xa9: {  	v1 =	vmov s10;
	v2 =	vmov s11;
	s11 =	simm.s32 $0x80;
	v3 =	vmov s12;
	s12 =	simm.s32 $0x400;
	s24 =	rddreg [dreg:$0x1b]  }
0xaa: {  	s10 =	smax.u32 s13, $0x1;
	s13 =	simm.s32 $0x4;
	v4 =	vmov s14;
	v5 =	vmov s15;
	v6 =	vmov s16;
	s14 =	simm.s32 $0x9700  }
0xab: {  	v7 =	vmov s19;
	v8 =	vmov s20;
	v9 =	vmov s21;
	s15 =	simm.s32 $0x1;
	s16 =	simm.s32 $0x16E00;
	s19 =	simm.s32 $0x0  }
.LBB2_1:
0xac: {  	s2 =	rddreg [dreg:$0xf]  }
0xad: {  	[tilespmem:s9], [sflag:$0x1] =	stream.strided.gather [hbm4b:s2+s11], $0x9700, s12, s11, $0x38;
	[tilespmem:$0x1AE00] =	vst v63  }
0xae: {  	s20 =	simm.s32 $0x12E00  }
0xaf: {  	[tilespmem:s20], [sflag:$0x4] =	stream.strided.gather [hbm4b:s24+s11], $0x4000, s12, s11, $0x38;
	[tilespmem:$0x1AE00] =	vst v63  }
0xb0: {  	_ =	swait.ge [sflag:s13], $0x4000  }
0xb1: {  	[sflag:s13] =	ssyncset.done $0x0  }
0xb2: {  	s21 =	rddreg [dreg:$0x10];
	[sflag:s13] =	ssyncadd.s32 $0xFFFFC000  }
0xb3: {  	[tilespmem:s14], [sflag:$0x2] =	stream.strided.gather [hbm4b:s21+s11], $0x9700, s12, s11, $0x38;
	[tilespmem:$0x1AE00] =	vst v63  }
0xb4: {  	_ =	swait.ge [sflag:s15], $0x9700  }
0xb5: {  	[sflag:s15] =	ssyncset.done $0x0  }
0xb6: {  	s21 =	simm.s32 $0x0;
	[sflag:s15] =	ssyncadd.s32 $0xFFFF6900  }
0xb7: {  	v13 =	vld [tilespmem:s21+$0x12E00]  }
0xb8: {  	v14 =	vld [tilespmem:s21+$0x12E70]  }
0xb9: {  	v15 =	vld [tilespmem:s21+$0x12E10]  }
0xba: {  	v16 =	vld [tilespmem:s21+$0x12E20]  }
0xbb: {  	v17 =	vld [tilespmem:s21+$0x12E30]  }
0xbc: {  	v19 =	vld [tilespmem:s21+$0x12E40];
	v18 =	vadd.s32 v0, v13  }
0xbd: {  	v20 =	vld [tilespmem:s21+$0x12E50];
	v21 =	vadd.s32 v0, v14  }
0xbe: {  	s20 =	simm.s32 $0x80;
	v22 =	vld [tilespmem:s21+$0x12E60];
	v15 =	vadd.s32 v0, v15  }
0xbf: {  	v13 =	vld [tilespmem:s20+$0x12E00];
	v16 =	vadd.s32 v0, v16  }
0xc0: {  	v14 =	vld [tilespmem:s20+$0x12E70];
	v23 =	vadd.s32 v0, v17  }
0xc1: {  	v24 =	vadd.s32 v0, v19;
	v17 =	vld.idx.msk [tilespmem:v18+s9+$0x0], $0xffff  }
0xc2: {  	v25 =	vadd.s32 v0, v20;
	v21 =	vld.idx.msk [tilespmem:v21+s9+$0x0], $0xffff  }
0xc3: {  	v22 =	vadd.s32 v0, v22;
	v20 =	vld.idx.msk [tilespmem:v15+s9+$0x0], $0xffff  }
0xc4: {  	v19 =	vld.idx.msk [tilespmem:v16+s9+$0x0], $0xffff  }
0xc5: {  	v18 =	vld.idx.msk [tilespmem:v23+s9+$0x0], $0xffff  }
0xc6: {  	v16 =	vld.idx.msk [tilespmem:v24+s9+$0x0], $0xffff  }
0xc7: {  	s2 =	simm.s32 $0x400;
	v15 =	vld.idx.msk [tilespmem:v25+s9+$0x0], $0xffff  }
.LBB2_2:
0xc8: {  	p5 =	sne.s32 s2, $0xFE00;
	v22 =	vld.idx.msk [tilespmem:v22+s9+$0x0], $0xffff;
	[tilespmem:s21+$0x16E70] =	vst v21  }
0xc9: {  	v21 =	vld [tilespmem:s20+$0x12E10];
	[tilespmem:s21+$0x16E00] =	vst v17  }
0xca: {  	v17 =	vld [tilespmem:s20+$0x12E20];
	[tilespmem:s21+$0x16E10] =	vst v20  }
0xcb: {  	v20 =	vld [tilespmem:s20+$0x12E30];
	[tilespmem:s21+$0x16E20] =	vst v19  }
0xcc: {  	v19 =	vadd.s32 v0, v13;
	v23 =	vld [tilespmem:s20+$0x12E40];
	[tilespmem:s21+$0x16E30] =	vst v18  }
0xcd: {  	v24 =	vadd.s32 v0, v14;
	v18 =	vld [tilespmem:s20+$0x12E50];
	[tilespmem:s21+$0x16E40] =	vst v16  }
0xce: {  	s8 =	sshra.s32 s2, $0x2;
	v16 =	vadd.s32 v0, v21;
	v25 =	vld [tilespmem:s20+$0x12E60];
	[tilespmem:s21+$0x16E50] =	vst v15  }
0xcf: {  	v13 =	vld [tilespmem:s8+$0x12E00];
	v15 =	vadd.s32 v0, v17;
	[tilespmem:s21+$0x16E60] =	vst v22;
	s21 =	smov.u32 s20;
	s20 =	smov.u32 s8  }
0xd0: {  	v14 =	vld [tilespmem:s20+$0x12E70];
	v26 =	vadd.s32 v0, v20  }
0xd1: {  	v17 =	vld.idx.msk [tilespmem:v19+s9+$0x0], $0xffff;
	v23 =	vadd.s32 v0, v23  }
0xd2: {  	v27 =	vadd.s32 v0, v18;
	v21 =	vld.idx.msk [tilespmem:v24+s9+$0x0], $0xffff  }
.Ltmp0:
0xd3: {  	v20 =	vld.idx.msk [tilespmem:v16+s9+$0x0], $0xffff;
	v22 =	vadd.s32 v0, v25;
	(pc) =	sbr.rel @p5 .LBB2_2-.Ltmp0, $4  }
0xd4: {  	v19 =	vld.idx.msk [tilespmem:v15+s9+$0x0], $0xffff  }
0xd5: {  	v18 =	vld.idx.msk [tilespmem:v26+s9+$0x0], $0xffff  }
0xd6: {  	v16 =	vld.idx.msk [tilespmem:v23+s9+$0x0], $0xffff  }
0xd7: {  	s2 =	sadd.s32 $0x200, s2;
	v15 =	vld.idx.msk [tilespmem:v27+s9+$0x0], $0xffff  }
0xd8: {  	_ =	sdelay $0x3  }
0xd9: {  	v22 =	vld.idx.msk [tilespmem:v22+s9+$0x0], $0xffff;
	[tilespmem:s21+$0x16E70] =	vst v21  }
0xda: {  	v21 =	vld [tilespmem:s20+$0x12E10];
	[tilespmem:s21+$0x16E00] =	vst v17  }
0xdb: {  	v17 =	vld [tilespmem:s20+$0x12E20];
	[tilespmem:s21+$0x16E10] =	vst v20  }
0xdc: {  	v20 =	vld [tilespmem:s20+$0x12E30];
	[tilespmem:s21+$0x16E20] =	vst v19  }
0xdd: {  	v13 =	vadd.s32 v0, v13;
	v19 =	vld [tilespmem:s20+$0x12E40];
	[tilespmem:s21+$0x16E30] =	vst v18  }
0xde: {  	v14 =	vadd.s32 v0, v14;
	v18 =	vld [tilespmem:s20+$0x12E50];
	[tilespmem:s21+$0x16E40] =	vst v16  }
0xdf: {  	v16 =	vadd.s32 v0, v21;
	v21 =	vld [tilespmem:s20+$0x12E60]  }
0xe0: {  	[tilespmem:s21+$0x16E50] =	vst v15;
	v15 =	vadd.s32 v0, v17  }
0xe1: {  	[tilespmem:s21+$0x16E60] =	vst v22;
	v17 =	vadd.s32 v0, v20  }
0xe2: {  	v13 =	vld.idx.msk [tilespmem:v13+s9+$0x0], $0xffff;
	v19 =	vadd.s32 v0, v19  }
0xe3: {  	v14 =	vld.idx.msk [tilespmem:v14+s9+$0x0], $0xffff;
	v18 =	vadd.s32 v0, v18  }
0xe4: {  	v16 =	vld.idx.msk [tilespmem:v16+s9+$0x0], $0xffff;
	v20 =	vadd.s32 v0, v21  }
0xe5: {  	v15 =	vld.idx.msk [tilespmem:v15+s9+$0x0], $0xffff  }
0xe6: {  	v17 =	vld.idx.msk [tilespmem:v17+s9+$0x0], $0xffff  }
0xe7: {  	v19 =	vld.idx.msk [tilespmem:v19+s9+$0x0], $0xffff  }
0xe8: {  	v18 =	vld.idx.msk [tilespmem:v18+s9+$0x0], $0xffff  }
0xe9: {  	v20 =	vld.idx.msk [tilespmem:v20+s9+$0x0], $0xffff;
	[tilespmem:s20+$0x16E70] =	vst v14  }
0xea: {  	[tilespmem:s20+$0x16E00] =	vst v13  }
0xeb: {  	[tilespmem:s20+$0x16E10] =	vst v16  }
0xec: {  	s2 =	sld [smem:$0x7E8];
	[tilespmem:s20+$0x16E20] =	vst v15  }
0xed: {  	[tilespmem:s20+$0x16E30] =	vst v17  }
0xee: {  	[tilespmem:s20+$0x16E40] =	vst v19  }
0xef: {  	p5 =	seq.s32 s2, $0x1;
	[tilespmem:s20+$0x16E50] =	vst v18  }
0xf0: {  	s2 =	simm.s32 @!p5 $0x80;
	[tilespmem:s20+$0x16E60] =	vst v20  }
0xf1: {  	[hbm4b:s28+s11] =	stream.strided.scatter [tilespmem:s16], [sflag:$0x3], $0x4000, s12, s11, $0x38;
	[tilespmem:$0x1AE00] =	vst v63  }
0xf2: {  	s8 =	simm.s32 @!p5 $0x400;
	s21 =	rddreg [dreg:$0x4];
	s20 =	simm.s32 @!p5 $0x12E00  }
0xf3: {  	[tilespmem:s20], [sflag:$0x4] =	stream.strided.gather @!p5 [hbm4b:s21+s2], $0x4000, s8, s2, $0x38;
	[tilespmem:$0x1AE00] =	vst v63  }
0xf4: {  	s2 =	simm.s32 @!p5 $0x4  }
0xf5: {  	_ =	swait.ge @!p5 [sflag:s2], $0x4000  }
0xf6: {  	[sflag:s2] =	ssyncset.done @!p5 $0x0  }
0xf7: {  	s20 =	simm.s32 $0x0;
	s21 =	rddreg [dreg:$0x11];
	[sflag:s2] =	ssyncadd.s32 @!p5 $0xFFFFC000  }
0xf8: {  	[tilespmem:s20], [sflag:$0x1] =	stream.strided.gather [hbm4b:s21+s11], $0x9700, s12, s11, $0x38;
	[tilespmem:$0x1AE00] =	vst v63  }
0xf9: {  	_ =	swait.ge [sflag:s17], $0x9700  }
0xfa: {  	[sflag:s17] =	ssyncset.done $0x0  }
0xfb: {  	[sflag:s17] =	ssyncadd.s32 $0xFFFF6900  }
0xfc: {  	_ =	swait.ge [sflag:s18], $0x4000  }
0xfd: {  	[sflag:s18] =	ssyncset.done $0x0  }
0xfe: {  	s21 =	simm.s32 $0x0;
	[sflag:s18] =	ssyncadd.s32 $0xFFFFC000  }
0xff: {  	v13 =	vld [tilespmem:s21+$0x12E00]  }
0x100: {  	v14 =	vld [tilespmem:s21+$0x12E70]  }
0x101: {  	v15 =	vld [tilespmem:s21+$0x12E10]  }
0x102: {  	v16 =	vld [tilespmem:s21+$0x12E20]  }
0x103: {  	v17 =	vld [tilespmem:s21+$0x12E30]  }
0x104: {  	v19 =	vld [tilespmem:s21+$0x12E40];
	v18 =	vadd.s32 v1, v13  }
0x105: {  	v20 =	vld [tilespmem:s21+$0x12E50];
	v21 =	vadd.s32 v1, v14  }
0x106: {  	s20 =	simm.s32 $0x80;
	v22 =	vld [tilespmem:s21+$0x12E60];
	v15 =	vadd.s32 v1, v15  }
0x107: {  	v13 =	vld [tilespmem:s20+$0x12E00];
	v16 =	vadd.s32 v1, v16  }
0x108: {  	v14 =	vld [tilespmem:s20+$0x12E70];
	v23 =	vadd.s32 v1, v17  }
0x109: {  	v24 =	vadd.s32 v1, v19;
	v17 =	vld.idx.msk [tilespmem:v18+s14+$0x0], $0xffff  }
0x10a: {  	v25 =	vadd.s32 v1, v20;
	v21 =	vld.idx.msk [tilespmem:v21+s14+$0x0], $0xffff  }
0x10b: {  	v22 =	vadd.s32 v1, v22;
	v20 =	vld.idx.msk [tilespmem:v15+s14+$0x0], $0xffff  }
0x10c: {  	v19 =	vld.idx.msk [tilespmem:v16+s14+$0x0], $0xffff  }
0x10d: {  	v18 =	vld.idx.msk [tilespmem:v23+s14+$0x0], $0xffff  }
0x10e: {  	v16 =	vld.idx.msk [tilespmem:v24+s14+$0x0], $0xffff  }
0x10f: {  	s2 =	simm.s32 $0x400;
	v15 =	vld.idx.msk [tilespmem:v25+s14+$0x0], $0xffff  }
.LBB2_4:
0x110: {  	p5 =	sne.s32 s2, $0xFE00;
	v22 =	vld.idx.msk [tilespmem:v22+s14+$0x0], $0xffff;
	[tilespmem:s21+$0x16E70] =	vst v21  }
0x111: {  	v21 =	vld [tilespmem:s20+$0x12E10];
	[tilespmem:s21+$0x16E00] =	vst v17  }
0x112: {  	v17 =	vld [tilespmem:s20+$0x12E20];
	[tilespmem:s21+$0x16E10] =	vst v20  }
0x113: {  	v20 =	vld [tilespmem:s20+$0x12E30];
	[tilespmem:s21+$0x16E20] =	vst v19  }
0x114: {  	v19 =	vadd.s32 v1, v13;
	v23 =	vld [tilespmem:s20+$0x12E40];
	[tilespmem:s21+$0x16E30] =	vst v18  }
0x115: {  	v24 =	vadd.s32 v1, v14;
	v18 =	vld [tilespmem:s20+$0x12E50];
	[tilespmem:s21+$0x16E40] =	vst v16  }
0x116: {  	s8 =	sshra.s32 s2, $0x2;
	v16 =	vadd.s32 v1, v21;
	v25 =	vld [tilespmem:s20+$0x12E60];
	[tilespmem:s21+$0x16E50] =	vst v15  }
0x117: {  	v13 =	vld [tilespmem:s8+$0x12E00];
	v15 =	vadd.s32 v1, v17;
	[tilespmem:s21+$0x16E60] =	vst v22;
	s21 =	smov.u32 s20;
	s20 =	smov.u32 s8  }
0x118: {  	v14 =	vld [tilespmem:s20+$0x12E70];
	v26 =	vadd.s32 v1, v20  }
0x119: {  	v17 =	vld.idx.msk [tilespmem:v19+s14+$0x0], $0xffff;
	v23 =	vadd.s32 v1, v23  }
0x11a: {  	v27 =	vadd.s32 v1, v18;
	v21 =	vld.idx.msk [tilespmem:v24+s14+$0x0], $0xffff  }
.Ltmp1:
0x11b: {  	v20 =	vld.idx.msk [tilespmem:v16+s14+$0x0], $0xffff;
	v22 =	vadd.s32 v1, v25;
	(pc) =	sbr.rel @p5 .LBB2_4-.Ltmp1, $4  }
0x11c: {  	v19 =	vld.idx.msk [tilespmem:v15+s14+$0x0], $0xffff  }
0x11d: {  	v18 =	vld.idx.msk [tilespmem:v26+s14+$0x0], $0xffff  }
0x11e: {  	v16 =	vld.idx.msk [tilespmem:v23+s14+$0x0], $0xffff  }
0x11f: {  	s2 =	sadd.s32 $0x200, s2;
	v15 =	vld.idx.msk [tilespmem:v27+s14+$0x0], $0xffff  }
0x120: {  	_ =	sdelay $0x3  }
0x121: {  	v22 =	vld.idx.msk [tilespmem:v22+s14+$0x0], $0xffff;
	[tilespmem:s21+$0x16E70] =	vst v21  }
0x122: {  	v21 =	vld [tilespmem:s20+$0x12E10];
	[tilespmem:s21+$0x16E00] =	vst v17  }
0x123: {  	v17 =	vld [tilespmem:s20+$0x12E20];
	[tilespmem:s21+$0x16E10] =	vst v20  }
0x124: {  	v20 =	vld [tilespmem:s20+$0x12E30];
	[tilespmem:s21+$0x16E20] =	vst v19  }
0x125: {  	v13 =	vadd.s32 v1, v13;
	v19 =	vld [tilespmem:s20+$0x12E40];
	[tilespmem:s21+$0x16E30] =	vst v18  }
0x126: {  	v14 =	vadd.s32 v1, v14;
	v18 =	vld [tilespmem:s20+$0x12E50];
	[tilespmem:s21+$0x16E40] =	vst v16  }
0x127: {  	v16 =	vadd.s32 v1, v21;
	v21 =	vld [tilespmem:s20+$0x12E60]  }
0x128: {  	[tilespmem:s21+$0x16E50] =	vst v15;
	v15 =	vadd.s32 v1, v17  }
0x129: {  	[tilespmem:s21+$0x16E60] =	vst v22;
	v17 =	vadd.s32 v1, v20  }
0x12a: {  	v13 =	vld.idx.msk [tilespmem:v13+s14+$0x0], $0xffff;
	v19 =	vadd.s32 v1, v19  }
0x12b: {  	v14 =	vld.idx.msk [tilespmem:v14+s14+$0x0], $0xffff;
	v18 =	vadd.s32 v1, v18  }
0x12c: {  	v16 =	vld.idx.msk [tilespmem:v16+s14+$0x0], $0xffff;
	v20 =	vadd.s32 v1, v21  }
0x12d: {  	v15 =	vld.idx.msk [tilespmem:v15+s14+$0x0], $0xffff  }
0x12e: {  	v17 =	vld.idx.msk [tilespmem:v17+s14+$0x0], $0xffff  }
0x12f: {  	v19 =	vld.idx.msk [tilespmem:v19+s14+$0x0], $0xffff  }
0x130: {  	v18 =	vld.idx.msk [tilespmem:v18+s14+$0x0], $0xffff  }
0x131: {  	v20 =	vld.idx.msk [tilespmem:v20+s14+$0x0], $0xffff;
	[tilespmem:s20+$0x16E70] =	vst v14  }
0x132: {  	[tilespmem:s20+$0x16E00] =	vst v13  }
0x133: {  	[tilespmem:s20+$0x16E10] =	vst v16  }
0x134: {  	s2 =	sld [smem:$0x7EA];
	[tilespmem:s20+$0x16E20] =	vst v15  }
0x135: {  	[tilespmem:s20+$0x16E30] =	vst v17  }
0x136: {  	[tilespmem:s20+$0x16E40] =	vst v19  }
0x137: {  	p5 =	seq.s32 s2, $0x1;
	[tilespmem:s20+$0x16E50] =	vst v18  }
0x138: {  	s2 =	simm.s32 @!p5 $0x80;
	[tilespmem:s20+$0x16E60] =	vst v20  }
0x139: {  	[hbm4b:s29+s11] =	stream.strided.scatter [tilespmem:s16], [sflag:$0x3], $0x4000, s12, s11, $0x38;
	[tilespmem:$0x1AE00] =	vst v63  }
0x13a: {  	s8 =	simm.s32 @!p5 $0x400;
	s21 =	rddreg [dreg:$0x5];
	s20 =	simm.s32 @!p5 $0x12E00  }
0x13b: {  	[tilespmem:s20], [sflag:$0x4] =	stream.strided.gather @!p5 [hbm4b:s21+s2], $0x4000, s8, s2, $0x38;
	[tilespmem:$0x1AE00] =	vst v63  }
0x13c: {  	s2 =	simm.s32 @!p5 $0x4  }
0x13d: {  	_ =	swait.ge @!p5 [sflag:s2], $0x4000  }
0x13e: {  	[sflag:s2] =	ssyncset.done @!p5 $0x0  }
0x13f: {  	s21 =	rddreg [dreg:$0x12];
	[sflag:s2] =	ssyncadd.s32 @!p5 $0xFFFFC000  }
0x140: {  	[tilespmem:s14], [sflag:$0x2] =	stream.strided.gather [hbm4b:s21+s11], $0x9700, s12, s11, $0x38;
	[tilespmem:$0x1AE00] =	vst v63  }
0x141: {  	_ =	swait.ge [sflag:s15], $0x9700  }
0x142: {  	[sflag:s15] =	ssyncset.done $0x0  }
0x143: {  	[sflag:s15] =	ssyncadd.s32 $0xFFFF6900  }
0x144: {  	_ =	swait.ge [sflag:s18], $0x4000  }
0x145: {  	[sflag:s18] =	ssyncset.done $0x0  }
0x146: {  	s21 =	simm.s32 $0x0;
	[sflag:s18] =	ssyncadd.s32 $0xFFFFC000  }
0x147: {  	v13 =	vld [tilespmem:s21+$0x12E00]  }
0x148: {  	v14 =	vld [tilespmem:s21+$0x12E70]  }
0x149: {  	v15 =	vld [tilespmem:s21+$0x12E10]  }
0x14a: {  	v16 =	vld [tilespmem:s21+$0x12E20]  }
0x14b: {  	v17 =	vld [tilespmem:s21+$0x12E30]  }
0x14c: {  	v19 =	vld [tilespmem:s21+$0x12E40];
	v18 =	vadd.s32 v2, v13  }
0x14d: {  	v20 =	vld [tilespmem:s21+$0x12E50];
	v21 =	vadd.s32 v2, v14  }
0x14e: {  	s20 =	simm.s32 $0x80;
	v22 =	vld [tilespmem:s21+$0x12E60];
	v15 =	vadd.s32 v2, v15  }
0x14f: {  	v13 =	vld [tilespmem:s20+$0x12E00];
	v16 =	vadd.s32 v2, v16  }
0x150: {  	v14 =	vld [tilespmem:s20+$0x12E70];
	v23 =	vadd.s32 v2, v17  }
0x151: {  	v24 =	vadd.s32 v2, v19;
	v17 =	vld.idx.msk [tilespmem:v18+s9+$0x0], $0xffff  }
0x152: {  	v25 =	vadd.s32 v2, v20;
	v21 =	vld.idx.msk [tilespmem:v21+s9+$0x0], $0xffff  }
0x153: {  	v22 =	vadd.s32 v2, v22;
	v20 =	vld.idx.msk [tilespmem:v15+s9+$0x0], $0xffff  }
0x154: {  	v19 =	vld.idx.msk [tilespmem:v16+s9+$0x0], $0xffff  }
0x155: {  	v18 =	vld.idx.msk [tilespmem:v23+s9+$0x0], $0xffff  }
0x156: {  	v16 =	vld.idx.msk [tilespmem:v24+s9+$0x0], $0xffff  }
0x157: {  	s2 =	simm.s32 $0x400;
	v15 =	vld.idx.msk [tilespmem:v25+s9+$0x0], $0xffff  }
.LBB2_6:
0x158: {  	p5 =	sne.s32 s2, $0xFE00;
	v22 =	vld.idx.msk [tilespmem:v22+s9+$0x0], $0xffff;
	[tilespmem:s21+$0x16E70] =	vst v21  }
0x159: {  	v21 =	vld [tilespmem:s20+$0x12E10];
	[tilespmem:s21+$0x16E00] =	vst v17  }
0x15a: {  	v17 =	vld [tilespmem:s20+$0x12E20];
	[tilespmem:s21+$0x16E10] =	vst v20  }
0x15b: {  	v20 =	vld [tilespmem:s20+$0x12E30];
	[tilespmem:s21+$0x16E20] =	vst v19  }
0x15c: {  	v19 =	vadd.s32 v2, v13;
	v23 =	vld [tilespmem:s20+$0x12E40];
	[tilespmem:s21+$0x16E30] =	vst v18  }
0x15d: {  	v24 =	vadd.s32 v2, v14;
	v18 =	vld [tilespmem:s20+$0x12E50];
	[tilespmem:s21+$0x16E40] =	vst v16  }
0x15e: {  	s8 =	sshra.s32 s2, $0x2;
	v16 =	vadd.s32 v2, v21;
	v25 =	vld [tilespmem:s20+$0x12E60];
	[tilespmem:s21+$0x16E50] =	vst v15  }
0x15f: {  	v13 =	vld [tilespmem:s8+$0x12E00];
	v15 =	vadd.s32 v2, v17;
	[tilespmem:s21+$0x16E60] =	vst v22;
	s21 =	smov.u32 s20;
	s20 =	smov.u32 s8  }
0x160: {  	v14 =	vld [tilespmem:s20+$0x12E70];
	v26 =	vadd.s32 v2, v20  }
0x161: {  	v17 =	vld.idx.msk [tilespmem:v19+s9+$0x0], $0xffff;
	v23 =	vadd.s32 v2, v23  }
0x162: {  	v27 =	vadd.s32 v2, v18;
	v21 =	vld.idx.msk [tilespmem:v24+s9+$0x0], $0xffff  }
.Ltmp2:
0x163: {  	v20 =	vld.idx.msk [tilespmem:v16+s9+$0x0], $0xffff;
	v22 =	vadd.s32 v2, v25;
	(pc) =	sbr.rel @p5 .LBB2_6-.Ltmp2, $4  }
0x164: {  	v19 =	vld.idx.msk [tilespmem:v15+s9+$0x0], $0xffff  }
0x165: {  	v18 =	vld.idx.msk [tilespmem:v26+s9+$0x0], $0xffff  }
0x166: {  	v16 =	vld.idx.msk [tilespmem:v23+s9+$0x0], $0xffff  }
0x167: {  	s2 =	sadd.s32 $0x200, s2;
	v15 =	vld.idx.msk [tilespmem:v27+s9+$0x0], $0xffff  }
0x168: {  	_ =	sdelay $0x3  }
0x169: {  	v22 =	vld.idx.msk [tilespmem:v22+s9+$0x0], $0xffff;
	[tilespmem:s21+$0x16E70] =	vst v21  }
0x16a: {  	v21 =	vld [tilespmem:s20+$0x12E10];
	[tilespmem:s21+$0x16E00] =	vst v17  }
0x16b: {  	v17 =	vld [tilespmem:s20+$0x12E20];
	[tilespmem:s21+$0x16E10] =	vst v20  }
0x16c: {  	v20 =	vld [tilespmem:s20+$0x12E30];
	[tilespmem:s21+$0x16E20] =	vst v19  }
0x16d: {  	v13 =	vadd.s32 v2, v13;
	v19 =	vld [tilespmem:s20+$0x12E40];
	[tilespmem:s21+$0x16E30] =	vst v18  }
0x16e: {  	v14 =	vadd.s32 v2, v14;
	v18 =	vld [tilespmem:s20+$0x12E50];
	[tilespmem:s21+$0x16E40] =	vst v16  }
0x16f: {  	v16 =	vadd.s32 v2, v21;
	v21 =	vld [tilespmem:s20+$0x12E60]  }
0x170: {  	[tilespmem:s21+$0x16E50] =	vst v15;
	v15 =	vadd.s32 v2, v17  }
0x171: {  	[tilespmem:s21+$0x16E60] =	vst v22;
	v17 =	vadd.s32 v2, v20  }
0x172: {  	v13 =	vld.idx.msk [tilespmem:v13+s9+$0x0], $0xffff;
	v19 =	vadd.s32 v2, v19  }
0x173: {  	v14 =	vld.idx.msk [tilespmem:v14+s9+$0x0], $0xffff;
	v18 =	vadd.s32 v2, v18  }
0x174: {  	v16 =	vld.idx.msk [tilespmem:v16+s9+$0x0], $0xffff;
	v20 =	vadd.s32 v2, v21  }
0x175: {  	v15 =	vld.idx.msk [tilespmem:v15+s9+$0x0], $0xffff  }
0x176: {  	v17 =	vld.idx.msk [tilespmem:v17+s9+$0x0], $0xffff  }
0x177: {  	v19 =	vld.idx.msk [tilespmem:v19+s9+$0x0], $0xffff  }
0x178: {  	v18 =	vld.idx.msk [tilespmem:v18+s9+$0x0], $0xffff  }
0x179: {  	v20 =	vld.idx.msk [tilespmem:v20+s9+$0x0], $0xffff;
	[tilespmem:s20+$0x16E70] =	vst v14  }
0x17a: {  	[tilespmem:s20+$0x16E00] =	vst v13  }
0x17b: {  	[tilespmem:s20+$0x16E10] =	vst v16  }
0x17c: {  	s2 =	sld [smem:$0x7EC];
	[tilespmem:s20+$0x16E20] =	vst v15  }
0x17d: {  	[tilespmem:s20+$0x16E30] =	vst v17  }
0x17e: {  	[tilespmem:s20+$0x16E40] =	vst v19  }
0x17f: {  	p5 =	seq.s32 s2, $0x1;
	[tilespmem:s20+$0x16E50] =	vst v18  }
0x180: {  	s2 =	simm.s32 @!p5 $0x80;
	[tilespmem:s20+$0x16E60] =	vst v20  }
0x181: {  	[hbm4b:s30+s11] =	stream.strided.scatter [tilespmem:s16], [sflag:$0x3], $0x4000, s12, s11, $0x38;
	[tilespmem:$0x1AE00] =	vst v63  }
0x182: {  	s8 =	simm.s32 @!p5 $0x400;
	s21 =	rddreg [dreg:$0x6];
	s20 =	simm.s32 @!p5 $0x12E00  }
0x183: {  	[tilespmem:s20], [sflag:$0x4] =	stream.strided.gather @!p5 [hbm4b:s21+s2], $0x4000, s8, s2, $0x38;
	[tilespmem:$0x1AE00] =	vst v63  }
0x184: {  	s2 =	simm.s32 @!p5 $0x4  }
0x185: {  	_ =	swait.ge @!p5 [sflag:s2], $0x4000  }
0x186: {  	[sflag:s2] =	ssyncset.done @!p5 $0x0  }
0x187: {  	s20 =	simm.s32 $0x0;
	s21 =	rddreg [dreg:$0x13];
	[sflag:s2] =	ssyncadd.s32 @!p5 $0xFFFFC000  }
0x188: {  	[tilespmem:s20], [sflag:$0x1] =	stream.strided.gather [hbm4b:s21+s11], $0x9700, s12, s11, $0x38;
	[tilespmem:$0x1AE00] =	vst v63  }
0x189: {  	_ =	swait.ge [sflag:s17], $0x9700  }
0x18a: {  	[sflag:s17] =	ssyncset.done $0x0  }
0x18b: {  	[sflag:s17] =	ssyncadd.s32 $0xFFFF6900  }
0x18c: {  	_ =	swait.ge [sflag:s18], $0x4000  }
0x18d: {  	[sflag:s18] =	ssyncset.done $0x0  }
0x18e: {  	s21 =	simm.s32 $0x0;
	[sflag:s18] =	ssyncadd.s32 $0xFFFFC000  }
0x18f: {  	v13 =	vld [tilespmem:s21+$0x12E00]  }
0x190: {  	v14 =	vld [tilespmem:s21+$0x12E70]  }
0x191: {  	v15 =	vld [tilespmem:s21+$0x12E10]  }
0x192: {  	v16 =	vld [tilespmem:s21+$0x12E20]  }
0x193: {  	v17 =	vld [tilespmem:s21+$0x12E30]  }
0x194: {  	v19 =	vld [tilespmem:s21+$0x12E40];
	v18 =	vadd.s32 v3, v13  }
0x195: {  	v20 =	vld [tilespmem:s21+$0x12E50];
	v21 =	vadd.s32 v3, v14  }
0x196: {  	s20 =	simm.s32 $0x80;
	v22 =	vld [tilespmem:s21+$0x12E60];
	v15 =	vadd.s32 v3, v15  }
0x197: {  	v13 =	vld [tilespmem:s20+$0x12E00];
	v16 =	vadd.s32 v3, v16  }
0x198: {  	v14 =	vld [tilespmem:s20+$0x12E70];
	v23 =	vadd.s32 v3, v17  }
0x199: {  	v24 =	vadd.s32 v3, v19;
	v17 =	vld.idx.msk [tilespmem:v18+s14+$0x0], $0xffff  }
0x19a: {  	v25 =	vadd.s32 v3, v20;
	v21 =	vld.idx.msk [tilespmem:v21+s14+$0x0], $0xffff  }
0x19b: {  	v22 =	vadd.s32 v3, v22;
	v20 =	vld.idx.msk [tilespmem:v15+s14+$0x0], $0xffff  }
0x19c: {  	v19 =	vld.idx.msk [tilespmem:v16+s14+$0x0], $0xffff  }
0x19d: {  	v18 =	vld.idx.msk [tilespmem:v23+s14+$0x0], $0xffff  }
0x19e: {  	v16 =	vld.idx.msk [tilespmem:v24+s14+$0x0], $0xffff  }
0x19f: {  	s2 =	simm.s32 $0x400;
	v15 =	vld.idx.msk [tilespmem:v25+s14+$0x0], $0xffff  }
.LBB2_8:
0x1a0: {  	p5 =	sne.s32 s2, $0xFE00;
	v22 =	vld.idx.msk [tilespmem:v22+s14+$0x0], $0xffff;
	[tilespmem:s21+$0x16E70] =	vst v21  }
0x1a1: {  	v21 =	vld [tilespmem:s20+$0x12E10];
	[tilespmem:s21+$0x16E00] =	vst v17  }
0x1a2: {  	v17 =	vld [tilespmem:s20+$0x12E20];
	[tilespmem:s21+$0x16E10] =	vst v20  }
0x1a3: {  	v20 =	vld [tilespmem:s20+$0x12E30];
	[tilespmem:s21+$0x16E20] =	vst v19  }
0x1a4: {  	v19 =	vadd.s32 v3, v13;
	v23 =	vld [tilespmem:s20+$0x12E40];
	[tilespmem:s21+$0x16E30] =	vst v18  }
0x1a5: {  	v24 =	vadd.s32 v3, v14;
	v18 =	vld [tilespmem:s20+$0x12E50];
	[tilespmem:s21+$0x16E40] =	vst v16  }
0x1a6: {  	s8 =	sshra.s32 s2, $0x2;
	v16 =	vadd.s32 v3, v21;
	v25 =	vld [tilespmem:s20+$0x12E60];
	[tilespmem:s21+$0x16E50] =	vst v15  }
0x1a7: {  	v13 =	vld [tilespmem:s8+$0x12E00];
	v15 =	vadd.s32 v3, v17;
	[tilespmem:s21+$0x16E60] =	vst v22;
	s21 =	smov.u32 s20;
	s20 =	smov.u32 s8  }
0x1a8: {  	v14 =	vld [tilespmem:s20+$0x12E70];
	v26 =	vadd.s32 v3, v20  }
0x1a9: {  	v17 =	vld.idx.msk [tilespmem:v19+s14+$0x0], $0xffff;
	v23 =	vadd.s32 v3, v23  }
0x1aa: {  	v27 =	vadd.s32 v3, v18;
	v21 =	vld.idx.msk [tilespmem:v24+s14+$0x0], $0xffff  }
.Ltmp3:
0x1ab: {  	v20 =	vld.idx.msk [tilespmem:v16+s14+$0x0], $0xffff;
	v22 =	vadd.s32 v3, v25;
	(pc) =	sbr.rel @p5 .LBB2_8-.Ltmp3, $4  }
0x1ac: {  	v19 =	vld.idx.msk [tilespmem:v15+s14+$0x0], $0xffff  }
0x1ad: {  	v18 =	vld.idx.msk [tilespmem:v26+s14+$0x0], $0xffff  }
0x1ae: {  	v16 =	vld.idx.msk [tilespmem:v23+s14+$0x0], $0xffff  }
0x1af: {  	s2 =	sadd.s32 $0x200, s2;
	v15 =	vld.idx.msk [tilespmem:v27+s14+$0x0], $0xffff  }
0x1b0: {  	_ =	sdelay $0x3  }
0x1b1: {  	v22 =	vld.idx.msk [tilespmem:v22+s14+$0x0], $0xffff;
	[tilespmem:s21+$0x16E70] =	vst v21  }
0x1b2: {  	v21 =	vld [tilespmem:s20+$0x12E10];
	[tilespmem:s21+$0x16E00] =	vst v17  }
0x1b3: {  	v17 =	vld [tilespmem:s20+$0x12E20];
	[tilespmem:s21+$0x16E10] =	vst v20  }
0x1b4: {  	v20 =	vld [tilespmem:s20+$0x12E30];
	[tilespmem:s21+$0x16E20] =	vst v19  }
0x1b5: {  	v13 =	vadd.s32 v3, v13;
	v19 =	vld [tilespmem:s20+$0x12E40];
	[tilespmem:s21+$0x16E30] =	vst v18  }
0x1b6: {  	v14 =	vadd.s32 v3, v14;
	v18 =	vld [tilespmem:s20+$0x12E50];
	[tilespmem:s21+$0x16E40] =	vst v16  }
0x1b7: {  	v16 =	vadd.s32 v3, v21;
	v21 =	vld [tilespmem:s20+$0x12E60]  }
0x1b8: {  	[tilespmem:s21+$0x16E50] =	vst v15;
	v15 =	vadd.s32 v3, v17  }
0x1b9: {  	[tilespmem:s21+$0x16E60] =	vst v22;
	v17 =	vadd.s32 v3, v20  }
0x1ba: {  	v13 =	vld.idx.msk [tilespmem:v13+s14+$0x0], $0xffff;
	v19 =	vadd.s32 v3, v19  }
0x1bb: {  	v14 =	vld.idx.msk [tilespmem:v14+s14+$0x0], $0xffff;
	v18 =	vadd.s32 v3, v18  }
0x1bc: {  	v16 =	vld.idx.msk [tilespmem:v16+s14+$0x0], $0xffff;
	v20 =	vadd.s32 v3, v21  }
0x1bd: {  	v15 =	vld.idx.msk [tilespmem:v15+s14+$0x0], $0xffff  }
0x1be: {  	v17 =	vld.idx.msk [tilespmem:v17+s14+$0x0], $0xffff  }
0x1bf: {  	v19 =	vld.idx.msk [tilespmem:v19+s14+$0x0], $0xffff  }
0x1c0: {  	v18 =	vld.idx.msk [tilespmem:v18+s14+$0x0], $0xffff  }
0x1c1: {  	v20 =	vld.idx.msk [tilespmem:v20+s14+$0x0], $0xffff;
	[tilespmem:s20+$0x16E70] =	vst v14  }
0x1c2: {  	[tilespmem:s20+$0x16E00] =	vst v13  }
0x1c3: {  	[tilespmem:s20+$0x16E10] =	vst v16  }
0x1c4: {  	s2 =	sld [smem:$0x7EE];
	[tilespmem:s20+$0x16E20] =	vst v15  }
0x1c5: {  	[tilespmem:s20+$0x16E30] =	vst v17  }
0x1c6: {  	[tilespmem:s20+$0x16E40] =	vst v19  }
0x1c7: {  	p5 =	seq.s32 s2, $0x1;
	[tilespmem:s20+$0x16E50] =	vst v18  }
0x1c8: {  	s2 =	simm.s32 @!p5 $0x80;
	[tilespmem:s20+$0x16E60] =	vst v20  }
0x1c9: {  	[hbm4b:s31+s11] =	stream.strided.scatter [tilespmem:s16], [sflag:$0x3], $0x4000, s12, s11, $0x38;
	[tilespmem:$0x1AE00] =	vst v63  }
0x1ca: {  	s8 =	simm.s32 @!p5 $0x400;
	s21 =	rddreg [dreg:$0x7];
	s20 =	simm.s32 @!p5 $0x12E00  }
0x1cb: {  	[tilespmem:s20], [sflag:$0x4] =	stream.strided.gather @!p5 [hbm4b:s21+s2], $0x4000, s8, s2, $0x38;
	[tilespmem:$0x1AE00] =	vst v63  }
0x1cc: {  	s2 =	simm.s32 @!p5 $0x4  }
0x1cd: {  	_ =	swait.ge @!p5 [sflag:s2], $0x4000  }
0x1ce: {  	[sflag:s2] =	ssyncset.done @!p5 $0x0  }
0x1cf: {  	s21 =	rddreg [dreg:$0x14];
	[sflag:s2] =	ssyncadd.s32 @!p5 $0xFFFFC000  }
0x1d0: {  	[tilespmem:s14], [sflag:$0x2] =	stream.strided.gather [hbm4b:s21+s11], $0x9700, s12, s11, $0x38;
	[tilespmem:$0x1AE00] =	vst v63  }
0x1d1: {  	_ =	swait.ge [sflag:s15], $0x9700  }
0x1d2: {  	[sflag:s15] =	ssyncset.done $0x0  }
0x1d3: {  	[sflag:s15] =	ssyncadd.s32 $0xFFFF6900  }
0x1d4: {  	_ =	swait.ge [sflag:s18], $0x4000  }
0x1d5: {  	[sflag:s18] =	ssyncset.done $0x0  }
0x1d6: {  	s21 =	simm.s32 $0x0;
	[sflag:s18] =	ssyncadd.s32 $0xFFFFC000  }
0x1d7: {  	v13 =	vld [tilespmem:s21+$0x12E00]  }
0x1d8: {  	v14 =	vld [tilespmem:s21+$0x12E70]  }
0x1d9: {  	v15 =	vld [tilespmem:s21+$0x12E10]  }
0x1da: {  	v16 =	vld [tilespmem:s21+$0x12E20]  }
0x1db: {  	v17 =	vld [tilespmem:s21+$0x12E30]  }
0x1dc: {  	v19 =	vld [tilespmem:s21+$0x12E40];
	v18 =	vadd.s32 v4, v13  }
0x1dd: {  	v20 =	vld [tilespmem:s21+$0x12E50];
	v21 =	vadd.s32 v4, v14  }
0x1de: {  	s20 =	simm.s32 $0x80;
	v22 =	vld [tilespmem:s21+$0x12E60];
	v15 =	vadd.s32 v4, v15  }
0x1df: {  	v13 =	vld [tilespmem:s20+$0x12E00];
	v16 =	vadd.s32 v4, v16  }
0x1e0: {  	v14 =	vld [tilespmem:s20+$0x12E70];
	v23 =	vadd.s32 v4, v17  }
0x1e1: {  	v24 =	vadd.s32 v4, v19;
	v17 =	vld.idx.msk [tilespmem:v18+s9+$0x0], $0xffff  }
0x1e2: {  	v25 =	vadd.s32 v4, v20;
	v21 =	vld.idx.msk [tilespmem:v21+s9+$0x0], $0xffff  }
0x1e3: {  	v22 =	vadd.s32 v4, v22;
	v20 =	vld.idx.msk [tilespmem:v15+s9+$0x0], $0xffff  }
0x1e4: {  	v19 =	vld.idx.msk [tilespmem:v16+s9+$0x0], $0xffff  }
0x1e5: {  	v18 =	vld.idx.msk [tilespmem:v23+s9+$0x0], $0xffff  }
0x1e6: {  	v16 =	vld.idx.msk [tilespmem:v24+s9+$0x0], $0xffff  }
0x1e7: {  	s2 =	simm.s32 $0x400;
	v15 =	vld.idx.msk [tilespmem:v25+s9+$0x0], $0xffff  }
.LBB2_10:
0x1e8: {  	p5 =	sne.s32 s2, $0xFE00;
	v22 =	vld.idx.msk [tilespmem:v22+s9+$0x0], $0xffff;
	[tilespmem:s21+$0x16E70] =	vst v21  }
0x1e9: {  	v21 =	vld [tilespmem:s20+$0x12E10];
	[tilespmem:s21+$0x16E00] =	vst v17  }
0x1ea: {  	v17 =	vld [tilespmem:s20+$0x12E20];
	[tilespmem:s21+$0x16E10] =	vst v20  }
0x1eb: {  	v20 =	vld [tilespmem:s20+$0x12E30];
	[tilespmem:s21+$0x16E20] =	vst v19  }
0x1ec: {  	v19 =	vadd.s32 v4, v13;
	v23 =	vld [tilespmem:s20+$0x12E40];
	[tilespmem:s21+$0x16E30] =	vst v18  }
0x1ed: {  	v24 =	vadd.s32 v4, v14;
	v18 =	vld [tilespmem:s20+$0x12E50];
	[tilespmem:s21+$0x16E40] =	vst v16  }
0x1ee: {  	s8 =	sshra.s32 s2, $0x2;
	v16 =	vadd.s32 v4, v21;
	v25 =	vld [tilespmem:s20+$0x12E60];
	[tilespmem:s21+$0x16E50] =	vst v15  }
0x1ef: {  	v13 =	vld [tilespmem:s8+$0x12E00];
	v15 =	vadd.s32 v4, v17;
	[tilespmem:s21+$0x16E60] =	vst v22;
	s21 =	smov.u32 s20;
	s20 =	smov.u32 s8  }
0x1f0: {  	v14 =	vld [tilespmem:s20+$0x12E70];
	v26 =	vadd.s32 v4, v20  }
0x1f1: {  	v17 =	vld.idx.msk [tilespmem:v19+s9+$0x0], $0xffff;
	v23 =	vadd.s32 v4, v23  }
0x1f2: {  	v27 =	vadd.s32 v4, v18;
	v21 =	vld.idx.msk [tilespmem:v24+s9+$0x0], $0xffff  }
.Ltmp4:
0x1f3: {  	v20 =	vld.idx.msk [tilespmem:v16+s9+$0x0], $0xffff;
	v22 =	vadd.s32 v4, v25;
	(pc) =	sbr.rel @p5 .LBB2_10-.Ltmp4, $4  }
0x1f4: {  	v19 =	vld.idx.msk [tilespmem:v15+s9+$0x0], $0xffff  }
0x1f5: {  	v18 =	vld.idx.msk [tilespmem:v26+s9+$0x0], $0xffff  }
0x1f6: {  	v16 =	vld.idx.msk [tilespmem:v23+s9+$0x0], $0xffff  }
0x1f7: {  	s2 =	sadd.s32 $0x200, s2;
	v15 =	vld.idx.msk [tilespmem:v27+s9+$0x0], $0xffff  }
0x1f8: {  	_ =	sdelay $0x3  }
0x1f9: {  	v22 =	vld.idx.msk [tilespmem:v22+s9+$0x0], $0xffff;
	[tilespmem:s21+$0x16E70] =	vst v21  }
0x1fa: {  	v21 =	vld [tilespmem:s20+$0x12E10];
	[tilespmem:s21+$0x16E00] =	vst v17  }
0x1fb: {  	v17 =	vld [tilespmem:s20+$0x12E20];
	[tilespmem:s21+$0x16E10] =	vst v20  }
0x1fc: {  	v20 =	vld [tilespmem:s20+$0x12E30];
	[tilespmem:s21+$0x16E20] =	vst v19  }
0x1fd: {  	v13 =	vadd.s32 v4, v13;
	v19 =	vld [tilespmem:s20+$0x12E40];
	[tilespmem:s21+$0x16E30] =	vst v18  }
0x1fe: {  	v14 =	vadd.s32 v4, v14;
	v18 =	vld [tilespmem:s20+$0x12E50];
	[tilespmem:s21+$0x16E40] =	vst v16  }
0x1ff: {  	v16 =	vadd.s32 v4, v21;
	v21 =	vld [tilespmem:s20+$0x12E60]  }
0x200: {  	[tilespmem:s21+$0x16E50] =	vst v15;
	v15 =	vadd.s32 v4, v17  }
0x201: {  	[tilespmem:s21+$0x16E60] =	vst v22;
	v17 =	vadd.s32 v4, v20  }
0x202: {  	v13 =	vld.idx.msk [tilespmem:v13+s9+$0x0], $0xffff;
	v19 =	vadd.s32 v4, v19  }
0x203: {  	v14 =	vld.idx.msk [tilespmem:v14+s9+$0x0], $0xffff;
	v18 =	vadd.s32 v4, v18  }
0x204: {  	v16 =	vld.idx.msk [tilespmem:v16+s9+$0x0], $0xffff;
	v20 =	vadd.s32 v4, v21  }
0x205: {  	v15 =	vld.idx.msk [tilespmem:v15+s9+$0x0], $0xffff  }
0x206: {  	v17 =	vld.idx.msk [tilespmem:v17+s9+$0x0], $0xffff  }
0x207: {  	v19 =	vld.idx.msk [tilespmem:v19+s9+$0x0], $0xffff  }
0x208: {  	v18 =	vld.idx.msk [tilespmem:v18+s9+$0x0], $0xffff  }
0x209: {  	v20 =	vld.idx.msk [tilespmem:v20+s9+$0x0], $0xffff;
	[tilespmem:s20+$0x16E70] =	vst v14  }
0x20a: {  	[tilespmem:s20+$0x16E00] =	vst v13  }
0x20b: {  	[tilespmem:s20+$0x16E10] =	vst v16  }
0x20c: {  	s2 =	sld [smem:$0x7F0];
	[tilespmem:s20+$0x16E20] =	vst v15  }
0x20d: {  	[tilespmem:s20+$0x16E30] =	vst v17  }
0x20e: {  	[tilespmem:s20+$0x16E40] =	vst v19  }
0x20f: {  	p5 =	seq.s32 s2, $0x1;
	[tilespmem:s20+$0x16E50] =	vst v18  }
0x210: {  	s2 =	simm.s32 @!p5 $0x80;
	[tilespmem:s20+$0x16E60] =	vst v20  }
0x211: {  	[hbm4b:s0+s11] =	stream.strided.scatter [tilespmem:s16], [sflag:$0x3], $0x4000, s12, s11, $0x38;
	[tilespmem:$0x1AE00] =	vst v63  }
0x212: {  	s8 =	simm.s32 @!p5 $0x400;
	s21 =	rddreg [dreg:$0x8];
	s20 =	simm.s32 @!p5 $0x12E00  }
0x213: {  	[tilespmem:s20], [sflag:$0x4] =	stream.strided.gather @!p5 [hbm4b:s21+s2], $0x4000, s8, s2, $0x38;
	[tilespmem:$0x1AE00] =	vst v63  }
0x214: {  	s2 =	simm.s32 @!p5 $0x4  }
0x215: {  	_ =	swait.ge @!p5 [sflag:s2], $0x4000  }
0x216: {  	[sflag:s2] =	ssyncset.done @!p5 $0x0  }
0x217: {  	s20 =	simm.s32 $0x0;
	s21 =	rddreg [dreg:$0x15];
	[sflag:s2] =	ssyncadd.s32 @!p5 $0xFFFFC000  }
0x218: {  	[tilespmem:s20], [sflag:$0x1] =	stream.strided.gather [hbm4b:s21+s11], $0x9700, s12, s11, $0x38;
	[tilespmem:$0x1AE00] =	vst v63  }
0x219: {  	_ =	swait.ge [sflag:s17], $0x9700  }
0x21a: {  	[sflag:s17] =	ssyncset.done $0x0  }
0x21b: {  	[sflag:s17] =	ssyncadd.s32 $0xFFFF6900  }
0x21c: {  	_ =	swait.ge [sflag:s18], $0x4000  }
0x21d: {  	[sflag:s18] =	ssyncset.done $0x0  }
0x21e: {  	s21 =	simm.s32 $0x0;
	[sflag:s18] =	ssyncadd.s32 $0xFFFFC000  }
0x21f: {  	v13 =	vld [tilespmem:s21+$0x12E00]  }
0x220: {  	v14 =	vld [tilespmem:s21+$0x12E70]  }
0x221: {  	v15 =	vld [tilespmem:s21+$0x12E10]  }
0x222: {  	v16 =	vld [tilespmem:s21+$0x12E20]  }
0x223: {  	v17 =	vld [tilespmem:s21+$0x12E30]  }
0x224: {  	v19 =	vld [tilespmem:s21+$0x12E40];
	v18 =	vadd.s32 v5, v13  }
0x225: {  	v20 =	vld [tilespmem:s21+$0x12E50];
	v21 =	vadd.s32 v5, v14  }
0x226: {  	s20 =	simm.s32 $0x80;
	v22 =	vld [tilespmem:s21+$0x12E60];
	v15 =	vadd.s32 v5, v15  }
0x227: {  	v13 =	vld [tilespmem:s20+$0x12E00];
	v16 =	vadd.s32 v5, v16  }
0x228: {  	v14 =	vld [tilespmem:s20+$0x12E70];
	v23 =	vadd.s32 v5, v17  }
0x229: {  	v24 =	vadd.s32 v5, v19;
	v17 =	vld.idx.msk [tilespmem:v18+s14+$0x0], $0xffff  }
0x22a: {  	v25 =	vadd.s32 v5, v20;
	v21 =	vld.idx.msk [tilespmem:v21+s14+$0x0], $0xffff  }
0x22b: {  	v22 =	vadd.s32 v5, v22;
	v20 =	vld.idx.msk [tilespmem:v15+s14+$0x0], $0xffff  }
0x22c: {  	v19 =	vld.idx.msk [tilespmem:v16+s14+$0x0], $0xffff  }
0x22d: {  	v18 =	vld.idx.msk [tilespmem:v23+s14+$0x0], $0xffff  }
0x22e: {  	v16 =	vld.idx.msk [tilespmem:v24+s14+$0x0], $0xffff  }
0x22f: {  	s2 =	simm.s32 $0x400;
	v15 =	vld.idx.msk [tilespmem:v25+s14+$0x0], $0xffff  }
.LBB2_12:
0x230: {  	p5 =	sne.s32 s2, $0xFE00;
	v22 =	vld.idx.msk [tilespmem:v22+s14+$0x0], $0xffff;
	[tilespmem:s21+$0x16E70] =	vst v21  }
0x231: {  	v21 =	vld [tilespmem:s20+$0x12E10];
	[tilespmem:s21+$0x16E00] =	vst v17  }
0x232: {  	v17 =	vld [tilespmem:s20+$0x12E20];
	[tilespmem:s21+$0x16E10] =	vst v20  }
0x233: {  	v20 =	vld [tilespmem:s20+$0x12E30];
	[tilespmem:s21+$0x16E20] =	vst v19  }
0x234: {  	v19 =	vadd.s32 v5, v13;
	v23 =	vld [tilespmem:s20+$0x12E40];
	[tilespmem:s21+$0x16E30] =	vst v18  }
0x235: {  	v24 =	vadd.s32 v5, v14;
	v18 =	vld [tilespmem:s20+$0x12E50];
	[tilespmem:s21+$0x16E40] =	vst v16  }
0x236: {  	s8 =	sshra.s32 s2, $0x2;
	v16 =	vadd.s32 v5, v21;
	v25 =	vld [tilespmem:s20+$0x12E60];
	[tilespmem:s21+$0x16E50] =	vst v15  }
0x237: {  	v13 =	vld [tilespmem:s8+$0x12E00];
	v15 =	vadd.s32 v5, v17;
	[tilespmem:s21+$0x16E60] =	vst v22;
	s21 =	smov.u32 s20;
	s20 =	smov.u32 s8  }
0x238: {  	v14 =	vld [tilespmem:s20+$0x12E70];
	v26 =	vadd.s32 v5, v20  }
0x239: {  	v17 =	vld.idx.msk [tilespmem:v19+s14+$0x0], $0xffff;
	v23 =	vadd.s32 v5, v23  }
0x23a: {  	v27 =	vadd.s32 v5, v18;
	v21 =	vld.idx.msk [tilespmem:v24+s14+$0x0], $0xffff  }
.Ltmp5:
0x23b: {  	v20 =	vld.idx.msk [tilespmem:v16+s14+$0x0], $0xffff;
	v22 =	vadd.s32 v5, v25;
	(pc) =	sbr.rel @p5 .LBB2_12-.Ltmp5, $4  }
0x23c: {  	v19 =	vld.idx.msk [tilespmem:v15+s14+$0x0], $0xffff  }
0x23d: {  	v18 =	vld.idx.msk [tilespmem:v26+s14+$0x0], $0xffff  }
0x23e: {  	v16 =	vld.idx.msk [tilespmem:v23+s14+$0x0], $0xffff  }
0x23f: {  	s2 =	sadd.s32 $0x200, s2;
	v15 =	vld.idx.msk [tilespmem:v27+s14+$0x0], $0xffff  }
0x240: {  	_ =	sdelay $0x3  }
0x241: {  	v22 =	vld.idx.msk [tilespmem:v22+s14+$0x0], $0xffff;
	[tilespmem:s21+$0x16E70] =	vst v21  }
0x242: {  	v21 =	vld [tilespmem:s20+$0x12E10];
	[tilespmem:s21+$0x16E00] =	vst v17  }
0x243: {  	v17 =	vld [tilespmem:s20+$0x12E20];
	[tilespmem:s21+$0x16E10] =	vst v20  }
0x244: {  	v20 =	vld [tilespmem:s20+$0x12E30];
	[tilespmem:s21+$0x16E20] =	vst v19  }
0x245: {  	v13 =	vadd.s32 v5, v13;
	v19 =	vld [tilespmem:s20+$0x12E40];
	[tilespmem:s21+$0x16E30] =	vst v18  }
0x246: {  	v14 =	vadd.s32 v5, v14;
	v18 =	vld [tilespmem:s20+$0x12E50];
	[tilespmem:s21+$0x16E40] =	vst v16  }
0x247: {  	v16 =	vadd.s32 v5, v21;
	v21 =	vld [tilespmem:s20+$0x12E60]  }
0x248: {  	[tilespmem:s21+$0x16E50] =	vst v15;
	v15 =	vadd.s32 v5, v17  }
0x249: {  	[tilespmem:s21+$0x16E60] =	vst v22;
	v17 =	vadd.s32 v5, v20  }
0x24a: {  	v13 =	vld.idx.msk [tilespmem:v13+s14+$0x0], $0xffff;
	v19 =	vadd.s32 v5, v19  }
0x24b: {  	v14 =	vld.idx.msk [tilespmem:v14+s14+$0x0], $0xffff;
	v18 =	vadd.s32 v5, v18  }
0x24c: {  	v16 =	vld.idx.msk [tilespmem:v16+s14+$0x0], $0xffff;
	v20 =	vadd.s32 v5, v21  }
0x24d: {  	v15 =	vld.idx.msk [tilespmem:v15+s14+$0x0], $0xffff  }
0x24e: {  	v17 =	vld.idx.msk [tilespmem:v17+s14+$0x0], $0xffff  }
0x24f: {  	v19 =	vld.idx.msk [tilespmem:v19+s14+$0x0], $0xffff  }
0x250: {  	v18 =	vld.idx.msk [tilespmem:v18+s14+$0x0], $0xffff  }
0x251: {  	v20 =	vld.idx.msk [tilespmem:v20+s14+$0x0], $0xffff;
	[tilespmem:s20+$0x16E70] =	vst v14  }
0x252: {  	[tilespmem:s20+$0x16E00] =	vst v13  }
0x253: {  	[tilespmem:s20+$0x16E10] =	vst v16  }
0x254: {  	s2 =	sld [smem:$0x7F2];
	[tilespmem:s20+$0x16E20] =	vst v15  }
0x255: {  	[tilespmem:s20+$0x16E30] =	vst v17  }
0x256: {  	[tilespmem:s20+$0x16E40] =	vst v19  }
0x257: {  	p5 =	seq.s32 s2, $0x1;
	[tilespmem:s20+$0x16E50] =	vst v18  }
0x258: {  	s2 =	simm.s32 @!p5 $0x80;
	[tilespmem:s20+$0x16E60] =	vst v20  }
0x259: {  	[hbm4b:s23+s11] =	stream.strided.scatter [tilespmem:s16], [sflag:$0x3], $0x4000, s12, s11, $0x38;
	[tilespmem:$0x1AE00] =	vst v63  }
0x25a: {  	s8 =	simm.s32 @!p5 $0x400;
	s21 =	rddreg [dreg:$0x9];
	s20 =	simm.s32 @!p5 $0x12E00  }
0x25b: {  	[tilespmem:s20], [sflag:$0x4] =	stream.strided.gather @!p5 [hbm4b:s21+s2], $0x4000, s8, s2, $0x38;
	[tilespmem:$0x1AE00] =	vst v63  }
0x25c: {  	s2 =	simm.s32 @!p5 $0x4  }
0x25d: {  	_ =	swait.ge @!p5 [sflag:s2], $0x4000  }
0x25e: {  	[sflag:s2] =	ssyncset.done @!p5 $0x0  }
0x25f: {  	s21 =	rddreg [dreg:$0x16];
	[sflag:s2] =	ssyncadd.s32 @!p5 $0xFFFFC000  }
0x260: {  	[tilespmem:s14], [sflag:$0x2] =	stream.strided.gather [hbm4b:s21+s11], $0x9700, s12, s11, $0x38;
	[tilespmem:$0x1AE00] =	vst v63  }
0x261: {  	_ =	swait.ge [sflag:s15], $0x9700  }
0x262: {  	[sflag:s15] =	ssyncset.done $0x0  }
0x263: {  	[sflag:s15] =	ssyncadd.s32 $0xFFFF6900  }
0x264: {  	_ =	swait.ge [sflag:s18], $0x4000  }
0x265: {  	[sflag:s18] =	ssyncset.done $0x0  }
0x266: {  	s21 =	simm.s32 $0x0;
	[sflag:s18] =	ssyncadd.s32 $0xFFFFC000  }
0x267: {  	v13 =	vld [tilespmem:s21+$0x12E00]  }
0x268: {  	v14 =	vld [tilespmem:s21+$0x12E70]  }
0x269: {  	v15 =	vld [tilespmem:s21+$0x12E10]  }
0x26a: {  	v16 =	vld [tilespmem:s21+$0x12E20]  }
0x26b: {  	v17 =	vld [tilespmem:s21+$0x12E30]  }
0x26c: {  	v19 =	vld [tilespmem:s21+$0x12E40];
	v18 =	vadd.s32 v6, v13  }
0x26d: {  	v20 =	vld [tilespmem:s21+$0x12E50];
	v21 =	vadd.s32 v6, v14  }
0x26e: {  	s20 =	simm.s32 $0x80;
	v22 =	vld [tilespmem:s21+$0x12E60];
	v15 =	vadd.s32 v6, v15  }
0x26f: {  	v13 =	vld [tilespmem:s20+$0x12E00];
	v16 =	vadd.s32 v6, v16  }
0x270: {  	v14 =	vld [tilespmem:s20+$0x12E70];
	v23 =	vadd.s32 v6, v17  }
0x271: {  	v24 =	vadd.s32 v6, v19;
	v17 =	vld.idx.msk [tilespmem:v18+s9+$0x0], $0xffff  }
0x272: {  	v25 =	vadd.s32 v6, v20;
	v21 =	vld.idx.msk [tilespmem:v21+s9+$0x0], $0xffff  }
0x273: {  	v22 =	vadd.s32 v6, v22;
	v20 =	vld.idx.msk [tilespmem:v15+s9+$0x0], $0xffff  }
0x274: {  	v19 =	vld.idx.msk [tilespmem:v16+s9+$0x0], $0xffff  }
0x275: {  	v18 =	vld.idx.msk [tilespmem:v23+s9+$0x0], $0xffff  }
0x276: {  	v16 =	vld.idx.msk [tilespmem:v24+s9+$0x0], $0xffff  }
0x277: {  	s2 =	simm.s32 $0x400;
	v15 =	vld.idx.msk [tilespmem:v25+s9+$0x0], $0xffff  }
.LBB2_14:
0x278: {  	p5 =	sne.s32 s2, $0xFE00;
	v22 =	vld.idx.msk [tilespmem:v22+s9+$0x0], $0xffff;
	[tilespmem:s21+$0x16E70] =	vst v21  }
0x279: {  	v21 =	vld [tilespmem:s20+$0x12E10];
	[tilespmem:s21+$0x16E00] =	vst v17  }
0x27a: {  	v17 =	vld [tilespmem:s20+$0x12E20];
	[tilespmem:s21+$0x16E10] =	vst v20  }
0x27b: {  	v20 =	vld [tilespmem:s20+$0x12E30];
	[tilespmem:s21+$0x16E20] =	vst v19  }
0x27c: {  	v19 =	vadd.s32 v6, v13;
	v23 =	vld [tilespmem:s20+$0x12E40];
	[tilespmem:s21+$0x16E30] =	vst v18  }
0x27d: {  	v24 =	vadd.s32 v6, v14;
	v18 =	vld [tilespmem:s20+$0x12E50];
	[tilespmem:s21+$0x16E40] =	vst v16  }
0x27e: {  	s8 =	sshra.s32 s2, $0x2;
	v16 =	vadd.s32 v6, v21;
	v25 =	vld [tilespmem:s20+$0x12E60];
	[tilespmem:s21+$0x16E50] =	vst v15  }
0x27f: {  	v13 =	vld [tilespmem:s8+$0x12E00];
	v15 =	vadd.s32 v6, v17;
	[tilespmem:s21+$0x16E60] =	vst v22;
	s21 =	smov.u32 s20;
	s20 =	smov.u32 s8  }
0x280: {  	v14 =	vld [tilespmem:s20+$0x12E70];
	v26 =	vadd.s32 v6, v20  }
0x281: {  	v17 =	vld.idx.msk [tilespmem:v19+s9+$0x0], $0xffff;
	v23 =	vadd.s32 v6, v23  }
0x282: {  	v27 =	vadd.s32 v6, v18;
	v21 =	vld.idx.msk [tilespmem:v24+s9+$0x0], $0xffff  }
.Ltmp6:
0x283: {  	v20 =	vld.idx.msk [tilespmem:v16+s9+$0x0], $0xffff;
	v22 =	vadd.s32 v6, v25;
	(pc) =	sbr.rel @p5 .LBB2_14-.Ltmp6, $4  }
0x284: {  	v19 =	vld.idx.msk [tilespmem:v15+s9+$0x0], $0xffff  }
0x285: {  	v18 =	vld.idx.msk [tilespmem:v26+s9+$0x0], $0xffff  }
0x286: {  	v16 =	vld.idx.msk [tilespmem:v23+s9+$0x0], $0xffff  }
0x287: {  	s2 =	sadd.s32 $0x200, s2;
	v15 =	vld.idx.msk [tilespmem:v27+s9+$0x0], $0xffff  }
0x288: {  	_ =	sdelay $0x3  }
0x289: {  	v22 =	vld.idx.msk [tilespmem:v22+s9+$0x0], $0xffff;
	[tilespmem:s21+$0x16E70] =	vst v21  }
0x28a: {  	v21 =	vld [tilespmem:s20+$0x12E10];
	[tilespmem:s21+$0x16E00] =	vst v17  }
0x28b: {  	v17 =	vld [tilespmem:s20+$0x12E20];
	[tilespmem:s21+$0x16E10] =	vst v20  }
0x28c: {  	v20 =	vld [tilespmem:s20+$0x12E30];
	[tilespmem:s21+$0x16E20] =	vst v19  }
0x28d: {  	v13 =	vadd.s32 v6, v13;
	v19 =	vld [tilespmem:s20+$0x12E40];
	[tilespmem:s21+$0x16E30] =	vst v18  }
0x28e: {  	v14 =	vadd.s32 v6, v14;
	v18 =	vld [tilespmem:s20+$0x12E50];
	[tilespmem:s21+$0x16E40] =	vst v16  }
0x28f: {  	v16 =	vadd.s32 v6, v21;
	v21 =	vld [tilespmem:s20+$0x12E60]  }
0x290: {  	[tilespmem:s21+$0x16E50] =	vst v15;
	v15 =	vadd.s32 v6, v17  }
0x291: {  	[tilespmem:s21+$0x16E60] =	vst v22;
	v17 =	vadd.s32 v6, v20  }
0x292: {  	v13 =	vld.idx.msk [tilespmem:v13+s9+$0x0], $0xffff;
	v19 =	vadd.s32 v6, v19  }
0x293: {  	v14 =	vld.idx.msk [tilespmem:v14+s9+$0x0], $0xffff;
	v18 =	vadd.s32 v6, v18  }
0x294: {  	v16 =	vld.idx.msk [tilespmem:v16+s9+$0x0], $0xffff;
	v20 =	vadd.s32 v6, v21  }
0x295: {  	v15 =	vld.idx.msk [tilespmem:v15+s9+$0x0], $0xffff  }
0x296: {  	v17 =	vld.idx.msk [tilespmem:v17+s9+$0x0], $0xffff  }
0x297: {  	v19 =	vld.idx.msk [tilespmem:v19+s9+$0x0], $0xffff  }
0x298: {  	v18 =	vld.idx.msk [tilespmem:v18+s9+$0x0], $0xffff  }
0x299: {  	v20 =	vld.idx.msk [tilespmem:v20+s9+$0x0], $0xffff;
	[tilespmem:s20+$0x16E70] =	vst v14  }
0x29a: {  	[tilespmem:s20+$0x16E00] =	vst v13  }
0x29b: {  	[tilespmem:s20+$0x16E10] =	vst v16  }
0x29c: {  	[tilespmem:s20+$0x16E20] =	vst v15  }
0x29d: {  	[tilespmem:s20+$0x16E30] =	vst v17  }
0x29e: {  	[tilespmem:s20+$0x16E40] =	vst v19  }
0x29f: {  	[tilespmem:s20+$0x16E50] =	vst v18  }
0x2a0: {  	s2 =	simm.s32 @!p6 $0x80;
	[tilespmem:s20+$0x16E60] =	vst v20  }
0x2a1: {  	[hbm4b:s1+s11] =	stream.strided.scatter [tilespmem:s16], [sflag:$0x3], $0x4000, s12, s11, $0x38;
	[tilespmem:$0x1AE00] =	vst v63  }
0x2a2: {  	s8 =	simm.s32 @!p6 $0x400;
	s21 =	rddreg [dreg:$0xa];
	s20 =	simm.s32 @!p6 $0x12E00  }
0x2a3: {  	[tilespmem:s20], [sflag:$0x4] =	stream.strided.gather @!p6 [hbm4b:s21+s2], $0x4000, s8, s2, $0x38;
	[tilespmem:$0x1AE00] =	vst v63  }
0x2a4: {  	s2 =	simm.s32 @!p6 $0x4  }
0x2a5: {  	_ =	swait.ge @!p6 [sflag:s2], $0x4000  }
0x2a6: {  	[sflag:s2] =	ssyncset.done @!p6 $0x0  }
0x2a7: {  	s20 =	simm.s32 $0x0;
	s21 =	rddreg [dreg:$0x17];
	[sflag:s2] =	ssyncadd.s32 @!p6 $0xFFFFC000  }
0x2a8: {  	[tilespmem:s20], [sflag:$0x1] =	stream.strided.gather [hbm4b:s21+s11], $0x9700, s12, s11, $0x38;
	[tilespmem:$0x1AE00] =	vst v63  }
0x2a9: {  	_ =	swait.ge [sflag:s17], $0x9700  }
0x2aa: {  	[sflag:s17] =	ssyncset.done $0x0  }
0x2ab: {  	[sflag:s17] =	ssyncadd.s32 $0xFFFF6900  }
0x2ac: {  	_ =	swait.ge [sflag:s18], $0x4000  }
0x2ad: {  	[sflag:s18] =	ssyncset.done $0x0  }
0x2ae: {  	s21 =	simm.s32 $0x0;
	[sflag:s18] =	ssyncadd.s32 $0xFFFFC000  }
0x2af: {  	v13 =	vld [tilespmem:s21+$0x12E00]  }
0x2b0: {  	v14 =	vld [tilespmem:s21+$0x12E70]  }
0x2b1: {  	v15 =	vld [tilespmem:s21+$0x12E10]  }
0x2b2: {  	v16 =	vld [tilespmem:s21+$0x12E20]  }
0x2b3: {  	v17 =	vld [tilespmem:s21+$0x12E30]  }
0x2b4: {  	v19 =	vld [tilespmem:s21+$0x12E40];
	v18 =	vadd.s32 v7, v13  }
0x2b5: {  	v20 =	vld [tilespmem:s21+$0x12E50];
	v21 =	vadd.s32 v7, v14  }
0x2b6: {  	s20 =	simm.s32 $0x80;
	v22 =	vld [tilespmem:s21+$0x12E60];
	v15 =	vadd.s32 v7, v15  }
0x2b7: {  	v13 =	vld [tilespmem:s20+$0x12E00];
	v16 =	vadd.s32 v7, v16  }
0x2b8: {  	v14 =	vld [tilespmem:s20+$0x12E70];
	v23 =	vadd.s32 v7, v17  }
0x2b9: {  	v24 =	vadd.s32 v7, v19;
	v17 =	vld.idx.msk [tilespmem:v18+s14+$0x0], $0xffff  }
0x2ba: {  	v25 =	vadd.s32 v7, v20;
	v21 =	vld.idx.msk [tilespmem:v21+s14+$0x0], $0xffff  }
0x2bb: {  	v22 =	vadd.s32 v7, v22;
	v20 =	vld.idx.msk [tilespmem:v15+s14+$0x0], $0xffff  }
0x2bc: {  	v19 =	vld.idx.msk [tilespmem:v16+s14+$0x0], $0xffff  }
0x2bd: {  	v18 =	vld.idx.msk [tilespmem:v23+s14+$0x0], $0xffff  }
0x2be: {  	v16 =	vld.idx.msk [tilespmem:v24+s14+$0x0], $0xffff  }
0x2bf: {  	s2 =	simm.s32 $0x400;
	v15 =	vld.idx.msk [tilespmem:v25+s14+$0x0], $0xffff  }
.LBB2_16:
0x2c0: {  	p5 =	sne.s32 s2, $0xFE00;
	v22 =	vld.idx.msk [tilespmem:v22+s14+$0x0], $0xffff;
	[tilespmem:s21+$0x16E70] =	vst v21  }
0x2c1: {  	v21 =	vld [tilespmem:s20+$0x12E10];
	[tilespmem:s21+$0x16E00] =	vst v17  }
0x2c2: {  	v17 =	vld [tilespmem:s20+$0x12E20];
	[tilespmem:s21+$0x16E10] =	vst v20  }
0x2c3: {  	v20 =	vld [tilespmem:s20+$0x12E30];
	[tilespmem:s21+$0x16E20] =	vst v19  }
0x2c4: {  	v19 =	vadd.s32 v7, v13;
	v23 =	vld [tilespmem:s20+$0x12E40];
	[tilespmem:s21+$0x16E30] =	vst v18  }
0x2c5: {  	v24 =	vadd.s32 v7, v14;
	v18 =	vld [tilespmem:s20+$0x12E50];
	[tilespmem:s21+$0x16E40] =	vst v16  }
0x2c6: {  	s8 =	sshra.s32 s2, $0x2;
	v16 =	vadd.s32 v7, v21;
	v25 =	vld [tilespmem:s20+$0x12E60];
	[tilespmem:s21+$0x16E50] =	vst v15  }
0x2c7: {  	v13 =	vld [tilespmem:s8+$0x12E00];
	v15 =	vadd.s32 v7, v17;
	[tilespmem:s21+$0x16E60] =	vst v22;
	s21 =	smov.u32 s20;
	s20 =	smov.u32 s8  }
0x2c8: {  	v14 =	vld [tilespmem:s20+$0x12E70];
	v26 =	vadd.s32 v7, v20  }
0x2c9: {  	v17 =	vld.idx.msk [tilespmem:v19+s14+$0x0], $0xffff;
	v23 =	vadd.s32 v7, v23  }
0x2ca: {  	v27 =	vadd.s32 v7, v18;
	v21 =	vld.idx.msk [tilespmem:v24+s14+$0x0], $0xffff  }
.Ltmp7:
0x2cb: {  	v20 =	vld.idx.msk [tilespmem:v16+s14+$0x0], $0xffff;
	v22 =	vadd.s32 v7, v25;
	(pc) =	sbr.rel @p5 .LBB2_16-.Ltmp7, $4  }
0x2cc: {  	v19 =	vld.idx.msk [tilespmem:v15+s14+$0x0], $0xffff  }
0x2cd: {  	v18 =	vld.idx.msk [tilespmem:v26+s14+$0x0], $0xffff  }
0x2ce: {  	v16 =	vld.idx.msk [tilespmem:v23+s14+$0x0], $0xffff  }
0x2cf: {  	s2 =	sadd.s32 $0x200, s2;
	v15 =	vld.idx.msk [tilespmem:v27+s14+$0x0], $0xffff  }
0x2d0: {  	_ =	sdelay $0x3  }
0x2d1: {  	v22 =	vld.idx.msk [tilespmem:v22+s14+$0x0], $0xffff;
	[tilespmem:s21+$0x16E70] =	vst v21  }
0x2d2: {  	v21 =	vld [tilespmem:s20+$0x12E10];
	[tilespmem:s21+$0x16E00] =	vst v17  }
0x2d3: {  	v17 =	vld [tilespmem:s20+$0x12E20];
	[tilespmem:s21+$0x16E10] =	vst v20  }
0x2d4: {  	v20 =	vld [tilespmem:s20+$0x12E30];
	[tilespmem:s21+$0x16E20] =	vst v19  }
0x2d5: {  	v13 =	vadd.s32 v7, v13;
	v19 =	vld [tilespmem:s20+$0x12E40];
	[tilespmem:s21+$0x16E30] =	vst v18  }
0x2d6: {  	v14 =	vadd.s32 v7, v14;
	v18 =	vld [tilespmem:s20+$0x12E50];
	[tilespmem:s21+$0x16E40] =	vst v16  }
0x2d7: {  	v16 =	vadd.s32 v7, v21;
	v21 =	vld [tilespmem:s20+$0x12E60]  }
0x2d8: {  	[tilespmem:s21+$0x16E50] =	vst v15;
	v15 =	vadd.s32 v7, v17  }
0x2d9: {  	[tilespmem:s21+$0x16E60] =	vst v22;
	v17 =	vadd.s32 v7, v20  }
0x2da: {  	v13 =	vld.idx.msk [tilespmem:v13+s14+$0x0], $0xffff;
	v19 =	vadd.s32 v7, v19  }
0x2db: {  	v14 =	vld.idx.msk [tilespmem:v14+s14+$0x0], $0xffff;
	v18 =	vadd.s32 v7, v18  }
0x2dc: {  	v16 =	vld.idx.msk [tilespmem:v16+s14+$0x0], $0xffff;
	v20 =	vadd.s32 v7, v21  }
0x2dd: {  	v15 =	vld.idx.msk [tilespmem:v15+s14+$0x0], $0xffff  }
0x2de: {  	v17 =	vld.idx.msk [tilespmem:v17+s14+$0x0], $0xffff  }
0x2df: {  	v19 =	vld.idx.msk [tilespmem:v19+s14+$0x0], $0xffff  }
0x2e0: {  	v18 =	vld.idx.msk [tilespmem:v18+s14+$0x0], $0xffff  }
0x2e1: {  	v20 =	vld.idx.msk [tilespmem:v20+s14+$0x0], $0xffff;
	[tilespmem:s20+$0x16E70] =	vst v14  }
0x2e2: {  	[tilespmem:s20+$0x16E00] =	vst v13  }
0x2e3: {  	[tilespmem:s20+$0x16E10] =	vst v16  }
0x2e4: {  	[tilespmem:s20+$0x16E20] =	vst v15  }
0x2e5: {  	[tilespmem:s20+$0x16E30] =	vst v17  }
0x2e6: {  	[tilespmem:s20+$0x16E40] =	vst v19  }
0x2e7: {  	[tilespmem:s20+$0x16E50] =	vst v18  }
0x2e8: {  	s2 =	simm.s32 @!p0 $0x80;
	[tilespmem:s20+$0x16E60] =	vst v20  }
0x2e9: {  	[hbm4b:s3+s11] =	stream.strided.scatter [tilespmem:s16], [sflag:$0x3], $0x4000, s12, s11, $0x38;
	[tilespmem:$0x1AE00] =	vst v63  }
0x2ea: {  	s8 =	simm.s32 @!p0 $0x400;
	s21 =	rddreg [dreg:$0xb];
	s20 =	simm.s32 @!p0 $0x12E00  }
0x2eb: {  	[tilespmem:s20], [sflag:$0x4] =	stream.strided.gather @!p0 [hbm4b:s21+s2], $0x4000, s8, s2, $0x38;
	[tilespmem:$0x1AE00] =	vst v63  }
0x2ec: {  	s2 =	simm.s32 @!p0 $0x4  }
0x2ed: {  	_ =	swait.ge @!p0 [sflag:s2], $0x4000  }
0x2ee: {  	[sflag:s2] =	ssyncset.done @!p0 $0x0  }
0x2ef: {  	s21 =	rddreg [dreg:$0x18];
	[sflag:s2] =	ssyncadd.s32 @!p0 $0xFFFFC000  }
0x2f0: {  	[tilespmem:s14], [sflag:$0x2] =	stream.strided.gather [hbm4b:s21+s11], $0x9700, s12, s11, $0x38;
	[tilespmem:$0x1AE00] =	vst v63  }
0x2f1: {  	_ =	swait.ge [sflag:s15], $0x9700  }
0x2f2: {  	[sflag:s15] =	ssyncset.done $0x0  }
0x2f3: {  	[sflag:s15] =	ssyncadd.s32 $0xFFFF6900  }
0x2f4: {  	_ =	swait.ge [sflag:s18], $0x4000  }
0x2f5: {  	[sflag:s18] =	ssyncset.done $0x0  }
0x2f6: {  	s21 =	simm.s32 $0x0;
	[sflag:s18] =	ssyncadd.s32 $0xFFFFC000  }
0x2f7: {  	v13 =	vld [tilespmem:s21+$0x12E00]  }
0x2f8: {  	v14 =	vld [tilespmem:s21+$0x12E70]  }
0x2f9: {  	v15 =	vld [tilespmem:s21+$0x12E10]  }
0x2fa: {  	v16 =	vld [tilespmem:s21+$0x12E20]  }
0x2fb: {  	v17 =	vld [tilespmem:s21+$0x12E30]  }
0x2fc: {  	v19 =	vld [tilespmem:s21+$0x12E40];
	v18 =	vadd.s32 v8, v13  }
0x2fd: {  	v20 =	vld [tilespmem:s21+$0x12E50];
	v21 =	vadd.s32 v8, v14  }
0x2fe: {  	s20 =	simm.s32 $0x80;
	v22 =	vld [tilespmem:s21+$0x12E60];
	v15 =	vadd.s32 v8, v15  }
0x2ff: {  	v13 =	vld [tilespmem:s20+$0x12E00];
	v16 =	vadd.s32 v8, v16  }
0x300: {  	v14 =	vld [tilespmem:s20+$0x12E70];
	v23 =	vadd.s32 v8, v17  }
0x301: {  	v24 =	vadd.s32 v8, v19;
	v17 =	vld.idx.msk [tilespmem:v18+s9+$0x0], $0xffff  }
0x302: {  	v25 =	vadd.s32 v8, v20;
	v21 =	vld.idx.msk [tilespmem:v21+s9+$0x0], $0xffff  }
0x303: {  	v22 =	vadd.s32 v8, v22;
	v20 =	vld.idx.msk [tilespmem:v15+s9+$0x0], $0xffff  }
0x304: {  	v19 =	vld.idx.msk [tilespmem:v16+s9+$0x0], $0xffff  }
0x305: {  	v18 =	vld.idx.msk [tilespmem:v23+s9+$0x0], $0xffff  }
0x306: {  	v16 =	vld.idx.msk [tilespmem:v24+s9+$0x0], $0xffff  }
0x307: {  	s2 =	simm.s32 $0x400;
	v15 =	vld.idx.msk [tilespmem:v25+s9+$0x0], $0xffff  }
.LBB2_18:
0x308: {  	p5 =	sne.s32 s2, $0xFE00;
	v22 =	vld.idx.msk [tilespmem:v22+s9+$0x0], $0xffff;
	[tilespmem:s21+$0x16E70] =	vst v21  }
0x309: {  	v21 =	vld [tilespmem:s20+$0x12E10];
	[tilespmem:s21+$0x16E00] =	vst v17  }
0x30a: {  	v17 =	vld [tilespmem:s20+$0x12E20];
	[tilespmem:s21+$0x16E10] =	vst v20  }
0x30b: {  	v20 =	vld [tilespmem:s20+$0x12E30];
	[tilespmem:s21+$0x16E20] =	vst v19  }
0x30c: {  	v19 =	vadd.s32 v8, v13;
	v23 =	vld [tilespmem:s20+$0x12E40];
	[tilespmem:s21+$0x16E30] =	vst v18  }
0x30d: {  	v24 =	vadd.s32 v8, v14;
	v18 =	vld [tilespmem:s20+$0x12E50];
	[tilespmem:s21+$0x16E40] =	vst v16  }
0x30e: {  	s8 =	sshra.s32 s2, $0x2;
	v16 =	vadd.s32 v8, v21;
	v25 =	vld [tilespmem:s20+$0x12E60];
	[tilespmem:s21+$0x16E50] =	vst v15  }
0x30f: {  	v13 =	vld [tilespmem:s8+$0x12E00];
	v15 =	vadd.s32 v8, v17;
	[tilespmem:s21+$0x16E60] =	vst v22;
	s21 =	smov.u32 s20;
	s20 =	smov.u32 s8  }
0x310: {  	v14 =	vld [tilespmem:s20+$0x12E70];
	v26 =	vadd.s32 v8, v20  }
0x311: {  	v17 =	vld.idx.msk [tilespmem:v19+s9+$0x0], $0xffff;
	v23 =	vadd.s32 v8, v23  }
0x312: {  	v27 =	vadd.s32 v8, v18;
	v21 =	vld.idx.msk [tilespmem:v24+s9+$0x0], $0xffff  }
.Ltmp8:
0x313: {  	v20 =	vld.idx.msk [tilespmem:v16+s9+$0x0], $0xffff;
	v22 =	vadd.s32 v8, v25;
	(pc) =	sbr.rel @p5 .LBB2_18-.Ltmp8, $4  }
0x314: {  	v19 =	vld.idx.msk [tilespmem:v15+s9+$0x0], $0xffff  }
0x315: {  	v18 =	vld.idx.msk [tilespmem:v26+s9+$0x0], $0xffff  }
0x316: {  	v16 =	vld.idx.msk [tilespmem:v23+s9+$0x0], $0xffff  }
0x317: {  	s2 =	sadd.s32 $0x200, s2;
	v15 =	vld.idx.msk [tilespmem:v27+s9+$0x0], $0xffff  }
0x318: {  	_ =	sdelay $0x3  }
0x319: {  	v22 =	vld.idx.msk [tilespmem:v22+s9+$0x0], $0xffff;
	[tilespmem:s21+$0x16E70] =	vst v21  }
0x31a: {  	v21 =	vld [tilespmem:s20+$0x12E10];
	[tilespmem:s21+$0x16E00] =	vst v17  }
0x31b: {  	v17 =	vld [tilespmem:s20+$0x12E20];
	[tilespmem:s21+$0x16E10] =	vst v20  }
0x31c: {  	v20 =	vld [tilespmem:s20+$0x12E30];
	[tilespmem:s21+$0x16E20] =	vst v19  }
0x31d: {  	v13 =	vadd.s32 v8, v13;
	v19 =	vld [tilespmem:s20+$0x12E40];
	[tilespmem:s21+$0x16E30] =	vst v18  }
0x31e: {  	v14 =	vadd.s32 v8, v14;
	v18 =	vld [tilespmem:s20+$0x12E50];
	[tilespmem:s21+$0x16E40] =	vst v16  }
0x31f: {  	v16 =	vadd.s32 v8, v21;
	v21 =	vld [tilespmem:s20+$0x12E60]  }
0x320: {  	[tilespmem:s21+$0x16E50] =	vst v15;
	v15 =	vadd.s32 v8, v17  }
0x321: {  	[tilespmem:s21+$0x16E60] =	vst v22;
	v17 =	vadd.s32 v8, v20  }
0x322: {  	v13 =	vld.idx.msk [tilespmem:v13+s9+$0x0], $0xffff;
	v19 =	vadd.s32 v8, v19  }
0x323: {  	v14 =	vld.idx.msk [tilespmem:v14+s9+$0x0], $0xffff;
	v18 =	vadd.s32 v8, v18  }
0x324: {  	v16 =	vld.idx.msk [tilespmem:v16+s9+$0x0], $0xffff;
	v20 =	vadd.s32 v8, v21  }
0x325: {  	v15 =	vld.idx.msk [tilespmem:v15+s9+$0x0], $0xffff  }
0x326: {  	v17 =	vld.idx.msk [tilespmem:v17+s9+$0x0], $0xffff  }
0x327: {  	v19 =	vld.idx.msk [tilespmem:v19+s9+$0x0], $0xffff  }
0x328: {  	v18 =	vld.idx.msk [tilespmem:v18+s9+$0x0], $0xffff  }
0x329: {  	v20 =	vld.idx.msk [tilespmem:v20+s9+$0x0], $0xffff;
	[tilespmem:s20+$0x16E70] =	vst v14  }
0x32a: {  	[tilespmem:s20+$0x16E00] =	vst v13  }
0x32b: {  	[tilespmem:s20+$0x16E10] =	vst v16  }
0x32c: {  	[tilespmem:s20+$0x16E20] =	vst v15  }
0x32d: {  	[tilespmem:s20+$0x16E30] =	vst v17  }
0x32e: {  	[tilespmem:s20+$0x16E40] =	vst v19  }
0x32f: {  	[tilespmem:s20+$0x16E50] =	vst v18  }
0x330: {  	s2 =	simm.s32 @!p1 $0x80;
	[tilespmem:s20+$0x16E60] =	vst v20  }
0x331: {  	[hbm4b:s22+s11] =	stream.strided.scatter [tilespmem:s16], [sflag:$0x3], $0x4000, s12, s11, $0x38;
	[tilespmem:$0x1AE00] =	vst v63  }
0x332: {  	s8 =	simm.s32 @!p1 $0x400;
	s21 =	rddreg [dreg:$0xc];
	s20 =	simm.s32 @!p1 $0x12E00  }
0x333: {  	[tilespmem:s20], [sflag:$0x4] =	stream.strided.gather @!p1 [hbm4b:s21+s2], $0x4000, s8, s2, $0x38;
	[tilespmem:$0x1AE00] =	vst v63  }
0x334: {  	s2 =	simm.s32 @!p1 $0x4  }
0x335: {  	_ =	swait.ge @!p1 [sflag:s2], $0x4000  }
0x336: {  	[sflag:s2] =	ssyncset.done @!p1 $0x0  }
0x337: {  	s20 =	simm.s32 $0x0;
	s21 =	rddreg [dreg:$0x19];
	[sflag:s2] =	ssyncadd.s32 @!p1 $0xFFFFC000  }
0x338: {  	[tilespmem:s20], [sflag:$0x1] =	stream.strided.gather [hbm4b:s21+s11], $0x9700, s12, s11, $0x38;
	[tilespmem:$0x1AE00] =	vst v63  }
0x339: {  	_ =	swait.ge [sflag:s17], $0x9700  }
0x33a: {  	[sflag:s17] =	ssyncset.done $0x0  }
0x33b: {  	[sflag:s17] =	ssyncadd.s32 $0xFFFF6900  }
0x33c: {  	_ =	swait.ge [sflag:s18], $0x4000  }
0x33d: {  	[sflag:s18] =	ssyncset.done $0x0  }
0x33e: {  	s21 =	simm.s32 $0x0;
	[sflag:s18] =	ssyncadd.s32 $0xFFFFC000  }
0x33f: {  	v13 =	vld [tilespmem:s21+$0x12E00]  }
0x340: {  	v14 =	vld [tilespmem:s21+$0x12E70]  }
0x341: {  	v15 =	vld [tilespmem:s21+$0x12E10]  }
0x342: {  	v16 =	vld [tilespmem:s21+$0x12E20]  }
0x343: {  	v17 =	vld [tilespmem:s21+$0x12E30]  }
0x344: {  	v19 =	vld [tilespmem:s21+$0x12E40];
	v18 =	vadd.s32 v9, v13  }
0x345: {  	v20 =	vld [tilespmem:s21+$0x12E50];
	v21 =	vadd.s32 v9, v14  }
0x346: {  	s20 =	simm.s32 $0x80;
	v22 =	vld [tilespmem:s21+$0x12E60];
	v15 =	vadd.s32 v9, v15  }
0x347: {  	v13 =	vld [tilespmem:s20+$0x12E00];
	v16 =	vadd.s32 v9, v16  }
0x348: {  	v14 =	vld [tilespmem:s20+$0x12E70];
	v23 =	vadd.s32 v9, v17  }
0x349: {  	v24 =	vadd.s32 v9, v19;
	v17 =	vld.idx.msk [tilespmem:v18+s14+$0x0], $0xffff  }
0x34a: {  	v25 =	vadd.s32 v9, v20;
	v21 =	vld.idx.msk [tilespmem:v21+s14+$0x0], $0xffff  }
0x34b: {  	v22 =	vadd.s32 v9, v22;
	v20 =	vld.idx.msk [tilespmem:v15+s14+$0x0], $0xffff  }
0x34c: {  	v19 =	vld.idx.msk [tilespmem:v16+s14+$0x0], $0xffff  }
0x34d: {  	v18 =	vld.idx.msk [tilespmem:v23+s14+$0x0], $0xffff  }
0x34e: {  	v16 =	vld.idx.msk [tilespmem:v24+s14+$0x0], $0xffff  }
0x34f: {  	s2 =	simm.s32 $0x400;
	v15 =	vld.idx.msk [tilespmem:v25+s14+$0x0], $0xffff  }
.LBB2_20:
0x350: {  	p5 =	sne.s32 s2, $0xFE00;
	v22 =	vld.idx.msk [tilespmem:v22+s14+$0x0], $0xffff;
	[tilespmem:s21+$0x16E70] =	vst v21  }
0x351: {  	v21 =	vld [tilespmem:s20+$0x12E10];
	[tilespmem:s21+$0x16E00] =	vst v17  }
0x352: {  	v17 =	vld [tilespmem:s20+$0x12E20];
	[tilespmem:s21+$0x16E10] =	vst v20  }
0x353: {  	v20 =	vld [tilespmem:s20+$0x12E30];
	[tilespmem:s21+$0x16E20] =	vst v19  }
0x354: {  	v19 =	vadd.s32 v9, v13;
	v23 =	vld [tilespmem:s20+$0x12E40];
	[tilespmem:s21+$0x16E30] =	vst v18  }
0x355: {  	v24 =	vadd.s32 v9, v14;
	v18 =	vld [tilespmem:s20+$0x12E50];
	[tilespmem:s21+$0x16E40] =	vst v16  }
0x356: {  	s8 =	sshra.s32 s2, $0x2;
	v16 =	vadd.s32 v9, v21;
	v25 =	vld [tilespmem:s20+$0x12E60];
	[tilespmem:s21+$0x16E50] =	vst v15  }
0x357: {  	v13 =	vld [tilespmem:s8+$0x12E00];
	v15 =	vadd.s32 v9, v17;
	[tilespmem:s21+$0x16E60] =	vst v22;
	s21 =	smov.u32 s20;
	s20 =	smov.u32 s8  }
0x358: {  	v14 =	vld [tilespmem:s20+$0x12E70];
	v26 =	vadd.s32 v9, v20  }
0x359: {  	v17 =	vld.idx.msk [tilespmem:v19+s14+$0x0], $0xffff;
	v23 =	vadd.s32 v9, v23  }
0x35a: {  	v27 =	vadd.s32 v9, v18;
	v21 =	vld.idx.msk [tilespmem:v24+s14+$0x0], $0xffff  }
.Ltmp9:
0x35b: {  	v20 =	vld.idx.msk [tilespmem:v16+s14+$0x0], $0xffff;
	v22 =	vadd.s32 v9, v25;
	(pc) =	sbr.rel @p5 .LBB2_20-.Ltmp9, $4  }
0x35c: {  	v19 =	vld.idx.msk [tilespmem:v15+s14+$0x0], $0xffff  }
0x35d: {  	v18 =	vld.idx.msk [tilespmem:v26+s14+$0x0], $0xffff  }
0x35e: {  	v16 =	vld.idx.msk [tilespmem:v23+s14+$0x0], $0xffff  }
0x35f: {  	s2 =	sadd.s32 $0x200, s2;
	v15 =	vld.idx.msk [tilespmem:v27+s14+$0x0], $0xffff  }
0x360: {  	_ =	sdelay $0x3  }
0x361: {  	v22 =	vld.idx.msk [tilespmem:v22+s14+$0x0], $0xffff;
	[tilespmem:s21+$0x16E70] =	vst v21  }
0x362: {  	v21 =	vld [tilespmem:s20+$0x12E10];
	[tilespmem:s21+$0x16E00] =	vst v17  }
0x363: {  	v17 =	vld [tilespmem:s20+$0x12E20];
	[tilespmem:s21+$0x16E10] =	vst v20  }
0x364: {  	v20 =	vld [tilespmem:s20+$0x12E30];
	[tilespmem:s21+$0x16E20] =	vst v19  }
0x365: {  	v13 =	vadd.s32 v9, v13;
	v19 =	vld [tilespmem:s20+$0x12E40];
	[tilespmem:s21+$0x16E30] =	vst v18  }
0x366: {  	v14 =	vadd.s32 v9, v14;
	v18 =	vld [tilespmem:s20+$0x12E50];
	[tilespmem:s21+$0x16E40] =	vst v16  }
0x367: {  	v16 =	vadd.s32 v9, v21;
	v21 =	vld [tilespmem:s20+$0x12E60]  }
0x368: {  	[tilespmem:s21+$0x16E50] =	vst v15;
	v15 =	vadd.s32 v9, v17  }
0x369: {  	[tilespmem:s21+$0x16E60] =	vst v22;
	v17 =	vadd.s32 v9, v20  }
0x36a: {  	v13 =	vld.idx.msk [tilespmem:v13+s14+$0x0], $0xffff;
	v19 =	vadd.s32 v9, v19  }
0x36b: {  	v14 =	vld.idx.msk [tilespmem:v14+s14+$0x0], $0xffff;
	v18 =	vadd.s32 v9, v18  }
0x36c: {  	v16 =	vld.idx.msk [tilespmem:v16+s14+$0x0], $0xffff;
	v20 =	vadd.s32 v9, v21  }
0x36d: {  	v15 =	vld.idx.msk [tilespmem:v15+s14+$0x0], $0xffff  }
0x36e: {  	v17 =	vld.idx.msk [tilespmem:v17+s14+$0x0], $0xffff  }
0x36f: {  	v19 =	vld.idx.msk [tilespmem:v19+s14+$0x0], $0xffff  }
0x370: {  	v18 =	vld.idx.msk [tilespmem:v18+s14+$0x0], $0xffff  }
0x371: {  	v20 =	vld.idx.msk [tilespmem:v20+s14+$0x0], $0xffff;
	[tilespmem:s20+$0x16E70] =	vst v14  }
0x372: {  	[tilespmem:s20+$0x16E00] =	vst v13  }
0x373: {  	[tilespmem:s20+$0x16E10] =	vst v16  }
0x374: {  	[tilespmem:s20+$0x16E20] =	vst v15  }
0x375: {  	[tilespmem:s20+$0x16E30] =	vst v17  }
0x376: {  	[tilespmem:s20+$0x16E40] =	vst v19  }
0x377: {  	[tilespmem:s20+$0x16E50] =	vst v18  }
0x378: {  	s2 =	simm.s32 @!p2 $0x80;
	[tilespmem:s20+$0x16E60] =	vst v20  }
0x379: {  	[hbm4b:s5+s11] =	stream.strided.scatter [tilespmem:s16], [sflag:$0x3], $0x4000, s12, s11, $0x38;
	[tilespmem:$0x1AE00] =	vst v63  }
0x37a: {  	s8 =	simm.s32 @!p2 $0x400;
	s21 =	rddreg [dreg:$0xd];
	s20 =	simm.s32 @!p2 $0x12E00  }
0x37b: {  	[tilespmem:s20], [sflag:$0x4] =	stream.strided.gather @!p2 [hbm4b:s21+s2], $0x4000, s8, s2, $0x38;
	[tilespmem:$0x1AE00] =	vst v63  }
0x37c: {  	s2 =	simm.s32 @!p2 $0x4  }
0x37d: {  	_ =	swait.ge @!p2 [sflag:s2], $0x4000  }
0x37e: {  	[sflag:s2] =	ssyncset.done @!p2 $0x0  }
0x37f: {  	s21 =	rddreg [dreg:$0x1a];
	[sflag:s2] =	ssyncadd.s32 @!p2 $0xFFFFC000  }
0x380: {  	[tilespmem:s14], [sflag:$0x2] =	stream.strided.gather [hbm4b:s21+s11], $0x9700, s12, s11, $0x38;
	[tilespmem:$0x1AE00] =	vst v63  }
0x381: {  	_ =	swait.ge [sflag:s15], $0x9700  }
0x382: {  	[sflag:s15] =	ssyncset.done $0x0  }
0x383: {  	[sflag:s15] =	ssyncadd.s32 $0xFFFF6900  }
0x384: {  	_ =	swait.ge [sflag:s18], $0x4000  }
0x385: {  	[sflag:s18] =	ssyncset.done $0x0  }
0x386: {  	s21 =	simm.s32 $0x0;
	[sflag:s18] =	ssyncadd.s32 $0xFFFFC000  }
0x387: {  	v13 =	vld [tilespmem:s21+$0x12E00]  }
0x388: {  	v14 =	vld [tilespmem:s21+$0x12E70]  }
0x389: {  	v15 =	vld [tilespmem:s21+$0x12E10]  }
0x38a: {  	v16 =	vld [tilespmem:s21+$0x12E20]  }
0x38b: {  	v17 =	vld [tilespmem:s21+$0x12E30]  }
0x38c: {  	v19 =	vld [tilespmem:s21+$0x12E40];
	v18 =	vadd.s32 v10, v13  }
0x38d: {  	v20 =	vld [tilespmem:s21+$0x12E50];
	v21 =	vadd.s32 v10, v14  }
0x38e: {  	s20 =	simm.s32 $0x80;
	v22 =	vld [tilespmem:s21+$0x12E60];
	v15 =	vadd.s32 v10, v15  }
0x38f: {  	v13 =	vld [tilespmem:s20+$0x12E00];
	v16 =	vadd.s32 v10, v16  }
0x390: {  	v14 =	vld [tilespmem:s20+$0x12E70];
	v23 =	vadd.s32 v10, v17  }
0x391: {  	v24 =	vadd.s32 v10, v19;
	v17 =	vld.idx.msk [tilespmem:v18+s9+$0x0], $0xffff  }
0x392: {  	v25 =	vadd.s32 v10, v20;
	v21 =	vld.idx.msk [tilespmem:v21+s9+$0x0], $0xffff  }
0x393: {  	v22 =	vadd.s32 v10, v22;
	v20 =	vld.idx.msk [tilespmem:v15+s9+$0x0], $0xffff  }
0x394: {  	v19 =	vld.idx.msk [tilespmem:v16+s9+$0x0], $0xffff  }
0x395: {  	v18 =	vld.idx.msk [tilespmem:v23+s9+$0x0], $0xffff  }
0x396: {  	v16 =	vld.idx.msk [tilespmem:v24+s9+$0x0], $0xffff  }
0x397: {  	s2 =	simm.s32 $0x400;
	v15 =	vld.idx.msk [tilespmem:v25+s9+$0x0], $0xffff  }
.LBB2_22:
0x398: {  	p5 =	sne.s32 s2, $0xFE00;
	v22 =	vld.idx.msk [tilespmem:v22+s9+$0x0], $0xffff;
	[tilespmem:s21+$0x16E70] =	vst v21  }
0x399: {  	v21 =	vld [tilespmem:s20+$0x12E10];
	[tilespmem:s21+$0x16E00] =	vst v17  }
0x39a: {  	v17 =	vld [tilespmem:s20+$0x12E20];
	[tilespmem:s21+$0x16E10] =	vst v20  }
0x39b: {  	v20 =	vld [tilespmem:s20+$0x12E30];
	[tilespmem:s21+$0x16E20] =	vst v19  }
0x39c: {  	v19 =	vadd.s32 v10, v13;
	v23 =	vld [tilespmem:s20+$0x12E40];
	[tilespmem:s21+$0x16E30] =	vst v18  }
0x39d: {  	v24 =	vadd.s32 v10, v14;
	v18 =	vld [tilespmem:s20+$0x12E50];
	[tilespmem:s21+$0x16E40] =	vst v16  }
0x39e: {  	s8 =	sshra.s32 s2, $0x2;
	v16 =	vadd.s32 v10, v21;
	v25 =	vld [tilespmem:s20+$0x12E60];
	[tilespmem:s21+$0x16E50] =	vst v15  }
0x39f: {  	v13 =	vld [tilespmem:s8+$0x12E00];
	v15 =	vadd.s32 v10, v17;
	[tilespmem:s21+$0x16E60] =	vst v22;
	s21 =	smov.u32 s20;
	s20 =	smov.u32 s8  }
0x3a0: {  	v14 =	vld [tilespmem:s20+$0x12E70];
	v26 =	vadd.s32 v10, v20  }
0x3a1: {  	v17 =	vld.idx.msk [tilespmem:v19+s9+$0x0], $0xffff;
	v23 =	vadd.s32 v10, v23  }
0x3a2: {  	v27 =	vadd.s32 v10, v18;
	v21 =	vld.idx.msk [tilespmem:v24+s9+$0x0], $0xffff  }
.Ltmp10:
0x3a3: {  	v20 =	vld.idx.msk [tilespmem:v16+s9+$0x0], $0xffff;
	v22 =	vadd.s32 v10, v25;
	(pc) =	sbr.rel @p5 .LBB2_22-.Ltmp10, $4  }
0x3a4: {  	v19 =	vld.idx.msk [tilespmem:v15+s9+$0x0], $0xffff  }
0x3a5: {  	v18 =	vld.idx.msk [tilespmem:v26+s9+$0x0], $0xffff  }
0x3a6: {  	v16 =	vld.idx.msk [tilespmem:v23+s9+$0x0], $0xffff  }
0x3a7: {  	s2 =	sadd.s32 $0x200, s2;
	v15 =	vld.idx.msk [tilespmem:v27+s9+$0x0], $0xffff  }
0x3a8: {  	_ =	sdelay $0x3  }
0x3a9: {  	v22 =	vld.idx.msk [tilespmem:v22+s9+$0x0], $0xffff;
	[tilespmem:s21+$0x16E70] =	vst v21  }
0x3aa: {  	v21 =	vld [tilespmem:s20+$0x12E10];
	[tilespmem:s21+$0x16E00] =	vst v17  }
0x3ab: {  	v17 =	vld [tilespmem:s20+$0x12E20];
	[tilespmem:s21+$0x16E10] =	vst v20  }
0x3ac: {  	v20 =	vld [tilespmem:s20+$0x12E30];
	[tilespmem:s21+$0x16E20] =	vst v19  }
0x3ad: {  	v13 =	vadd.s32 v10, v13;
	v19 =	vld [tilespmem:s20+$0x12E40];
	[tilespmem:s21+$0x16E30] =	vst v18  }
0x3ae: {  	v14 =	vadd.s32 v10, v14;
	v18 =	vld [tilespmem:s20+$0x12E50];
	[tilespmem:s21+$0x16E40] =	vst v16  }
0x3af: {  	v16 =	vadd.s32 v10, v21;
	v21 =	vld [tilespmem:s20+$0x12E60]  }
0x3b0: {  	[tilespmem:s21+$0x16E50] =	vst v15;
	v15 =	vadd.s32 v10, v17  }
0x3b1: {  	[tilespmem:s21+$0x16E60] =	vst v22;
	v17 =	vadd.s32 v10, v20  }
0x3b2: {  	v13 =	vld.idx.msk [tilespmem:v13+s9+$0x0], $0xffff;
	v19 =	vadd.s32 v10, v19  }
0x3b3: {  	v14 =	vld.idx.msk [tilespmem:v14+s9+$0x0], $0xffff;
	v18 =	vadd.s32 v10, v18  }
0x3b4: {  	v16 =	vld.idx.msk [tilespmem:v16+s9+$0x0], $0xffff;
	v20 =	vadd.s32 v10, v21  }
0x3b5: {  	v15 =	vld.idx.msk [tilespmem:v15+s9+$0x0], $0xffff  }
0x3b6: {  	v17 =	vld.idx.msk [tilespmem:v17+s9+$0x0], $0xffff  }
0x3b7: {  	v19 =	vld.idx.msk [tilespmem:v19+s9+$0x0], $0xffff  }
0x3b8: {  	v18 =	vld.idx.msk [tilespmem:v18+s9+$0x0], $0xffff  }
0x3b9: {  	v20 =	vld.idx.msk [tilespmem:v20+s9+$0x0], $0xffff;
	[tilespmem:s20+$0x16E70] =	vst v14  }
0x3ba: {  	[tilespmem:s20+$0x16E00] =	vst v13  }
0x3bb: {  	[tilespmem:s20+$0x16E10] =	vst v16  }
0x3bc: {  	[tilespmem:s20+$0x16E20] =	vst v15  }
0x3bd: {  	[tilespmem:s20+$0x16E30] =	vst v17  }
0x3be: {  	[tilespmem:s20+$0x16E40] =	vst v19  }
0x3bf: {  	[tilespmem:s20+$0x16E50] =	vst v18  }
0x3c0: {  	s2 =	simm.s32 @!p3 $0x80;
	[tilespmem:s20+$0x16E60] =	vst v20  }
0x3c1: {  	[hbm4b:s6+s11] =	stream.strided.scatter [tilespmem:s16], [sflag:$0x3], $0x4000, s12, s11, $0x38;
	[tilespmem:$0x1AE00] =	vst v63  }
0x3c2: {  	s8 =	simm.s32 @!p3 $0x400;
	s21 =	rddreg [dreg:$0xe];
	s20 =	simm.s32 @!p3 $0x12E00  }
0x3c3: {  	[tilespmem:s20], [sflag:$0x4] =	stream.strided.gather @!p3 [hbm4b:s21+s2], $0x4000, s8, s2, $0x38;
	[tilespmem:$0x1AE00] =	vst v63  }
0x3c4: {  	s2 =	simm.s32 @!p3 $0x4  }
0x3c5: {  	_ =	swait.ge @!p3 [sflag:s2], $0x4000  }
0x3c6: {  	[sflag:s2] =	ssyncset.done @!p3 $0x0  }
0x3c7: {  	s21 =	simm.s32 $0x0;
	[sflag:s2] =	ssyncadd.s32 @!p3 $0xFFFFC000  }
0x3c8: {  	[tilespmem:s21], [sflag:$0x1] =	stream.strided.gather [hbm4b:s25+s11], $0x9700, s12, s11, $0x38;
	[tilespmem:$0x1AE00] =	vst v63  }
0x3c9: {  	_ =	swait.ge [sflag:s17], $0x9700  }
0x3ca: {  	[sflag:s17] =	ssyncset.done $0x0  }
0x3cb: {  	[sflag:s17] =	ssyncadd.s32 $0xFFFF6900  }
0x3cc: {  	_ =	swait.ge [sflag:s18], $0x4000  }
0x3cd: {  	[sflag:s18] =	ssyncset.done $0x0  }
0x3ce: {  	s21 =	simm.s32 $0x0;
	[sflag:s18] =	ssyncadd.s32 $0xFFFFC000  }
0x3cf: {  	v13 =	vld [tilespmem:s21+$0x12E00]  }
0x3d0: {  	v14 =	vld [tilespmem:s21+$0x12E70]  }
0x3d1: {  	v15 =	vld [tilespmem:s21+$0x12E10]  }
0x3d2: {  	v16 =	vld [tilespmem:s21+$0x12E20]  }
0x3d3: {  	v17 =	vld [tilespmem:s21+$0x12E30]  }
0x3d4: {  	v19 =	vld [tilespmem:s21+$0x12E40];
	v18 =	vadd.s32 v11, v13  }
0x3d5: {  	v20 =	vld [tilespmem:s21+$0x12E50];
	v21 =	vadd.s32 v11, v14  }
0x3d6: {  	s20 =	simm.s32 $0x80;
	v22 =	vld [tilespmem:s21+$0x12E60];
	v15 =	vadd.s32 v11, v15  }
0x3d7: {  	v13 =	vld [tilespmem:s20+$0x12E00];
	v16 =	vadd.s32 v11, v16  }
0x3d8: {  	v14 =	vld [tilespmem:s20+$0x12E70];
	v23 =	vadd.s32 v11, v17  }
0x3d9: {  	v24 =	vadd.s32 v11, v19;
	v17 =	vld.idx.msk [tilespmem:v18+s14+$0x0], $0xffff  }
0x3da: {  	v25 =	vadd.s32 v11, v20;
	v21 =	vld.idx.msk [tilespmem:v21+s14+$0x0], $0xffff  }
0x3db: {  	v22 =	vadd.s32 v11, v22;
	v20 =	vld.idx.msk [tilespmem:v15+s14+$0x0], $0xffff  }
0x3dc: {  	v19 =	vld.idx.msk [tilespmem:v16+s14+$0x0], $0xffff  }
0x3dd: {  	v18 =	vld.idx.msk [tilespmem:v23+s14+$0x0], $0xffff  }
0x3de: {  	v16 =	vld.idx.msk [tilespmem:v24+s14+$0x0], $0xffff  }
0x3df: {  	s2 =	simm.s32 $0x400;
	v15 =	vld.idx.msk [tilespmem:v25+s14+$0x0], $0xffff  }
.LBB2_24:
0x3e0: {  	p5 =	sne.s32 s2, $0xFE00;
	v22 =	vld.idx.msk [tilespmem:v22+s14+$0x0], $0xffff;
	[tilespmem:s21+$0x16E70] =	vst v21  }
0x3e1: {  	v21 =	vld [tilespmem:s20+$0x12E10];
	[tilespmem:s21+$0x16E00] =	vst v17  }
0x3e2: {  	v17 =	vld [tilespmem:s20+$0x12E20];
	[tilespmem:s21+$0x16E10] =	vst v20  }
0x3e3: {  	v20 =	vld [tilespmem:s20+$0x12E30];
	[tilespmem:s21+$0x16E20] =	vst v19  }
0x3e4: {  	v19 =	vadd.s32 v11, v13;
	v23 =	vld [tilespmem:s20+$0x12E40];
	[tilespmem:s21+$0x16E30] =	vst v18  }
0x3e5: {  	v24 =	vadd.s32 v11, v14;
	v18 =	vld [tilespmem:s20+$0x12E50];
	[tilespmem:s21+$0x16E40] =	vst v16  }
0x3e6: {  	s8 =	sshra.s32 s2, $0x2;
	v16 =	vadd.s32 v11, v21;
	v25 =	vld [tilespmem:s20+$0x12E60];
	[tilespmem:s21+$0x16E50] =	vst v15  }
0x3e7: {  	v13 =	vld [tilespmem:s8+$0x12E00];
	v15 =	vadd.s32 v11, v17;
	[tilespmem:s21+$0x16E60] =	vst v22;
	s21 =	smov.u32 s20;
	s20 =	smov.u32 s8  }
0x3e8: {  	v14 =	vld [tilespmem:s20+$0x12E70];
	v26 =	vadd.s32 v11, v20  }
0x3e9: {  	v17 =	vld.idx.msk [tilespmem:v19+s14+$0x0], $0xffff;
	v23 =	vadd.s32 v11, v23  }
0x3ea: {  	v27 =	vadd.s32 v11, v18;
	v21 =	vld.idx.msk [tilespmem:v24+s14+$0x0], $0xffff  }
.Ltmp11:
0x3eb: {  	v20 =	vld.idx.msk [tilespmem:v16+s14+$0x0], $0xffff;
	v22 =	vadd.s32 v11, v25;
	(pc) =	sbr.rel @p5 .LBB2_24-.Ltmp11, $4  }
0x3ec: {  	v19 =	vld.idx.msk [tilespmem:v15+s14+$0x0], $0xffff  }
0x3ed: {  	v18 =	vld.idx.msk [tilespmem:v26+s14+$0x0], $0xffff  }
0x3ee: {  	v16 =	vld.idx.msk [tilespmem:v23+s14+$0x0], $0xffff  }
0x3ef: {  	s2 =	sadd.s32 $0x200, s2;
	v15 =	vld.idx.msk [tilespmem:v27+s14+$0x0], $0xffff  }
0x3f0: {  	_ =	sdelay $0x3  }
0x3f1: {  	v22 =	vld.idx.msk [tilespmem:v22+s14+$0x0], $0xffff;
	[tilespmem:s21+$0x16E70] =	vst v21  }
0x3f2: {  	v21 =	vld [tilespmem:s20+$0x12E10];
	[tilespmem:s21+$0x16E00] =	vst v17  }
0x3f3: {  	v17 =	vld [tilespmem:s20+$0x12E20];
	[tilespmem:s21+$0x16E10] =	vst v20  }
0x3f4: {  	v20 =	vld [tilespmem:s20+$0x12E30];
	[tilespmem:s21+$0x16E20] =	vst v19  }
0x3f5: {  	v13 =	vadd.s32 v11, v13;
	v19 =	vld [tilespmem:s20+$0x12E40];
	[tilespmem:s21+$0x16E30] =	vst v18  }
0x3f6: {  	v14 =	vadd.s32 v11, v14;
	v18 =	vld [tilespmem:s20+$0x12E50];
	[tilespmem:s21+$0x16E40] =	vst v16  }
0x3f7: {  	v16 =	vadd.s32 v11, v21;
	v21 =	vld [tilespmem:s20+$0x12E60]  }
0x3f8: {  	[tilespmem:s21+$0x16E50] =	vst v15;
	v15 =	vadd.s32 v11, v17  }
0x3f9: {  	[tilespmem:s21+$0x16E60] =	vst v22;
	v17 =	vadd.s32 v11, v20  }
0x3fa: {  	v13 =	vld.idx.msk [tilespmem:v13+s14+$0x0], $0xffff;
	v19 =	vadd.s32 v11, v19  }
0x3fb: {  	v14 =	vld.idx.msk [tilespmem:v14+s14+$0x0], $0xffff;
	v18 =	vadd.s32 v11, v18  }
0x3fc: {  	v16 =	vld.idx.msk [tilespmem:v16+s14+$0x0], $0xffff;
	v20 =	vadd.s32 v11, v21  }
0x3fd: {  	v15 =	vld.idx.msk [tilespmem:v15+s14+$0x0], $0xffff  }
0x3fe: {  	v17 =	vld.idx.msk [tilespmem:v17+s14+$0x0], $0xffff  }
0x3ff: {  	v19 =	vld.idx.msk [tilespmem:v19+s14+$0x0], $0xffff  }
0x400: {  	v18 =	vld.idx.msk [tilespmem:v18+s14+$0x0], $0xffff  }
0x401: {  	v20 =	vld.idx.msk [tilespmem:v20+s14+$0x0], $0xffff;
	[tilespmem:s20+$0x16E70] =	vst v14  }
0x402: {  	[tilespmem:s20+$0x16E00] =	vst v13  }
0x403: {  	[tilespmem:s20+$0x16E10] =	vst v16  }
0x404: {  	[tilespmem:s20+$0x16E20] =	vst v15  }
0x405: {  	[tilespmem:s20+$0x16E30] =	vst v17  }
0x406: {  	[tilespmem:s20+$0x16E40] =	vst v19  }
0x407: {  	[tilespmem:s20+$0x16E50] =	vst v18  }
0x408: {  	[tilespmem:s20+$0x16E60] =	vst v20  }
0x409: {  	[hbm4b:s7+s11] =	stream.strided.scatter [tilespmem:s16], [sflag:$0x3], $0x4000, s12, s11, $0x38;
	[tilespmem:$0x1AE00] =	vst v63  }
0x40a: {  	s2 =	simm.s32 @!p4 $0x80;
	s8 =	simm.s32 @!p4 $0x400;
	s20 =	simm.s32 @!p4 $0x12E00  }
0x40b: {  	[tilespmem:s20], [sflag:$0x4] =	stream.strided.gather @!p4 [hbm4b:s26+s2], $0x4000, s8, s2, $0x38;
	[tilespmem:$0x1AE00] =	vst v63  }
0x40c: {  	s2 =	simm.s32 @!p4 $0x4  }
0x40d: {  	_ =	swait.ge @!p4 [sflag:s2], $0x4000  }
0x40e: {  	[sflag:s2] =	ssyncset.done @!p4 $0x0  }
0x40f: {  	[sflag:s2] =	ssyncadd.s32 @!p4 $0xFFFFC000  }
0x410: {  	_ =	swait.ge [sflag:s15], $0x9700  }
0x411: {  	[sflag:s15] =	ssyncset.done $0x0  }
0x412: {  	[sflag:s15] =	ssyncadd.s32 $0xFFFF6900  }
0x413: {  	_ =	swait.ge [sflag:s18], $0x4000  }
0x414: {  	[sflag:s18] =	ssyncset.done $0x0  }
0x415: {  	s21 =	simm.s32 $0x0;
	[sflag:s18] =	ssyncadd.s32 $0xFFFFC000  }
0x416: {  	v13 =	vld [tilespmem:s21+$0x12E00]  }
0x417: {  	v14 =	vld [tilespmem:s21+$0x12E70]  }
0x418: {  	v15 =	vld [tilespmem:s21+$0x12E10]  }
0x419: {  	v16 =	vld [tilespmem:s21+$0x12E20]  }
0x41a: {  	v17 =	vld [tilespmem:s21+$0x12E30]  }
0x41b: {  	v19 =	vld [tilespmem:s21+$0x12E40];
	v18 =	vadd.s32 v12, v13  }
0x41c: {  	v20 =	vld [tilespmem:s21+$0x12E50];
	v21 =	vadd.s32 v12, v14  }
0x41d: {  	s20 =	simm.s32 $0x80;
	v22 =	vld [tilespmem:s21+$0x12E60];
	v15 =	vadd.s32 v12, v15  }
0x41e: {  	v13 =	vld [tilespmem:s20+$0x12E00];
	v16 =	vadd.s32 v12, v16  }
0x41f: {  	v14 =	vld [tilespmem:s20+$0x12E70];
	v23 =	vadd.s32 v12, v17  }
0x420: {  	v24 =	vadd.s32 v12, v19;
	v17 =	vld.idx.msk [tilespmem:v18+s9+$0x0], $0xffff  }
0x421: {  	v25 =	vadd.s32 v12, v20;
	v21 =	vld.idx.msk [tilespmem:v21+s9+$0x0], $0xffff  }
0x422: {  	v22 =	vadd.s32 v12, v22;
	v20 =	vld.idx.msk [tilespmem:v15+s9+$0x0], $0xffff  }
0x423: {  	v19 =	vld.idx.msk [tilespmem:v16+s9+$0x0], $0xffff  }
0x424: {  	v18 =	vld.idx.msk [tilespmem:v23+s9+$0x0], $0xffff  }
0x425: {  	v16 =	vld.idx.msk [tilespmem:v24+s9+$0x0], $0xffff  }
0x426: {  	s2 =	simm.s32 $0x400;
	v15 =	vld.idx.msk [tilespmem:v25+s9+$0x0], $0xffff  }
.LBB2_26:
0x427: {  	p5 =	sne.s32 s2, $0xFE00;
	v22 =	vld.idx.msk [tilespmem:v22+s9+$0x0], $0xffff;
	[tilespmem:s21+$0x16E70] =	vst v21  }
0x428: {  	v21 =	vld [tilespmem:s20+$0x12E10];
	[tilespmem:s21+$0x16E00] =	vst v17  }
0x429: {  	v17 =	vld [tilespmem:s20+$0x12E20];
	[tilespmem:s21+$0x16E10] =	vst v20  }
0x42a: {  	v20 =	vld [tilespmem:s20+$0x12E30];
	[tilespmem:s21+$0x16E20] =	vst v19  }
0x42b: {  	v19 =	vadd.s32 v12, v13;
	v23 =	vld [tilespmem:s20+$0x12E40];
	[tilespmem:s21+$0x16E30] =	vst v18  }
0x42c: {  	v24 =	vadd.s32 v12, v14;
	v18 =	vld [tilespmem:s20+$0x12E50];
	[tilespmem:s21+$0x16E40] =	vst v16  }
0x42d: {  	s8 =	sshra.s32 s2, $0x2;
	v16 =	vadd.s32 v12, v21;
	v25 =	vld [tilespmem:s20+$0x12E60];
	[tilespmem:s21+$0x16E50] =	vst v15  }
0x42e: {  	v13 =	vld [tilespmem:s8+$0x12E00];
	v15 =	vadd.s32 v12, v17;
	[tilespmem:s21+$0x16E60] =	vst v22;
	s21 =	smov.u32 s20;
	s20 =	smov.u32 s8  }
0x42f: {  	v14 =	vld [tilespmem:s20+$0x12E70];
	v26 =	vadd.s32 v12, v20  }
0x430: {  	v17 =	vld.idx.msk [tilespmem:v19+s9+$0x0], $0xffff;
	v23 =	vadd.s32 v12, v23  }
0x431: {  	v27 =	vadd.s32 v12, v18;
	v21 =	vld.idx.msk [tilespmem:v24+s9+$0x0], $0xffff  }
.Ltmp12:
0x432: {  	v20 =	vld.idx.msk [tilespmem:v16+s9+$0x0], $0xffff;
	v22 =	vadd.s32 v12, v25;
	(pc) =	sbr.rel @p5 .LBB2_26-.Ltmp12, $4  }
0x433: {  	v19 =	vld.idx.msk [tilespmem:v15+s9+$0x0], $0xffff  }
0x434: {  	v18 =	vld.idx.msk [tilespmem:v26+s9+$0x0], $0xffff  }
0x435: {  	v16 =	vld.idx.msk [tilespmem:v23+s9+$0x0], $0xffff  }
0x436: {  	s2 =	sadd.s32 $0x200, s2;
	v15 =	vld.idx.msk [tilespmem:v27+s9+$0x0], $0xffff  }
0x437: {  	_ =	sdelay $0x3  }
0x438: {  	v22 =	vld.idx.msk [tilespmem:v22+s9+$0x0], $0xffff;
	[tilespmem:s21+$0x16E70] =	vst v21  }
0x439: {  	v21 =	vld [tilespmem:s20+$0x12E10];
	[tilespmem:s21+$0x16E00] =	vst v17  }
0x43a: {  	v17 =	vld [tilespmem:s20+$0x12E20];
	[tilespmem:s21+$0x16E10] =	vst v20  }
0x43b: {  	v20 =	vld [tilespmem:s20+$0x12E30];
	[tilespmem:s21+$0x16E20] =	vst v19  }
0x43c: {  	v13 =	vadd.s32 v12, v13;
	v19 =	vld [tilespmem:s20+$0x12E40];
	[tilespmem:s21+$0x16E30] =	vst v18  }
0x43d: {  	v14 =	vadd.s32 v12, v14;
	v18 =	vld [tilespmem:s20+$0x12E50];
	[tilespmem:s21+$0x16E40] =	vst v16  }
0x43e: {  	v60 =	vadd.s32 v12, v21;
	v61 =	vld [tilespmem:s20+$0x12E60]  }
0x43f: {  	[tilespmem:s21+$0x16E50] =	vst v15;
	v15 =	vadd.s32 v12, v17  }
0x440: {  	[tilespmem:s21+$0x16E60] =	vst v22;
	v62 =	vadd.s32 v12, v20  }
0x441: {  	v13 =	vld.idx.msk [tilespmem:v13+s9+$0x0], $0xffff;
	v19 =	vadd.s32 v12, v19  }
0x442: {  	v14 =	vld.idx.msk [tilespmem:v14+s9+$0x0], $0xffff;
	v18 =	vadd.s32 v12, v18  }
0x443: {  	v16 =	vld.idx.msk [tilespmem:v60+s9+$0x0], $0xffff;
	v63 =	vadd.s32 v12, v61  }
0x444: {  	v15 =	vld.idx.msk [tilespmem:v15+s9+$0x0], $0xffff  }
0x445: {  	v17 =	vld.idx.msk [tilespmem:v62+s9+$0x0], $0xffff  }
0x446: {  	v19 =	vld.idx.msk [tilespmem:v19+s9+$0x0], $0xffff  }
0x447: {  	v18 =	vld.idx.msk [tilespmem:v18+s9+$0x0], $0xffff  }
0x448: {  	v20 =	vld.idx.msk [tilespmem:v63+s9+$0x0], $0xffff;
	[tilespmem:s20+$0x16E70] =	vst v14  }
0x449: {  	[tilespmem:s20+$0x16E00] =	vst v13  }
0x44a: {  	[tilespmem:s20+$0x16E10] =	vst v16  }
0x44b: {  	[tilespmem:s20+$0x16E20] =	vst v15  }
0x44c: {  	[tilespmem:s20+$0x16E30] =	vst v17  }
0x44d: {  	s19 =	sadd.s32 $0x1, s19;
	[tilespmem:s20+$0x16E40] =	vst v19  }
0x44e: {  	p5 =	sne.s32 s19, s10;
	[tilespmem:s20+$0x16E50] =	vst v18  }
.Ltmp13:
0x44f: {  	[tilespmem:s20+$0x16E60] =	vst v20;
	(pc) =	sbr.rel @p5 .LBB2_1-.Ltmp13, $4  }
0x450: {  	[hbm4b:s4+s11] =	stream.strided.scatter [tilespmem:s16], [sflag:$0x3], $0x4000, s12, s11, $0x38;
	[tilespmem:$0x1AE00] =	vst v63  }
0x451: {  	_ =	swait.ge [sflag:s18], $0x4000  }
0x452: {  	[sflag:s18] =	ssyncset.done $0x0  }
0x453: {  	[sflag:s18] =	ssyncadd.s32 $0xFFFFC000  }
0x454: {  	_ =	sfence.sel $0x180000  }
0x455: {  	[bflag:$0x0] =	sbarrier.arrive $0xFFFF  }
0x456: {  	_ =	strace $0x90000047  }
0x457: {  	s0 =	stileid.u32;
	[bflag:$0x2] =	sbarrier.arrive $0xFFFF  }
0x458: {  	p0 =	sne.s32 s0, $0x0;
	s0 =	rddreg [dreg:$0x3]  }
0x459: {  	s0 =	sadd.s32 @!p0 $0x100000, s0  }
0x45a: {  	[sflag:s0] =	ssyncadd.tile.s32 @!p0 $0x1;
	_ =	shalt  }
.Lfunc_end2:
_tile_overlayer_lowered:
.L_overlay_start_2:
0x45b: {  	(tag) =	ssettag $0x2  }
0x45c: {  	s0 =	rddreg [dreg:$0x0];
	s2 =	stileid.u32  }
0x45d: {  	s1 =	rddreg [dreg:$0x1];
	p0 =	sne.s32 s2, $0x0  }
0x45e: {  	s3 =	rddreg [dreg:$0x2];
	[bflag:$0x3] =	sbarrier.arrive $0xFFFF;
	s2 =	simm.s32 @!p0 $0x1C04  }
0x45f: {  	[timem:s3], [sflag:s2] =	dma.local @!p0 [hbm:s0], s1  }
0x460: {  	s0 =	simm.s32 @!p0 $0x4  }
0x461: {  	_ =	swait.ge @!p0 [sflag:s0], s1  }
0x462: {  	s1 =	ssub.s32 @!p0 $0x0, s1;
	[sflag:s0] =	ssyncset.done @!p0 $0x0  }
0x463: {  	[sflag:s0] =	ssyncadd.s32 @!p0 s1  }
0x464: {  	[bflag:$0x3] =	sbarrier.arrive $0xFFFF  }
0x465: {  	_ =	shalt  }

</sc_bundles>
